<compile_context>
chip_gen: v7x
topology: tpu7x:2x2x1
jax: 0.10.2.dev20260603
libtpu: 0.0.44.dev20260713+nightly
codegen_flags: <defaults>
</compile_context>

<pallas_src>
import functools

import jax
import jax.numpy as jnp
from jax import lax
from jax.experimental import pallas as pl
from jax.experimental.pallas import tpu as pltpu
from jax.experimental.pallas import tpu_sc as plsc

_NC, _NS = 2, 16
_NW = _NC * _NS
_R = 8
_L = 16
_P = 3


def _sc_body(B, S, D, x_hbm, t_hbm, pos_hbm, out_hbm, *refs):
    bufx = tuple(refs[4 * p:4 * p + 4] for p in range(_P))
    buft = refs[12:15]
    idx_all = refs[15]
    sld = tuple(refs[16 + 4 * p:20 + 4 * p] for p in range(_P))
    sst = tuple(refs[28 + 4 * p:32 + 4 * p] for p in range(_P))
    stb = refs[40:43]

    cid = lax.axis_index("c")
    sid = lax.axis_index("s")
    wid = sid * _NC + cid
    rows_per_w = S // _NW
    nchunks = rows_per_w // _R
    seqbase = wid * rows_per_w

    def x_slice(ci, b):
        return x_hbm.at[b, pl.ds(seqbase + ci * _R, _R)]

    def out_slice(ci, b):
        return out_hbm.at[b, pl.ds(seqbase + ci * _R, _R)]

    def start_chunk(ci, p):
        idx = idx_all.at[pl.ds(ci * _R, _R)]
        pltpu.async_copy(t_hbm.at[idx], buft[p], stb[p])
        for b in range(B):
            pltpu.async_copy(x_slice(ci, b), bufx[p][b], sld[p][b])

    def wait_stores(p):
        for b in range(B):
            pltpu.make_async_copy(bufx[p][b], out_slice(0, 0), sst[p][b]).wait()

    def process(ci, p, prefetch, storewait):
        pltpu.make_async_copy(
            t_hbm.at[idx_all.at[pl.ds(0, _R)]], buft[p], stb[p]).wait()
        for b in range(B):
            pltpu.make_async_copy(
                x_slice(0, 0), bufx[p][b], sld[p][b]).wait()

        tp = (p + 2) % _P
        if prefetch:
            if storewait:
                @pl.when(ci >= 1)
                def _():
                    wait_stores(tp)
                start_chunk(ci + 2, tp)
            else:
                wait_stores(tp)
                start_chunk(ci + 2, tp)

        @plsc.parallel_loop(0, D // _L, unroll=2)
        def _(j):
            base = j * _L
            for r in range(_R):
                vt = buft[p][r, pl.ds(base, _L)]
                for b in range(B):
                    bufx[p][b][r, pl.ds(base, _L)] = (
                        bufx[p][b][r, pl.ds(base, _L)] + vt
                    )

        for b in range(B):
            pltpu.async_copy(bufx[p][b], out_slice(ci, b), sst[p][b])

    pltpu.sync_copy(pos_hbm.at[pl.ds(seqbase, rows_per_w)], idx_all)

    start_chunk(0, 0)
    start_chunk(1, 1)

    def three_chunks(i, carry):
        ci = _P * i
        process(ci, 0, prefetch=True, storewait=True)
        process(ci + 1, 1, prefetch=True, storewait=True)
        process(ci + 2, 2, prefetch=True, storewait=True)
        return carry

    lax.fori_loop(0, (nchunks - 2) // _P, three_chunks, 0)

    process(nchunks - 2, (nchunks - 2) % _P, prefetch=False, storewait=False)
    process(nchunks - 1, (nchunks - 1) % _P, prefetch=False, storewait=False)
    for p in range(_P):
        wait_stores(p)


def kernel(x, table, offset=0):
    B, S, D = x.shape
    pos = jnp.asarray(offset, jnp.int32) + lax.iota(jnp.int32, S)
    mesh = plsc.VectorSubcoreMesh(core_axis_name="c", subcore_axis_name="s")
    body = functools.partial(_sc_body, B, S, D)
    f = pl.kernel(
        body,
        out_type=jax.ShapeDtypeStruct((B, S, D), x.dtype),
        mesh=mesh,
        scratch_types=(
            [pltpu.VMEM((_R, D), jnp.float32) for _ in range(12)]
            + [pltpu.VMEM((_R, D), jnp.float32) for _ in range(3)]
            + [pltpu.VMEM((S // _NW,), jnp.int32)]
            + [pltpu.SemaphoreType.DMA for _ in range(27)]
        ),
    )
    return f(x, table, pos)

# --- scband reference (transcript-rebuilt; emitter-appended) ---
"""Pipeline reference for scband-positional-embedding-8254927143407 (READ-ONLY COPY).

The authoritative reference and input builder live on the scoring server;
editing this copy changes nothing except your own understanding.
"""

import jax, jax.numpy as jnp
import numpy as np

MAX_SEQ_LEN = 8192
EMBED_DIM = 1024
BATCH = 4
SEQ_LEN = 8192

def setup_inputs(seed: int = 0) -> dict:
    key = jax.random.key(seed)
    k1, k2 = jax.random.split(key)
    x = jax.random.normal(k1, (BATCH, SEQ_LEN, EMBED_DIM), dtype=jnp.float32)
    table = jax.random.normal(k2, (MAX_SEQ_LEN, EMBED_DIM), dtype=jnp.float32) * 0.02
    return {"x": x, "table": table, "offset": 0}

def reference(x, table, offset=0):
    seq_len = x.shape[1]
    positions = jnp.asarray(offset, dtype=jnp.int32) + jnp.arange(seq_len, dtype=jnp.int32)
    pos_emb = jnp.take(table, positions, axis=0)[None, :, :]
    return x + pos_emb

if __name__ == "__main__":
    import jax
    _d = setup_inputs()
    print(jax.jit(kernel)(*tuple(_d.values())))

</pallas_src>

<mosaic_0001>
#map = affine_map<(d0, d1) -> (0, 0, 0)>
#map1 = affine_map<(d0, d1) -> (0, 0)>
#map2 = affine_map<(d0, d1) -> (0)>
module attributes {stable_mosaic.version = 14 : i64} {
  func.func @_sc_body(%arg0: i32, %arg1: i32, %arg2: memref<4x8192x1024xf32, #tpu.memory_space<hbm>>, %arg3: memref<8192x1024xf32, #tpu.memory_space<hbm>>, %arg4: memref<8192xi32, #tpu.memory_space<hbm>>, %arg5: memref<4x8192x1024xf32, #tpu.memory_space<hbm>>, %arg6: memref<8x1024xf32, #tpu.memory_space<vmem>>, %arg7: memref<8x1024xf32, #tpu.memory_space<vmem>>, %arg8: memref<8x1024xf32, #tpu.memory_space<vmem>>, %arg9: memref<8x1024xf32, #tpu.memory_space<vmem>>, %arg10: memref<8x1024xf32, #tpu.memory_space<vmem>>, %arg11: memref<8x1024xf32, #tpu.memory_space<vmem>>, %arg12: memref<8x1024xf32, #tpu.memory_space<vmem>>, %arg13: memref<8x1024xf32, #tpu.memory_space<vmem>>, %arg14: memref<8x1024xf32, #tpu.memory_space<vmem>>, %arg15: memref<8x1024xf32, #tpu.memory_space<vmem>>, %arg16: memref<8x1024xf32, #tpu.memory_space<vmem>>, %arg17: memref<8x1024xf32, #tpu.memory_space<vmem>>, %arg18: memref<8x1024xf32, #tpu.memory_space<vmem>>, %arg19: memref<8x1024xf32, #tpu.memory_space<vmem>>, %arg20: memref<8x1024xf32, #tpu.memory_space<vmem>>, %arg21: memref<256xi32, #tpu.memory_space<vmem>>, %arg22: memref<!tpu.dma_semaphore, #tpu.memory_space<semaphore_mem>>, %arg23: memref<!tpu.dma_semaphore, #tpu.memory_space<semaphore_mem>>, %arg24: memref<!tpu.dma_semaphore, #tpu.memory_space<semaphore_mem>>, %arg25: memref<!tpu.dma_semaphore, #tpu.memory_space<semaphore_mem>>, %arg26: memref<!tpu.dma_semaphore, #tpu.memory_space<semaphore_mem>>, %arg27: memref<!tpu.dma_semaphore, #tpu.memory_space<semaphore_mem>>, %arg28: memref<!tpu.dma_semaphore, #tpu.memory_space<semaphore_mem>>, %arg29: memref<!tpu.dma_semaphore, #tpu.memory_space<semaphore_mem>>, %arg30: memref<!tpu.dma_semaphore, #tpu.memory_space<semaphore_mem>>, %arg31: memref<!tpu.dma_semaphore, #tpu.memory_space<semaphore_mem>>, %arg32: memref<!tpu.dma_semaphore, #tpu.memory_space<semaphore_mem>>, %arg33: memref<!tpu.dma_semaphore, #tpu.memory_space<semaphore_mem>>, %arg34: memref<!tpu.dma_semaphore, #tpu.memory_space<semaphore_mem>>, %arg35: memref<!tpu.dma_semaphore, #tpu.memory_space<semaphore_mem>>, %arg36: memref<!tpu.dma_semaphore, #tpu.memory_space<semaphore_mem>>, %arg37: memref<!tpu.dma_semaphore, #tpu.memory_space<semaphore_mem>>, %arg38: memref<!tpu.dma_semaphore, #tpu.memory_space<semaphore_mem>>, %arg39: memref<!tpu.dma_semaphore, #tpu.memory_space<semaphore_mem>>, %arg40: memref<!tpu.dma_semaphore, #tpu.memory_space<semaphore_mem>>, %arg41: memref<!tpu.dma_semaphore, #tpu.memory_space<semaphore_mem>>, %arg42: memref<!tpu.dma_semaphore, #tpu.memory_space<semaphore_mem>>, %arg43: memref<!tpu.dma_semaphore, #tpu.memory_space<semaphore_mem>>, %arg44: memref<!tpu.dma_semaphore, #tpu.memory_space<semaphore_mem>>, %arg45: memref<!tpu.dma_semaphore, #tpu.memory_space<semaphore_mem>>, %arg46: memref<!tpu.dma_semaphore, #tpu.memory_space<semaphore_mem>>, %arg47: memref<!tpu.dma_semaphore, #tpu.memory_space<semaphore_mem>>, %arg48: memref<!tpu.dma_semaphore, #tpu.memory_space<semaphore_mem>>) attributes {dimension_semantics = [#tpu.dimension_semantics<core_parallel>, #tpu.dimension_semantics<subcore_parallel>], iteration_bounds = array<i64: 2, 16>, scalar_prefetch = 0 : i64, scratch_operands = 43 : i64, tpu.core_type = #tpu.core_type<sc_vector_subcore>, window_params = [{transform_indices = #map}, {transform_indices = #map1}, {transform_indices = #map2}, {transform_indices = #map}]} {
    %mul3A = arith.constant 2 : i32
    %mul3A_0 = arith.muli %arg1, %mul3A : i32
    %add3A = arith.addi %mul3A_0, %arg0 : i32
    %mul3A_1 = arith.constant 256 : i32
    %mul3A_2 = arith.muli %add3A, %mul3A_1 : i32
    "tpu.region"() ({
      %run_scoped3A = tpu.sem_alloc : memref<!tpu.dma_semaphore, #tpu.memory_space<semaphore_mem>>
      %dma_start3A_355 = tpu.memref_slice %arg4[%mul3A_2] : memref<8192xi32, #tpu.memory_space<hbm>> -> memref<256xi32, #tpu.memory_space<hbm>>
      %dma_start3A_356 = tpu.memref_slice %arg4[%mul3A_2] : memref<8192xi32, #tpu.memory_space<hbm>> -> memref<256xi32, #tpu.memory_space<hbm>>
      tpu.enqueue_dma source(%dma_start3A_356 : memref<256xi32, #tpu.memory_space<hbm>>) target(%arg21 : memref<256xi32, #tpu.memory_space<vmem>>) target_semaphore(%run_scoped3A : memref<!tpu.dma_semaphore, #tpu.memory_space<semaphore_mem>>)
      %dma_wait3A_357 = tpu.memref_slice %arg4[%mul3A_2] : memref<8192xi32, #tpu.memory_space<hbm>> -> memref<256xi32, #tpu.memory_space<hbm>>
      %dma_wait3A_358 = tpu.memref_slice %arg4[%mul3A_2] : memref<8192xi32, #tpu.memory_space<hbm>> -> memref<256xi32, #tpu.memory_space<hbm>>
      tpu.wait_dma2 semaphore(%run_scoped3A : memref<!tpu.dma_semaphore, #tpu.memory_space<semaphore_mem>>) src(%dma_wait3A_358 : memref<256xi32, #tpu.memory_space<hbm>>) dst(%arg21 : memref<256xi32, #tpu.memory_space<vmem>>)
      tpu.yield
    }) : () -> ()
    %dma_start3A = arith.constant 0 : i32
    %dma_start3A_3 = tpu.memref_slice %arg21[%dma_start3A] : memref<256xi32, #tpu.memory_space<vmem>> -> memref<8xi32, #tpu.memory_space<vmem>>
    %dma_start3A_4 = arith.constant 0 : i32
    %dma_start3A_5 = arith.constant 0 : i32
    %dma_start3A_6 = tpu.memref_slice %arg3[%dma_start3A_4, %dma_start3A_5] : memref<8192x1024xf32, #tpu.memory_space<hbm>> -> memref<8192x1024xf32, #tpu.memory_space<hbm>>
    tpu.enqueue_indirect_dma source(%dma_start3A_6 : memref<8192x1024xf32, #tpu.memory_space<hbm>>) target(%arg18 : memref<8x1024xf32, #tpu.memory_space<vmem>>) offsets(%dma_start3A_3 : memref<8xi32, #tpu.memory_space<vmem>>) semaphore(%arg46 : memref<!tpu.dma_semaphore, #tpu.memory_space<semaphore_mem>>)
    %add3A_7 = arith.constant 0 : i32
    %add3A_8 = arith.addi %mul3A_2, %add3A_7 : i32
    %dma_start3A_9 = arith.constant 0 : i32
    %dma_start3A_10 = arith.constant 0 : i32
    %dma_start3A_11 = tpu.memref_slice %arg2[%dma_start3A_9, %add3A_8, %dma_start3A_10] : memref<4x8192x1024xf32, #tpu.memory_space<hbm>> -> memref<1x8x1024xf32, #tpu.memory_space<hbm>>
    %dma_start3A_12 = tpu.memref_squeeze %dma_start3A_11 : memref<1x8x1024xf32, #tpu.memory_space<hbm>> -> memref<8x1024xf32, #tpu.memory_space<hbm>>
    %dma_start3A_13 = arith.constant 0 : i32
    %dma_start3A_14 = tpu.memref_slice %arg2[%dma_start3A_9, %add3A_8, %dma_start3A_13] : memref<4x8192x1024xf32, #tpu.memory_space<hbm>> -> memref<1x8x1024xf32, #tpu.memory_space<hbm>>
    %dma_start3A_15 = tpu.memref_squeeze %dma_start3A_14 : memref<1x8x1024xf32, #tpu.memory_space<hbm>> -> memref<8x1024xf32, #tpu.memory_space<hbm>>
    tpu.enqueue_dma source(%dma_start3A_15 : memref<8x1024xf32, #tpu.memory_space<hbm>>) target(%arg6 : memref<8x1024xf32, #tpu.memory_space<vmem>>) target_semaphore(%arg22 : memref<!tpu.dma_semaphore, #tpu.memory_space<semaphore_mem>>)
    %add3A_16 = arith.constant 0 : i32
    %add3A_17 = arith.addi %mul3A_2, %add3A_16 : i32
    %dma_start3A_18 = arith.constant 1 : i32
    %dma_start3A_19 = arith.constant 0 : i32
    %dma_start3A_20 = tpu.memref_slice %arg2[%dma_start3A_18, %add3A_17, %dma_start3A_19] : memref<4x8192x1024xf32, #tpu.memory_space<hbm>> -> memref<1x8x1024xf32, #tpu.memory_space<hbm>>
    %dma_start3A_21 = tpu.memref_squeeze %dma_start3A_20 : memref<1x8x1024xf32, #tpu.memory_space<hbm>> -> memref<8x1024xf32, #tpu.memory_space<hbm>>
    %dma_start3A_22 = arith.constant 0 : i32
    %dma_start3A_23 = tpu.memref_slice %arg2[%dma_start3A_18, %add3A_17, %dma_start3A_22] : memref<4x8192x1024xf32, #tpu.memory_space<hbm>> -> memref<1x8x1024xf32, #tpu.memory_space<hbm>>
    %dma_start3A_24 = tpu.memref_squeeze %dma_start3A_23 : memref<1x8x1024xf32, #tpu.memory_space<hbm>> -> memref<8x1024xf32, #tpu.memory_space<hbm>>
    tpu.enqueue_dma source(%dma_start3A_24 : memref<8x1024xf32, #tpu.memory_space<hbm>>) target(%arg7 : memref<8x1024xf32, #tpu.memory_space<vmem>>) target_semaphore(%arg23 : memref<!tpu.dma_semaphore, #tpu.memory_space<semaphore_mem>>)
    %add3A_25 = arith.constant 0 : i32
    %add3A_26 = arith.addi %mul3A_2, %add3A_25 : i32
    %dma_start3A_27 = arith.constant 2 : i32
    %dma_start3A_28 = arith.constant 0 : i32
    %dma_start3A_29 = tpu.memref_slice %arg2[%dma_start3A_27, %add3A_26, %dma_start3A_28] : memref<4x8192x1024xf32, #tpu.memory_space<hbm>> -> memref<1x8x1024xf32, #tpu.memory_space<hbm>>
    %dma_start3A_30 = tpu.memref_squeeze %dma_start3A_29 : memref<1x8x1024xf32, #tpu.memory_space<hbm>> -> memref<8x1024xf32, #tpu.memory_space<hbm>>
    %dma_start3A_31 = arith.constant 0 : i32
    %dma_start3A_32 = tpu.memref_slice %arg2[%dma_start3A_27, %add3A_26, %dma_start3A_31] : memref<4x8192x1024xf32, #tpu.memory_space<hbm>> -> memref<1x8x1024xf32, #tpu.memory_space<hbm>>
    %dma_start3A_33 = tpu.memref_squeeze %dma_start3A_32 : memref<1x8x1024xf32, #tpu.memory_space<hbm>> -> memref<8x1024xf32, #tpu.memory_space<hbm>>
    tpu.enqueue_dma source(%dma_start3A_33 : memref<8x1024xf32, #tpu.memory_space<hbm>>) target(%arg8 : memref<8x1024xf32, #tpu.memory_space<vmem>>) target_semaphore(%arg24 : memref<!tpu.dma_semaphore, #tpu.memory_space<semaphore_mem>>)
    %add3A_34 = arith.constant 0 : i32
    %add3A_35 = arith.addi %mul3A_2, %add3A_34 : i32
    %dma_start3A_36 = arith.constant 3 : i32
    %dma_start3A_37 = arith.constant 0 : i32
    %dma_start3A_38 = tpu.memref_slice %arg2[%dma_start3A_36, %add3A_35, %dma_start3A_37] : memref<4x8192x1024xf32, #tpu.memory_space<hbm>> -> memref<1x8x1024xf32, #tpu.memory_space<hbm>>
    %dma_start3A_39 = tpu.memref_squeeze %dma_start3A_38 : memref<1x8x1024xf32, #tpu.memory_space<hbm>> -> memref<8x1024xf32, #tpu.memory_space<hbm>>
    %dma_start3A_40 = arith.constant 0 : i32
    %dma_start3A_41 = tpu.memref_slice %arg2[%dma_start3A_36, %add3A_35, %dma_start3A_40] : memref<4x8192x1024xf32, #tpu.memory_space<hbm>> -> memref<1x8x1024xf32, #tpu.memory_space<hbm>>
    %dma_start3A_42 = tpu.memref_squeeze %dma_start3A_41 : memref<1x8x1024xf32, #tpu.memory_space<hbm>> -> memref<8x1024xf32, #tpu.memory_space<hbm>>
    tpu.enqueue_dma source(%dma_start3A_42 : memref<8x1024xf32, #tpu.memory_space<hbm>>) target(%arg9 : memref<8x1024xf32, #tpu.memory_space<vmem>>) target_semaphore(%arg25 : memref<!tpu.dma_semaphore, #tpu.memory_space<semaphore_mem>>)
    %dma_start3A_43 = arith.constant 8 : i32
    %dma_start3A_44 = tpu.memref_slice %arg21[%dma_start3A_43] : memref<256xi32, #tpu.memory_space<vmem>> -> memref<8xi32, #tpu.memory_space<vmem>>
    %dma_start3A_45 = arith.constant 0 : i32
    %dma_start3A_46 = arith.constant 0 : i32
    %dma_start3A_47 = tpu.memref_slice %arg3[%dma_start3A_45, %dma_start3A_46] : memref<8192x1024xf32, #tpu.memory_space<hbm>> -> memref<8192x1024xf32, #tpu.memory_space<hbm>>
    tpu.enqueue_indirect_dma source(%dma_start3A_47 : memref<8192x1024xf32, #tpu.memory_space<hbm>>) target(%arg19 : memref<8x1024xf32, #tpu.memory_space<vmem>>) offsets(%dma_start3A_44 : memref<8xi32, #tpu.memory_space<vmem>>) semaphore(%arg47 : memref<!tpu.dma_semaphore, #tpu.memory_space<semaphore_mem>>)
    %add3A_48 = arith.constant 8 : i32
    %add3A_49 = arith.addi %mul3A_2, %add3A_48 : i32
    %dma_start3A_50 = arith.constant 0 : i32
    %dma_start3A_51 = arith.constant 0 : i32
    %dma_start3A_52 = tpu.memref_slice %arg2[%dma_start3A_50, %add3A_49, %dma_start3A_51] : memref<4x8192x1024xf32, #tpu.memory_space<hbm>> -> memref<1x8x1024xf32, #tpu.memory_space<hbm>>
    %dma_start3A_53 = tpu.memref_squeeze %dma_start3A_52 : memref<1x8x1024xf32, #tpu.memory_space<hbm>> -> memref<8x1024xf32, #tpu.memory_space<hbm>>
    %dma_start3A_54 = arith.constant 0 : i32
    %dma_start3A_55 = tpu.memref_slice %arg2[%dma_start3A_50, %add3A_49, %dma_start3A_54] : memref<4x8192x1024xf32, #tpu.memory_space<hbm>> -> memref<1x8x1024xf32, #tpu.memory_space<hbm>>
    %dma_start3A_56 = tpu.memref_squeeze %dma_start3A_55 : memref<1x8x1024xf32, #tpu.memory_space<hbm>> -> memref<8x1024xf32, #tpu.memory_space<hbm>>
    tpu.enqueue_dma source(%dma_start3A_56 : memref<8x1024xf32, #tpu.memory_space<hbm>>) target(%arg10 : memref<8x1024xf32, #tpu.memory_space<vmem>>) target_semaphore(%arg26 : memref<!tpu.dma_semaphore, #tpu.memory_space<semaphore_mem>>)
    %add3A_57 = arith.constant 8 : i32
    %add3A_58 = arith.addi %mul3A_2, %add3A_57 : i32
    %dma_start3A_59 = arith.constant 1 : i32
    %dma_start3A_60 = arith.constant 0 : i32
    %dma_start3A_61 = tpu.memref_slice %arg2[%dma_start3A_59, %add3A_58, %dma_start3A_60] : memref<4x8192x1024xf32, #tpu.memory_space<hbm>> -> memref<1x8x1024xf32, #tpu.memory_space<hbm>>
    %dma_start3A_62 = tpu.memref_squeeze %dma_start3A_61 : memref<1x8x1024xf32, #tpu.memory_space<hbm>> -> memref<8x1024xf32, #tpu.memory_space<hbm>>
    %dma_start3A_63 = arith.constant 0 : i32
    %dma_start3A_64 = tpu.memref_slice %arg2[%dma_start3A_59, %add3A_58, %dma_start3A_63] : memref<4x8192x1024xf32, #tpu.memory_space<hbm>> -> memref<1x8x1024xf32, #tpu.memory_space<hbm>>
    %dma_start3A_65 = tpu.memref_squeeze %dma_start3A_64 : memref<1x8x1024xf32, #tpu.memory_space<hbm>> -> memref<8x1024xf32, #tpu.memory_space<hbm>>
    tpu.enqueue_dma source(%dma_start3A_65 : memref<8x1024xf32, #tpu.memory_space<hbm>>) target(%arg11 : memref<8x1024xf32, #tpu.memory_space<vmem>>) target_semaphore(%arg27 : memref<!tpu.dma_semaphore, #tpu.memory_space<semaphore_mem>>)
    %add3A_66 = arith.constant 8 : i32
    %add3A_67 = arith.addi %mul3A_2, %add3A_66 : i32
    %dma_start3A_68 = arith.constant 2 : i32
    %dma_start3A_69 = arith.constant 0 : i32
    %dma_start3A_70 = tpu.memref_slice %arg2[%dma_start3A_68, %add3A_67, %dma_start3A_69] : memref<4x8192x1024xf32, #tpu.memory_space<hbm>> -> memref<1x8x1024xf32, #tpu.memory_space<hbm>>
    %dma_start3A_71 = tpu.memref_squeeze %dma_start3A_70 : memref<1x8x1024xf32, #tpu.memory_space<hbm>> -> memref<8x1024xf32, #tpu.memory_space<hbm>>
    %dma_start3A_72 = arith.constant 0 : i32
    %dma_start3A_73 = tpu.memref_slice %arg2[%dma_start3A_68, %add3A_67, %dma_start3A_72] : memref<4x8192x1024xf32, #tpu.memory_space<hbm>> -> memref<1x8x1024xf32, #tpu.memory_space<hbm>>
    %dma_start3A_74 = tpu.memref_squeeze %dma_start3A_73 : memref<1x8x1024xf32, #tpu.memory_space<hbm>> -> memref<8x1024xf32, #tpu.memory_space<hbm>>
    tpu.enqueue_dma source(%dma_start3A_74 : memref<8x1024xf32, #tpu.memory_space<hbm>>) target(%arg12 : memref<8x1024xf32, #tpu.memory_space<vmem>>) target_semaphore(%arg28 : memref<!tpu.dma_semaphore, #tpu.memory_space<semaphore_mem>>)
    %add3A_75 = arith.constant 8 : i32
    %add3A_76 = arith.addi %mul3A_2, %add3A_75 : i32
    %dma_start3A_77 = arith.constant 3 : i32
    %dma_start3A_78 = arith.constant 0 : i32
    %dma_start3A_79 = tpu.memref_slice %arg2[%dma_start3A_77, %add3A_76, %dma_start3A_78] : memref<4x8192x1024xf32, #tpu.memory_space<hbm>> -> memref<1x8x1024xf32, #tpu.memory_space<hbm>>
    %dma_start3A_80 = tpu.memref_squeeze %dma_start3A_79 : memref<1x8x1024xf32, #tpu.memory_space<hbm>> -> memref<8x1024xf32, #tpu.memory_space<hbm>>
    %dma_start3A_81 = arith.constant 0 : i32
    %dma_start3A_82 = tpu.memref_slice %arg2[%dma_start3A_77, %add3A_76, %dma_start3A_81] : memref<4x8192x1024xf32, #tpu.memory_space<hbm>> -> memref<1x8x1024xf32, #tpu.memory_space<hbm>>
    %dma_start3A_83 = tpu.memref_squeeze %dma_start3A_82 : memref<1x8x1024xf32, #tpu.memory_space<hbm>> -> memref<8x1024xf32, #tpu.memory_space<hbm>>
    tpu.enqueue_dma source(%dma_start3A_83 : memref<8x1024xf32, #tpu.memory_space<hbm>>) target(%arg13 : memref<8x1024xf32, #tpu.memory_space<vmem>>) target_semaphore(%arg29 : memref<!tpu.dma_semaphore, #tpu.memory_space<semaphore_mem>>)
    %scan3A = arith.constant 0 : i32
    %scan3A_84 = arith.constant 0 : i32
    %scan3A_85 = arith.constant 10 : i32
    %scan3A_86 = arith.addi %scan3A_84, %scan3A_85 : i32
    %scan3A_87 = arith.constant 1 : i32
    scf.for %scan3A_355 = %scan3A_84 to %scan3A_86 step %scan3A_87  : i32 {
      %mul3A_356 = arith.constant 3 : i32
      %mul3A_357 = arith.muli %mul3A_356, %scan3A_355 : i32
      %dma_wait3A_358 = arith.constant 0 : i32
      %dma_wait3A_359 = tpu.memref_slice %arg21[%dma_wait3A_358] : memref<256xi32, #tpu.memory_space<vmem>> -> memref<8xi32, #tpu.memory_space<vmem>>
      %dma_wait3A_360 = arith.constant 0 : i32
      %dma_wait3A_361 = arith.constant 0 : i32
      %dma_wait3A_362 = tpu.memref_slice %arg3[%dma_wait3A_360, %dma_wait3A_361] : memref<8192x1024xf32, #tpu.memory_space<hbm>> -> memref<8192x1024xf32, #tpu.memory_space<hbm>>
      tpu.wait_indirect_dma semaphore(%arg46 : memref<!tpu.dma_semaphore, #tpu.memory_space<semaphore_mem>>) src(%dma_wait3A_362 : memref<8192x1024xf32, #tpu.memory_space<hbm>>) dst(%arg18 : memref<8x1024xf32, #tpu.memory_space<vmem>>)
      %add3A_363 = arith.constant 0 : i32
      %add3A_364 = arith.addi %mul3A_2, %add3A_363 : i32
      %dma_wait3A_365 = arith.constant 0 : i32
      %dma_wait3A_366 = arith.constant 0 : i32
      %dma_wait3A_367 = tpu.memref_slice %arg2[%dma_wait3A_365, %add3A_364, %dma_wait3A_366] : memref<4x8192x1024xf32, #tpu.memory_space<hbm>> -> memref<1x8x1024xf32, #tpu.memory_space<hbm>>
      %dma_wait3A_368 = tpu.memref_squeeze %dma_wait3A_367 : memref<1x8x1024xf32, #tpu.memory_space<hbm>> -> memref<8x1024xf32, #tpu.memory_space<hbm>>
      %dma_wait3A_369 = arith.constant 0 : i32
      %dma_wait3A_370 = tpu.memref_slice %arg2[%dma_wait3A_365, %add3A_364, %dma_wait3A_369] : memref<4x8192x1024xf32, #tpu.memory_space<hbm>> -> memref<1x8x1024xf32, #tpu.memory_space<hbm>>
      %dma_wait3A_371 = tpu.memref_squeeze %dma_wait3A_370 : memref<1x8x1024xf32, #tpu.memory_space<hbm>> -> memref<8x1024xf32, #tpu.memory_space<hbm>>
      tpu.wait_dma2 semaphore(%arg22 : memref<!tpu.dma_semaphore, #tpu.memory_space<semaphore_mem>>) src(%dma_wait3A_371 : memref<8x1024xf32, #tpu.memory_space<hbm>>) dst(%arg6 : memref<8x1024xf32, #tpu.memory_space<vmem>>)
      %add3A_372 = arith.constant 0 : i32
      %add3A_373 = arith.addi %mul3A_2, %add3A_372 : i32
      %dma_wait3A_374 = arith.constant 0 : i32
      %dma_wait3A_375 = arith.constant 0 : i32
      %dma_wait3A_376 = tpu.memref_slice %arg2[%dma_wait3A_374, %add3A_373, %dma_wait3A_375] : memref<4x8192x1024xf32, #tpu.memory_space<hbm>> -> memref<1x8x1024xf32, #tpu.memory_space<hbm>>
      %dma_wait3A_377 = tpu.memref_squeeze %dma_wait3A_376 : memref<1x8x1024xf32, #tpu.memory_space<hbm>> -> memref<8x1024xf32, #tpu.memory_space<hbm>>
      %dma_wait3A_378 = arith.constant 0 : i32
      %dma_wait3A_379 = tpu.memref_slice %arg2[%dma_wait3A_374, %add3A_373, %dma_wait3A_378] : memref<4x8192x1024xf32, #tpu.memory_space<hbm>> -> memref<1x8x1024xf32, #tpu.memory_space<hbm>>
      %dma_wait3A_380 = tpu.memref_squeeze %dma_wait3A_379 : memref<1x8x1024xf32, #tpu.memory_space<hbm>> -> memref<8x1024xf32, #tpu.memory_space<hbm>>
      tpu.wait_dma2 semaphore(%arg23 : memref<!tpu.dma_semaphore, #tpu.memory_space<semaphore_mem>>) src(%dma_wait3A_380 : memref<8x1024xf32, #tpu.memory_space<hbm>>) dst(%arg7 : memref<8x1024xf32, #tpu.memory_space<vmem>>)
      %add3A_381 = arith.constant 0 : i32
      %add3A_382 = arith.addi %mul3A_2, %add3A_381 : i32
      %dma_wait3A_383 = arith.constant 0 : i32
      %dma_wait3A_384 = arith.constant 0 : i32
      %dma_wait3A_385 = tpu.memref_slice %arg2[%dma_wait3A_383, %add3A_382, %dma_wait3A_384] : memref<4x8192x1024xf32, #tpu.memory_space<hbm>> -> memref<1x8x1024xf32, #tpu.memory_space<hbm>>
      %dma_wait3A_386 = tpu.memref_squeeze %dma_wait3A_385 : memref<1x8x1024xf32, #tpu.memory_space<hbm>> -> memref<8x1024xf32, #tpu.memory_space<hbm>>
      %dma_wait3A_387 = arith.constant 0 : i32
      %dma_wait3A_388 = tpu.memref_slice %arg2[%dma_wait3A_383, %add3A_382, %dma_wait3A_387] : memref<4x8192x1024xf32, #tpu.memory_space<hbm>> -> memref<1x8x1024xf32, #tpu.memory_space<hbm>>
      %dma_wait3A_389 = tpu.memref_squeeze %dma_wait3A_388 : memref<1x8x1024xf32, #tpu.memory_space<hbm>> -> memref<8x1024xf32, #tpu.memory_space<hbm>>
      tpu.wait_dma2 semaphore(%arg24 : memref<!tpu.dma_semaphore, #tpu.memory_space<semaphore_mem>>) src(%dma_wait3A_389 : memref<8x1024xf32, #tpu.memory_space<hbm>>) dst(%arg8 : memref<8x1024xf32, #tpu.memory_space<vmem>>)
      %add3A_390 = arith.constant 0 : i32
      %add3A_391 = arith.addi %mul3A_2, %add3A_390 : i32
      %dma_wait3A_392 = arith.constant 0 : i32
      %dma_wait3A_393 = arith.constant 0 : i32
      %dma_wait3A_394 = tpu.memref_slice %arg2[%dma_wait3A_392, %add3A_391, %dma_wait3A_393] : memref<4x8192x1024xf32, #tpu.memory_space<hbm>> -> memref<1x8x1024xf32, #tpu.memory_space<hbm>>
      %dma_wait3A_395 = tpu.memref_squeeze %dma_wait3A_394 : memref<1x8x1024xf32, #tpu.memory_space<hbm>> -> memref<8x1024xf32, #tpu.memory_space<hbm>>
      %dma_wait3A_396 = arith.constant 0 : i32
      %dma_wait3A_397 = tpu.memref_slice %arg2[%dma_wait3A_392, %add3A_391, %dma_wait3A_396] : memref<4x8192x1024xf32, #tpu.memory_space<hbm>> -> memref<1x8x1024xf32, #tpu.memory_space<hbm>>
      %dma_wait3A_398 = tpu.memref_squeeze %dma_wait3A_397 : memref<1x8x1024xf32, #tpu.memory_space<hbm>> -> memref<8x1024xf32, #tpu.memory_space<hbm>>
      tpu.wait_dma2 semaphore(%arg25 : memref<!tpu.dma_semaphore, #tpu.memory_space<semaphore_mem>>) src(%dma_wait3A_398 : memref<8x1024xf32, #tpu.memory_space<hbm>>) dst(%arg9 : memref<8x1024xf32, #tpu.memory_space<vmem>>)
      %ge3A = arith.constant 1 : i32
      %ge3A_399 = arith.cmpi sge, %mul3A_357, %ge3A : i32
      %convert_element_type3A = arith.extui %ge3A_399 : i1 to i32
      %cond3A = arith.constant 0 : i32
      %cond3A_400 = arith.cmpi ne, %convert_element_type3A, %cond3A : i32
      scf.if %cond3A_400 {
        %add3A_770 = arith.constant 0 : i32
        %add3A_771 = arith.addi %mul3A_2, %add3A_770 : i32
        %dma_wait3A_772 = arith.constant 0 : i32
        %dma_wait3A_773 = arith.constant 0 : i32
        %dma_wait3A_774 = tpu.memref_slice %arg5[%dma_wait3A_772, %add3A_771, %dma_wait3A_773] : memref<4x8192x1024xf32, #tpu.memory_space<hbm>> -> memref<1x8x1024xf32, #tpu.memory_space<hbm>>
        %dma_wait3A_775 = tpu.memref_squeeze %dma_wait3A_774 : memref<1x8x1024xf32, #tpu.memory_space<hbm>> -> memref<8x1024xf32, #tpu.memory_space<hbm>>
        %dma_wait3A_776 = arith.constant 0 : i32
        %dma_wait3A_777 = tpu.memref_slice %arg5[%dma_wait3A_772, %add3A_771, %dma_wait3A_776] : memref<4x8192x1024xf32, #tpu.memory_space<hbm>> -> memref<1x8x1024xf32, #tpu.memory_space<hbm>>
        %dma_wait3A_778 = tpu.memref_squeeze %dma_wait3A_777 : memref<1x8x1024xf32, #tpu.memory_space<hbm>> -> memref<8x1024xf32, #tpu.memory_space<hbm>>
        tpu.wait_dma2 semaphore(%arg42 : memref<!tpu.dma_semaphore, #tpu.memory_space<semaphore_mem>>) src(%arg14 : memref<8x1024xf32, #tpu.memory_space<vmem>>) dst(%dma_wait3A_778 : memref<8x1024xf32, #tpu.memory_space<hbm>>)
        %add3A_779 = arith.constant 0 : i32
        %add3A_780 = arith.addi %mul3A_2, %add3A_779 : i32
        %dma_wait3A_781 = arith.constant 0 : i32
        %dma_wait3A_782 = arith.constant 0 : i32
        %dma_wait3A_783 = tpu.memref_slice %arg5[%dma_wait3A_781, %add3A_780, %dma_wait3A_782] : memref<4x8192x1024xf32, #tpu.memory_space<hbm>> -> memref<1x8x1024xf32, #tpu.memory_space<hbm>>
        %dma_wait3A_784 = tpu.memref_squeeze %dma_wait3A_783 : memref<1x8x1024xf32, #tpu.memory_space<hbm>> -> memref<8x1024xf32, #tpu.memory_space<hbm>>
        %dma_wait3A_785 = arith.constant 0 : i32
        %dma_wait3A_786 = tpu.memref_slice %arg5[%dma_wait3A_781, %add3A_780, %dma_wait3A_785] : memref<4x8192x1024xf32, #tpu.memory_space<hbm>> -> memref<1x8x1024xf32, #tpu.memory_space<hbm>>
        %dma_wait3A_787 = tpu.memref_squeeze %dma_wait3A_786 : memref<1x8x1024xf32, #tpu.memory_space<hbm>> -> memref<8x1024xf32, #tpu.memory_space<hbm>>
        tpu.wait_dma2 semaphore(%arg43 : memref<!tpu.dma_semaphore, #tpu.memory_space<semaphore_mem>>) src(%arg15 : memref<8x1024xf32, #tpu.memory_space<vmem>>) dst(%dma_wait3A_787 : memref<8x1024xf32, #tpu.memory_space<hbm>>)
        %add3A_788 = arith.constant 0 : i32
        %add3A_789 = arith.addi %mul3A_2, %add3A_788 : i32
        %dma_wait3A_790 = arith.constant 0 : i32
        %dma_wait3A_791 = arith.constant 0 : i32
        %dma_wait3A_792 = tpu.memref_slice %arg5[%dma_wait3A_790, %add3A_789, %dma_wait3A_791] : memref<4x8192x1024xf32, #tpu.memory_space<hbm>> -> memref<1x8x1024xf32, #tpu.memory_space<hbm>>
        %dma_wait3A_793 = tpu.memref_squeeze %dma_wait3A_792 : memref<1x8x1024xf32, #tpu.memory_space<hbm>> -> memref<8x1024xf32, #tpu.memory_space<hbm>>
        %dma_wait3A_794 = arith.constant 0 : i32
        %dma_wait3A_795 = tpu.memref_slice %arg5[%dma_wait3A_790, %add3A_789, %dma_wait3A_794] : memref<4x8192x1024xf32, #tpu.memory_space<hbm>> -> memref<1x8x1024xf32, #tpu.memory_space<hbm>>
        %dma_wait3A_796 = tpu.memref_squeeze %dma_wait3A_795 : memref<1x8x1024xf32, #tpu.memory_space<hbm>> -> memref<8x1024xf32, #tpu.memory_space<hbm>>
        tpu.wait_dma2 semaphore(%arg44 : memref<!tpu.dma_semaphore, #tpu.memory_space<semaphore_mem>>) src(%arg16 : memref<8x1024xf32, #tpu.memory_space<vmem>>) dst(%dma_wait3A_796 : memref<8x1024xf32, #tpu.memory_space<hbm>>)
        %add3A_797 = arith.constant 0 : i32
        %add3A_798 = arith.addi %mul3A_2, %add3A_797 : i32
        %dma_wait3A_799 = arith.constant 0 : i32
        %dma_wait3A_800 = arith.constant 0 : i32
        %dma_wait3A_801 = tpu.memref_slice %arg5[%dma_wait3A_799, %add3A_798, %dma_wait3A_800] : memref<4x8192x1024xf32, #tpu.memory_space<hbm>> -> memref<1x8x1024xf32, #tpu.memory_space<hbm>>
        %dma_wait3A_802 = tpu.memref_squeeze %dma_wait3A_801 : memref<1x8x1024xf32, #tpu.memory_space<hbm>> -> memref<8x1024xf32, #tpu.memory_space<hbm>>
        %dma_wait3A_803 = arith.constant 0 : i32
        %dma_wait3A_804 = tpu.memref_slice %arg5[%dma_wait3A_799, %add3A_798, %dma_wait3A_803] : memref<4x8192x1024xf32, #tpu.memory_space<hbm>> -> memref<1x8x1024xf32, #tpu.memory_space<hbm>>
        %dma_wait3A_805 = tpu.memref_squeeze %dma_wait3A_804 : memref<1x8x1024xf32, #tpu.memory_space<hbm>> -> memref<8x1024xf32, #tpu.memory_space<hbm>>
        tpu.wait_dma2 semaphore(%arg45 : memref<!tpu.dma_semaphore, #tpu.memory_space<semaphore_mem>>) src(%arg17 : memref<8x1024xf32, #tpu.memory_space<vmem>>) dst(%dma_wait3A_805 : memref<8x1024xf32, #tpu.memory_space<hbm>>)
      } else {
      }
      %add3A_401 = arith.constant 2 : i32
      %add3A_402 = arith.addi %mul3A_357, %add3A_401 : i32
      %mul3A_403 = arith.constant 8 : i32
      %mul3A_404 = arith.muli %add3A_402, %mul3A_403 : i32
      %dma_start3A_405 = tpu.memref_slice %arg21[%mul3A_404] : memref<256xi32, #tpu.memory_space<vmem>> -> memref<8xi32, #tpu.memory_space<vmem>>
      %dma_start3A_406 = arith.constant 0 : i32
      %dma_start3A_407 = arith.constant 0 : i32
      %dma_start3A_408 = tpu.memref_slice %arg3[%dma_start3A_406, %dma_start3A_407] : memref<8192x1024xf32, #tpu.memory_space<hbm>> -> memref<8192x1024xf32, #tpu.memory_space<hbm>>
      tpu.enqueue_indirect_dma source(%dma_start3A_408 : memref<8192x1024xf32, #tpu.memory_space<hbm>>) target(%arg20 : memref<8x1024xf32, #tpu.memory_space<vmem>>) offsets(%dma_start3A_405 : memref<8xi32, #tpu.memory_space<vmem>>) semaphore(%arg48 : memref<!tpu.dma_semaphore, #tpu.memory_space<semaphore_mem>>)
      %mul3A_409 = arith.constant 8 : i32
      %mul3A_410 = arith.muli %add3A_402, %mul3A_409 : i32
      %add3A_411 = arith.addi %mul3A_2, %mul3A_410 : i32
      %dma_start3A_412 = arith.constant 0 : i32
      %dma_start3A_413 = arith.constant 0 : i32
      %dma_start3A_414 = tpu.memref_slice %arg2[%dma_start3A_412, %add3A_411, %dma_start3A_413] : memref<4x8192x1024xf32, #tpu.memory_space<hbm>> -> memref<1x8x1024xf32, #tpu.memory_space<hbm>>
      %dma_start3A_415 = tpu.memref_squeeze %dma_start3A_414 : memref<1x8x1024xf32, #tpu.memory_space<hbm>> -> memref<8x1024xf32, #tpu.memory_space<hbm>>
      %dma_start3A_416 = arith.constant 0 : i32
      %dma_start3A_417 = tpu.memref_slice %arg2[%dma_start3A_412, %add3A_411, %dma_start3A_416] : memref<4x8192x1024xf32, #tpu.memory_space<hbm>> -> memref<1x8x1024xf32, #tpu.memory_space<hbm>>
      %dma_start3A_418 = tpu.memref_squeeze %dma_start3A_417 : memref<1x8x1024xf32, #tpu.memory_space<hbm>> -> memref<8x1024xf32, #tpu.memory_space<hbm>>
      tpu.enqueue_dma source(%dma_start3A_418 : memref<8x1024xf32, #tpu.memory_space<hbm>>) target(%arg14 : memref<8x1024xf32, #tpu.memory_space<vmem>>) target_semaphore(%arg30 : memref<!tpu.dma_semaphore, #tpu.memory_space<semaphore_mem>>)
      %mul3A_419 = arith.constant 8 : i32
      %mul3A_420 = arith.muli %add3A_402, %mul3A_419 : i32
      %add3A_421 = arith.addi %mul3A_2, %mul3A_420 : i32
      %dma_start3A_422 = arith.constant 1 : i32
      %dma_start3A_423 = arith.constant 0 : i32
      %dma_start3A_424 = tpu.memref_slice %arg2[%dma_start3A_422, %add3A_421, %dma_start3A_423] : memref<4x8192x1024xf32, #tpu.memory_space<hbm>> -> memref<1x8x1024xf32, #tpu.memory_space<hbm>>
      %dma_start3A_425 = tpu.memref_squeeze %dma_start3A_424 : memref<1x8x1024xf32, #tpu.memory_space<hbm>> -> memref<8x1024xf32, #tpu.memory_space<hbm>>
      %dma_start3A_426 = arith.constant 0 : i32
      %dma_start3A_427 = tpu.memref_slice %arg2[%dma_start3A_422, %add3A_421, %dma_start3A_426] : memref<4x8192x1024xf32, #tpu.memory_space<hbm>> -> memref<1x8x1024xf32, #tpu.memory_space<hbm>>
      %dma_start3A_428 = tpu.memref_squeeze %dma_start3A_427 : memref<1x8x1024xf32, #tpu.memory_space<hbm>> -> memref<8x1024xf32, #tpu.memory_space<hbm>>
      tpu.enqueue_dma source(%dma_start3A_428 : memref<8x1024xf32, #tpu.memory_space<hbm>>) target(%arg15 : memref<8x1024xf32, #tpu.memory_space<vmem>>) target_semaphore(%arg31 : memref<!tpu.dma_semaphore, #tpu.memory_space<semaphore_mem>>)
      %mul3A_429 = arith.constant 8 : i32
      %mul3A_430 = arith.muli %add3A_402, %mul3A_429 : i32
      %add3A_431 = arith.addi %mul3A_2, %mul3A_430 : i32
      %dma_start3A_432 = arith.constant 2 : i32
      %dma_start3A_433 = arith.constant 0 : i32
      %dma_start3A_434 = tpu.memref_slice %arg2[%dma_start3A_432, %add3A_431, %dma_start3A_433] : memref<4x8192x1024xf32, #tpu.memory_space<hbm>> -> memref<1x8x1024xf32, #tpu.memory_space<hbm>>
      %dma_start3A_435 = tpu.memref_squeeze %dma_start3A_434 : memref<1x8x1024xf32, #tpu.memory_space<hbm>> -> memref<8x1024xf32, #tpu.memory_space<hbm>>
      %dma_start3A_436 = arith.constant 0 : i32
      %dma_start3A_437 = tpu.memref_slice %arg2[%dma_start3A_432, %add3A_431, %dma_start3A_436] : memref<4x8192x1024xf32, #tpu.memory_space<hbm>> -> memref<1x8x1024xf32, #tpu.memory_space<hbm>>
      %dma_start3A_438 = tpu.memref_squeeze %dma_start3A_437 : memref<1x8x1024xf32, #tpu.memory_space<hbm>> -> memref<8x1024xf32, #tpu.memory_space<hbm>>
      tpu.enqueue_dma source(%dma_start3A_438 : memref<8x1024xf32, #tpu.memory_space<hbm>>) target(%arg16 : memref<8x1024xf32, #tpu.memory_space<vmem>>) target_semaphore(%arg32 : memref<!tpu.dma_semaphore, #tpu.memory_space<semaphore_mem>>)
      %mul3A_439 = arith.constant 8 : i32
      %mul3A_440 = arith.muli %add3A_402, %mul3A_439 : i32
      %add3A_441 = arith.addi %mul3A_2, %mul3A_440 : i32
      %dma_start3A_442 = arith.constant 3 : i32
      %dma_start3A_443 = arith.constant 0 : i32
      %dma_start3A_444 = tpu.memref_slice %arg2[%dma_start3A_442, %add3A_441, %dma_start3A_443] : memref<4x8192x1024xf32, #tpu.memory_space<hbm>> -> memref<1x8x1024xf32, #tpu.memory_space<hbm>>
      %dma_start3A_445 = tpu.memref_squeeze %dma_start3A_444 : memref<1x8x1024xf32, #tpu.memory_space<hbm>> -> memref<8x1024xf32, #tpu.memory_space<hbm>>
      %dma_start3A_446 = arith.constant 0 : i32
      %dma_start3A_447 = tpu.memref_slice %arg2[%dma_start3A_442, %add3A_441, %dma_start3A_446] : memref<4x8192x1024xf32, #tpu.memory_space<hbm>> -> memref<1x8x1024xf32, #tpu.memory_space<hbm>>
      %dma_start3A_448 = tpu.memref_squeeze %dma_start3A_447 : memref<1x8x1024xf32, #tpu.memory_space<hbm>> -> memref<8x1024xf32, #tpu.memory_space<hbm>>
      tpu.enqueue_dma source(%dma_start3A_448 : memref<8x1024xf32, #tpu.memory_space<hbm>>) target(%arg17 : memref<8x1024xf32, #tpu.memory_space<vmem>>) target_semaphore(%arg33 : memref<!tpu.dma_semaphore, #tpu.memory_space<semaphore_mem>>)
      %parallel_loop3A_449 = arith.constant 0 : i32
      %parallel_loop3A_450 = arith.constant 64 : i32
      %parallel_loop3A_451 = arith.constant 1 : i32
      scf.for %parallel_loop3A_770 = %parallel_loop3A_449 to %parallel_loop3A_450 step %parallel_loop3A_451  : i32 {
        %parallel_loop3A_771 = arith.constant 16 : i32
        %parallel_loop3A_772 = arith.muli %parallel_loop3A_770, %parallel_loop3A_771 : i32
        %parallel_loop3A_773 = arith.constant 0 : i32
        %parallel_loop3A_774 = arith.index_cast %parallel_loop3A_773 : i32 to index
        %parallel_loop3A_775 = arith.index_cast %parallel_loop3A_772 : i32 to index
        %parallel_loop3A_776 = tpu.vector_load %arg18[%parallel_loop3A_774, %parallel_loop3A_775] {strides = array<i32>} : memref<8x1024xf32, #tpu.memory_space<vmem>>, vector<1x16xf32>,
        %parallel_loop3A_777 = vector.shape_cast %parallel_loop3A_776 : vector<1x16xf32> to vector<16xf32>
        %parallel_loop3A_778 = arith.constant 0 : i32
        %parallel_loop3A_779 = arith.index_cast %parallel_loop3A_778 : i32 to index
        %parallel_loop3A_780 = arith.index_cast %parallel_loop3A_772 : i32 to index
        %parallel_loop3A_781 = tpu.vector_load %arg6[%parallel_loop3A_779, %parallel_loop3A_780] {strides = array<i32>} : memref<8x1024xf32, #tpu.memory_space<vmem>>, vector<1x16xf32>,
        %parallel_loop3A_782 = vector.shape_cast %parallel_loop3A_781 : vector<1x16xf32> to vector<16xf32>
        %parallel_loop3A_783 = arith.addf %parallel_loop3A_782, %parallel_loop3A_777 : vector<16xf32>
        %parallel_loop3A_784 = arith.constant 0 : i32
        %parallel_loop3A_785 = arith.index_cast %parallel_loop3A_784 : i32 to index
        %parallel_loop3A_786 = arith.index_cast %parallel_loop3A_772 : i32 to index
        %parallel_loop3A_787 = tpu.vector_load %arg6[%parallel_loop3A_785, %parallel_loop3A_786] {strides = array<i32>} : memref<8x1024xf32, #tpu.memory_space<vmem>>, vector<1x16xf32>,
        %parallel_loop3A_788 = vector.shape_cast %parallel_loop3A_787 : vector<1x16xf32> to vector<16xf32>
        %parallel_loop3A_789 = vector.shape_cast %parallel_loop3A_783 : vector<16xf32> to vector<1x16xf32>
        tpu.vector_store %arg6[%parallel_loop3A_785, %parallel_loop3A_786], %parallel_loop3A_789 {strides = array<i32>} : memref<8x1024xf32, #tpu.memory_space<vmem>>, vector<1x16xf32>,
        %parallel_loop3A_790 = arith.constant 0 : i32
        %parallel_loop3A_791 = arith.index_cast %parallel_loop3A_790 : i32 to index
        %parallel_loop3A_792 = arith.index_cast %parallel_loop3A_772 : i32 to index
        %parallel_loop3A_793 = tpu.vector_load %arg7[%parallel_loop3A_791, %parallel_loop3A_792] {strides = array<i32>} : memref<8x1024xf32, #tpu.memory_space<vmem>>, vector<1x16xf32>,
        %parallel_loop3A_794 = vector.shape_cast %parallel_loop3A_793 : vector<1x16xf32> to vector<16xf32>
        %parallel_loop3A_795 = arith.addf %parallel_loop3A_794, %parallel_loop3A_777 : vector<16xf32>
        %parallel_loop3A_796 = arith.constant 0 : i32
        %parallel_loop3A_797 = arith.index_cast %parallel_loop3A_796 : i32 to index
        %parallel_loop3A_798 = arith.index_cast %parallel_loop3A_772 : i32 to index
        %parallel_loop3A_799 = tpu.vector_load %arg7[%parallel_loop3A_797, %parallel_loop3A_798] {strides = array<i32>} : memref<8x1024xf32, #tpu.memory_space<vmem>>, vector<1x16xf32>,
        %parallel_loop3A_800 = vector.shape_cast %parallel_loop3A_799 : vector<1x16xf32> to vector<16xf32>
        %parallel_loop3A_801 = vector.shape_cast %parallel_loop3A_795 : vector<16xf32> to vector<1x16xf32>
        tpu.vector_store %arg7[%parallel_loop3A_797, %parallel_loop3A_798], %parallel_loop3A_801 {strides = array<i32>} : memref<8x1024xf32, #tpu.memory_space<vmem>>, vector<1x16xf32>,
        %parallel_loop3A_802 = arith.constant 0 : i32
        %parallel_loop3A_803 = arith.index_cast %parallel_loop3A_802 : i32 to index
        %parallel_loop3A_804 = arith.index_cast %parallel_loop3A_772 : i32 to index
        %parallel_loop3A_805 = tpu.vector_load %arg8[%parallel_loop3A_803, %parallel_loop3A_804] {strides = array<i32>} : memref<8x1024xf32, #tpu.memory_space<vmem>>, vector<1x16xf32>,
        %parallel_loop3A_806 = vector.shape_cast %parallel_loop3A_805 : vector<1x16xf32> to vector<16xf32>
        %parallel_loop3A_807 = arith.addf %parallel_loop3A_806, %parallel_loop3A_777 : vector<16xf32>
        %parallel_loop3A_808 = arith.constant 0 : i32
        %parallel_loop3A_809 = arith.index_cast %parallel_loop3A_808 : i32 to index
        %parallel_loop3A_810 = arith.index_cast %parallel_loop3A_772 : i32 to index
        %parallel_loop3A_811 = tpu.vector_load %arg8[%parallel_loop3A_809, %parallel_loop3A_810] {strides = array<i32>} : memref<8x1024xf32, #tpu.memory_space<vmem>>, vector<1x16xf32>,
        %parallel_loop3A_812 = vector.shape_cast %parallel_loop3A_811 : vector<1x16xf32> to vector<16xf32>
        %parallel_loop3A_813 = vector.shape_cast %parallel_loop3A_807 : vector<16xf32> to vector<1x16xf32>
        tpu.vector_store %arg8[%parallel_loop3A_809, %parallel_loop3A_810], %parallel_loop3A_813 {strides = array<i32>} : memref<8x1024xf32, #tpu.memory_space<vmem>>, vector<1x16xf32>,
        %parallel_loop3A_814 = arith.constant 0 : i32
        %parallel_loop3A_815 = arith.index_cast %parallel_loop3A_814 : i32 to index
        %parallel_loop3A_816 = arith.index_cast %parallel_loop3A_772 : i32 to index
        %parallel_loop3A_817 = tpu.vector_load %arg9[%parallel_loop3A_815, %parallel_loop3A_816] {strides = array<i32>} : memref<8x1024xf32, #tpu.memory_space<vmem>>, vector<1x16xf32>,
        %parallel_loop3A_818 = vector.shape_cast %parallel_loop3A_817 : vector<1x16xf32> to vector<16xf32>
        %parallel_loop3A_819 = arith.addf %parallel_loop3A_818, %parallel_loop3A_777 : vector<16xf32>
        %parallel_loop3A_820 = arith.constant 0 : i32
        %parallel_loop3A_821 = arith.index_cast %parallel_loop3A_820 : i32 to index
        %parallel_loop3A_822 = arith.index_cast %parallel_loop3A_772 : i32 to index
        %parallel_loop3A_823 = tpu.vector_load %arg9[%parallel_loop3A_821, %parallel_loop3A_822] {strides = array<i32>} : memref<8x1024xf32, #tpu.memory_space<vmem>>, vector<1x16xf32>,
        %parallel_loop3A_824 = vector.shape_cast %parallel_loop3A_823 : vector<1x16xf32> to vector<16xf32>
        %parallel_loop3A_825 = vector.shape_cast %parallel_loop3A_819 : vector<16xf32> to vector<1x16xf32>
        tpu.vector_store %arg9[%parallel_loop3A_821, %parallel_loop3A_822], %parallel_loop3A_825 {strides = array<i32>} : memref<8x1024xf32, #tpu.memory_space<vmem>>, vector<1x16xf32>,
        %parallel_loop3A_826 = arith.constant 1 : i32
        %parallel_loop3A_827 = arith.index_cast %parallel_loop3A_826 : i32 to index
        %parallel_loop3A_828 = arith.index_cast %parallel_loop3A_772 : i32 to index
        %parallel_loop3A_829 = tpu.vector_load %arg18[%parallel_loop3A_827, %parallel_loop3A_828] {strides = array<i32>} : memref<8x1024xf32, #tpu.memory_space<vmem>>, vector<1x16xf32>,
        %parallel_loop3A_830 = vector.shape_cast %parallel_loop3A_829 : vector<1x16xf32> to vector<16xf32>
        %parallel_loop3A_831 = arith.constant 1 : i32
        %parallel_loop3A_832 = arith.index_cast %parallel_loop3A_831 : i32 to index
        %parallel_loop3A_833 = arith.index_cast %parallel_loop3A_772 : i32 to index
        %parallel_loop3A_834 = tpu.vector_load %arg6[%parallel_loop3A_832, %parallel_loop3A_833] {strides = array<i32>} : memref<8x1024xf32, #tpu.memory_space<vmem>>, vector<1x16xf32>,
        %parallel_loop3A_835 = vector.shape_cast %parallel_loop3A_834 : vector<1x16xf32> to vector<16xf32>
        %parallel_loop3A_836 = arith.addf %parallel_loop3A_835, %parallel_loop3A_830 : vector<16xf32>
        %parallel_loop3A_837 = arith.constant 1 : i32
        %parallel_loop3A_838 = arith.index_cast %parallel_loop3A_837 : i32 to index
        %parallel_loop3A_839 = arith.index_cast %parallel_loop3A_772 : i32 to index
        %parallel_loop3A_840 = tpu.vector_load %arg6[%parallel_loop3A_838, %parallel_loop3A_839] {strides = array<i32>} : memref<8x1024xf32, #tpu.memory_space<vmem>>, vector<1x16xf32>,
        %parallel_loop3A_841 = vector.shape_cast %parallel_loop3A_840 : vector<1x16xf32> to vector<16xf32>
        %parallel_loop3A_842 = vector.shape_cast %parallel_loop3A_836 : vector<16xf32> to vector<1x16xf32>
        tpu.vector_store %arg6[%parallel_loop3A_838, %parallel_loop3A_839], %parallel_loop3A_842 {strides = array<i32>} : memref<8x1024xf32, #tpu.memory_space<vmem>>, vector<1x16xf32>,
        %parallel_loop3A_843 = arith.constant 1 : i32
        %parallel_loop3A_844 = arith.index_cast %parallel_loop3A_843 : i32 to index
        %parallel_loop3A_845 = arith.index_cast %parallel_loop3A_772 : i32 to index
        %parallel_loop3A_846 = tpu.vector_load %arg7[%parallel_loop3A_844, %parallel_loop3A_845] {strides = array<i32>} : memref<8x1024xf32, #tpu.memory_space<vmem>>, vector<1x16xf32>,
        %parallel_loop3A_847 = vector.shape_cast %parallel_loop3A_846 : vector<1x16xf32> to vector<16xf32>
        %parallel_loop3A_848 = arith.addf %parallel_loop3A_847, %parallel_loop3A_830 : vector<16xf32>
        %parallel_loop3A_849 = arith.constant 1 : i32
        %parallel_loop3A_850 = arith.index_cast %parallel_loop3A_849 : i32 to index
        %parallel_loop3A_851 = arith.index_cast %parallel_loop3A_772 : i32 to index
        %parallel_loop3A_852 = tpu.vector_load %arg7[%parallel_loop3A_850, %parallel_loop3A_851] {strides = array<i32>} : memref<8x1024xf32, #tpu.memory_space<vmem>>, vector<1x16xf32>,
        %parallel_loop3A_853 = vector.shape_cast %parallel_loop3A_852 : vector<1x16xf32> to vector<16xf32>
        %parallel_loop3A_854 = vector.shape_cast %parallel_loop3A_848 : vector<16xf32> to vector<1x16xf32>
        tpu.vector_store %arg7[%parallel_loop3A_850, %parallel_loop3A_851], %parallel_loop3A_854 {strides = array<i32>} : memref<8x1024xf32, #tpu.memory_space<vmem>>, vector<1x16xf32>,
        %parallel_loop3A_855 = arith.constant 1 : i32
        %parallel_loop3A_856 = arith.index_cast %parallel_loop3A_855 : i32 to index
        %parallel_loop3A_857 = arith.index_cast %parallel_loop3A_772 : i32 to index
        %parallel_loop3A_858 = tpu.vector_load %arg8[%parallel_loop3A_856, %parallel_loop3A_857] {strides = array<i32>} : memref<8x1024xf32, #tpu.memory_space<vmem>>, vector<1x16xf32>,
        %parallel_loop3A_859 = vector.shape_cast %parallel_loop3A_858 : vector<1x16xf32> to vector<16xf32>
        %parallel_loop3A_860 = arith.addf %parallel_loop3A_859, %parallel_loop3A_830 : vector<16xf32>
        %parallel_loop3A_861 = arith.constant 1 : i32
        %parallel_loop3A_862 = arith.index_cast %parallel_loop3A_861 : i32 to index
        %parallel_loop3A_863 = arith.index_cast %parallel_loop3A_772 : i32 to index
        %parallel_loop3A_864 = tpu.vector_load %arg8[%parallel_loop3A_862, %parallel_loop3A_863] {strides = array<i32>} : memref<8x1024xf32, #tpu.memory_space<vmem>>, vector<1x16xf32>,
        %parallel_loop3A_865 = vector.shape_cast %parallel_loop3A_864 : vector<1x16xf32> to vector<16xf32>
        %parallel_loop3A_866 = vector.shape_cast %parallel_loop3A_860 : vector<16xf32> to vector<1x16xf32>
        tpu.vector_store %arg8[%parallel_loop3A_862, %parallel_loop3A_863], %parallel_loop3A_866 {strides = array<i32>} : memref<8x1024xf32, #tpu.memory_space<vmem>>, vector<1x16xf32>,
        %parallel_loop3A_867 = arith.constant 1 : i32
        %parallel_loop3A_868 = arith.index_cast %parallel_loop3A_867 : i32 to index
        %parallel_loop3A_869 = arith.index_cast %parallel_loop3A_772 : i32 to index
        %parallel_loop3A_870 = tpu.vector_load %arg9[%parallel_loop3A_868, %parallel_loop3A_869] {strides = array<i32>} : memref<8x1024xf32, #tpu.memory_space<vmem>>, vector<1x16xf32>,
        %parallel_loop3A_871 = vector.shape_cast %parallel_loop3A_870 : vector<1x16xf32> to vector<16xf32>
        %parallel_loop3A_872 = arith.addf %parallel_loop3A_871, %parallel_loop3A_830 : vector<16xf32>
        %parallel_loop3A_873 = arith.constant 1 : i32
        %parallel_loop3A_874 = arith.index_cast %parallel_loop3A_873 : i32 to index
        %parallel_loop3A_875 = arith.index_cast %parallel_loop3A_772 : i32 to index
        %parallel_loop3A_876 = tpu.vector_load %arg9[%parallel_loop3A_874, %parallel_loop3A_875] {strides = array<i32>} : memref<8x1024xf32, #tpu.memory_space<vmem>>, vector<1x16xf32>,
        %parallel_loop3A_877 = vector.shape_cast %parallel_loop3A_876 : vector<1x16xf32> to vector<16xf32>
        %parallel_loop3A_878 = vector.shape_cast %parallel_loop3A_872 : vector<16xf32> to vector<1x16xf32>
        tpu.vector_store %arg9[%parallel_loop3A_874, %parallel_loop3A_875], %parallel_loop3A_878 {strides = array<i32>} : memref<8x1024xf32, #tpu.memory_space<vmem>>, vector<1x16xf32>,
        %parallel_loop3A_879 = arith.constant 2 : i32
        %parallel_loop3A_880 = arith.index_cast %parallel_loop3A_879 : i32 to index
        %parallel_loop3A_881 = arith.index_cast %parallel_loop3A_772 : i32 to index
        %parallel_loop3A_882 = tpu.vector_load %arg18[%parallel_loop3A_880, %parallel_loop3A_881] {strides = array<i32>} : memref<8x1024xf32, #tpu.memory_space<vmem>>, vector<1x16xf32>,
        %parallel_loop3A_883 = vector.shape_cast %parallel_loop3A_882 : vector<1x16xf32> to vector<16xf32>
        %parallel_loop3A_884 = arith.constant 2 : i32
        %parallel_loop3A_885 = arith.index_cast %parallel_loop3A_884 : i32 to index
        %parallel_loop3A_886 = arith.index_cast %parallel_loop3A_772 : i32 to index
        %parallel_loop3A_887 = tpu.vector_load %arg6[%parallel_loop3A_885, %parallel_loop3A_886] {strides = array<i32>} : memref<8x1024xf32, #tpu.memory_space<vmem>>, vector<1x16xf32>,
        %parallel_loop3A_888 = vector.shape_cast %parallel_loop3A_887 : vector<1x16xf32> to vector<16xf32>
        %parallel_loop3A_889 = arith.addf %parallel_loop3A_888, %parallel_loop3A_883 : vector<16xf32>
        %parallel_loop3A_890 = arith.constant 2 : i32
        %parallel_loop3A_891 = arith.index_cast %parallel_loop3A_890 : i32 to index
        %parallel_loop3A_892 = arith.index_cast %parallel_loop3A_772 : i32 to index
        %parallel_loop3A_893 = tpu.vector_load %arg6[%parallel_loop3A_891, %parallel_loop3A_892] {strides = array<i32>} : memref<8x1024xf32, #tpu.memory_space<vmem>>, vector<1x16xf32>,
        %parallel_loop3A_894 = vector.shape_cast %parallel_loop3A_893 : vector<1x16xf32> to vector<16xf32>
        %parallel_loop3A_895 = vector.shape_cast %parallel_loop3A_889 : vector<16xf32> to vector<1x16xf32>
        tpu.vector_store %arg6[%parallel_loop3A_891, %parallel_loop3A_892], %parallel_loop3A_895 {strides = array<i32>} : memref<8x1024xf32, #tpu.memory_space<vmem>>, vector<1x16xf32>,
        %parallel_loop3A_896 = arith.constant 2 : i32
        %parallel_loop3A_897 = arith.index_cast %parallel_loop3A_896 : i32 to index
        %parallel_loop3A_898 = arith.index_cast %parallel_loop3A_772 : i32 to index
        %parallel_loop3A_899 = tpu.vector_load %arg7[%parallel_loop3A_897, %parallel_loop3A_898] {strides = array<i32>} : memref<8x1024xf32, #tpu.memory_space<vmem>>, vector<1x16xf32>,
        %parallel_loop3A_900 = vector.shape_cast %parallel_loop3A_899 : vector<1x16xf32> to vector<16xf32>
        %parallel_loop3A_901 = arith.addf %parallel_loop3A_900, %parallel_loop3A_883 : vector<16xf32>
        %parallel_loop3A_902 = arith.constant 2 : i32
        %parallel_loop3A_903 = arith.index_cast %parallel_loop3A_902 : i32 to index
        %parallel_loop3A_904 = arith.index_cast %parallel_loop3A_772 : i32 to index
        %parallel_loop3A_905 = tpu.vector_load %arg7[%parallel_loop3A_903, %parallel_loop3A_904] {strides = array<i32>} : memref<8x1024xf32, #tpu.memory_space<vmem>>, vector<1x16xf32>,
        %parallel_loop3A_906 = vector.shape_cast %parallel_loop3A_905 : vector<1x16xf32> to vector<16xf32>
        %parallel_loop3A_907 = vector.shape_cast %parallel_loop3A_901 : vector<16xf32> to vector<1x16xf32>
        tpu.vector_store %arg7[%parallel_loop3A_903, %parallel_loop3A_904], %parallel_loop3A_907 {strides = array<i32>} : memref<8x1024xf32, #tpu.memory_space<vmem>>, vector<1x16xf32>,
        %parallel_loop3A_908 = arith.constant 2 : i32
        %parallel_loop3A_909 = arith.index_cast %parallel_loop3A_908 : i32 to index
        %parallel_loop3A_910 = arith.index_cast %parallel_loop3A_772 : i32 to index
        %parallel_loop3A_911 = tpu.vector_load %arg8[%parallel_loop3A_909, %parallel_loop3A_910] {strides = array<i32>} : memref<8x1024xf32, #tpu.memory_space<vmem>>, vector<1x16xf32>,
        %parallel_loop3A_912 = vector.shape_cast %parallel_loop3A_911 : vector<1x16xf32> to vector<16xf32>
        %parallel_loop3A_913 = arith.addf %parallel_loop3A_912, %parallel_loop3A_883 : vector<16xf32>
        %parallel_loop3A_914 = arith.constant 2 : i32
        %parallel_loop3A_915 = arith.index_cast %parallel_loop3A_914 : i32 to index
        %parallel_loop3A_916 = arith.index_cast %parallel_loop3A_772 : i32 to index
        %parallel_loop3A_917 = tpu.vector_load %arg8[%parallel_loop3A_915, %parallel_loop3A_916] {strides = array<i32>} : memref<8x1024xf32, #tpu.memory_space<vmem>>, vector<1x16xf32>,
        %parallel_loop3A_918 = vector.shape_cast %parallel_loop3A_917 : vector<1x16xf32> to vector<16xf32>
        %parallel_loop3A_919 = vector.shape_cast %parallel_loop3A_913 : vector<16xf32> to vector<1x16xf32>
        tpu.vector_store %arg8[%parallel_loop3A_915, %parallel_loop3A_916], %parallel_loop3A_919 {strides = array<i32>} : memref<8x1024xf32, #tpu.memory_space<vmem>>, vector<1x16xf32>,
        %parallel_loop3A_920 = arith.constant 2 : i32
        %parallel_loop3A_921 = arith.index_cast %parallel_loop3A_920 : i32 to index
        %parallel_loop3A_922 = arith.index_cast %parallel_loop3A_772 : i32 to index
        %parallel_loop3A_923 = tpu.vector_load %arg9[%parallel_loop3A_921, %parallel_loop3A_922] {strides = array<i32>} : memref<8x1024xf32, #tpu.memory_space<vmem>>, vector<1x16xf32>,
        %parallel_loop3A_924 = vector.shape_cast %parallel_loop3A_923 : vector<1x16xf32> to vector<16xf32>
        %parallel_loop3A_925 = arith.addf %parallel_loop3A_924, %parallel_loop3A_883 : vector<16xf32>
        %parallel_loop3A_926 = arith.constant 2 : i32
        %parallel_loop3A_927 = arith.index_cast %parallel_loop3A_926 : i32 to index
        %parallel_loop3A_928 = arith.index_cast %parallel_loop3A_772 : i32 to index
        %parallel_loop3A_929 = tpu.vector_load %arg9[%parallel_loop3A_927, %parallel_loop3A_928] {strides = array<i32>} : memref<8x1024xf32, #tpu.memory_space<vmem>>, vector<1x16xf32>,
        %parallel_loop3A_930 = vector.shape_cast %parallel_loop3A_929 : vector<1x16xf32> to vector<16xf32>
        %parallel_loop3A_931 = vector.shape_cast %parallel_loop3A_925 : vector<16xf32> to vector<1x16xf32>
        tpu.vector_store %arg9[%parallel_loop3A_927, %parallel_loop3A_928], %parallel_loop3A_931 {strides = array<i32>} : memref<8x1024xf32, #tpu.memory_space<vmem>>, vector<1x16xf32>,
        %parallel_loop3A_932 = arith.constant 3 : i32
        %parallel_loop3A_933 = arith.index_cast %parallel_loop3A_932 : i32 to index
        %parallel_loop3A_934 = arith.index_cast %parallel_loop3A_772 : i32 to index
        %parallel_loop3A_935 = tpu.vector_load %arg18[%parallel_loop3A_933, %parallel_loop3A_934] {strides = array<i32>} : memref<8x1024xf32, #tpu.memory_space<vmem>>, vector<1x16xf32>,
        %parallel_loop3A_936 = vector.shape_cast %parallel_loop3A_935 : vector<1x16xf32> to vector<16xf32>
        %parallel_loop3A_937 = arith.constant 3 : i32
        %parallel_loop3A_938 = arith.index_cast %parallel_loop3A_937 : i32 to index
        %parallel_loop3A_939 = arith.index_cast %parallel_loop3A_772 : i32 to index
        %parallel_loop3A_940 = tpu.vector_load %arg6[%parallel_loop3A_938, %parallel_loop3A_939] {strides = array<i32>} : memref<8x1024xf32, #tpu.memory_space<vmem>>, vector<1x16xf32>,
        %parallel_loop3A_941 = vector.shape_cast %parallel_loop3A_940 : vector<1x16xf32> to vector<16xf32>
        %parallel_loop3A_942 = arith.addf %parallel_loop3A_941, %parallel_loop3A_936 : vector<16xf32>
        %parallel_loop3A_943 = arith.constant 3 : i32
        %parallel_loop3A_944 = arith.index_cast %parallel_loop3A_943 : i32 to index
        %parallel_loop3A_945 = arith.index_cast %parallel_loop3A_772 : i32 to index
        %parallel_loop3A_946 = tpu.vector_load %arg6[%parallel_loop3A_944, %parallel_loop3A_945] {strides = array<i32>} : memref<8x1024xf32, #tpu.memory_space<vmem>>, vector<1x16xf32>,
        %parallel_loop3A_947 = vector.shape_cast %parallel_loop3A_946 : vector<1x16xf32> to vector<16xf32>
        %parallel_loop3A_948 = vector.shape_cast %parallel_loop3A_942 : vector<16xf32> to vector<1x16xf32>
        tpu.vector_store %arg6[%parallel_loop3A_944, %parallel_loop3A_945], %parallel_loop3A_948 {strides = array<i32>} : memref<8x1024xf32, #tpu.memory_space<vmem>>, vector<1x16xf32>,
        %parallel_loop3A_949 = arith.constant 3 : i32
        %parallel_loop3A_950 = arith.index_cast %parallel_loop3A_949 : i32 to index
        %parallel_loop3A_951 = arith.index_cast %parallel_loop3A_772 : i32 to index
        %parallel_loop3A_952 = tpu.vector_load %arg7[%parallel_loop3A_950, %parallel_loop3A_951] {strides = array<i32>} : memref<8x1024xf32, #tpu.memory_space<vmem>>, vector<1x16xf32>,
        %parallel_loop3A_953 = vector.shape_cast %parallel_loop3A_952 : vector<1x16xf32> to vector<16xf32>
        %parallel_loop3A_954 = arith.addf %parallel_loop3A_953, %parallel_loop3A_936 : vector<16xf32>
        %parallel_loop3A_955 = arith.constant 3 : i32
        %parallel_loop3A_956 = arith.index_cast %parallel_loop3A_955 : i32 to index
        %parallel_loop3A_957 = arith.index_cast %parallel_loop3A_772 : i32 to index
        %parallel_loop3A_958 = tpu.vector_load %arg7[%parallel_loop3A_956, %parallel_loop3A_957] {strides = array<i32>} : memref<8x1024xf32, #tpu.memory_space<vmem>>, vector<1x16xf32>,
        %parallel_loop3A_959 = vector.shape_cast %parallel_loop3A_958 : vector<1x16xf32> to vector<16xf32>
        %parallel_loop3A_960 = vector.shape_cast %parallel_loop3A_954 : vector<16xf32> to vector<1x16xf32>
        tpu.vector_store %arg7[%parallel_loop3A_956, %parallel_loop3A_957], %parallel_loop3A_960 {strides = array<i32>} : memref<8x1024xf32, #tpu.memory_space<vmem>>, vector<1x16xf32>,
        %parallel_loop3A_961 = arith.constant 3 : i32
        %parallel_loop3A_962 = arith.index_cast %parallel_loop3A_961 : i32 to index
        %parallel_loop3A_963 = arith.index_cast %parallel_loop3A_772 : i32 to index
        %parallel_loop3A_964 = tpu.vector_load %arg8[%parallel_loop3A_962, %parallel_loop3A_963] {strides = array<i32>} : memref<8x1024xf32, #tpu.memory_space<vmem>>, vector<1x16xf32>,
        %parallel_loop3A_965 = vector.shape_cast %parallel_loop3A_964 : vector<1x16xf32> to vector<16xf32>
        %parallel_loop3A_966 = arith.addf %parallel_loop3A_965, %parallel_loop3A_936 : vector<16xf32>
        %parallel_loop3A_967 = arith.constant 3 : i32
        %parallel_loop3A_968 = arith.index_cast %parallel_loop3A_967 : i32 to index
        %parallel_loop3A_969 = arith.index_cast %parallel_loop3A_772 : i32 to index
        %parallel_loop3A_970 = tpu.vector_load %arg8[%parallel_loop3A_968, %parallel_loop3A_969] {strides = array<i32>} : memref<8x1024xf32, #tpu.memory_space<vmem>>, vector<1x16xf32>,
        %parallel_loop3A_971 = vector.shape_cast %parallel_loop3A_970 : vector<1x16xf32> to vector<16xf32>
        %parallel_loop3A_972 = vector.shape_cast %parallel_loop3A_966 : vector<16xf32> to vector<1x16xf32>
        tpu.vector_store %arg8[%parallel_loop3A_968, %parallel_loop3A_969], %parallel_loop3A_972 {strides = array<i32>} : memref<8x1024xf32, #tpu.memory_space<vmem>>, vector<1x16xf32>,
        %parallel_loop3A_973 = arith.constant 3 : i32
        %parallel_loop3A_974 = arith.index_cast %parallel_loop3A_973 : i32 to index
        %parallel_loop3A_975 = arith.index_cast %parallel_loop3A_772 : i32 to index
        %parallel_loop3A_976 = tpu.vector_load %arg9[%parallel_loop3A_974, %parallel_loop3A_975] {strides = array<i32>} : memref<8x1024xf32, #tpu.memory_space<vmem>>, vector<1x16xf32>,
        %parallel_loop3A_977 = vector.shape_cast %parallel_loop3A_976 : vector<1x16xf32> to vector<16xf32>
        %parallel_loop3A_978 = arith.addf %parallel_loop3A_977, %parallel_loop3A_936 : vector<16xf32>
        %parallel_loop3A_979 = arith.constant 3 : i32
        %parallel_loop3A_980 = arith.index_cast %parallel_loop3A_979 : i32 to index
        %parallel_loop3A_981 = arith.index_cast %parallel_loop3A_772 : i32 to index
        %parallel_loop3A_982 = tpu.vector_load %arg9[%parallel_loop3A_980, %parallel_loop3A_981] {strides = array<i32>} : memref<8x1024xf32, #tpu.memory_space<vmem>>, vector<1x16xf32>,
        %parallel_loop3A_983 = vector.shape_cast %parallel_loop3A_982 : vector<1x16xf32> to vector<16xf32>
        %parallel_loop3A_984 = vector.shape_cast %parallel_loop3A_978 : vector<16xf32> to vector<1x16xf32>
        tpu.vector_store %arg9[%parallel_loop3A_980, %parallel_loop3A_981], %parallel_loop3A_984 {strides = array<i32>} : memref<8x1024xf32, #tpu.memory_space<vmem>>, vector<1x16xf32>,
        %parallel_loop3A_985 = arith.constant 4 : i32
        %parallel_loop3A_986 = arith.index_cast %parallel_loop3A_985 : i32 to index
        %parallel_loop3A_987 = arith.index_cast %parallel_loop3A_772 : i32 to index
        %parallel_loop3A_988 = tpu.vector_load %arg18[%parallel_loop3A_986, %parallel_loop3A_987] {strides = array<i32>} : memref<8x1024xf32, #tpu.memory_space<vmem>>, vector<1x16xf32>,
        %parallel_loop3A_989 = vector.shape_cast %parallel_loop3A_988 : vector<1x16xf32> to vector<16xf32>
        %parallel_loop3A_990 = arith.constant 4 : i32
        %parallel_loop3A_991 = arith.index_cast %parallel_loop3A_990 : i32 to index
        %parallel_loop3A_992 = arith.index_cast %parallel_loop3A_772 : i32 to index
        %parallel_loop3A_993 = tpu.vector_load %arg6[%parallel_loop3A_991, %parallel_loop3A_992] {strides = array<i32>} : memref<8x1024xf32, #tpu.memory_space<vmem>>, vector<1x16xf32>,
        %parallel_loop3A_994 = vector.shape_cast %parallel_loop3A_993 : vector<1x16xf32> to vector<16xf32>
        %parallel_loop3A_995 = arith.addf %parallel_loop3A_994, %parallel_loop3A_989 : vector<16xf32>
        %parallel_loop3A_996 = arith.constant 4 : i32
        %parallel_loop3A_997 = arith.index_cast %parallel_loop3A_996 : i32 to index
        %parallel_loop3A_998 = arith.index_cast %parallel_loop3A_772 : i32 to index
        %parallel_loop3A_999 = tpu.vector_load %arg6[%parallel_loop3A_997, %parallel_loop3A_998] {strides = array<i32>} : memref<8x1024xf32, #tpu.memory_space<vmem>>, vector<1x16xf32>,
        %parallel_loop3A_1000 = vector.shape_cast %parallel_loop3A_999 : vector<1x16xf32> to vector<16xf32>
        %parallel_loop3A_1001 = vector.shape_cast %parallel_loop3A_995 : vector<16xf32> to vector<1x16xf32>
        tpu.vector_store %arg6[%parallel_loop3A_997, %parallel_loop3A_998], %parallel_loop3A_1001 {strides = array<i32>} : memref<8x1024xf32, #tpu.memory_space<vmem>>, vector<1x16xf32>,
        %parallel_loop3A_1002 = arith.constant 4 : i32
        %parallel_loop3A_1003 = arith.index_cast %parallel_loop3A_1002 : i32 to index
        %parallel_loop3A_1004 = arith.index_cast %parallel_loop3A_772 : i32 to index
        %parallel_loop3A_1005 = tpu.vector_load %arg7[%parallel_loop3A_1003, %parallel_loop3A_1004] {strides = array<i32>} : memref<8x1024xf32, #tpu.memory_space<vmem>>, vector<1x16xf32>,
        %parallel_loop3A_1006 = vector.shape_cast %parallel_loop3A_1005 : vector<1x16xf32> to vector<16xf32>
        %parallel_loop3A_1007 = arith.addf %parallel_loop3A_1006, %parallel_loop3A_989 : vector<16xf32>
        %parallel_loop3A_1008 = arith.constant 4 : i32
        %parallel_loop3A_1009 = arith.index_cast %parallel_loop3A_1008 : i32 to index
        %parallel_loop3A_1010 = arith.index_cast %parallel_loop3A_772 : i32 to index
        %parallel_loop3A_1011 = tpu.vector_load %arg7[%parallel_loop3A_1009, %parallel_loop3A_1010] {strides = array<i32>} : memref<8x1024xf32, #tpu.memory_space<vmem>>, vector<1x16xf32>,
        %parallel_loop3A_1012 = vector.shape_cast %parallel_loop3A_1011 : vector<1x16xf32> to vector<16xf32>
        %parallel_loop3A_1013 = vector.shape_cast %parallel_loop3A_1007 : vector<16xf32> to vector<1x16xf32>
        tpu.vector_store %arg7[%parallel_loop3A_1009, %parallel_loop3A_1010], %parallel_loop3A_1013 {strides = array<i32>} : memref<8x1024xf32, #tpu.memory_space<vmem>>, vector<1x16xf32>,
        %parallel_loop3A_1014 = arith.constant 4 : i32
        %parallel_loop3A_1015 = arith.index_cast %parallel_loop3A_1014 : i32 to index
        %parallel_loop3A_1016 = arith.index_cast %parallel_loop3A_772 : i32 to index
        %parallel_loop3A_1017 = tpu.vector_load %arg8[%parallel_loop3A_1015, %parallel_loop3A_1016] {strides = array<i32>} : memref<8x1024xf32, #tpu.memory_space<vmem>>, vector<1x16xf32>,
        %parallel_loop3A_1018 = vector.shape_cast %parallel_loop3A_1017 : vector<1x16xf32> to vector<16xf32>
        %parallel_loop3A_1019 = arith.addf %parallel_loop3A_1018, %parallel_loop3A_989 : vector<16xf32>
        %parallel_loop3A_1020 = arith.constant 4 : i32
        %parallel_loop3A_1021 = arith.index_cast %parallel_loop3A_1020 : i32 to index
        %parallel_loop3A_1022 = arith.index_cast %parallel_loop3A_772 : i32 to index
        %parallel_loop3A_1023 = tpu.vector_load %arg8[%parallel_loop3A_1021, %parallel_loop3A_1022] {strides = array<i32>} : memref<8x1024xf32, #tpu.memory_space<vmem>>, vector<1x16xf32>,
        %parallel_loop3A_1024 = vector.shape_cast %parallel_loop3A_1023 : vector<1x16xf32> to vector<16xf32>
        %parallel_loop3A_1025 = vector.shape_cast %parallel_loop3A_1019 : vector<16xf32> to vector<1x16xf32>
        tpu.vector_store %arg8[%parallel_loop3A_1021, %parallel_loop3A_1022], %parallel_loop3A_1025 {strides = array<i32>} : memref<8x1024xf32, #tpu.memory_space<vmem>>, vector<1x16xf32>,
        %parallel_loop3A_1026 = arith.constant 4 : i32
        %parallel_loop3A_1027 = arith.index_cast %parallel_loop3A_1026 : i32 to index
        %parallel_loop3A_1028 = arith.index_cast %parallel_loop3A_772 : i32 to index
        %parallel_loop3A_1029 = tpu.vector_load %arg9[%parallel_loop3A_1027, %parallel_loop3A_1028] {strides = array<i32>} : memref<8x1024xf32, #tpu.memory_space<vmem>>, vector<1x16xf32>,
        %parallel_loop3A_1030 = vector.shape_cast %parallel_loop3A_1029 : vector<1x16xf32> to vector<16xf32>
        %parallel_loop3A_1031 = arith.addf %parallel_loop3A_1030, %parallel_loop3A_989 : vector<16xf32>
        %parallel_loop3A_1032 = arith.constant 4 : i32
        %parallel_loop3A_1033 = arith.index_cast %parallel_loop3A_1032 : i32 to index
        %parallel_loop3A_1034 = arith.index_cast %parallel_loop3A_772 : i32 to index
        %parallel_loop3A_1035 = tpu.vector_load %arg9[%parallel_loop3A_1033, %parallel_loop3A_1034] {strides = array<i32>} : memref<8x1024xf32, #tpu.memory_space<vmem>>, vector<1x16xf32>,
        %parallel_loop3A_1036 = vector.shape_cast %parallel_loop3A_1035 : vector<1x16xf32> to vector<16xf32>
        %parallel_loop3A_1037 = vector.shape_cast %parallel_loop3A_1031 : vector<16xf32> to vector<1x16xf32>
        tpu.vector_store %arg9[%parallel_loop3A_1033, %parallel_loop3A_1034], %parallel_loop3A_1037 {strides = array<i32>} : memref<8x1024xf32, #tpu.memory_space<vmem>>, vector<1x16xf32>,
        %parallel_loop3A_1038 = arith.constant 5 : i32
        %parallel_loop3A_1039 = arith.index_cast %parallel_loop3A_1038 : i32 to index
        %parallel_loop3A_1040 = arith.index_cast %parallel_loop3A_772 : i32 to index
        %parallel_loop3A_1041 = tpu.vector_load %arg18[%parallel_loop3A_1039, %parallel_loop3A_1040] {strides = array<i32>} : memref<8x1024xf32, #tpu.memory_space<vmem>>, vector<1x16xf32>,
        %parallel_loop3A_1042 = vector.shape_cast %parallel_loop3A_1041 : vector<1x16xf32> to vector<16xf32>
        %parallel_loop3A_1043 = arith.constant 5 : i32
        %parallel_loop3A_1044 = arith.index_cast %parallel_loop3A_1043 : i32 to index
        %parallel_loop3A_1045 = arith.index_cast %parallel_loop3A_772 : i32 to index
        %parallel_loop3A_1046 = tpu.vector_load %arg6[%parallel_loop3A_1044, %parallel_loop3A_1045] {strides = array<i32>} : memref<8x1024xf32, #tpu.memory_space<vmem>>, vector<1x16xf32>,
        %parallel_loop3A_1047 = vector.shape_cast %parallel_loop3A_1046 : vector<1x16xf32> to vector<16xf32>
        %parallel_loop3A_1048 = arith.addf %parallel_loop3A_1047, %parallel_loop3A_1042 : vector<16xf32>
        %parallel_loop3A_1049 = arith.constant 5 : i32
        %parallel_loop3A_1050 = arith.index_cast %parallel_loop3A_1049 : i32 to index
        %parallel_loop3A_1051 = arith.index_cast %parallel_loop3A_772 : i32 to index
        %parallel_loop3A_1052 = tpu.vector_load %arg6[%parallel_loop3A_1050, %parallel_loop3A_1051] {strides = array<i32>} : memref<8x1024xf32, #tpu.memory_space<vmem>>, vector<1x16xf32>,
        %parallel_loop3A_1053 = vector.shape_cast %parallel_loop3A_1052 : vector<1x16xf32> to vector<16xf32>
        %parallel_loop3A_1054 = vector.shape_cast %parallel_loop3A_1048 : vector<16xf32> to vector<1x16xf32>
        tpu.vector_store %arg6[%parallel_loop3A_1050, %parallel_loop3A_1051], %parallel_loop3A_1054 {strides = array<i32>} : memref<8x1024xf32, #tpu.memory_space<vmem>>, vector<1x16xf32>,
        %parallel_loop3A_1055 = arith.constant 5 : i32
        %parallel_loop3A_1056 = arith.index_cast %parallel_loop3A_1055 : i32 to index
        %parallel_loop3A_1057 = arith.index_cast %parallel_loop3A_772 : i32 to index
        %parallel_loop3A_1058 = tpu.vector_load %arg7[%parallel_loop3A_1056, %parallel_loop3A_1057] {strides = array<i32>} : memref<8x1024xf32, #tpu.memory_space<vmem>>, vector<1x16xf32>,
        %parallel_loop3A_1059 = vector.shape_cast %parallel_loop3A_1058 : vector<1x16xf32> to vector<16xf32>
        %parallel_loop3A_1060 = arith.addf %parallel_loop3A_1059, %parallel_loop3A_1042 : vector<16xf32>
        %parallel_loop3A_1061 = arith.constant 5 : i32
        %parallel_loop3A_1062 = arith.index_cast %parallel_loop3A_1061 : i32 to index
        %parallel_loop3A_1063 = arith.index_cast %parallel_loop3A_772 : i32 to index
        %parallel_loop3A_1064 = tpu.vector_load %arg7[%parallel_loop3A_1062, %parallel_loop3A_1063] {strides = array<i32>} : memref<8x1024xf32, #tpu.memory_space<vmem>>, vector<1x16xf32>,
        %parallel_loop3A_1065 = vector.shape_cast %parallel_loop3A_1064 : vector<1x16xf32> to vector<16xf32>
        %parallel_loop3A_1066 = vector.shape_cast %parallel_loop3A_1060 : vector<16xf32> to vector<1x16xf32>
        tpu.vector_store %arg7[%parallel_loop3A_1062, %parallel_loop3A_1063], %parallel_loop3A_1066 {strides = array<i32>} : memref<8x1024xf32, #tpu.memory_space<vmem>>, vector<1x16xf32>,
        %parallel_loop3A_1067 = arith.constant 5 : i32
        %parallel_loop3A_1068 = arith.index_cast %parallel_loop3A_1067 : i32 to index
        %parallel_loop3A_1069 = arith.index_cast %parallel_loop3A_772 : i32 to index
        %parallel_loop3A_1070 = tpu.vector_load %arg8[%parallel_loop3A_1068, %parallel_loop3A_1069] {strides = array<i32>} : memref<8x1024xf32, #tpu.memory_space<vmem>>, vector<1x16xf32>,
        %parallel_loop3A_1071 = vector.shape_cast %parallel_loop3A_1070 : vector<1x16xf32> to vector<16xf32>
        %parallel_loop3A_1072 = arith.addf %parallel_loop3A_1071, %parallel_loop3A_1042 : vector<16xf32>
        %parallel_loop3A_1073 = arith.constant 5 : i32
        %parallel_loop3A_1074 = arith.index_cast %parallel_loop3A_1073 : i32 to index
        %parallel_loop3A_1075 = arith.index_cast %parallel_loop3A_772 : i32 to index
        %parallel_loop3A_1076 = tpu.vector_load %arg8[%parallel_loop3A_1074, %parallel_loop3A_1075] {strides = array<i32>} : memref<8x1024xf32, #tpu.memory_space<vmem>>, vector<1x16xf32>,
        %parallel_loop3A_1077 = vector.shape_cast %parallel_loop3A_1076 : vector<1x16xf32> to vector<16xf32>
        %parallel_loop3A_1078 = vector.shape_cast %parallel_loop3A_1072 : vector<16xf32> to vector<1x16xf32>
        tpu.vector_store %arg8[%parallel_loop3A_1074, %parallel_loop3A_1075], %parallel_loop3A_1078 {strides = array<i32>} : memref<8x1024xf32, #tpu.memory_space<vmem>>, vector<1x16xf32>,
        %parallel_loop3A_1079 = arith.constant 5 : i32
        %parallel_loop3A_1080 = arith.index_cast %parallel_loop3A_1079 : i32 to index
        %parallel_loop3A_1081 = arith.index_cast %parallel_loop3A_772 : i32 to index
        %parallel_loop3A_1082 = tpu.vector_load %arg9[%parallel_loop3A_1080, %parallel_loop3A_1081] {strides = array<i32>} : memref<8x1024xf32, #tpu.memory_space<vmem>>, vector<1x16xf32>,
        %parallel_loop3A_1083 = vector.shape_cast %parallel_loop3A_1082 : vector<1x16xf32> to vector<16xf32>
        %parallel_loop3A_1084 = arith.addf %parallel_loop3A_1083, %parallel_loop3A_1042 : vector<16xf32>
        %parallel_loop3A_1085 = arith.constant 5 : i32
        %parallel_loop3A_1086 = arith.index_cast %parallel_loop3A_1085 : i32 to index
        %parallel_loop3A_1087 = arith.index_cast %parallel_loop3A_772 : i32 to index
        %parallel_loop3A_1088 = tpu.vector_load %arg9[%parallel_loop3A_1086, %parallel_loop3A_1087] {strides = array<i32>} : memref<8x1024xf32, #tpu.memory_space<vmem>>, vector<1x16xf32>,
        %parallel_loop3A_1089 = vector.shape_cast %parallel_loop3A_1088 : vector<1x16xf32> to vector<16xf32>
        %parallel_loop3A_1090 = vector.shape_cast %parallel_loop3A_1084 : vector<16xf32> to vector<1x16xf32>
        tpu.vector_store %arg9[%parallel_loop3A_1086, %parallel_loop3A_1087], %parallel_loop3A_1090 {strides = array<i32>} : memref<8x1024xf32, #tpu.memory_space<vmem>>, vector<1x16xf32>,
        %parallel_loop3A_1091 = arith.constant 6 : i32
        %parallel_loop3A_1092 = arith.index_cast %parallel_loop3A_1091 : i32 to index
        %parallel_loop3A_1093 = arith.index_cast %parallel_loop3A_772 : i32 to index
        %parallel_loop3A_1094 = tpu.vector_load %arg18[%parallel_loop3A_1092, %parallel_loop3A_1093] {strides = array<i32>} : memref<8x1024xf32, #tpu.memory_space<vmem>>, vector<1x16xf32>,
        %parallel_loop3A_1095 = vector.shape_cast %parallel_loop3A_1094 : vector<1x16xf32> to vector<16xf32>
        %parallel_loop3A_1096 = arith.constant 6 : i32
        %parallel_loop3A_1097 = arith.index_cast %parallel_loop3A_1096 : i32 to index
        %parallel_loop3A_1098 = arith.index_cast %parallel_loop3A_772 : i32 to index
        %parallel_loop3A_1099 = tpu.vector_load %arg6[%parallel_loop3A_1097, %parallel_loop3A_1098] {strides = array<i32>} : memref<8x1024xf32, #tpu.memory_space<vmem>>, vector<1x16xf32>,
        %parallel_loop3A_1100 = vector.shape_cast %parallel_loop3A_1099 : vector<1x16xf32> to vector<16xf32>
        %parallel_loop3A_1101 = arith.addf %parallel_loop3A_1100, %parallel_loop3A_1095 : vector<16xf32>
        %parallel_loop3A_1102 = arith.constant 6 : i32
        %parallel_loop3A_1103 = arith.index_cast %parallel_loop3A_1102 : i32 to index
        %parallel_loop3A_1104 = arith.index_cast %parallel_loop3A_772 : i32 to index
        %parallel_loop3A_1105 = tpu.vector_load %arg6[%parallel_loop3A_1103, %parallel_loop3A_1104] {strides = array<i32>} : memref<8x1024xf32, #tpu.memory_space<vmem>>, vector<1x16xf32>,
        %parallel_loop3A_1106 = vector.shape_cast %parallel_loop3A_1105 : vector<1x16xf32> to vector<16xf32>
        %parallel_loop3A_1107 = vector.shape_cast %parallel_loop3A_1101 : vector<16xf32> to vector<1x16xf32>
        tpu.vector_store %arg6[%parallel_loop3A_1103, %parallel_loop3A_1104], %parallel_loop3A_1107 {strides = array<i32>} : memref<8x1024xf32, #tpu.memory_space<vmem>>, vector<1x16xf32>,
        %parallel_loop3A_1108 = arith.constant 6 : i32
        %parallel_loop3A_1109 = arith.index_cast %parallel_loop3A_1108 : i32 to index
        %parallel_loop3A_1110 = arith.index_cast %parallel_loop3A_772 : i32 to index
        %parallel_loop3A_1111 = tpu.vector_load %arg7[%parallel_loop3A_1109, %parallel_loop3A_1110] {strides = array<i32>} : memref<8x1024xf32, #tpu.memory_space<vmem>>, vector<1x16xf32>,
        %parallel_loop3A_1112 = vector.shape_cast %parallel_loop3A_1111 : vector<1x16xf32> to vector<16xf32>
        %parallel_loop3A_1113 = arith.addf %parallel_loop3A_1112, %parallel_loop3A_1095 : vector<16xf32>
        %parallel_loop3A_1114 = arith.constant 6 : i32
        %parallel_loop3A_1115 = arith.index_cast %parallel_loop3A_1114 : i32 to index
        %parallel_loop3A_1116 = arith.index_cast %parallel_loop3A_772 : i32 to index
        %parallel_loop3A_1117 = tpu.vector_load %arg7[%parallel_loop3A_1115, %parallel_loop3A_1116] {strides = array<i32>} : memref<8x1024xf32, #tpu.memory_space<vmem>>, vector<1x16xf32>,
        %parallel_loop3A_1118 = vector.shape_cast %parallel_loop3A_1117 : vector<1x16xf32> to vector<16xf32>
        %parallel_loop3A_1119 = vector.shape_cast %parallel_loop3A_1113 : vector<16xf32> to vector<1x16xf32>
        tpu.vector_store %arg7[%parallel_loop3A_1115, %parallel_loop3A_1116], %parallel_loop3A_1119 {strides = array<i32>} : memref<8x1024xf32, #tpu.memory_space<vmem>>, vector<1x16xf32>,
        %parallel_loop3A_1120 = arith.constant 6 : i32
        %parallel_loop3A_1121 = arith.index_cast %parallel_loop3A_1120 : i32 to index
        %parallel_loop3A_1122 = arith.index_cast %parallel_loop3A_772 : i32 to index
        %parallel_loop3A_1123 = tpu.vector_load %arg8[%parallel_loop3A_1121, %parallel_loop3A_1122] {strides = array<i32>} : memref<8x1024xf32, #tpu.memory_space<vmem>>, vector<1x16xf32>,
        %parallel_loop3A_1124 = vector.shape_cast %parallel_loop3A_1123 : vector<1x16xf32> to vector<16xf32>
        %parallel_loop3A_1125 = arith.addf %parallel_loop3A_1124, %parallel_loop3A_1095 : vector<16xf32>
        %parallel_loop3A_1126 = arith.constant 6 : i32
        %parallel_loop3A_1127 = arith.index_cast %parallel_loop3A_1126 : i32 to index
        %parallel_loop3A_1128 = arith.index_cast %parallel_loop3A_772 : i32 to index
        %parallel_loop3A_1129 = tpu.vector_load %arg8[%parallel_loop3A_1127, %parallel_loop3A_1128] {strides = array<i32>} : memref<8x1024xf32, #tpu.memory_space<vmem>>, vector<1x16xf32>,
        %parallel_loop3A_1130 = vector.shape_cast %parallel_loop3A_1129 : vector<1x16xf32> to vector<16xf32>
        %parallel_loop3A_1131 = vector.shape_cast %parallel_loop3A_1125 : vector<16xf32> to vector<1x16xf32>
        tpu.vector_store %arg8[%parallel_loop3A_1127, %parallel_loop3A_1128], %parallel_loop3A_1131 {strides = array<i32>} : memref<8x1024xf32, #tpu.memory_space<vmem>>, vector<1x16xf32>,
        %parallel_loop3A_1132 = arith.constant 6 : i32
        %parallel_loop3A_1133 = arith.index_cast %parallel_loop3A_1132 : i32 to index
        %parallel_loop3A_1134 = arith.index_cast %parallel_loop3A_772 : i32 to index
        %parallel_loop3A_1135 = tpu.vector_load %arg9[%parallel_loop3A_1133, %parallel_loop3A_1134] {strides = array<i32>} : memref<8x1024xf32, #tpu.memory_space<vmem>>, vector<1x16xf32>,
        %parallel_loop3A_1136 = vector.shape_cast %parallel_loop3A_1135 : vector<1x16xf32> to vector<16xf32>
        %parallel_loop3A_1137 = arith.addf %parallel_loop3A_1136, %parallel_loop3A_1095 : vector<16xf32>
        %parallel_loop3A_1138 = arith.constant 6 : i32
        %parallel_loop3A_1139 = arith.index_cast %parallel_loop3A_1138 : i32 to index
        %parallel_loop3A_1140 = arith.index_cast %parallel_loop3A_772 : i32 to index
        %parallel_loop3A_1141 = tpu.vector_load %arg9[%parallel_loop3A_1139, %parallel_loop3A_1140] {strides = array<i32>} : memref<8x1024xf32, #tpu.memory_space<vmem>>, vector<1x16xf32>,
        %parallel_loop3A_1142 = vector.shape_cast %parallel_loop3A_1141 : vector<1x16xf32> to vector<16xf32>
        %parallel_loop3A_1143 = vector.shape_cast %parallel_loop3A_1137 : vector<16xf32> to vector<1x16xf32>
        tpu.vector_store %arg9[%parallel_loop3A_1139, %parallel_loop3A_1140], %parallel_loop3A_1143 {strides = array<i32>} : memref<8x1024xf32, #tpu.memory_space<vmem>>, vector<1x16xf32>,
        %parallel_loop3A_1144 = arith.constant 7 : i32
        %parallel_loop3A_1145 = arith.index_cast %parallel_loop3A_1144 : i32 to index
        %parallel_loop3A_1146 = arith.index_cast %parallel_loop3A_772 : i32 to index
        %parallel_loop3A_1147 = tpu.vector_load %arg18[%parallel_loop3A_1145, %parallel_loop3A_1146] {strides = array<i32>} : memref<8x1024xf32, #tpu.memory_space<vmem>>, vector<1x16xf32>,
        %parallel_loop3A_1148 = vector.shape_cast %parallel_loop3A_1147 : vector<1x16xf32> to vector<16xf32>
        %parallel_loop3A_1149 = arith.constant 7 : i32
        %parallel_loop3A_1150 = arith.index_cast %parallel_loop3A_1149 : i32 to index
        %parallel_loop3A_1151 = arith.index_cast %parallel_loop3A_772 : i32 to index
        %parallel_loop3A_1152 = tpu.vector_load %arg6[%parallel_loop3A_1150, %parallel_loop3A_1151] {strides = array<i32>} : memref<8x1024xf32, #tpu.memory_space<vmem>>, vector<1x16xf32>,
        %parallel_loop3A_1153 = vector.shape_cast %parallel_loop3A_1152 : vector<1x16xf32> to vector<16xf32>
        %parallel_loop3A_1154 = arith.addf %parallel_loop3A_1153, %parallel_loop3A_1148 : vector<16xf32>
        %parallel_loop3A_1155 = arith.constant 7 : i32
        %parallel_loop3A_1156 = arith.index_cast %parallel_loop3A_1155 : i32 to index
        %parallel_loop3A_1157 = arith.index_cast %parallel_loop3A_772 : i32 to index
        %parallel_loop3A_1158 = tpu.vector_load %arg6[%parallel_loop3A_1156, %parallel_loop3A_1157] {strides = array<i32>} : memref<8x1024xf32, #tpu.memory_space<vmem>>, vector<1x16xf32>,
        %parallel_loop3A_1159 = vector.shape_cast %parallel_loop3A_1158 : vector<1x16xf32> to vector<16xf32>
        %parallel_loop3A_1160 = vector.shape_cast %parallel_loop3A_1154 : vector<16xf32> to vector<1x16xf32>
        tpu.vector_store %arg6[%parallel_loop3A_1156, %parallel_loop3A_1157], %parallel_loop3A_1160 {strides = array<i32>} : memref<8x1024xf32, #tpu.memory_space<vmem>>, vector<1x16xf32>,
        %parallel_loop3A_1161 = arith.constant 7 : i32
        %parallel_loop3A_1162 = arith.index_cast %parallel_loop3A_1161 : i32 to index
        %parallel_loop3A_1163 = arith.index_cast %parallel_loop3A_772 : i32 to index
        %parallel_loop3A_1164 = tpu.vector_load %arg7[%parallel_loop3A_1162, %parallel_loop3A_1163] {strides = array<i32>} : memref<8x1024xf32, #tpu.memory_space<vmem>>, vector<1x16xf32>,
        %parallel_loop3A_1165 = vector.shape_cast %parallel_loop3A_1164 : vector<1x16xf32> to vector<16xf32>
        %parallel_loop3A_1166 = arith.addf %parallel_loop3A_1165, %parallel_loop3A_1148 : vector<16xf32>
        %parallel_loop3A_1167 = arith.constant 7 : i32
        %parallel_loop3A_1168 = arith.index_cast %parallel_loop3A_1167 : i32 to index
        %parallel_loop3A_1169 = arith.index_cast %parallel_loop3A_772 : i32 to index
        %parallel_loop3A_1170 = tpu.vector_load %arg7[%parallel_loop3A_1168, %parallel_loop3A_1169] {strides = array<i32>} : memref<8x1024xf32, #tpu.memory_space<vmem>>, vector<1x16xf32>,
        %parallel_loop3A_1171 = vector.shape_cast %parallel_loop3A_1170 : vector<1x16xf32> to vector<16xf32>
        %parallel_loop3A_1172 = vector.shape_cast %parallel_loop3A_1166 : vector<16xf32> to vector<1x16xf32>
        tpu.vector_store %arg7[%parallel_loop3A_1168, %parallel_loop3A_1169], %parallel_loop3A_1172 {strides = array<i32>} : memref<8x1024xf32, #tpu.memory_space<vmem>>, vector<1x16xf32>,
        %parallel_loop3A_1173 = arith.constant 7 : i32
        %parallel_loop3A_1174 = arith.index_cast %parallel_loop3A_1173 : i32 to index
        %parallel_loop3A_1175 = arith.index_cast %parallel_loop3A_772 : i32 to index
        %parallel_loop3A_1176 = tpu.vector_load %arg8[%parallel_loop3A_1174, %parallel_loop3A_1175] {strides = array<i32>} : memref<8x1024xf32, #tpu.memory_space<vmem>>, vector<1x16xf32>,
        %parallel_loop3A_1177 = vector.shape_cast %parallel_loop3A_1176 : vector<1x16xf32> to vector<16xf32>
        %parallel_loop3A_1178 = arith.addf %parallel_loop3A_1177, %parallel_loop3A_1148 : vector<16xf32>
        %parallel_loop3A_1179 = arith.constant 7 : i32
        %parallel_loop3A_1180 = arith.index_cast %parallel_loop3A_1179 : i32 to index
        %parallel_loop3A_1181 = arith.index_cast %parallel_loop3A_772 : i32 to index
        %parallel_loop3A_1182 = tpu.vector_load %arg8[%parallel_loop3A_1180, %parallel_loop3A_1181] {strides = array<i32>} : memref<8x1024xf32, #tpu.memory_space<vmem>>, vector<1x16xf32>,
        %parallel_loop3A_1183 = vector.shape_cast %parallel_loop3A_1182 : vector<1x16xf32> to vector<16xf32>
        %parallel_loop3A_1184 = vector.shape_cast %parallel_loop3A_1178 : vector<16xf32> to vector<1x16xf32>
        tpu.vector_store %arg8[%parallel_loop3A_1180, %parallel_loop3A_1181], %parallel_loop3A_1184 {strides = array<i32>} : memref<8x1024xf32, #tpu.memory_space<vmem>>, vector<1x16xf32>,
        %parallel_loop3A_1185 = arith.constant 7 : i32
        %parallel_loop3A_1186 = arith.index_cast %parallel_loop3A_1185 : i32 to index
        %parallel_loop3A_1187 = arith.index_cast %parallel_loop3A_772 : i32 to index
        %parallel_loop3A_1188 = tpu.vector_load %arg9[%parallel_loop3A_1186, %parallel_loop3A_1187] {strides = array<i32>} : memref<8x1024xf32, #tpu.memory_space<vmem>>, vector<1x16xf32>,
        %parallel_loop3A_1189 = vector.shape_cast %parallel_loop3A_1188 : vector<1x16xf32> to vector<16xf32>
        %parallel_loop3A_1190 = arith.addf %parallel_loop3A_1189, %parallel_loop3A_1148 : vector<16xf32>
        %parallel_loop3A_1191 = arith.constant 7 : i32
        %parallel_loop3A_1192 = arith.index_cast %parallel_loop3A_1191 : i32 to index
        %parallel_loop3A_1193 = arith.index_cast %parallel_loop3A_772 : i32 to index
        %parallel_loop3A_1194 = tpu.vector_load %arg9[%parallel_loop3A_1192, %parallel_loop3A_1193] {strides = array<i32>} : memref<8x1024xf32, #tpu.memory_space<vmem>>, vector<1x16xf32>,
        %parallel_loop3A_1195 = vector.shape_cast %parallel_loop3A_1194 : vector<1x16xf32> to vector<16xf32>
        %parallel_loop3A_1196 = vector.shape_cast %parallel_loop3A_1190 : vector<16xf32> to vector<1x16xf32>
        tpu.vector_store %arg9[%parallel_loop3A_1192, %parallel_loop3A_1193], %parallel_loop3A_1196 {strides = array<i32>} : memref<8x1024xf32, #tpu.memory_space<vmem>>, vector<1x16xf32>,
      } {sc.loop_unroll_factor = 2 : i64, sc.parallel_access}
      %mul3A_452 = arith.constant 8 : i32
      %mul3A_453 = arith.muli %mul3A_357, %mul3A_452 : i32
      %add3A_454 = arith.addi %mul3A_2, %mul3A_453 : i32
      %dma_start3A_455 = arith.constant 0 : i32
      %dma_start3A_456 = arith.constant 0 : i32
      %dma_start3A_457 = tpu.memref_slice %arg5[%dma_start3A_455, %add3A_454, %dma_start3A_456] : memref<4x8192x1024xf32, #tpu.memory_space<hbm>> -> memref<1x8x1024xf32, #tpu.memory_space<hbm>>
      %dma_start3A_458 = tpu.memref_squeeze %dma_start3A_457 : memref<1x8x1024xf32, #tpu.memory_space<hbm>> -> memref<8x1024xf32, #tpu.memory_space<hbm>>
      %dma_start3A_459 = arith.constant 0 : i32
      %dma_start3A_460 = tpu.memref_slice %arg5[%dma_start3A_455, %add3A_454, %dma_start3A_459] : memref<4x8192x1024xf32, #tpu.memory_space<hbm>> -> memref<1x8x1024xf32, #tpu.memory_space<hbm>>
      %dma_start3A_461 = tpu.memref_squeeze %dma_start3A_460 : memref<1x8x1024xf32, #tpu.memory_space<hbm>> -> memref<8x1024xf32, #tpu.memory_space<hbm>>
      tpu.enqueue_dma source(%arg6 : memref<8x1024xf32, #tpu.memory_space<vmem>>) target(%dma_start3A_461 : memref<8x1024xf32, #tpu.memory_space<hbm>>) target_semaphore(%arg34 : memref<!tpu.dma_semaphore, #tpu.memory_space<semaphore_mem>>)
      %mul3A_462 = arith.constant 8 : i32
      %mul3A_463 = arith.muli %mul3A_357, %mul3A_462 : i32
      %add3A_464 = arith.addi %mul3A_2, %mul3A_463 : i32
      %dma_start3A_465 = arith.constant 1 : i32
      %dma_start3A_466 = arith.constant 0 : i32
      %dma_start3A_467 = tpu.memref_slice %arg5[%dma_start3A_465, %add3A_464, %dma_start3A_466] : memref<4x8192x1024xf32, #tpu.memory_space<hbm>> -> memref<1x8x1024xf32, #tpu.memory_space<hbm>>
      %dma_start3A_468 = tpu.memref_squeeze %dma_start3A_467 : memref<1x8x1024xf32, #tpu.memory_space<hbm>> -> memref<8x1024xf32, #tpu.memory_space<hbm>>
      %dma_start3A_469 = arith.constant 0 : i32
      %dma_start3A_470 = tpu.memref_slice %arg5[%dma_start3A_465, %add3A_464, %dma_start3A_469] : memref<4x8192x1024xf32, #tpu.memory_space<hbm>> -> memref<1x8x1024xf32, #tpu.memory_space<hbm>>
      %dma_start3A_471 = tpu.memref_squeeze %dma_start3A_470 : memref<1x8x1024xf32, #tpu.memory_space<hbm>> -> memref<8x1024xf32, #tpu.memory_space<hbm>>
      tpu.enqueue_dma source(%arg7 : memref<8x1024xf32, #tpu.memory_space<vmem>>) target(%dma_start3A_471 : memref<8x1024xf32, #tpu.memory_space<hbm>>) target_semaphore(%arg35 : memref<!tpu.dma_semaphore, #tpu.memory_space<semaphore_mem>>)
      %mul3A_472 = arith.constant 8 : i32
      %mul3A_473 = arith.muli %mul3A_357, %mul3A_472 : i32
      %add3A_474 = arith.addi %mul3A_2, %mul3A_473 : i32
      %dma_start3A_475 = arith.constant 2 : i32
      %dma_start3A_476 = arith.constant 0 : i32
      %dma_start3A_477 = tpu.memref_slice %arg5[%dma_start3A_475, %add3A_474, %dma_start3A_476] : memref<4x8192x1024xf32, #tpu.memory_space<hbm>> -> memref<1x8x1024xf32, #tpu.memory_space<hbm>>
      %dma_start3A_478 = tpu.memref_squeeze %dma_start3A_477 : memref<1x8x1024xf32, #tpu.memory_space<hbm>> -> memref<8x1024xf32, #tpu.memory_space<hbm>>
      %dma_start3A_479 = arith.constant 0 : i32
      %dma_start3A_480 = tpu.memref_slice %arg5[%dma_start3A_475, %add3A_474, %dma_start3A_479] : memref<4x8192x1024xf32, #tpu.memory_space<hbm>> -> memref<1x8x1024xf32, #tpu.memory_space<hbm>>
      %dma_start3A_481 = tpu.memref_squeeze %dma_start3A_480 : memref<1x8x1024xf32, #tpu.memory_space<hbm>> -> memref<8x1024xf32, #tpu.memory_space<hbm>>
      tpu.enqueue_dma source(%arg8 : memref<8x1024xf32, #tpu.memory_space<vmem>>) target(%dma_start3A_481 : memref<8x1024xf32, #tpu.memory_space<hbm>>) target_semaphore(%arg36 : memref<!tpu.dma_semaphore, #tpu.memory_space<semaphore_mem>>)
      %mul3A_482 = arith.constant 8 : i32
      %mul3A_483 = arith.muli %mul3A_357, %mul3A_482 : i32
      %add3A_484 = arith.addi %mul3A_2, %mul3A_483 : i32
      %dma_start3A_485 = arith.constant 3 : i32
      %dma_start3A_486 = arith.constant 0 : i32
      %dma_start3A_487 = tpu.memref_slice %arg5[%dma_start3A_485, %add3A_484, %dma_start3A_486] : memref<4x8192x1024xf32, #tpu.memory_space<hbm>> -> memref<1x8x1024xf32, #tpu.memory_space<hbm>>
      %dma_start3A_488 = tpu.memref_squeeze %dma_start3A_487 : memref<1x8x1024xf32, #tpu.memory_space<hbm>> -> memref<8x1024xf32, #tpu.memory_space<hbm>>
      %dma_start3A_489 = arith.constant 0 : i32
      %dma_start3A_490 = tpu.memref_slice %arg5[%dma_start3A_485, %add3A_484, %dma_start3A_489] : memref<4x8192x1024xf32, #tpu.memory_space<hbm>> -> memref<1x8x1024xf32, #tpu.memory_space<hbm>>
      %dma_start3A_491 = tpu.memref_squeeze %dma_start3A_490 : memref<1x8x1024xf32, #tpu.memory_space<hbm>> -> memref<8x1024xf32, #tpu.memory_space<hbm>>
      tpu.enqueue_dma source(%arg9 : memref<8x1024xf32, #tpu.memory_space<vmem>>) target(%dma_start3A_491 : memref<8x1024xf32, #tpu.memory_space<hbm>>) target_semaphore(%arg37 : memref<!tpu.dma_semaphore, #tpu.memory_space<semaphore_mem>>)
      %add3A_492 = arith.constant 1 : i32
      %add3A_493 = arith.addi %mul3A_357, %add3A_492 : i32
      %dma_wait3A_494 = arith.constant 0 : i32
      %dma_wait3A_495 = tpu.memref_slice %arg21[%dma_wait3A_494] : memref<256xi32, #tpu.memory_space<vmem>> -> memref<8xi32, #tpu.memory_space<vmem>>
      %dma_wait3A_496 = arith.constant 0 : i32
      %dma_wait3A_497 = arith.constant 0 : i32
      %dma_wait3A_498 = tpu.memref_slice %arg3[%dma_wait3A_496, %dma_wait3A_497] : memref<8192x1024xf32, #tpu.memory_space<hbm>> -> memref<8192x1024xf32, #tpu.memory_space<hbm>>
      tpu.wait_indirect_dma semaphore(%arg47 : memref<!tpu.dma_semaphore, #tpu.memory_space<semaphore_mem>>) src(%dma_wait3A_498 : memref<8192x1024xf32, #tpu.memory_space<hbm>>) dst(%arg19 : memref<8x1024xf32, #tpu.memory_space<vmem>>)
      %add3A_499 = arith.constant 0 : i32
      %add3A_500 = arith.addi %mul3A_2, %add3A_499 : i32
      %dma_wait3A_501 = arith.constant 0 : i32
      %dma_wait3A_502 = arith.constant 0 : i32
      %dma_wait3A_503 = tpu.memref_slice %arg2[%dma_wait3A_501, %add3A_500, %dma_wait3A_502] : memref<4x8192x1024xf32, #tpu.memory_space<hbm>> -> memref<1x8x1024xf32, #tpu.memory_space<hbm>>
      %dma_wait3A_504 = tpu.memref_squeeze %dma_wait3A_503 : memref<1x8x1024xf32, #tpu.memory_space<hbm>> -> memref<8x1024xf32, #tpu.memory_space<hbm>>
      %dma_wait3A_505 = arith.constant 0 : i32
      %dma_wait3A_506 = tpu.memref_slice %arg2[%dma_wait3A_501, %add3A_500, %dma_wait3A_505] : memref<4x8192x1024xf32, #tpu.memory_space<hbm>> -> memref<1x8x1024xf32, #tpu.memory_space<hbm>>
      %dma_wait3A_507 = tpu.memref_squeeze %dma_wait3A_506 : memref<1x8x1024xf32, #tpu.memory_space<hbm>> -> memref<8x1024xf32, #tpu.memory_space<hbm>>
      tpu.wait_dma2 semaphore(%arg26 : memref<!tpu.dma_semaphore, #tpu.memory_space<semaphore_mem>>) src(%dma_wait3A_507 : memref<8x1024xf32, #tpu.memory_space<hbm>>) dst(%arg10 : memref<8x1024xf32, #tpu.memory_space<vmem>>)
      %add3A_508 = arith.constant 0 : i32
      %add3A_509 = arith.addi %mul3A_2, %add3A_508 : i32
      %dma_wait3A_510 = arith.constant 0 : i32
      %dma_wait3A_511 = arith.constant 0 : i32
      %dma_wait3A_512 = tpu.memref_slice %arg2[%dma_wait3A_510, %add3A_509, %dma_wait3A_511] : memref<4x8192x1024xf32, #tpu.memory_space<hbm>> -> memref<1x8x1024xf32, #tpu.memory_space<hbm>>
      %dma_wait3A_513 = tpu.memref_squeeze %dma_wait3A_512 : memref<1x8x1024xf32, #tpu.memory_space<hbm>> -> memref<8x1024xf32, #tpu.memory_space<hbm>>
      %dma_wait3A_514 = arith.constant 0 : i32
      %dma_wait3A_515 = tpu.memref_slice %arg2[%dma_wait3A_510, %add3A_509, %dma_wait3A_514] : memref<4x8192x1024xf32, #tpu.memory_space<hbm>> -> memref<1x8x1024xf32, #tpu.memory_space<hbm>>
      %dma_wait3A_516 = tpu.memref_squeeze %dma_wait3A_515 : memref<1x8x1024xf32, #tpu.memory_space<hbm>> -> memref<8x1024xf32, #tpu.memory_space<hbm>>
      tpu.wait_dma2 semaphore(%arg27 : memref<!tpu.dma_semaphore, #tpu.memory_space<semaphore_mem>>) src(%dma_wait3A_516 : memref<8x1024xf32, #tpu.memory_space<hbm>>) dst(%arg11 : memref<8x1024xf32, #tpu.memory_space<vmem>>)
      %add3A_517 = arith.constant 0 : i32
      %add3A_518 = arith.addi %mul3A_2, %add3A_517 : i32
      %dma_wait3A_519 = arith.constant 0 : i32
      %dma_wait3A_520 = arith.constant 0 : i32
      %dma_wait3A_521 = tpu.memref_slice %arg2[%dma_wait3A_519, %add3A_518, %dma_wait3A_520] : memref<4x8192x1024xf32, #tpu.memory_space<hbm>> -> memref<1x8x1024xf32, #tpu.memory_space<hbm>>
      %dma_wait3A_522 = tpu.memref_squeeze %dma_wait3A_521 : memref<1x8x1024xf32, #tpu.memory_space<hbm>> -> memref<8x1024xf32, #tpu.memory_space<hbm>>
      %dma_wait3A_523 = arith.constant 0 : i32
      %dma_wait3A_524 = tpu.memref_slice %arg2[%dma_wait3A_519, %add3A_518, %dma_wait3A_523] : memref<4x8192x1024xf32, #tpu.memory_space<hbm>> -> memref<1x8x1024xf32, #tpu.memory_space<hbm>>
      %dma_wait3A_525 = tpu.memref_squeeze %dma_wait3A_524 : memref<1x8x1024xf32, #tpu.memory_space<hbm>> -> memref<8x1024xf32, #tpu.memory_space<hbm>>
      tpu.wait_dma2 semaphore(%arg28 : memref<!tpu.dma_semaphore, #tpu.memory_space<semaphore_mem>>) src(%dma_wait3A_525 : memref<8x1024xf32, #tpu.memory_space<hbm>>) dst(%arg12 : memref<8x1024xf32, #tpu.memory_space<vmem>>)
      %add3A_526 = arith.constant 0 : i32
      %add3A_527 = arith.addi %mul3A_2, %add3A_526 : i32
      %dma_wait3A_528 = arith.constant 0 : i32
      %dma_wait3A_529 = arith.constant 0 : i32
      %dma_wait3A_530 = tpu.memref_slice %arg2[%dma_wait3A_528, %add3A_527, %dma_wait3A_529] : memref<4x8192x1024xf32, #tpu.memory_space<hbm>> -> memref<1x8x1024xf32, #tpu.memory_space<hbm>>
      %dma_wait3A_531 = tpu.memref_squeeze %dma_wait3A_530 : memref<1x8x1024xf32, #tpu.memory_space<hbm>> -> memref<8x1024xf32, #tpu.memory_space<hbm>>
      %dma_wait3A_532 = arith.constant 0 : i32
      %dma_wait3A_533 = tpu.memref_slice %arg2[%dma_wait3A_528, %add3A_527, %dma_wait3A_532] : memref<4x8192x1024xf32, #tpu.memory_space<hbm>> -> memref<1x8x1024xf32, #tpu.memory_space<hbm>>
      %dma_wait3A_534 = tpu.memref_squeeze %dma_wait3A_533 : memref<1x8x1024xf32, #tpu.memory_space<hbm>> -> memref<8x1024xf32, #tpu.memory_space<hbm>>
      tpu.wait_dma2 semaphore(%arg29 : memref<!tpu.dma_semaphore, #tpu.memory_space<semaphore_mem>>) src(%dma_wait3A_534 : memref<8x1024xf32, #tpu.memory_space<hbm>>) dst(%arg13 : memref<8x1024xf32, #tpu.memory_space<vmem>>)
      %ge3A_535 = arith.constant 1 : i32
      %ge3A_536 = arith.cmpi sge, %add3A_493, %ge3A_535 : i32
      %convert_element_type3A_537 = arith.extui %ge3A_536 : i1 to i32
      %cond3A_538 = arith.constant 0 : i32
      %cond3A_539 = arith.cmpi ne, %convert_element_type3A_537, %cond3A_538 : i32
      scf.if %cond3A_539 {
        %add3A_770 = arith.constant 0 : i32
        %add3A_771 = arith.addi %mul3A_2, %add3A_770 : i32
        %dma_wait3A_772 = arith.constant 0 : i32
        %dma_wait3A_773 = arith.constant 0 : i32
        %dma_wait3A_774 = tpu.memref_slice %arg5[%dma_wait3A_772, %add3A_771, %dma_wait3A_773] : memref<4x8192x1024xf32, #tpu.memory_space<hbm>> -> memref<1x8x1024xf32, #tpu.memory_space<hbm>>
        %dma_wait3A_775 = tpu.memref_squeeze %dma_wait3A_774 : memref<1x8x1024xf32, #tpu.memory_space<hbm>> -> memref<8x1024xf32, #tpu.memory_space<hbm>>
        %dma_wait3A_776 = arith.constant 0 : i32
        %dma_wait3A_777 = tpu.memref_slice %arg5[%dma_wait3A_772, %add3A_771, %dma_wait3A_776] : memref<4x8192x1024xf32, #tpu.memory_space<hbm>> -> memref<1x8x1024xf32, #tpu.memory_space<hbm>>
        %dma_wait3A_778 = tpu.memref_squeeze %dma_wait3A_777 : memref<1x8x1024xf32, #tpu.memory_space<hbm>> -> memref<8x1024xf32, #tpu.memory_space<hbm>>
        tpu.wait_dma2 semaphore(%arg34 : memref<!tpu.dma_semaphore, #tpu.memory_space<semaphore_mem>>) src(%arg6 : memref<8x1024xf32, #tpu.memory_space<vmem>>) dst(%dma_wait3A_778 : memref<8x1024xf32, #tpu.memory_space<hbm>>)
        %add3A_779 = arith.constant 0 : i32
        %add3A_780 = arith.addi %mul3A_2, %add3A_779 : i32
        %dma_wait3A_781 = arith.constant 0 : i32
        %dma_wait3A_782 = arith.constant 0 : i32
        %dma_wait3A_783 = tpu.memref_slice %arg5[%dma_wait3A_781, %add3A_780, %dma_wait3A_782] : memref<4x8192x1024xf32, #tpu.memory_space<hbm>> -> memref<1x8x1024xf32, #tpu.memory_space<hbm>>
        %dma_wait3A_784 = tpu.memref_squeeze %dma_wait3A_783 : memref<1x8x1024xf32, #tpu.memory_space<hbm>> -> memref<8x1024xf32, #tpu.memory_space<hbm>>
        %dma_wait3A_785 = arith.constant 0 : i32
        %dma_wait3A_786 = tpu.memref_slice %arg5[%dma_wait3A_781, %add3A_780, %dma_wait3A_785] : memref<4x8192x1024xf32, #tpu.memory_space<hbm>> -> memref<1x8x1024xf32, #tpu.memory_space<hbm>>
        %dma_wait3A_787 = tpu.memref_squeeze %dma_wait3A_786 : memref<1x8x1024xf32, #tpu.memory_space<hbm>> -> memref<8x1024xf32, #tpu.memory_space<hbm>>
        tpu.wait_dma2 semaphore(%arg35 : memref<!tpu.dma_semaphore, #tpu.memory_space<semaphore_mem>>) src(%arg7 : memref<8x1024xf32, #tpu.memory_space<vmem>>) dst(%dma_wait3A_787 : memref<8x1024xf32, #tpu.memory_space<hbm>>)
        %add3A_788 = arith.constant 0 : i32
        %add3A_789 = arith.addi %mul3A_2, %add3A_788 : i32
        %dma_wait3A_790 = arith.constant 0 : i32
        %dma_wait3A_791 = arith.constant 0 : i32
        %dma_wait3A_792 = tpu.memref_slice %arg5[%dma_wait3A_790, %add3A_789, %dma_wait3A_791] : memref<4x8192x1024xf32, #tpu.memory_space<hbm>> -> memref<1x8x1024xf32, #tpu.memory_space<hbm>>
        %dma_wait3A_793 = tpu.memref_squeeze %dma_wait3A_792 : memref<1x8x1024xf32, #tpu.memory_space<hbm>> -> memref<8x1024xf32, #tpu.memory_space<hbm>>
        %dma_wait3A_794 = arith.constant 0 : i32
        %dma_wait3A_795 = tpu.memref_slice %arg5[%dma_wait3A_790, %add3A_789, %dma_wait3A_794] : memref<4x8192x1024xf32, #tpu.memory_space<hbm>> -> memref<1x8x1024xf32, #tpu.memory_space<hbm>>
        %dma_wait3A_796 = tpu.memref_squeeze %dma_wait3A_795 : memref<1x8x1024xf32, #tpu.memory_space<hbm>> -> memref<8x1024xf32, #tpu.memory_space<hbm>>
        tpu.wait_dma2 semaphore(%arg36 : memref<!tpu.dma_semaphore, #tpu.memory_space<semaphore_mem>>) src(%arg8 : memref<8x1024xf32, #tpu.memory_space<vmem>>) dst(%dma_wait3A_796 : memref<8x1024xf32, #tpu.memory_space<hbm>>)
        %add3A_797 = arith.constant 0 : i32
        %add3A_798 = arith.addi %mul3A_2, %add3A_797 : i32
        %dma_wait3A_799 = arith.constant 0 : i32
        %dma_wait3A_800 = arith.constant 0 : i32
        %dma_wait3A_801 = tpu.memref_slice %arg5[%dma_wait3A_799, %add3A_798, %dma_wait3A_800] : memref<4x8192x1024xf32, #tpu.memory_space<hbm>> -> memref<1x8x1024xf32, #tpu.memory_space<hbm>>
        %dma_wait3A_802 = tpu.memref_squeeze %dma_wait3A_801 : memref<1x8x1024xf32, #tpu.memory_space<hbm>> -> memref<8x1024xf32, #tpu.memory_space<hbm>>
        %dma_wait3A_803 = arith.constant 0 : i32
        %dma_wait3A_804 = tpu.memref_slice %arg5[%dma_wait3A_799, %add3A_798, %dma_wait3A_803] : memref<4x8192x1024xf32, #tpu.memory_space<hbm>> -> memref<1x8x1024xf32, #tpu.memory_space<hbm>>
        %dma_wait3A_805 = tpu.memref_squeeze %dma_wait3A_804 : memref<1x8x1024xf32, #tpu.memory_space<hbm>> -> memref<8x1024xf32, #tpu.memory_space<hbm>>
        tpu.wait_dma2 semaphore(%arg37 : memref<!tpu.dma_semaphore, #tpu.memory_space<semaphore_mem>>) src(%arg9 : memref<8x1024xf32, #tpu.memory_space<vmem>>) dst(%dma_wait3A_805 : memref<8x1024xf32, #tpu.memory_space<hbm>>)
      } else {
      }
      %add3A_540 = arith.constant 2 : i32
      %add3A_541 = arith.addi %add3A_493, %add3A_540 : i32
      %mul3A_542 = arith.constant 8 : i32
      %mul3A_543 = arith.muli %add3A_541, %mul3A_542 : i32
      %dma_start3A_544 = tpu.memref_slice %arg21[%mul3A_543] : memref<256xi32, #tpu.memory_space<vmem>> -> memref<8xi32, #tpu.memory_space<vmem>>
      %dma_start3A_545 = arith.constant 0 : i32
      %dma_start3A_546 = arith.constant 0 : i32
      %dma_start3A_547 = tpu.memref_slice %arg3[%dma_start3A_545, %dma_start3A_546] : memref<8192x1024xf32, #tpu.memory_space<hbm>> -> memref<8192x1024xf32, #tpu.memory_space<hbm>>
      tpu.enqueue_indirect_dma source(%dma_start3A_547 : memref<8192x1024xf32, #tpu.memory_space<hbm>>) target(%arg18 : memref<8x1024xf32, #tpu.memory_space<vmem>>) offsets(%dma_start3A_544 : memref<8xi32, #tpu.memory_space<vmem>>) semaphore(%arg46 : memref<!tpu.dma_semaphore, #tpu.memory_space<semaphore_mem>>)
      %mul3A_548 = arith.constant 8 : i32
      %mul3A_549 = arith.muli %add3A_541, %mul3A_548 : i32
      %add3A_550 = arith.addi %mul3A_2, %mul3A_549 : i32
      %dma_start3A_551 = arith.constant 0 : i32
      %dma_start3A_552 = arith.constant 0 : i32
      %dma_start3A_553 = tpu.memref_slice %arg2[%dma_start3A_551, %add3A_550, %dma_start3A_552] : memref<4x8192x1024xf32, #tpu.memory_space<hbm>> -> memref<1x8x1024xf32, #tpu.memory_space<hbm>>
      %dma_start3A_554 = tpu.memref_squeeze %dma_start3A_553 : memref<1x8x1024xf32, #tpu.memory_space<hbm>> -> memref<8x1024xf32, #tpu.memory_space<hbm>>
      %dma_start3A_555 = arith.constant 0 : i32
      %dma_start3A_556 = tpu.memref_slice %arg2[%dma_start3A_551, %add3A_550, %dma_start3A_555] : memref<4x8192x1024xf32, #tpu.memory_space<hbm>> -> memref<1x8x1024xf32, #tpu.memory_space<hbm>>
      %dma_start3A_557 = tpu.memref_squeeze %dma_start3A_556 : memref<1x8x1024xf32, #tpu.memory_space<hbm>> -> memref<8x1024xf32, #tpu.memory_space<hbm>>
      tpu.enqueue_dma source(%dma_start3A_557 : memref<8x1024xf32, #tpu.memory_space<hbm>>) target(%arg6 : memref<8x1024xf32, #tpu.memory_space<vmem>>) target_semaphore(%arg22 : memref<!tpu.dma_semaphore, #tpu.memory_space<semaphore_mem>>)
      %mul3A_558 = arith.constant 8 : i32
      %mul3A_559 = arith.muli %add3A_541, %mul3A_558 : i32
      %add3A_560 = arith.addi %mul3A_2, %mul3A_559 : i32
      %dma_start3A_561 = arith.constant 1 : i32
      %dma_start3A_562 = arith.constant 0 : i32
      %dma_start3A_563 = tpu.memref_slice %arg2[%dma_start3A_561, %add3A_560, %dma_start3A_562] : memref<4x8192x1024xf32, #tpu.memory_space<hbm>> -> memref<1x8x1024xf32, #tpu.memory_space<hbm>>
      %dma_start3A_564 = tpu.memref_squeeze %dma_start3A_563 : memref<1x8x1024xf32, #tpu.memory_space<hbm>> -> memref<8x1024xf32, #tpu.memory_space<hbm>>
      %dma_start3A_565 = arith.constant 0 : i32
      %dma_start3A_566 = tpu.memref_slice %arg2[%dma_start3A_561, %add3A_560, %dma_start3A_565] : memref<4x8192x1024xf32, #tpu.memory_space<hbm>> -> memref<1x8x1024xf32, #tpu.memory_space<hbm>>
      %dma_start3A_567 = tpu.memref_squeeze %dma_start3A_566 : memref<1x8x1024xf32, #tpu.memory_space<hbm>> -> memref<8x1024xf32, #tpu.memory_space<hbm>>
      tpu.enqueue_dma source(%dma_start3A_567 : memref<8x1024xf32, #tpu.memory_space<hbm>>) target(%arg7 : memref<8x1024xf32, #tpu.memory_space<vmem>>) target_semaphore(%arg23 : memref<!tpu.dma_semaphore, #tpu.memory_space<semaphore_mem>>)
      %mul3A_568 = arith.constant 8 : i32
      %mul3A_569 = arith.muli %add3A_541, %mul3A_568 : i32
      %add3A_570 = arith.addi %mul3A_2, %mul3A_569 : i32
      %dma_start3A_571 = arith.constant 2 : i32
      %dma_start3A_572 = arith.constant 0 : i32
      %dma_start3A_573 = tpu.memref_slice %arg2[%dma_start3A_571, %add3A_570, %dma_start3A_572] : memref<4x8192x1024xf32, #tpu.memory_space<hbm>> -> memref<1x8x1024xf32, #tpu.memory_space<hbm>>
      %dma_start3A_574 = tpu.memref_squeeze %dma_start3A_573 : memref<1x8x1024xf32, #tpu.memory_space<hbm>> -> memref<8x1024xf32, #tpu.memory_space<hbm>>
      %dma_start3A_575 = arith.constant 0 : i32
      %dma_start3A_576 = tpu.memref_slice %arg2[%dma_start3A_571, %add3A_570, %dma_start3A_575] : memref<4x8192x1024xf32, #tpu.memory_space<hbm>> -> memref<1x8x1024xf32, #tpu.memory_space<hbm>>
      %dma_start3A_577 = tpu.memref_squeeze %dma_start3A_576 : memref<1x8x1024xf32, #tpu.memory_space<hbm>> -> memref<8x1024xf32, #tpu.memory_space<hbm>>
      tpu.enqueue_dma source(%dma_start3A_577 : memref<8x1024xf32, #tpu.memory_space<hbm>>) target(%arg8 : memref<8x1024xf32, #tpu.memory_space<vmem>>) target_semaphore(%arg24 : memref<!tpu.dma_semaphore, #tpu.memory_space<semaphore_mem>>)
      %mul3A_578 = arith.constant 8 : i32
      %mul3A_579 = arith.muli %add3A_541, %mul3A_578 : i32
      %add3A_580 = arith.addi %mul3A_2, %mul3A_579 : i32
      %dma_start3A_581 = arith.constant 3 : i32
      %dma_start3A_582 = arith.constant 0 : i32
      %dma_start3A_583 = tpu.memref_slice %arg2[%dma_start3A_581, %add3A_580, %dma_start3A_582] : memref<4x8192x1024xf32, #tpu.memory_space<hbm>> -> memref<1x8x1024xf32, #tpu.memory_space<hbm>>
      %dma_start3A_584 = tpu.memref_squeeze %dma_start3A_583 : memref<1x8x1024xf32, #tpu.memory_space<hbm>> -> memref<8x1024xf32, #tpu.memory_space<hbm>>
      %dma_start3A_585 = arith.constant 0 : i32
      %dma_start3A_586 = tpu.memref_slice %arg2[%dma_start3A_581, %add3A_580, %dma_start3A_585] : memref<4x8192x1024xf32, #tpu.memory_space<hbm>> -> memref<1x8x1024xf32, #tpu.memory_space<hbm>>
      %dma_start3A_587 = tpu.memref_squeeze %dma_start3A_586 : memref<1x8x1024xf32, #tpu.memory_space<hbm>> -> memref<8x1024xf32, #tpu.memory_space<hbm>>
      tpu.enqueue_dma source(%dma_start3A_587 : memref<8x1024xf32, #tpu.memory_space<hbm>>) target(%arg9 : memref<8x1024xf32, #tpu.memory_space<vmem>>) target_semaphore(%arg25 : memref<!tpu.dma_semaphore, #tpu.memory_space<semaphore_mem>>)
      %parallel_loop3A_588 = arith.constant 0 : i32
      %parallel_loop3A_589 = arith.constant 64 : i32
      %parallel_loop3A_590 = arith.constant 1 : i32
      scf.for %parallel_loop3A_770 = %parallel_loop3A_588 to %parallel_loop3A_589 step %parallel_loop3A_590  : i32 {
        %parallel_loop3A_771 = arith.constant 16 : i32
        %parallel_loop3A_772 = arith.muli %parallel_loop3A_770, %parallel_loop3A_771 : i32
        %parallel_loop3A_773 = arith.constant 0 : i32
        %parallel_loop3A_774 = arith.index_cast %parallel_loop3A_773 : i32 to index
        %parallel_loop3A_775 = arith.index_cast %parallel_loop3A_772 : i32 to index
        %parallel_loop3A_776 = tpu.vector_load %arg19[%parallel_loop3A_774, %parallel_loop3A_775] {strides = array<i32>} : memref<8x1024xf32, #tpu.memory_space<vmem>>, vector<1x16xf32>,
        %parallel_loop3A_777 = vector.shape_cast %parallel_loop3A_776 : vector<1x16xf32> to vector<16xf32>
        %parallel_loop3A_778 = arith.constant 0 : i32
        %parallel_loop3A_779 = arith.index_cast %parallel_loop3A_778 : i32 to index
        %parallel_loop3A_780 = arith.index_cast %parallel_loop3A_772 : i32 to index
        %parallel_loop3A_781 = tpu.vector_load %arg10[%parallel_loop3A_779, %parallel_loop3A_780] {strides = array<i32>} : memref<8x1024xf32, #tpu.memory_space<vmem>>, vector<1x16xf32>,
        %parallel_loop3A_782 = vector.shape_cast %parallel_loop3A_781 : vector<1x16xf32> to vector<16xf32>
        %parallel_loop3A_783 = arith.addf %parallel_loop3A_782, %parallel_loop3A_777 : vector<16xf32>
        %parallel_loop3A_784 = arith.constant 0 : i32
        %parallel_loop3A_785 = arith.index_cast %parallel_loop3A_784 : i32 to index
        %parallel_loop3A_786 = arith.index_cast %parallel_loop3A_772 : i32 to index
        %parallel_loop3A_787 = tpu.vector_load %arg10[%parallel_loop3A_785, %parallel_loop3A_786] {strides = array<i32>} : memref<8x1024xf32, #tpu.memory_space<vmem>>, vector<1x16xf32>,
        %parallel_loop3A_788 = vector.shape_cast %parallel_loop3A_787 : vector<1x16xf32> to vector<16xf32>
        %parallel_loop3A_789 = vector.shape_cast %parallel_loop3A_783 : vector<16xf32> to vector<1x16xf32>
        tpu.vector_store %arg10[%parallel_loop3A_785, %parallel_loop3A_786], %parallel_loop3A_789 {strides = array<i32>} : memref<8x1024xf32, #tpu.memory_space<vmem>>, vector<1x16xf32>,
        %parallel_loop3A_790 = arith.constant 0 : i32
        %parallel_loop3A_791 = arith.index_cast %parallel_loop3A_790 : i32 to index
        %parallel_loop3A_792 = arith.index_cast %parallel_loop3A_772 : i32 to index
        %parallel_loop3A_793 = tpu.vector_load %arg11[%parallel_loop3A_791, %parallel_loop3A_792] {strides = array<i32>} : memref<8x1024xf32, #tpu.memory_space<vmem>>, vector<1x16xf32>,
        %parallel_loop3A_794 = vector.shape_cast %parallel_loop3A_793 : vector<1x16xf32> to vector<16xf32>
        %parallel_loop3A_795 = arith.addf %parallel_loop3A_794, %parallel_loop3A_777 : vector<16xf32>
        %parallel_loop3A_796 = arith.constant 0 : i32
        %parallel_loop3A_797 = arith.index_cast %parallel_loop3A_796 : i32 to index
        %parallel_loop3A_798 = arith.index_cast %parallel_loop3A_772 : i32 to index
        %parallel_loop3A_799 = tpu.vector_load %arg11[%parallel_loop3A_797, %parallel_loop3A_798] {strides = array<i32>} : memref<8x1024xf32, #tpu.memory_space<vmem>>, vector<1x16xf32>,
        %parallel_loop3A_800 = vector.shape_cast %parallel_loop3A_799 : vector<1x16xf32> to vector<16xf32>
        %parallel_loop3A_801 = vector.shape_cast %parallel_loop3A_795 : vector<16xf32> to vector<1x16xf32>
        tpu.vector_store %arg11[%parallel_loop3A_797, %parallel_loop3A_798], %parallel_loop3A_801 {strides = array<i32>} : memref<8x1024xf32, #tpu.memory_space<vmem>>, vector<1x16xf32>,
        %parallel_loop3A_802 = arith.constant 0 : i32
        %parallel_loop3A_803 = arith.index_cast %parallel_loop3A_802 : i32 to index
        %parallel_loop3A_804 = arith.index_cast %parallel_loop3A_772 : i32 to index
        %parallel_loop3A_805 = tpu.vector_load %arg12[%parallel_loop3A_803, %parallel_loop3A_804] {strides = array<i32>} : memref<8x1024xf32, #tpu.memory_space<vmem>>, vector<1x16xf32>,
        %parallel_loop3A_806 = vector.shape_cast %parallel_loop3A_805 : vector<1x16xf32> to vector<16xf32>
        %parallel_loop3A_807 = arith.addf %parallel_loop3A_806, %parallel_loop3A_777 : vector<16xf32>
        %parallel_loop3A_808 = arith.constant 0 : i32
        %parallel_loop3A_809 = arith.index_cast %parallel_loop3A_808 : i32 to index
        %parallel_loop3A_810 = arith.index_cast %parallel_loop3A_772 : i32 to index
        %parallel_loop3A_811 = tpu.vector_load %arg12[%parallel_loop3A_809, %parallel_loop3A_810] {strides = array<i32>} : memref<8x1024xf32, #tpu.memory_space<vmem>>, vector<1x16xf32>,
        %parallel_loop3A_812 = vector.shape_cast %parallel_loop3A_811 : vector<1x16xf32> to vector<16xf32>
        %parallel_loop3A_813 = vector.shape_cast %parallel_loop3A_807 : vector<16xf32> to vector<1x16xf32>
        tpu.vector_store %arg12[%parallel_loop3A_809, %parallel_loop3A_810], %parallel_loop3A_813 {strides = array<i32>} : memref<8x1024xf32, #tpu.memory_space<vmem>>, vector<1x16xf32>,
        %parallel_loop3A_814 = arith.constant 0 : i32
        %parallel_loop3A_815 = arith.index_cast %parallel_loop3A_814 : i32 to index
        %parallel_loop3A_816 = arith.index_cast %parallel_loop3A_772 : i32 to index
        %parallel_loop3A_817 = tpu.vector_load %arg13[%parallel_loop3A_815, %parallel_loop3A_816] {strides = array<i32>} : memref<8x1024xf32, #tpu.memory_space<vmem>>, vector<1x16xf32>,
        %parallel_loop3A_818 = vector.shape_cast %parallel_loop3A_817 : vector<1x16xf32> to vector<16xf32>
        %parallel_loop3A_819 = arith.addf %parallel_loop3A_818, %parallel_loop3A_777 : vector<16xf32>
        %parallel_loop3A_820 = arith.constant 0 : i32
        %parallel_loop3A_821 = arith.index_cast %parallel_loop3A_820 : i32 to index
        %parallel_loop3A_822 = arith.index_cast %parallel_loop3A_772 : i32 to index
        %parallel_loop3A_823 = tpu.vector_load %arg13[%parallel_loop3A_821, %parallel_loop3A_822] {strides = array<i32>} : memref<8x1024xf32, #tpu.memory_space<vmem>>, vector<1x16xf32>,
        %parallel_loop3A_824 = vector.shape_cast %parallel_loop3A_823 : vector<1x16xf32> to vector<16xf32>
        %parallel_loop3A_825 = vector.shape_cast %parallel_loop3A_819 : vector<16xf32> to vector<1x16xf32>
        tpu.vector_store %arg13[%parallel_loop3A_821, %parallel_loop3A_822], %parallel_loop3A_825 {strides = array<i32>} : memref<8x1024xf32, #tpu.memory_space<vmem>>, vector<1x16xf32>,
        %parallel_loop3A_826 = arith.constant 1 : i32
        %parallel_loop3A_827 = arith.index_cast %parallel_loop3A_826 : i32 to index
        %parallel_loop3A_828 = arith.index_cast %parallel_loop3A_772 : i32 to index
        %parallel_loop3A_829 = tpu.vector_load %arg19[%parallel_loop3A_827, %parallel_loop3A_828] {strides = array<i32>} : memref<8x1024xf32, #tpu.memory_space<vmem>>, vector<1x16xf32>,
        %parallel_loop3A_830 = vector.shape_cast %parallel_loop3A_829 : vector<1x16xf32> to vector<16xf32>
        %parallel_loop3A_831 = arith.constant 1 : i32
        %parallel_loop3A_832 = arith.index_cast %parallel_loop3A_831 : i32 to index
        %parallel_loop3A_833 = arith.index_cast %parallel_loop3A_772 : i32 to index
        %parallel_loop3A_834 = tpu.vector_load %arg10[%parallel_loop3A_832, %parallel_loop3A_833] {strides = array<i32>} : memref<8x1024xf32, #tpu.memory_space<vmem>>, vector<1x16xf32>,
        %parallel_loop3A_835 = vector.shape_cast %parallel_loop3A_834 : vector<1x16xf32> to vector<16xf32>
        %parallel_loop3A_836 = arith.addf %parallel_loop3A_835, %parallel_loop3A_830 : vector<16xf32>
        %parallel_loop3A_837 = arith.constant 1 : i32
        %parallel_loop3A_838 = arith.index_cast %parallel_loop3A_837 : i32 to index
        %parallel_loop3A_839 = arith.index_cast %parallel_loop3A_772 : i32 to index
        %parallel_loop3A_840 = tpu.vector_load %arg10[%parallel_loop3A_838, %parallel_loop3A_839] {strides = array<i32>} : memref<8x1024xf32, #tpu.memory_space<vmem>>, vector<1x16xf32>,
        %parallel_loop3A_841 = vector.shape_cast %parallel_loop3A_840 : vector<1x16xf32> to vector<16xf32>
        %parallel_loop3A_842 = vector.shape_cast %parallel_loop3A_836 : vector<16xf32> to vector<1x16xf32>
        tpu.vector_store %arg10[%parallel_loop3A_838, %parallel_loop3A_839], %parallel_loop3A_842 {strides = array<i32>} : memref<8x1024xf32, #tpu.memory_space<vmem>>, vector<1x16xf32>,
        %parallel_loop3A_843 = arith.constant 1 : i32
        %parallel_loop3A_844 = arith.index_cast %parallel_loop3A_843 : i32 to index
        %parallel_loop3A_845 = arith.index_cast %parallel_loop3A_772 : i32 to index
        %parallel_loop3A_846 = tpu.vector_load %arg11[%parallel_loop3A_844, %parallel_loop3A_845] {strides = array<i32>} : memref<8x1024xf32, #tpu.memory_space<vmem>>, vector<1x16xf32>,
        %parallel_loop3A_847 = vector.shape_cast %parallel_loop3A_846 : vector<1x16xf32> to vector<16xf32>
        %parallel_loop3A_848 = arith.addf %parallel_loop3A_847, %parallel_loop3A_830 : vector<16xf32>
        %parallel_loop3A_849 = arith.constant 1 : i32
        %parallel_loop3A_850 = arith.index_cast %parallel_loop3A_849 : i32 to index
        %parallel_loop3A_851 = arith.index_cast %parallel_loop3A_772 : i32 to index
        %parallel_loop3A_852 = tpu.vector_load %arg11[%parallel_loop3A_850, %parallel_loop3A_851] {strides = array<i32>} : memref<8x1024xf32, #tpu.memory_space<vmem>>, vector<1x16xf32>,
        %parallel_loop3A_853 = vector.shape_cast %parallel_loop3A_852 : vector<1x16xf32> to vector<16xf32>
        %parallel_loop3A_854 = vector.shape_cast %parallel_loop3A_848 : vector<16xf32> to vector<1x16xf32>
        tpu.vector_store %arg11[%parallel_loop3A_850, %parallel_loop3A_851], %parallel_loop3A_854 {strides = array<i32>} : memref<8x1024xf32, #tpu.memory_space<vmem>>, vector<1x16xf32>,
        %parallel_loop3A_855 = arith.constant 1 : i32
        %parallel_loop3A_856 = arith.index_cast %parallel_loop3A_855 : i32 to index
        %parallel_loop3A_857 = arith.index_cast %parallel_loop3A_772 : i32 to index
        %parallel_loop3A_858 = tpu.vector_load %arg12[%parallel_loop3A_856, %parallel_loop3A_857] {strides = array<i32>} : memref<8x1024xf32, #tpu.memory_space<vmem>>, vector<1x16xf32>,
        %parallel_loop3A_859 = vector.shape_cast %parallel_loop3A_858 : vector<1x16xf32> to vector<16xf32>
        %parallel_loop3A_860 = arith.addf %parallel_loop3A_859, %parallel_loop3A_830 : vector<16xf32>
        %parallel_loop3A_861 = arith.constant 1 : i32
        %parallel_loop3A_862 = arith.index_cast %parallel_loop3A_861 : i32 to index
        %parallel_loop3A_863 = arith.index_cast %parallel_loop3A_772 : i32 to index
        %parallel_loop3A_864 = tpu.vector_load %arg12[%parallel_loop3A_862, %parallel_loop3A_863] {strides = array<i32>} : memref<8x1024xf32, #tpu.memory_space<vmem>>, vector<1x16xf32>,
        %parallel_loop3A_865 = vector.shape_cast %parallel_loop3A_864 : vector<1x16xf32> to vector<16xf32>
        %parallel_loop3A_866 = vector.shape_cast %parallel_loop3A_860 : vector<16xf32> to vector<1x16xf32>
        tpu.vector_store %arg12[%parallel_loop3A_862, %parallel_loop3A_863], %parallel_loop3A_866 {strides = array<i32>} : memref<8x1024xf32, #tpu.memory_space<vmem>>, vector<1x16xf32>,
        %parallel_loop3A_867 = arith.constant 1 : i32
        %parallel_loop3A_868 = arith.index_cast %parallel_loop3A_867 : i32 to index
        %parallel_loop3A_869 = arith.index_cast %parallel_loop3A_772 : i32 to index
        %parallel_loop3A_870 = tpu.vector_load %arg13[%parallel_loop3A_868, %parallel_loop3A_869] {strides = array<i32>} : memref<8x1024xf32, #tpu.memory_space<vmem>>, vector<1x16xf32>,
        %parallel_loop3A_871 = vector.shape_cast %parallel_loop3A_870 : vector<1x16xf32> to vector<16xf32>
        %parallel_loop3A_872 = arith.addf %parallel_loop3A_871, %parallel_loop3A_830 : vector<16xf32>
        %parallel_loop3A_873 = arith.constant 1 : i32
        %parallel_loop3A_874 = arith.index_cast %parallel_loop3A_873 : i32 to index
        %parallel_loop3A_875 = arith.index_cast %parallel_loop3A_772 : i32 to index
        %parallel_loop3A_876 = tpu.vector_load %arg13[%parallel_loop3A_874, %parallel_loop3A_875] {strides = array<i32>} : memref<8x1024xf32, #tpu.memory_space<vmem>>, vector<1x16xf32>,
        %parallel_loop3A_877 = vector.shape_cast %parallel_loop3A_876 : vector<1x16xf32> to vector<16xf32>
        %parallel_loop3A_878 = vector.shape_cast %parallel_loop3A_872 : vector<16xf32> to vector<1x16xf32>
        tpu.vector_store %arg13[%parallel_loop3A_874, %parallel_loop3A_875], %parallel_loop3A_878 {strides = array<i32>} : memref<8x1024xf32, #tpu.memory_space<vmem>>, vector<1x16xf32>,
        %parallel_loop3A_879 = arith.constant 2 : i32
        %parallel_loop3A_880 = arith.index_cast %parallel_loop3A_879 : i32 to index
        %parallel_loop3A_881 = arith.index_cast %parallel_loop3A_772 : i32 to index
        %parallel_loop3A_882 = tpu.vector_load %arg19[%parallel_loop3A_880, %parallel_loop3A_881] {strides = array<i32>} : memref<8x1024xf32, #tpu.memory_space<vmem>>, vector<1x16xf32>,
        %parallel_loop3A_883 = vector.shape_cast %parallel_loop3A_882 : vector<1x16xf32> to vector<16xf32>
        %parallel_loop3A_884 = arith.constant 2 : i32
        %parallel_loop3A_885 = arith.index_cast %parallel_loop3A_884 : i32 to index
        %parallel_loop3A_886 = arith.index_cast %parallel_loop3A_772 : i32 to index
        %parallel_loop3A_887 = tpu.vector_load %arg10[%parallel_loop3A_885, %parallel_loop3A_886] {strides = array<i32>} : memref<8x1024xf32, #tpu.memory_space<vmem>>, vector<1x16xf32>,
        %parallel_loop3A_888 = vector.shape_cast %parallel_loop3A_887 : vector<1x16xf32> to vector<16xf32>
        %parallel_loop3A_889 = arith.addf %parallel_loop3A_888, %parallel_loop3A_883 : vector<16xf32>
        %parallel_loop3A_890 = arith.constant 2 : i32
        %parallel_loop3A_891 = arith.index_cast %parallel_loop3A_890 : i32 to index
        %parallel_loop3A_892 = arith.index_cast %parallel_loop3A_772 : i32 to index
        %parallel_loop3A_893 = tpu.vector_load %arg10[%parallel_loop3A_891, %parallel_loop3A_892] {strides = array<i32>} : memref<8x1024xf32, #tpu.memory_space<vmem>>, vector<1x16xf32>,
        %parallel_loop3A_894 = vector.shape_cast %parallel_loop3A_893 : vector<1x16xf32> to vector<16xf32>
        %parallel_loop3A_895 = vector.shape_cast %parallel_loop3A_889 : vector<16xf32> to vector<1x16xf32>
        tpu.vector_store %arg10[%parallel_loop3A_891, %parallel_loop3A_892], %parallel_loop3A_895 {strides = array<i32>} : memref<8x1024xf32, #tpu.memory_space<vmem>>, vector<1x16xf32>,
        %parallel_loop3A_896 = arith.constant 2 : i32
        %parallel_loop3A_897 = arith.index_cast %parallel_loop3A_896 : i32 to index
        %parallel_loop3A_898 = arith.index_cast %parallel_loop3A_772 : i32 to index
        %parallel_loop3A_899 = tpu.vector_load %arg11[%parallel_loop3A_897, %parallel_loop3A_898] {strides = array<i32>} : memref<8x1024xf32, #tpu.memory_space<vmem>>, vector<1x16xf32>,
        %parallel_loop3A_900 = vector.shape_cast %parallel_loop3A_899 : vector<1x16xf32> to vector<16xf32>
        %parallel_loop3A_901 = arith.addf %parallel_loop3A_900, %parallel_loop3A_883 : vector<16xf32>
        %parallel_loop3A_902 = arith.constant 2 : i32
        %parallel_loop3A_903 = arith.index_cast %parallel_loop3A_902 : i32 to index
        %parallel_loop3A_904 = arith.index_cast %parallel_loop3A_772 : i32 to index
        %parallel_loop3A_905 = tpu.vector_load %arg11[%parallel_loop3A_903, %parallel_loop3A_904] {strides = array<i32>} : memref<8x1024xf32, #tpu.memory_space<vmem>>, vector<1x16xf32>,
        %parallel_loop3A_906 = vector.shape_cast %parallel_loop3A_905 : vector<1x16xf32> to vector<16xf32>
        %parallel_loop3A_907 = vector.shape_cast %parallel_loop3A_901 : vector<16xf32> to vector<1x16xf32>
        tpu.vector_store %arg11[%parallel_loop3A_903, %parallel_loop3A_904], %parallel_loop3A_907 {strides = array<i32>} : memref<8x1024xf32, #tpu.memory_space<vmem>>, vector<1x16xf32>,
        %parallel_loop3A_908 = arith.constant 2 : i32
        %parallel_loop3A_909 = arith.index_cast %parallel_loop3A_908 : i32 to index
        %parallel_loop3A_910 = arith.index_cast %parallel_loop3A_772 : i32 to index
        %parallel_loop3A_911 = tpu.vector_load %arg12[%parallel_loop3A_909, %parallel_loop3A_910] {strides = array<i32>} : memref<8x1024xf32, #tpu.memory_space<vmem>>, vector<1x16xf32>,
        %parallel_loop3A_912 = vector.shape_cast %parallel_loop3A_911 : vector<1x16xf32> to vector<16xf32>
        %parallel_loop3A_913 = arith.addf %parallel_loop3A_912, %parallel_loop3A_883 : vector<16xf32>
        %parallel_loop3A_914 = arith.constant 2 : i32
        %parallel_loop3A_915 = arith.index_cast %parallel_loop3A_914 : i32 to index
        %parallel_loop3A_916 = arith.index_cast %parallel_loop3A_772 : i32 to index
        %parallel_loop3A_917 = tpu.vector_load %arg12[%parallel_loop3A_915, %parallel_loop3A_916] {strides = array<i32>} : memref<8x1024xf32, #tpu.memory_space<vmem>>, vector<1x16xf32>,
        %parallel_loop3A_918 = vector.shape_cast %parallel_loop3A_917 : vector<1x16xf32> to vector<16xf32>
        %parallel_loop3A_919 = vector.shape_cast %parallel_loop3A_913 : vector<16xf32> to vector<1x16xf32>
        tpu.vector_store %arg12[%parallel_loop3A_915, %parallel_loop3A_916], %parallel_loop3A_919 {strides = array<i32>} : memref<8x1024xf32, #tpu.memory_space<vmem>>, vector<1x16xf32>,
        %parallel_loop3A_920 = arith.constant 2 : i32
        %parallel_loop3A_921 = arith.index_cast %parallel_loop3A_920 : i32 to index
        %parallel_loop3A_922 = arith.index_cast %parallel_loop3A_772 : i32 to index
        %parallel_loop3A_923 = tpu.vector_load %arg13[%parallel_loop3A_921, %parallel_loop3A_922] {strides = array<i32>} : memref<8x1024xf32, #tpu.memory_space<vmem>>, vector<1x16xf32>,
        %parallel_loop3A_924 = vector.shape_cast %parallel_loop3A_923 : vector<1x16xf32> to vector<16xf32>
        %parallel_loop3A_925 = arith.addf %parallel_loop3A_924, %parallel_loop3A_883 : vector<16xf32>
        %parallel_loop3A_926 = arith.constant 2 : i32
        %parallel_loop3A_927 = arith.index_cast %parallel_loop3A_926 : i32 to index
        %parallel_loop3A_928 = arith.index_cast %parallel_loop3A_772 : i32 to index
        %parallel_loop3A_929 = tpu.vector_load %arg13[%parallel_loop3A_927, %parallel_loop3A_928] {strides = array<i32>} : memref<8x1024xf32, #tpu.memory_space<vmem>>, vector<1x16xf32>,
        %parallel_loop3A_930 = vector.shape_cast %parallel_loop3A_929 : vector<1x16xf32> to vector<16xf32>
        %parallel_loop3A_931 = vector.shape_cast %parallel_loop3A_925 : vector<16xf32> to vector<1x16xf32>
        tpu.vector_store %arg13[%parallel_loop3A_927, %parallel_loop3A_928], %parallel_loop3A_931 {strides = array<i32>} : memref<8x1024xf32, #tpu.memory_space<vmem>>, vector<1x16xf32>,
        %parallel_loop3A_932 = arith.constant 3 : i32
        %parallel_loop3A_933 = arith.index_cast %parallel_loop3A_932 : i32 to index
        %parallel_loop3A_934 = arith.index_cast %parallel_loop3A_772 : i32 to index
        %parallel_loop3A_935 = tpu.vector_load %arg19[%parallel_loop3A_933, %parallel_loop3A_934] {strides = array<i32>} : memref<8x1024xf32, #tpu.memory_space<vmem>>, vector<1x16xf32>,
        %parallel_loop3A_936 = vector.shape_cast %parallel_loop3A_935 : vector<1x16xf32> to vector<16xf32>
        %parallel_loop3A_937 = arith.constant 3 : i32
        %parallel_loop3A_938 = arith.index_cast %parallel_loop3A_937 : i32 to index
        %parallel_loop3A_939 = arith.index_cast %parallel_loop3A_772 : i32 to index
        %parallel_loop3A_940 = tpu.vector_load %arg10[%parallel_loop3A_938, %parallel_loop3A_939] {strides = array<i32>} : memref<8x1024xf32, #tpu.memory_space<vmem>>, vector<1x16xf32>,
        %parallel_loop3A_941 = vector.shape_cast %parallel_loop3A_940 : vector<1x16xf32> to vector<16xf32>
        %parallel_loop3A_942 = arith.addf %parallel_loop3A_941, %parallel_loop3A_936 : vector<16xf32>
        %parallel_loop3A_943 = arith.constant 3 : i32
        %parallel_loop3A_944 = arith.index_cast %parallel_loop3A_943 : i32 to index
        %parallel_loop3A_945 = arith.index_cast %parallel_loop3A_772 : i32 to index
        %parallel_loop3A_946 = tpu.vector_load %arg10[%parallel_loop3A_944, %parallel_loop3A_945] {strides = array<i32>} : memref<8x1024xf32, #tpu.memory_space<vmem>>, vector<1x16xf32>,
        %parallel_loop3A_947 = vector.shape_cast %parallel_loop3A_946 : vector<1x16xf32> to vector<16xf32>
        %parallel_loop3A_948 = vector.shape_cast %parallel_loop3A_942 : vector<16xf32> to vector<1x16xf32>
        tpu.vector_store %arg10[%parallel_loop3A_944, %parallel_loop3A_945], %parallel_loop3A_948 {strides = array<i32>} : memref<8x1024xf32, #tpu.memory_space<vmem>>, vector<1x16xf32>,
        %parallel_loop3A_949 = arith.constant 3 : i32
        %parallel_loop3A_950 = arith.index_cast %parallel_loop3A_949 : i32 to index
        %parallel_loop3A_951 = arith.index_cast %parallel_loop3A_772 : i32 to index
        %parallel_loop3A_952 = tpu.vector_load %arg11[%parallel_loop3A_950, %parallel_loop3A_951] {strides = array<i32>} : memref<8x1024xf32, #tpu.memory_space<vmem>>, vector<1x16xf32>,
        %parallel_loop3A_953 = vector.shape_cast %parallel_loop3A_952 : vector<1x16xf32> to vector<16xf32>
        %parallel_loop3A_954 = arith.addf %parallel_loop3A_953, %parallel_loop3A_936 : vector<16xf32>
        %parallel_loop3A_955 = arith.constant 3 : i32
        %parallel_loop3A_956 = arith.index_cast %parallel_loop3A_955 : i32 to index
        %parallel_loop3A_957 = arith.index_cast %parallel_loop3A_772 : i32 to index
        %parallel_loop3A_958 = tpu.vector_load %arg11[%parallel_loop3A_956, %parallel_loop3A_957] {strides = array<i32>} : memref<8x1024xf32, #tpu.memory_space<vmem>>, vector<1x16xf32>,
        %parallel_loop3A_959 = vector.shape_cast %parallel_loop3A_958 : vector<1x16xf32> to vector<16xf32>
        %parallel_loop3A_960 = vector.shape_cast %parallel_loop3A_954 : vector<16xf32> to vector<1x16xf32>
        tpu.vector_store %arg11[%parallel_loop3A_956, %parallel_loop3A_957], %parallel_loop3A_960 {strides = array<i32>} : memref<8x1024xf32, #tpu.memory_space<vmem>>, vector<1x16xf32>,
        %parallel_loop3A_961 = arith.constant 3 : i32
        %parallel_loop3A_962 = arith.index_cast %parallel_loop3A_961 : i32 to index
        %parallel_loop3A_963 = arith.index_cast %parallel_loop3A_772 : i32 to index
        %parallel_loop3A_964 = tpu.vector_load %arg12[%parallel_loop3A_962, %parallel_loop3A_963] {strides = array<i32>} : memref<8x1024xf32, #tpu.memory_space<vmem>>, vector<1x16xf32>,
        %parallel_loop3A_965 = vector.shape_cast %parallel_loop3A_964 : vector<1x16xf32> to vector<16xf32>
        %parallel_loop3A_966 = arith.addf %parallel_loop3A_965, %parallel_loop3A_936 : vector<16xf32>
        %parallel_loop3A_967 = arith.constant 3 : i32
        %parallel_loop3A_968 = arith.index_cast %parallel_loop3A_967 : i32 to index
        %parallel_loop3A_969 = arith.index_cast %parallel_loop3A_772 : i32 to index
        %parallel_loop3A_970 = tpu.vector_load %arg12[%parallel_loop3A_968, %parallel_loop3A_969] {strides = array<i32>} : memref<8x1024xf32, #tpu.memory_space<vmem>>, vector<1x16xf32>,
        %parallel_loop3A_971 = vector.shape_cast %parallel_loop3A_970 : vector<1x16xf32> to vector<16xf32>
        %parallel_loop3A_972 = vector.shape_cast %parallel_loop3A_966 : vector<16xf32> to vector<1x16xf32>
        tpu.vector_store %arg12[%parallel_loop3A_968, %parallel_loop3A_969], %parallel_loop3A_972 {strides = array<i32>} : memref<8x1024xf32, #tpu.memory_space<vmem>>, vector<1x16xf32>,
        %parallel_loop3A_973 = arith.constant 3 : i32
        %parallel_loop3A_974 = arith.index_cast %parallel_loop3A_973 : i32 to index
        %parallel_loop3A_975 = arith.index_cast %parallel_loop3A_772 : i32 to index
        %parallel_loop3A_976 = tpu.vector_load %arg13[%parallel_loop3A_974, %parallel_loop3A_975] {strides = array<i32>} : memref<8x1024xf32, #tpu.memory_space<vmem>>, vector<1x16xf32>,
        %parallel_loop3A_977 = vector.shape_cast %parallel_loop3A_976 : vector<1x16xf32> to vector<16xf32>
        %parallel_loop3A_978 = arith.addf %parallel_loop3A_977, %parallel_loop3A_936 : vector<16xf32>
        %parallel_loop3A_979 = arith.constant 3 : i32
        %parallel_loop3A_980 = arith.index_cast %parallel_loop3A_979 : i32 to index
        %parallel_loop3A_981 = arith.index_cast %parallel_loop3A_772 : i32 to index
        %parallel_loop3A_982 = tpu.vector_load %arg13[%parallel_loop3A_980, %parallel_loop3A_981] {strides = array<i32>} : memref<8x1024xf32, #tpu.memory_space<vmem>>, vector<1x16xf32>,
        %parallel_loop3A_983 = vector.shape_cast %parallel_loop3A_982 : vector<1x16xf32> to vector<16xf32>
        %parallel_loop3A_984 = vector.shape_cast %parallel_loop3A_978 : vector<16xf32> to vector<1x16xf32>
        tpu.vector_store %arg13[%parallel_loop3A_980, %parallel_loop3A_981], %parallel_loop3A_984 {strides = array<i32>} : memref<8x1024xf32, #tpu.memory_space<vmem>>, vector<1x16xf32>,
        %parallel_loop3A_985 = arith.constant 4 : i32
        %parallel_loop3A_986 = arith.index_cast %parallel_loop3A_985 : i32 to index
        %parallel_loop3A_987 = arith.index_cast %parallel_loop3A_772 : i32 to index
        %parallel_loop3A_988 = tpu.vector_load %arg19[%parallel_loop3A_986, %parallel_loop3A_987] {strides = array<i32>} : memref<8x1024xf32, #tpu.memory_space<vmem>>, vector<1x16xf32>,
        %parallel_loop3A_989 = vector.shape_cast %parallel_loop3A_988 : vector<1x16xf32> to vector<16xf32>
        %parallel_loop3A_990 = arith.constant 4 : i32
        %parallel_loop3A_991 = arith.index_cast %parallel_loop3A_990 : i32 to index
        %parallel_loop3A_992 = arith.index_cast %parallel_loop3A_772 : i32 to index
        %parallel_loop3A_993 = tpu.vector_load %arg10[%parallel_loop3A_991, %parallel_loop3A_992] {strides = array<i32>} : memref<8x1024xf32, #tpu.memory_space<vmem>>, vector<1x16xf32>,
        %parallel_loop3A_994 = vector.shape_cast %parallel_loop3A_993 : vector<1x16xf32> to vector<16xf32>
        %parallel_loop3A_995 = arith.addf %parallel_loop3A_994, %parallel_loop3A_989 : vector<16xf32>
        %parallel_loop3A_996 = arith.constant 4 : i32
        %parallel_loop3A_997 = arith.index_cast %parallel_loop3A_996 : i32 to index
        %parallel_loop3A_998 = arith.index_cast %parallel_loop3A_772 : i32 to index
        %parallel_loop3A_999 = tpu.vector_load %arg10[%parallel_loop3A_997, %parallel_loop3A_998] {strides = array<i32>} : memref<8x1024xf32, #tpu.memory_space<vmem>>, vector<1x16xf32>,
        %parallel_loop3A_1000 = vector.shape_cast %parallel_loop3A_999 : vector<1x16xf32> to vector<16xf32>
        %parallel_loop3A_1001 = vector.shape_cast %parallel_loop3A_995 : vector<16xf32> to vector<1x16xf32>
        tpu.vector_store %arg10[%parallel_loop3A_997, %parallel_loop3A_998], %parallel_loop3A_1001 {strides = array<i32>} : memref<8x1024xf32, #tpu.memory_space<vmem>>, vector<1x16xf32>,
        %parallel_loop3A_1002 = arith.constant 4 : i32
        %parallel_loop3A_1003 = arith.index_cast %parallel_loop3A_1002 : i32 to index
        %parallel_loop3A_1004 = arith.index_cast %parallel_loop3A_772 : i32 to index
        %parallel_loop3A_1005 = tpu.vector_load %arg11[%parallel_loop3A_1003, %parallel_loop3A_1004] {strides = array<i32>} : memref<8x1024xf32, #tpu.memory_space<vmem>>, vector<1x16xf32>,
        %parallel_loop3A_1006 = vector.shape_cast %parallel_loop3A_1005 : vector<1x16xf32> to vector<16xf32>
        %parallel_loop3A_1007 = arith.addf %parallel_loop3A_1006, %parallel_loop3A_989 : vector<16xf32>
        %parallel_loop3A_1008 = arith.constant 4 : i32
        %parallel_loop3A_1009 = arith.index_cast %parallel_loop3A_1008 : i32 to index
        %parallel_loop3A_1010 = arith.index_cast %parallel_loop3A_772 : i32 to index
        %parallel_loop3A_1011 = tpu.vector_load %arg11[%parallel_loop3A_1009, %parallel_loop3A_1010] {strides = array<i32>} : memref<8x1024xf32, #tpu.memory_space<vmem>>, vector<1x16xf32>,
        %parallel_loop3A_1012 = vector.shape_cast %parallel_loop3A_1011 : vector<1x16xf32> to vector<16xf32>
        %parallel_loop3A_1013 = vector.shape_cast %parallel_loop3A_1007 : vector<16xf32> to vector<1x16xf32>
        tpu.vector_store %arg11[%parallel_loop3A_1009, %parallel_loop3A_1010], %parallel_loop3A_1013 {strides = array<i32>} : memref<8x1024xf32, #tpu.memory_space<vmem>>, vector<1x16xf32>,
        %parallel_loop3A_1014 = arith.constant 4 : i32
        %parallel_loop3A_1015 = arith.index_cast %parallel_loop3A_1014 : i32 to index
        %parallel_loop3A_1016 = arith.index_cast %parallel_loop3A_772 : i32 to index
        %parallel_loop3A_1017 = tpu.vector_load %arg12[%parallel_loop3A_1015, %parallel_loop3A_1016] {strides = array<i32>} : memref<8x1024xf32, #tpu.memory_space<vmem>>, vector<1x16xf32>,
        %parallel_loop3A_1018 = vector.shape_cast %parallel_loop3A_1017 : vector<1x16xf32> to vector<16xf32>
        %parallel_loop3A_1019 = arith.addf %parallel_loop3A_1018, %parallel_loop3A_989 : vector<16xf32>
        %parallel_loop3A_1020 = arith.constant 4 : i32
        %parallel_loop3A_1021 = arith.index_cast %parallel_loop3A_1020 : i32 to index
        %parallel_loop3A_1022 = arith.index_cast %parallel_loop3A_772 : i32 to index
        %parallel_loop3A_1023 = tpu.vector_load %arg12[%parallel_loop3A_1021, %parallel_loop3A_1022] {strides = array<i32>} : memref<8x1024xf32, #tpu.memory_space<vmem>>, vector<1x16xf32>,
        %parallel_loop3A_1024 = vector.shape_cast %parallel_loop3A_1023 : vector<1x16xf32> to vector<16xf32>
        %parallel_loop3A_1025 = vector.shape_cast %parallel_loop3A_1019 : vector<16xf32> to vector<1x16xf32>
        tpu.vector_store %arg12[%parallel_loop3A_1021, %parallel_loop3A_1022], %parallel_loop3A_1025 {strides = array<i32>} : memref<8x1024xf32, #tpu.memory_space<vmem>>, vector<1x16xf32>,
        %parallel_loop3A_1026 = arith.constant 4 : i32
        %parallel_loop3A_1027 = arith.index_cast %parallel_loop3A_1026 : i32 to index
        %parallel_loop3A_1028 = arith.index_cast %parallel_loop3A_772 : i32 to index
        %parallel_loop3A_1029 = tpu.vector_load %arg13[%parallel_loop3A_1027, %parallel_loop3A_1028] {strides = array<i32>} : memref<8x1024xf32, #tpu.memory_space<vmem>>, vector<1x16xf32>,
        %parallel_loop3A_1030 = vector.shape_cast %parallel_loop3A_1029 : vector<1x16xf32> to vector<16xf32>
        %parallel_loop3A_1031 = arith.addf %parallel_loop3A_1030, %parallel_loop3A_989 : vector<16xf32>
        %parallel_loop3A_1032 = arith.constant 4 : i32
        %parallel_loop3A_1033 = arith.index_cast %parallel_loop3A_1032 : i32 to index
        %parallel_loop3A_1034 = arith.index_cast %parallel_loop3A_772 : i32 to index
        %parallel_loop3A_1035 = tpu.vector_load %arg13[%parallel_loop3A_1033, %parallel_loop3A_1034] {strides = array<i32>} : memref<8x1024xf32, #tpu.memory_space<vmem>>, vector<1x16xf32>,
        %parallel_loop3A_1036 = vector.shape_cast %parallel_loop3A_1035 : vector<1x16xf32> to vector<16xf32>
        %parallel_loop3A_1037 = vector.shape_cast %parallel_loop3A_1031 : vector<16xf32> to vector<1x16xf32>
        tpu.vector_store %arg13[%parallel_loop3A_1033, %parallel_loop3A_1034], %parallel_loop3A_1037 {strides = array<i32>} : memref<8x1024xf32, #tpu.memory_space<vmem>>, vector<1x16xf32>,
        %parallel_loop3A_1038 = arith.constant 5 : i32
        %parallel_loop3A_1039 = arith.index_cast %parallel_loop3A_1038 : i32 to index
        %parallel_loop3A_1040 = arith.index_cast %parallel_loop3A_772 : i32 to index
        %parallel_loop3A_1041 = tpu.vector_load %arg19[%parallel_loop3A_1039, %parallel_loop3A_1040] {strides = array<i32>} : memref<8x1024xf32, #tpu.memory_space<vmem>>, vector<1x16xf32>,
        %parallel_loop3A_1042 = vector.shape_cast %parallel_loop3A_1041 : vector<1x16xf32> to vector<16xf32>
        %parallel_loop3A_1043 = arith.constant 5 : i32
        %parallel_loop3A_1044 = arith.index_cast %parallel_loop3A_1043 : i32 to index
        %parallel_loop3A_1045 = arith.index_cast %parallel_loop3A_772 : i32 to index
        %parallel_loop3A_1046 = tpu.vector_load %arg10[%parallel_loop3A_1044, %parallel_loop3A_1045] {strides = array<i32>} : memref<8x1024xf32, #tpu.memory_space<vmem>>, vector<1x16xf32>,
        %parallel_loop3A_1047 = vector.shape_cast %parallel_loop3A_1046 : vector<1x16xf32> to vector<16xf32>
        %parallel_loop3A_1048 = arith.addf %parallel_loop3A_1047, %parallel_loop3A_1042 : vector<16xf32>
        %parallel_loop3A_1049 = arith.constant 5 : i32
        %parallel_loop3A_1050 = arith.index_cast %parallel_loop3A_1049 : i32 to index
        %parallel_loop3A_1051 = arith.index_cast %parallel_loop3A_772 : i32 to index
        %parallel_loop3A_1052 = tpu.vector_load %arg10[%parallel_loop3A_1050, %parallel_loop3A_1051] {strides = array<i32>} : memref<8x1024xf32, #tpu.memory_space<vmem>>, vector<1x16xf32>,
        %parallel_loop3A_1053 = vector.shape_cast %parallel_loop3A_1052 : vector<1x16xf32> to vector<16xf32>
        %parallel_loop3A_1054 = vector.shape_cast %parallel_loop3A_1048 : vector<16xf32> to vector<1x16xf32>
        tpu.vector_store %arg10[%parallel_loop3A_1050, %parallel_loop3A_1051], %parallel_loop3A_1054 {strides = array<i32>} : memref<8x1024xf32, #tpu.memory_space<vmem>>, vector<1x16xf32>,
        %parallel_loop3A_1055 = arith.constant 5 : i32
        %parallel_loop3A_1056 = arith.index_cast %parallel_loop3A_1055 : i32 to index
        %parallel_loop3A_1057 = arith.index_cast %parallel_loop3A_772 : i32 to index
        %parallel_loop3A_1058 = tpu.vector_load %arg11[%parallel_loop3A_1056, %parallel_loop3A_1057] {strides = array<i32>} : memref<8x1024xf32, #tpu.memory_space<vmem>>, vector<1x16xf32>,
        %parallel_loop3A_1059 = vector.shape_cast %parallel_loop3A_1058 : vector<1x16xf32> to vector<16xf32>
        %parallel_loop3A_1060 = arith.addf %parallel_loop3A_1059, %parallel_loop3A_1042 : vector<16xf32>
        %parallel_loop3A_1061 = arith.constant 5 : i32
        %parallel_loop3A_1062 = arith.index_cast %parallel_loop3A_1061 : i32 to index
        %parallel_loop3A_1063 = arith.index_cast %parallel_loop3A_772 : i32 to index
        %parallel_loop3A_1064 = tpu.vector_load %arg11[%parallel_loop3A_1062, %parallel_loop3A_1063] {strides = array<i32>} : memref<8x1024xf32, #tpu.memory_space<vmem>>, vector<1x16xf32>,
        %parallel_loop3A_1065 = vector.shape_cast %parallel_loop3A_1064 : vector<1x16xf32> to vector<16xf32>
        %parallel_loop3A_1066 = vector.shape_cast %parallel_loop3A_1060 : vector<16xf32> to vector<1x16xf32>
        tpu.vector_store %arg11[%parallel_loop3A_1062, %parallel_loop3A_1063], %parallel_loop3A_1066 {strides = array<i32>} : memref<8x1024xf32, #tpu.memory_space<vmem>>, vector<1x16xf32>,
        %parallel_loop3A_1067 = arith.constant 5 : i32
        %parallel_loop3A_1068 = arith.index_cast %parallel_loop3A_1067 : i32 to index
        %parallel_loop3A_1069 = arith.index_cast %parallel_loop3A_772 : i32 to index
        %parallel_loop3A_1070 = tpu.vector_load %arg12[%parallel_loop3A_1068, %parallel_loop3A_1069] {strides = array<i32>} : memref<8x1024xf32, #tpu.memory_space<vmem>>, vector<1x16xf32>,
        %parallel_loop3A_1071 = vector.shape_cast %parallel_loop3A_1070 : vector<1x16xf32> to vector<16xf32>
        %parallel_loop3A_1072 = arith.addf %parallel_loop3A_1071, %parallel_loop3A_1042 : vector<16xf32>
        %parallel_loop3A_1073 = arith.constant 5 : i32
        %parallel_loop3A_1074 = arith.index_cast %parallel_loop3A_1073 : i32 to index
        %parallel_loop3A_1075 = arith.index_cast %parallel_loop3A_772 : i32 to index
        %parallel_loop3A_1076 = tpu.vector_load %arg12[%parallel_loop3A_1074, %parallel_loop3A_1075] {strides = array<i32>} : memref<8x1024xf32, #tpu.memory_space<vmem>>, vector<1x16xf32>,
        %parallel_loop3A_1077 = vector.shape_cast %parallel_loop3A_1076 : vector<1x16xf32> to vector<16xf32>
        %parallel_loop3A_1078 = vector.shape_cast %parallel_loop3A_1072 : vector<16xf32> to vector<1x16xf32>
        tpu.vector_store %arg12[%parallel_loop3A_1074, %parallel_loop3A_1075], %parallel_loop3A_1078 {strides = array<i32>} : memref<8x1024xf32, #tpu.memory_space<vmem>>, vector<1x16xf32>,
        %parallel_loop3A_1079 = arith.constant 5 : i32
        %parallel_loop3A_1080 = arith.index_cast %parallel_loop3A_1079 : i32 to index
        %parallel_loop3A_1081 = arith.index_cast %parallel_loop3A_772 : i32 to index
        %parallel_loop3A_1082 = tpu.vector_load %arg13[%parallel_loop3A_1080, %parallel_loop3A_1081] {strides = array<i32>} : memref<8x1024xf32, #tpu.memory_space<vmem>>, vector<1x16xf32>,
        %parallel_loop3A_1083 = vector.shape_cast %parallel_loop3A_1082 : vector<1x16xf32> to vector<16xf32>
        %parallel_loop3A_1084 = arith.addf %parallel_loop3A_1083, %parallel_loop3A_1042 : vector<16xf32>
        %parallel_loop3A_1085 = arith.constant 5 : i32
        %parallel_loop3A_1086 = arith.index_cast %parallel_loop3A_1085 : i32 to index
        %parallel_loop3A_1087 = arith.index_cast %parallel_loop3A_772 : i32 to index
        %parallel_loop3A_1088 = tpu.vector_load %arg13[%parallel_loop3A_1086, %parallel_loop3A_1087] {strides = array<i32>} : memref<8x1024xf32, #tpu.memory_space<vmem>>, vector<1x16xf32>,
        %parallel_loop3A_1089 = vector.shape_cast %parallel_loop3A_1088 : vector<1x16xf32> to vector<16xf32>
        %parallel_loop3A_1090 = vector.shape_cast %parallel_loop3A_1084 : vector<16xf32> to vector<1x16xf32>
        tpu.vector_store %arg13[%parallel_loop3A_1086, %parallel_loop3A_1087], %parallel_loop3A_1090 {strides = array<i32>} : memref<8x1024xf32, #tpu.memory_space<vmem>>, vector<1x16xf32>,
        %parallel_loop3A_1091 = arith.constant 6 : i32
        %parallel_loop3A_1092 = arith.index_cast %parallel_loop3A_1091 : i32 to index
        %parallel_loop3A_1093 = arith.index_cast %parallel_loop3A_772 : i32 to index
        %parallel_loop3A_1094 = tpu.vector_load %arg19[%parallel_loop3A_1092, %parallel_loop3A_1093] {strides = array<i32>} : memref<8x1024xf32, #tpu.memory_space<vmem>>, vector<1x16xf32>,
        %parallel_loop3A_1095 = vector.shape_cast %parallel_loop3A_1094 : vector<1x16xf32> to vector<16xf32>
        %parallel_loop3A_1096 = arith.constant 6 : i32
        %parallel_loop3A_1097 = arith.index_cast %parallel_loop3A_1096 : i32 to index
        %parallel_loop3A_1098 = arith.index_cast %parallel_loop3A_772 : i32 to index
        %parallel_loop3A_1099 = tpu.vector_load %arg10[%parallel_loop3A_1097, %parallel_loop3A_1098] {strides = array<i32>} : memref<8x1024xf32, #tpu.memory_space<vmem>>, vector<1x16xf32>,
        %parallel_loop3A_1100 = vector.shape_cast %parallel_loop3A_1099 : vector<1x16xf32> to vector<16xf32>
        %parallel_loop3A_1101 = arith.addf %parallel_loop3A_1100, %parallel_loop3A_1095 : vector<16xf32>
        %parallel_loop3A_1102 = arith.constant 6 : i32
        %parallel_loop3A_1103 = arith.index_cast %parallel_loop3A_1102 : i32 to index
        %parallel_loop3A_1104 = arith.index_cast %parallel_loop3A_772 : i32 to index
        %parallel_loop3A_1105 = tpu.vector_load %arg10[%parallel_loop3A_1103, %parallel_loop3A_1104] {strides = array<i32>} : memref<8x1024xf32, #tpu.memory_space<vmem>>, vector<1x16xf32>,
        %parallel_loop3A_1106 = vector.shape_cast %parallel_loop3A_1105 : vector<1x16xf32> to vector<16xf32>
        %parallel_loop3A_1107 = vector.shape_cast %parallel_loop3A_1101 : vector<16xf32> to vector<1x16xf32>
        tpu.vector_store %arg10[%parallel_loop3A_1103, %parallel_loop3A_1104], %parallel_loop3A_1107 {strides = array<i32>} : memref<8x1024xf32, #tpu.memory_space<vmem>>, vector<1x16xf32>,
        %parallel_loop3A_1108 = arith.constant 6 : i32
        %parallel_loop3A_1109 = arith.index_cast %parallel_loop3A_1108 : i32 to index
        %parallel_loop3A_1110 = arith.index_cast %parallel_loop3A_772 : i32 to index
        %parallel_loop3A_1111 = tpu.vector_load %arg11[%parallel_loop3A_1109, %parallel_loop3A_1110] {strides = array<i32>} : memref<8x1024xf32, #tpu.memory_space<vmem>>, vector<1x16xf32>,
        %parallel_loop3A_1112 = vector.shape_cast %parallel_loop3A_1111 : vector<1x16xf32> to vector<16xf32>
        %parallel_loop3A_1113 = arith.addf %parallel_loop3A_1112, %parallel_loop3A_1095 : vector<16xf32>
        %parallel_loop3A_1114 = arith.constant 6 : i32
        %parallel_loop3A_1115 = arith.index_cast %parallel_loop3A_1114 : i32 to index
        %parallel_loop3A_1116 = arith.index_cast %parallel_loop3A_772 : i32 to index
        %parallel_loop3A_1117 = tpu.vector_load %arg11[%parallel_loop3A_1115, %parallel_loop3A_1116] {strides = array<i32>} : memref<8x1024xf32, #tpu.memory_space<vmem>>, vector<1x16xf32>,
        %parallel_loop3A_1118 = vector.shape_cast %parallel_loop3A_1117 : vector<1x16xf32> to vector<16xf32>
        %parallel_loop3A_1119 = vector.shape_cast %parallel_loop3A_1113 : vector<16xf32> to vector<1x16xf32>
        tpu.vector_store %arg11[%parallel_loop3A_1115, %parallel_loop3A_1116], %parallel_loop3A_1119 {strides = array<i32>} : memref<8x1024xf32, #tpu.memory_space<vmem>>, vector<1x16xf32>,
        %parallel_loop3A_1120 = arith.constant 6 : i32
        %parallel_loop3A_1121 = arith.index_cast %parallel_loop3A_1120 : i32 to index
        %parallel_loop3A_1122 = arith.index_cast %parallel_loop3A_772 : i32 to index
        %parallel_loop3A_1123 = tpu.vector_load %arg12[%parallel_loop3A_1121, %parallel_loop3A_1122] {strides = array<i32>} : memref<8x1024xf32, #tpu.memory_space<vmem>>, vector<1x16xf32>,
        %parallel_loop3A_1124 = vector.shape_cast %parallel_loop3A_1123 : vector<1x16xf32> to vector<16xf32>
        %parallel_loop3A_1125 = arith.addf %parallel_loop3A_1124, %parallel_loop3A_1095 : vector<16xf32>
        %parallel_loop3A_1126 = arith.constant 6 : i32
        %parallel_loop3A_1127 = arith.index_cast %parallel_loop3A_1126 : i32 to index
        %parallel_loop3A_1128 = arith.index_cast %parallel_loop3A_772 : i32 to index
        %parallel_loop3A_1129 = tpu.vector_load %arg12[%parallel_loop3A_1127, %parallel_loop3A_1128] {strides = array<i32>} : memref<8x1024xf32, #tpu.memory_space<vmem>>, vector<1x16xf32>,
        %parallel_loop3A_1130 = vector.shape_cast %parallel_loop3A_1129 : vector<1x16xf32> to vector<16xf32>
        %parallel_loop3A_1131 = vector.shape_cast %parallel_loop3A_1125 : vector<16xf32> to vector<1x16xf32>
        tpu.vector_store %arg12[%parallel_loop3A_1127, %parallel_loop3A_1128], %parallel_loop3A_1131 {strides = array<i32>} : memref<8x1024xf32, #tpu.memory_space<vmem>>, vector<1x16xf32>,
        %parallel_loop3A_1132 = arith.constant 6 : i32
        %parallel_loop3A_1133 = arith.index_cast %parallel_loop3A_1132 : i32 to index
        %parallel_loop3A_1134 = arith.index_cast %parallel_loop3A_772 : i32 to index
        %parallel_loop3A_1135 = tpu.vector_load %arg13[%parallel_loop3A_1133, %parallel_loop3A_1134] {strides = array<i32>} : memref<8x1024xf32, #tpu.memory_space<vmem>>, vector<1x16xf32>,
        %parallel_loop3A_1136 = vector.shape_cast %parallel_loop3A_1135 : vector<1x16xf32> to vector<16xf32>
        %parallel_loop3A_1137 = arith.addf %parallel_loop3A_1136, %parallel_loop3A_1095 : vector<16xf32>
        %parallel_loop3A_1138 = arith.constant 6 : i32
        %parallel_loop3A_1139 = arith.index_cast %parallel_loop3A_1138 : i32 to index
        %parallel_loop3A_1140 = arith.index_cast %parallel_loop3A_772 : i32 to index
        %parallel_loop3A_1141 = tpu.vector_load %arg13[%parallel_loop3A_1139, %parallel_loop3A_1140] {strides = array<i32>} : memref<8x1024xf32, #tpu.memory_space<vmem>>, vector<1x16xf32>,
        %parallel_loop3A_1142 = vector.shape_cast %parallel_loop3A_1141 : vector<1x16xf32> to vector<16xf32>
        %parallel_loop3A_1143 = vector.shape_cast %parallel_loop3A_1137 : vector<16xf32> to vector<1x16xf32>
        tpu.vector_store %arg13[%parallel_loop3A_1139, %parallel_loop3A_1140], %parallel_loop3A_1143 {strides = array<i32>} : memref<8x1024xf32, #tpu.memory_space<vmem>>, vector<1x16xf32>,
        %parallel_loop3A_1144 = arith.constant 7 : i32
        %parallel_loop3A_1145 = arith.index_cast %parallel_loop3A_1144 : i32 to index
        %parallel_loop3A_1146 = arith.index_cast %parallel_loop3A_772 : i32 to index
        %parallel_loop3A_1147 = tpu.vector_load %arg19[%parallel_loop3A_1145, %parallel_loop3A_1146] {strides = array<i32>} : memref<8x1024xf32, #tpu.memory_space<vmem>>, vector<1x16xf32>,
        %parallel_loop3A_1148 = vector.shape_cast %parallel_loop3A_1147 : vector<1x16xf32> to vector<16xf32>
        %parallel_loop3A_1149 = arith.constant 7 : i32
        %parallel_loop3A_1150 = arith.index_cast %parallel_loop3A_1149 : i32 to index
        %parallel_loop3A_1151 = arith.index_cast %parallel_loop3A_772 : i32 to index
        %parallel_loop3A_1152 = tpu.vector_load %arg10[%parallel_loop3A_1150, %parallel_loop3A_1151] {strides = array<i32>} : memref<8x1024xf32, #tpu.memory_space<vmem>>, vector<1x16xf32>,
        %parallel_loop3A_1153 = vector.shape_cast %parallel_loop3A_1152 : vector<1x16xf32> to vector<16xf32>
        %parallel_loop3A_1154 = arith.addf %parallel_loop3A_1153, %parallel_loop3A_1148 : vector<16xf32>
        %parallel_loop3A_1155 = arith.constant 7 : i32
        %parallel_loop3A_1156 = arith.index_cast %parallel_loop3A_1155 : i32 to index
        %parallel_loop3A_1157 = arith.index_cast %parallel_loop3A_772 : i32 to index
        %parallel_loop3A_1158 = tpu.vector_load %arg10[%parallel_loop3A_1156, %parallel_loop3A_1157] {strides = array<i32>} : memref<8x1024xf32, #tpu.memory_space<vmem>>, vector<1x16xf32>,
        %parallel_loop3A_1159 = vector.shape_cast %parallel_loop3A_1158 : vector<1x16xf32> to vector<16xf32>
        %parallel_loop3A_1160 = vector.shape_cast %parallel_loop3A_1154 : vector<16xf32> to vector<1x16xf32>
        tpu.vector_store %arg10[%parallel_loop3A_1156, %parallel_loop3A_1157], %parallel_loop3A_1160 {strides = array<i32>} : memref<8x1024xf32, #tpu.memory_space<vmem>>, vector<1x16xf32>,
        %parallel_loop3A_1161 = arith.constant 7 : i32
        %parallel_loop3A_1162 = arith.index_cast %parallel_loop3A_1161 : i32 to index
        %parallel_loop3A_1163 = arith.index_cast %parallel_loop3A_772 : i32 to index
        %parallel_loop3A_1164 = tpu.vector_load %arg11[%parallel_loop3A_1162, %parallel_loop3A_1163] {strides = array<i32>} : memref<8x1024xf32, #tpu.memory_space<vmem>>, vector<1x16xf32>,
        %parallel_loop3A_1165 = vector.shape_cast %parallel_loop3A_1164 : vector<1x16xf32> to vector<16xf32>
        %parallel_loop3A_1166 = arith.addf %parallel_loop3A_1165, %parallel_loop3A_1148 : vector<16xf32>
        %parallel_loop3A_1167 = arith.constant 7 : i32
        %parallel_loop3A_1168 = arith.index_cast %parallel_loop3A_1167 : i32 to index
        %parallel_loop3A_1169 = arith.index_cast %parallel_loop3A_772 : i32 to index
        %parallel_loop3A_1170 = tpu.vector_load %arg11[%parallel_loop3A_1168, %parallel_loop3A_1169] {strides = array<i32>} : memref<8x1024xf32, #tpu.memory_space<vmem>>, vector<1x16xf32>,
        %parallel_loop3A_1171 = vector.shape_cast %parallel_loop3A_1170 : vector<1x16xf32> to vector<16xf32>
        %parallel_loop3A_1172 = vector.shape_cast %parallel_loop3A_1166 : vector<16xf32> to vector<1x16xf32>
        tpu.vector_store %arg11[%parallel_loop3A_1168, %parallel_loop3A_1169], %parallel_loop3A_1172 {strides = array<i32>} : memref<8x1024xf32, #tpu.memory_space<vmem>>, vector<1x16xf32>,
        %parallel_loop3A_1173 = arith.constant 7 : i32
        %parallel_loop3A_1174 = arith.index_cast %parallel_loop3A_1173 : i32 to index
        %parallel_loop3A_1175 = arith.index_cast %parallel_loop3A_772 : i32 to index
        %parallel_loop3A_1176 = tpu.vector_load %arg12[%parallel_loop3A_1174, %parallel_loop3A_1175] {strides = array<i32>} : memref<8x1024xf32, #tpu.memory_space<vmem>>, vector<1x16xf32>,
        %parallel_loop3A_1177 = vector.shape_cast %parallel_loop3A_1176 : vector<1x16xf32> to vector<16xf32>
        %parallel_loop3A_1178 = arith.addf %parallel_loop3A_1177, %parallel_loop3A_1148 : vector<16xf32>
        %parallel_loop3A_1179 = arith.constant 7 : i32
        %parallel_loop3A_1180 = arith.index_cast %parallel_loop3A_1179 : i32 to index
        %parallel_loop3A_1181 = arith.index_cast %parallel_loop3A_772 : i32 to index
        %parallel_loop3A_1182 = tpu.vector_load %arg12[%parallel_loop3A_1180, %parallel_loop3A_1181] {strides = array<i32>} : memref<8x1024xf32, #tpu.memory_space<vmem>>, vector<1x16xf32>,
        %parallel_loop3A_1183 = vector.shape_cast %parallel_loop3A_1182 : vector<1x16xf32> to vector<16xf32>
        %parallel_loop3A_1184 = vector.shape_cast %parallel_loop3A_1178 : vector<16xf32> to vector<1x16xf32>
        tpu.vector_store %arg12[%parallel_loop3A_1180, %parallel_loop3A_1181], %parallel_loop3A_1184 {strides = array<i32>} : memref<8x1024xf32, #tpu.memory_space<vmem>>, vector<1x16xf32>,
        %parallel_loop3A_1185 = arith.constant 7 : i32
        %parallel_loop3A_1186 = arith.index_cast %parallel_loop3A_1185 : i32 to index
        %parallel_loop3A_1187 = arith.index_cast %parallel_loop3A_772 : i32 to index
        %parallel_loop3A_1188 = tpu.vector_load %arg13[%parallel_loop3A_1186, %parallel_loop3A_1187] {strides = array<i32>} : memref<8x1024xf32, #tpu.memory_space<vmem>>, vector<1x16xf32>,
        %parallel_loop3A_1189 = vector.shape_cast %parallel_loop3A_1188 : vector<1x16xf32> to vector<16xf32>
        %parallel_loop3A_1190 = arith.addf %parallel_loop3A_1189, %parallel_loop3A_1148 : vector<16xf32>
        %parallel_loop3A_1191 = arith.constant 7 : i32
        %parallel_loop3A_1192 = arith.index_cast %parallel_loop3A_1191 : i32 to index
        %parallel_loop3A_1193 = arith.index_cast %parallel_loop3A_772 : i32 to index
        %parallel_loop3A_1194 = tpu.vector_load %arg13[%parallel_loop3A_1192, %parallel_loop3A_1193] {strides = array<i32>} : memref<8x1024xf32, #tpu.memory_space<vmem>>, vector<1x16xf32>,
        %parallel_loop3A_1195 = vector.shape_cast %parallel_loop3A_1194 : vector<1x16xf32> to vector<16xf32>
        %parallel_loop3A_1196 = vector.shape_cast %parallel_loop3A_1190 : vector<16xf32> to vector<1x16xf32>
        tpu.vector_store %arg13[%parallel_loop3A_1192, %parallel_loop3A_1193], %parallel_loop3A_1196 {strides = array<i32>} : memref<8x1024xf32, #tpu.memory_space<vmem>>, vector<1x16xf32>,
      } {sc.loop_unroll_factor = 2 : i64, sc.parallel_access}
      %mul3A_591 = arith.constant 8 : i32
      %mul3A_592 = arith.muli %add3A_493, %mul3A_591 : i32
      %add3A_593 = arith.addi %mul3A_2, %mul3A_592 : i32
      %dma_start3A_594 = arith.constant 0 : i32
      %dma_start3A_595 = arith.constant 0 : i32
      %dma_start3A_596 = tpu.memref_slice %arg5[%dma_start3A_594, %add3A_593, %dma_start3A_595] : memref<4x8192x1024xf32, #tpu.memory_space<hbm>> -> memref<1x8x1024xf32, #tpu.memory_space<hbm>>
      %dma_start3A_597 = tpu.memref_squeeze %dma_start3A_596 : memref<1x8x1024xf32, #tpu.memory_space<hbm>> -> memref<8x1024xf32, #tpu.memory_space<hbm>>
      %dma_start3A_598 = arith.constant 0 : i32
      %dma_start3A_599 = tpu.memref_slice %arg5[%dma_start3A_594, %add3A_593, %dma_start3A_598] : memref<4x8192x1024xf32, #tpu.memory_space<hbm>> -> memref<1x8x1024xf32, #tpu.memory_space<hbm>>
      %dma_start3A_600 = tpu.memref_squeeze %dma_start3A_599 : memref<1x8x1024xf32, #tpu.memory_space<hbm>> -> memref<8x1024xf32, #tpu.memory_space<hbm>>
      tpu.enqueue_dma source(%arg10 : memref<8x1024xf32, #tpu.memory_space<vmem>>) target(%dma_start3A_600 : memref<8x1024xf32, #tpu.memory_space<hbm>>) target_semaphore(%arg38 : memref<!tpu.dma_semaphore, #tpu.memory_space<semaphore_mem>>)
      %mul3A_601 = arith.constant 8 : i32
      %mul3A_602 = arith.muli %add3A_493, %mul3A_601 : i32
      %add3A_603 = arith.addi %mul3A_2, %mul3A_602 : i32
      %dma_start3A_604 = arith.constant 1 : i32
      %dma_start3A_605 = arith.constant 0 : i32
      %dma_start3A_606 = tpu.memref_slice %arg5[%dma_start3A_604, %add3A_603, %dma_start3A_605] : memref<4x8192x1024xf32, #tpu.memory_space<hbm>> -> memref<1x8x1024xf32, #tpu.memory_space<hbm>>
      %dma_start3A_607 = tpu.memref_squeeze %dma_start3A_606 : memref<1x8x1024xf32, #tpu.memory_space<hbm>> -> memref<8x1024xf32, #tpu.memory_space<hbm>>
      %dma_start3A_608 = arith.constant 0 : i32
      %dma_start3A_609 = tpu.memref_slice %arg5[%dma_start3A_604, %add3A_603, %dma_start3A_608] : memref<4x8192x1024xf32, #tpu.memory_space<hbm>> -> memref<1x8x1024xf32, #tpu.memory_space<hbm>>
      %dma_start3A_610 = tpu.memref_squeeze %dma_start3A_609 : memref<1x8x1024xf32, #tpu.memory_space<hbm>> -> memref<8x1024xf32, #tpu.memory_space<hbm>>
      tpu.enqueue_dma source(%arg11 : memref<8x1024xf32, #tpu.memory_space<vmem>>) target(%dma_start3A_610 : memref<8x1024xf32, #tpu.memory_space<hbm>>) target_semaphore(%arg39 : memref<!tpu.dma_semaphore, #tpu.memory_space<semaphore_mem>>)
      %mul3A_611 = arith.constant 8 : i32
      %mul3A_612 = arith.muli %add3A_493, %mul3A_611 : i32
      %add3A_613 = arith.addi %mul3A_2, %mul3A_612 : i32
      %dma_start3A_614 = arith.constant 2 : i32
      %dma_start3A_615 = arith.constant 0 : i32
      %dma_start3A_616 = tpu.memref_slice %arg5[%dma_start3A_614, %add3A_613, %dma_start3A_615] : memref<4x8192x1024xf32, #tpu.memory_space<hbm>> -> memref<1x8x1024xf32, #tpu.memory_space<hbm>>
      %dma_start3A_617 = tpu.memref_squeeze %dma_start3A_616 : memref<1x8x1024xf32, #tpu.memory_space<hbm>> -> memref<8x1024xf32, #tpu.memory_space<hbm>>
      %dma_start3A_618 = arith.constant 0 : i32
      %dma_start3A_619 = tpu.memref_slice %arg5[%dma_start3A_614, %add3A_613, %dma_start3A_618] : memref<4x8192x1024xf32, #tpu.memory_space<hbm>> -> memref<1x8x1024xf32, #tpu.memory_space<hbm>>
      %dma_start3A_620 = tpu.memref_squeeze %dma_start3A_619 : memref<1x8x1024xf32, #tpu.memory_space<hbm>> -> memref<8x1024xf32, #tpu.memory_space<hbm>>
      tpu.enqueue_dma source(%arg12 : memref<8x1024xf32, #tpu.memory_space<vmem>>) target(%dma_start3A_620 : memref<8x1024xf32, #tpu.memory_space<hbm>>) target_semaphore(%arg40 : memref<!tpu.dma_semaphore, #tpu.memory_space<semaphore_mem>>)
      %mul3A_621 = arith.constant 8 : i32
      %mul3A_622 = arith.muli %add3A_493, %mul3A_621 : i32
      %add3A_623 = arith.addi %mul3A_2, %mul3A_622 : i32
      %dma_start3A_624 = arith.constant 3 : i32
      %dma_start3A_625 = arith.constant 0 : i32
      %dma_start3A_626 = tpu.memref_slice %arg5[%dma_start3A_624, %add3A_623, %dma_start3A_625] : memref<4x8192x1024xf32, #tpu.memory_space<hbm>> -> memref<1x8x1024xf32, #tpu.memory_space<hbm>>
      %dma_start3A_627 = tpu.memref_squeeze %dma_start3A_626 : memref<1x8x1024xf32, #tpu.memory_space<hbm>> -> memref<8x1024xf32, #tpu.memory_space<hbm>>
      %dma_start3A_628 = arith.constant 0 : i32
      %dma_start3A_629 = tpu.memref_slice %arg5[%dma_start3A_624, %add3A_623, %dma_start3A_628] : memref<4x8192x1024xf32, #tpu.memory_space<hbm>> -> memref<1x8x1024xf32, #tpu.memory_space<hbm>>
      %dma_start3A_630 = tpu.memref_squeeze %dma_start3A_629 : memref<1x8x1024xf32, #tpu.memory_space<hbm>> -> memref<8x1024xf32, #tpu.memory_space<hbm>>
      tpu.enqueue_dma source(%arg13 : memref<8x1024xf32, #tpu.memory_space<vmem>>) target(%dma_start3A_630 : memref<8x1024xf32, #tpu.memory_space<hbm>>) target_semaphore(%arg41 : memref<!tpu.dma_semaphore, #tpu.memory_space<semaphore_mem>>)
      %add3A_631 = arith.constant 2 : i32
      %add3A_632 = arith.addi %mul3A_357, %add3A_631 : i32
      %dma_wait3A_633 = arith.constant 0 : i32
      %dma_wait3A_634 = tpu.memref_slice %arg21[%dma_wait3A_633] : memref<256xi32, #tpu.memory_space<vmem>> -> memref<8xi32, #tpu.memory_space<vmem>>
      %dma_wait3A_635 = arith.constant 0 : i32
      %dma_wait3A_636 = arith.constant 0 : i32
      %dma_wait3A_637 = tpu.memref_slice %arg3[%dma_wait3A_635, %dma_wait3A_636] : memref<8192x1024xf32, #tpu.memory_space<hbm>> -> memref<8192x1024xf32, #tpu.memory_space<hbm>>
      tpu.wait_indirect_dma semaphore(%arg48 : memref<!tpu.dma_semaphore, #tpu.memory_space<semaphore_mem>>) src(%dma_wait3A_637 : memref<8192x1024xf32, #tpu.memory_space<hbm>>) dst(%arg20 : memref<8x1024xf32, #tpu.memory_space<vmem>>)
      %add3A_638 = arith.constant 0 : i32
      %add3A_639 = arith.addi %mul3A_2, %add3A_638 : i32
      %dma_wait3A_640 = arith.constant 0 : i32
      %dma_wait3A_641 = arith.constant 0 : i32
      %dma_wait3A_642 = tpu.memref_slice %arg2[%dma_wait3A_640, %add3A_639, %dma_wait3A_641] : memref<4x8192x1024xf32, #tpu.memory_space<hbm>> -> memref<1x8x1024xf32, #tpu.memory_space<hbm>>
      %dma_wait3A_643 = tpu.memref_squeeze %dma_wait3A_642 : memref<1x8x1024xf32, #tpu.memory_space<hbm>> -> memref<8x1024xf32, #tpu.memory_space<hbm>>
      %dma_wait3A_644 = arith.constant 0 : i32
      %dma_wait3A_645 = tpu.memref_slice %arg2[%dma_wait3A_640, %add3A_639, %dma_wait3A_644] : memref<4x8192x1024xf32, #tpu.memory_space<hbm>> -> memref<1x8x1024xf32, #tpu.memory_space<hbm>>
      %dma_wait3A_646 = tpu.memref_squeeze %dma_wait3A_645 : memref<1x8x1024xf32, #tpu.memory_space<hbm>> -> memref<8x1024xf32, #tpu.memory_space<hbm>>
      tpu.wait_dma2 semaphore(%arg30 : memref<!tpu.dma_semaphore, #tpu.memory_space<semaphore_mem>>) src(%dma_wait3A_646 : memref<8x1024xf32, #tpu.memory_space<hbm>>) dst(%arg14 : memref<8x1024xf32, #tpu.memory_space<vmem>>)
      %add3A_647 = arith.constant 0 : i32
      %add3A_648 = arith.addi %mul3A_2, %add3A_647 : i32
      %dma_wait3A_649 = arith.constant 0 : i32
      %dma_wait3A_650 = arith.constant 0 : i32
      %dma_wait3A_651 = tpu.memref_slice %arg2[%dma_wait3A_649, %add3A_648, %dma_wait3A_650] : memref<4x8192x1024xf32, #tpu.memory_space<hbm>> -> memref<1x8x1024xf32, #tpu.memory_space<hbm>>
      %dma_wait3A_652 = tpu.memref_squeeze %dma_wait3A_651 : memref<1x8x1024xf32, #tpu.memory_space<hbm>> -> memref<8x1024xf32, #tpu.memory_space<hbm>>
      %dma_wait3A_653 = arith.constant 0 : i32
      %dma_wait3A_654 = tpu.memref_slice %arg2[%dma_wait3A_649, %add3A_648, %dma_wait3A_653] : memref<4x8192x1024xf32, #tpu.memory_space<hbm>> -> memref<1x8x1024xf32, #tpu.memory_space<hbm>>
      %dma_wait3A_655 = tpu.memref_squeeze %dma_wait3A_654 : memref<1x8x1024xf32, #tpu.memory_space<hbm>> -> memref<8x1024xf32, #tpu.memory_space<hbm>>
      tpu.wait_dma2 semaphore(%arg31 : memref<!tpu.dma_semaphore, #tpu.memory_space<semaphore_mem>>) src(%dma_wait3A_655 : memref<8x1024xf32, #tpu.memory_space<hbm>>) dst(%arg15 : memref<8x1024xf32, #tpu.memory_space<vmem>>)
      %add3A_656 = arith.constant 0 : i32
      %add3A_657 = arith.addi %mul3A_2, %add3A_656 : i32
      %dma_wait3A_658 = arith.constant 0 : i32
      %dma_wait3A_659 = arith.constant 0 : i32
      %dma_wait3A_660 = tpu.memref_slice %arg2[%dma_wait3A_658, %add3A_657, %dma_wait3A_659] : memref<4x8192x1024xf32, #tpu.memory_space<hbm>> -> memref<1x8x1024xf32, #tpu.memory_space<hbm>>
      %dma_wait3A_661 = tpu.memref_squeeze %dma_wait3A_660 : memref<1x8x1024xf32, #tpu.memory_space<hbm>> -> memref<8x1024xf32, #tpu.memory_space<hbm>>
      %dma_wait3A_662 = arith.constant 0 : i32
      %dma_wait3A_663 = tpu.memref_slice %arg2[%dma_wait3A_658, %add3A_657, %dma_wait3A_662] : memref<4x8192x1024xf32, #tpu.memory_space<hbm>> -> memref<1x8x1024xf32, #tpu.memory_space<hbm>>
      %dma_wait3A_664 = tpu.memref_squeeze %dma_wait3A_663 : memref<1x8x1024xf32, #tpu.memory_space<hbm>> -> memref<8x1024xf32, #tpu.memory_space<hbm>>
      tpu.wait_dma2 semaphore(%arg32 : memref<!tpu.dma_semaphore, #tpu.memory_space<semaphore_mem>>) src(%dma_wait3A_664 : memref<8x1024xf32, #tpu.memory_space<hbm>>) dst(%arg16 : memref<8x1024xf32, #tpu.memory_space<vmem>>)
      %add3A_665 = arith.constant 0 : i32
      %add3A_666 = arith.addi %mul3A_2, %add3A_665 : i32
      %dma_wait3A_667 = arith.constant 0 : i32
      %dma_wait3A_668 = arith.constant 0 : i32
      %dma_wait3A_669 = tpu.memref_slice %arg2[%dma_wait3A_667, %add3A_666, %dma_wait3A_668] : memref<4x8192x1024xf32, #tpu.memory_space<hbm>> -> memref<1x8x1024xf32, #tpu.memory_space<hbm>>
      %dma_wait3A_670 = tpu.memref_squeeze %dma_wait3A_669 : memref<1x8x1024xf32, #tpu.memory_space<hbm>> -> memref<8x1024xf32, #tpu.memory_space<hbm>>
      %dma_wait3A_671 = arith.constant 0 : i32
      %dma_wait3A_672 = tpu.memref_slice %arg2[%dma_wait3A_667, %add3A_666, %dma_wait3A_671] : memref<4x8192x1024xf32, #tpu.memory_space<hbm>> -> memref<1x8x1024xf32, #tpu.memory_space<hbm>>
      %dma_wait3A_673 = tpu.memref_squeeze %dma_wait3A_672 : memref<1x8x1024xf32, #tpu.memory_space<hbm>> -> memref<8x1024xf32, #tpu.memory_space<hbm>>
      tpu.wait_dma2 semaphore(%arg33 : memref<!tpu.dma_semaphore, #tpu.memory_space<semaphore_mem>>) src(%dma_wait3A_673 : memref<8x1024xf32, #tpu.memory_space<hbm>>) dst(%arg17 : memref<8x1024xf32, #tpu.memory_space<vmem>>)
      %ge3A_674 = arith.constant 1 : i32
      %ge3A_675 = arith.cmpi sge, %add3A_632, %ge3A_674 : i32
      %convert_element_type3A_676 = arith.extui %ge3A_675 : i1 to i32
      %cond3A_677 = arith.constant 0 : i32
      %cond3A_678 = arith.cmpi ne, %convert_element_type3A_676, %cond3A_677 : i32
      scf.if %cond3A_678 {
        %add3A_770 = arith.constant 0 : i32
        %add3A_771 = arith.addi %mul3A_2, %add3A_770 : i32
        %dma_wait3A_772 = arith.constant 0 : i32
        %dma_wait3A_773 = arith.constant 0 : i32
        %dma_wait3A_774 = tpu.memref_slice %arg5[%dma_wait3A_772, %add3A_771, %dma_wait3A_773] : memref<4x8192x1024xf32, #tpu.memory_space<hbm>> -> memref<1x8x1024xf32, #tpu.memory_space<hbm>>
        %dma_wait3A_775 = tpu.memref_squeeze %dma_wait3A_774 : memref<1x8x1024xf32, #tpu.memory_space<hbm>> -> memref<8x1024xf32, #tpu.memory_space<hbm>>
        %dma_wait3A_776 = arith.constant 0 : i32
        %dma_wait3A_777 = tpu.memref_slice %arg5[%dma_wait3A_772, %add3A_771, %dma_wait3A_776] : memref<4x8192x1024xf32, #tpu.memory_space<hbm>> -> memref<1x8x1024xf32, #tpu.memory_space<hbm>>
        %dma_wait3A_778 = tpu.memref_squeeze %dma_wait3A_777 : memref<1x8x1024xf32, #tpu.memory_space<hbm>> -> memref<8x1024xf32, #tpu.memory_space<hbm>>
        tpu.wait_dma2 semaphore(%arg38 : memref<!tpu.dma_semaphore, #tpu.memory_space<semaphore_mem>>) src(%arg10 : memref<8x1024xf32, #tpu.memory_space<vmem>>) dst(%dma_wait3A_778 : memref<8x1024xf32, #tpu.memory_space<hbm>>)
        %add3A_779 = arith.constant 0 : i32
        %add3A_780 = arith.addi %mul3A_2, %add3A_779 : i32
        %dma_wait3A_781 = arith.constant 0 : i32
        %dma_wait3A_782 = arith.constant 0 : i32
        %dma_wait3A_783 = tpu.memref_slice %arg5[%dma_wait3A_781, %add3A_780, %dma_wait3A_782] : memref<4x8192x1024xf32, #tpu.memory_space<hbm>> -> memref<1x8x1024xf32, #tpu.memory_space<hbm>>
        %dma_wait3A_784 = tpu.memref_squeeze %dma_wait3A_783 : memref<1x8x1024xf32, #tpu.memory_space<hbm>> -> memref<8x1024xf32, #tpu.memory_space<hbm>>
        %dma_wait3A_785 = arith.constant 0 : i32
        %dma_wait3A_786 = tpu.memref_slice %arg5[%dma_wait3A_781, %add3A_780, %dma_wait3A_785] : memref<4x8192x1024xf32, #tpu.memory_space<hbm>> -> memref<1x8x1024xf32, #tpu.memory_space<hbm>>
        %dma_wait3A_787 = tpu.memref_squeeze %dma_wait3A_786 : memref<1x8x1024xf32, #tpu.memory_space<hbm>> -> memref<8x1024xf32, #tpu.memory_space<hbm>>
        tpu.wait_dma2 semaphore(%arg39 : memref<!tpu.dma_semaphore, #tpu.memory_space<semaphore_mem>>) src(%arg11 : memref<8x1024xf32, #tpu.memory_space<vmem>>) dst(%dma_wait3A_787 : memref<8x1024xf32, #tpu.memory_space<hbm>>)
        %add3A_788 = arith.constant 0 : i32
        %add3A_789 = arith.addi %mul3A_2, %add3A_788 : i32
        %dma_wait3A_790 = arith.constant 0 : i32
        %dma_wait3A_791 = arith.constant 0 : i32
        %dma_wait3A_792 = tpu.memref_slice %arg5[%dma_wait3A_790, %add3A_789, %dma_wait3A_791] : memref<4x8192x1024xf32, #tpu.memory_space<hbm>> -> memref<1x8x1024xf32, #tpu.memory_space<hbm>>
        %dma_wait3A_793 = tpu.memref_squeeze %dma_wait3A_792 : memref<1x8x1024xf32, #tpu.memory_space<hbm>> -> memref<8x1024xf32, #tpu.memory_space<hbm>>
        %dma_wait3A_794 = arith.constant 0 : i32
        %dma_wait3A_795 = tpu.memref_slice %arg5[%dma_wait3A_790, %add3A_789, %dma_wait3A_794] : memref<4x8192x1024xf32, #tpu.memory_space<hbm>> -> memref<1x8x1024xf32, #tpu.memory_space<hbm>>
        %dma_wait3A_796 = tpu.memref_squeeze %dma_wait3A_795 : memref<1x8x1024xf32, #tpu.memory_space<hbm>> -> memref<8x1024xf32, #tpu.memory_space<hbm>>
        tpu.wait_dma2 semaphore(%arg40 : memref<!tpu.dma_semaphore, #tpu.memory_space<semaphore_mem>>) src(%arg12 : memref<8x1024xf32, #tpu.memory_space<vmem>>) dst(%dma_wait3A_796 : memref<8x1024xf32, #tpu.memory_space<hbm>>)
        %add3A_797 = arith.constant 0 : i32
        %add3A_798 = arith.addi %mul3A_2, %add3A_797 : i32
        %dma_wait3A_799 = arith.constant 0 : i32
        %dma_wait3A_800 = arith.constant 0 : i32
        %dma_wait3A_801 = tpu.memref_slice %arg5[%dma_wait3A_799, %add3A_798, %dma_wait3A_800] : memref<4x8192x1024xf32, #tpu.memory_space<hbm>> -> memref<1x8x1024xf32, #tpu.memory_space<hbm>>
        %dma_wait3A_802 = tpu.memref_squeeze %dma_wait3A_801 : memref<1x8x1024xf32, #tpu.memory_space<hbm>> -> memref<8x1024xf32, #tpu.memory_space<hbm>>
        %dma_wait3A_803 = arith.constant 0 : i32
        %dma_wait3A_804 = tpu.memref_slice %arg5[%dma_wait3A_799, %add3A_798, %dma_wait3A_803] : memref<4x8192x1024xf32, #tpu.memory_space<hbm>> -> memref<1x8x1024xf32, #tpu.memory_space<hbm>>
        %dma_wait3A_805 = tpu.memref_squeeze %dma_wait3A_804 : memref<1x8x1024xf32, #tpu.memory_space<hbm>> -> memref<8x1024xf32, #tpu.memory_space<hbm>>
        tpu.wait_dma2 semaphore(%arg41 : memref<!tpu.dma_semaphore, #tpu.memory_space<semaphore_mem>>) src(%arg13 : memref<8x1024xf32, #tpu.memory_space<vmem>>) dst(%dma_wait3A_805 : memref<8x1024xf32, #tpu.memory_space<hbm>>)
      } else {
      }
      %add3A_679 = arith.constant 2 : i32
      %add3A_680 = arith.addi %add3A_632, %add3A_679 : i32
      %mul3A_681 = arith.constant 8 : i32
      %mul3A_682 = arith.muli %add3A_680, %mul3A_681 : i32
      %dma_start3A_683 = tpu.memref_slice %arg21[%mul3A_682] : memref<256xi32, #tpu.memory_space<vmem>> -> memref<8xi32, #tpu.memory_space<vmem>>
      %dma_start3A_684 = arith.constant 0 : i32
      %dma_start3A_685 = arith.constant 0 : i32
      %dma_start3A_686 = tpu.memref_slice %arg3[%dma_start3A_684, %dma_start3A_685] : memref<8192x1024xf32, #tpu.memory_space<hbm>> -> memref<8192x1024xf32, #tpu.memory_space<hbm>>
      tpu.enqueue_indirect_dma source(%dma_start3A_686 : memref<8192x1024xf32, #tpu.memory_space<hbm>>) target(%arg19 : memref<8x1024xf32, #tpu.memory_space<vmem>>) offsets(%dma_start3A_683 : memref<8xi32, #tpu.memory_space<vmem>>) semaphore(%arg47 : memref<!tpu.dma_semaphore, #tpu.memory_space<semaphore_mem>>)
      %mul3A_687 = arith.constant 8 : i32
      %mul3A_688 = arith.muli %add3A_680, %mul3A_687 : i32
      %add3A_689 = arith.addi %mul3A_2, %mul3A_688 : i32
      %dma_start3A_690 = arith.constant 0 : i32
      %dma_start3A_691 = arith.constant 0 : i32
      %dma_start3A_692 = tpu.memref_slice %arg2[%dma_start3A_690, %add3A_689, %dma_start3A_691] : memref<4x8192x1024xf32, #tpu.memory_space<hbm>> -> memref<1x8x1024xf32, #tpu.memory_space<hbm>>
      %dma_start3A_693 = tpu.memref_squeeze %dma_start3A_692 : memref<1x8x1024xf32, #tpu.memory_space<hbm>> -> memref<8x1024xf32, #tpu.memory_space<hbm>>
      %dma_start3A_694 = arith.constant 0 : i32
      %dma_start3A_695 = tpu.memref_slice %arg2[%dma_start3A_690, %add3A_689, %dma_start3A_694] : memref<4x8192x1024xf32, #tpu.memory_space<hbm>> -> memref<1x8x1024xf32, #tpu.memory_space<hbm>>
      %dma_start3A_696 = tpu.memref_squeeze %dma_start3A_695 : memref<1x8x1024xf32, #tpu.memory_space<hbm>> -> memref<8x1024xf32, #tpu.memory_space<hbm>>
      tpu.enqueue_dma source(%dma_start3A_696 : memref<8x1024xf32, #tpu.memory_space<hbm>>) target(%arg10 : memref<8x1024xf32, #tpu.memory_space<vmem>>) target_semaphore(%arg26 : memref<!tpu.dma_semaphore, #tpu.memory_space<semaphore_mem>>)
      %mul3A_697 = arith.constant 8 : i32
      %mul3A_698 = arith.muli %add3A_680, %mul3A_697 : i32
      %add3A_699 = arith.addi %mul3A_2, %mul3A_698 : i32
      %dma_start3A_700 = arith.constant 1 : i32
      %dma_start3A_701 = arith.constant 0 : i32
      %dma_start3A_702 = tpu.memref_slice %arg2[%dma_start3A_700, %add3A_699, %dma_start3A_701] : memref<4x8192x1024xf32, #tpu.memory_space<hbm>> -> memref<1x8x1024xf32, #tpu.memory_space<hbm>>
      %dma_start3A_703 = tpu.memref_squeeze %dma_start3A_702 : memref<1x8x1024xf32, #tpu.memory_space<hbm>> -> memref<8x1024xf32, #tpu.memory_space<hbm>>
      %dma_start3A_704 = arith.constant 0 : i32
      %dma_start3A_705 = tpu.memref_slice %arg2[%dma_start3A_700, %add3A_699, %dma_start3A_704] : memref<4x8192x1024xf32, #tpu.memory_space<hbm>> -> memref<1x8x1024xf32, #tpu.memory_space<hbm>>
      %dma_start3A_706 = tpu.memref_squeeze %dma_start3A_705 : memref<1x8x1024xf32, #tpu.memory_space<hbm>> -> memref<8x1024xf32, #tpu.memory_space<hbm>>
      tpu.enqueue_dma source(%dma_start3A_706 : memref<8x1024xf32, #tpu.memory_space<hbm>>) target(%arg11 : memref<8x1024xf32, #tpu.memory_space<vmem>>) target_semaphore(%arg27 : memref<!tpu.dma_semaphore, #tpu.memory_space<semaphore_mem>>)
      %mul3A_707 = arith.constant 8 : i32
      %mul3A_708 = arith.muli %add3A_680, %mul3A_707 : i32
      %add3A_709 = arith.addi %mul3A_2, %mul3A_708 : i32
      %dma_start3A_710 = arith.constant 2 : i32
      %dma_start3A_711 = arith.constant 0 : i32
      %dma_start3A_712 = tpu.memref_slice %arg2[%dma_start3A_710, %add3A_709, %dma_start3A_711] : memref<4x8192x1024xf32, #tpu.memory_space<hbm>> -> memref<1x8x1024xf32, #tpu.memory_space<hbm>>
      %dma_start3A_713 = tpu.memref_squeeze %dma_start3A_712 : memref<1x8x1024xf32, #tpu.memory_space<hbm>> -> memref<8x1024xf32, #tpu.memory_space<hbm>>
      %dma_start3A_714 = arith.constant 0 : i32
      %dma_start3A_715 = tpu.memref_slice %arg2[%dma_start3A_710, %add3A_709, %dma_start3A_714] : memref<4x8192x1024xf32, #tpu.memory_space<hbm>> -> memref<1x8x1024xf32, #tpu.memory_space<hbm>>
      %dma_start3A_716 = tpu.memref_squeeze %dma_start3A_715 : memref<1x8x1024xf32, #tpu.memory_space<hbm>> -> memref<8x1024xf32, #tpu.memory_space<hbm>>
      tpu.enqueue_dma source(%dma_start3A_716 : memref<8x1024xf32, #tpu.memory_space<hbm>>) target(%arg12 : memref<8x1024xf32, #tpu.memory_space<vmem>>) target_semaphore(%arg28 : memref<!tpu.dma_semaphore, #tpu.memory_space<semaphore_mem>>)
      %mul3A_717 = arith.constant 8 : i32
      %mul3A_718 = arith.muli %add3A_680, %mul3A_717 : i32
      %add3A_719 = arith.addi %mul3A_2, %mul3A_718 : i32
      %dma_start3A_720 = arith.constant 3 : i32
      %dma_start3A_721 = arith.constant 0 : i32
      %dma_start3A_722 = tpu.memref_slice %arg2[%dma_start3A_720, %add3A_719, %dma_start3A_721] : memref<4x8192x1024xf32, #tpu.memory_space<hbm>> -> memref<1x8x1024xf32, #tpu.memory_space<hbm>>
      %dma_start3A_723 = tpu.memref_squeeze %dma_start3A_722 : memref<1x8x1024xf32, #tpu.memory_space<hbm>> -> memref<8x1024xf32, #tpu.memory_space<hbm>>
      %dma_start3A_724 = arith.constant 0 : i32
      %dma_start3A_725 = tpu.memref_slice %arg2[%dma_start3A_720, %add3A_719, %dma_start3A_724] : memref<4x8192x1024xf32, #tpu.memory_space<hbm>> -> memref<1x8x1024xf32, #tpu.memory_space<hbm>>
      %dma_start3A_726 = tpu.memref_squeeze %dma_start3A_725 : memref<1x8x1024xf32, #tpu.memory_space<hbm>> -> memref<8x1024xf32, #tpu.memory_space<hbm>>
      tpu.enqueue_dma source(%dma_start3A_726 : memref<8x1024xf32, #tpu.memory_space<hbm>>) target(%arg13 : memref<8x1024xf32, #tpu.memory_space<vmem>>) target_semaphore(%arg29 : memref<!tpu.dma_semaphore, #tpu.memory_space<semaphore_mem>>)
      %parallel_loop3A_727 = arith.constant 0 : i32
      %parallel_loop3A_728 = arith.constant 64 : i32
      %parallel_loop3A_729 = arith.constant 1 : i32
      scf.for %parallel_loop3A_770 = %parallel_loop3A_727 to %parallel_loop3A_728 step %parallel_loop3A_729  : i32 {
        %parallel_loop3A_771 = arith.constant 16 : i32
        %parallel_loop3A_772 = arith.muli %parallel_loop3A_770, %parallel_loop3A_771 : i32
        %parallel_loop3A_773 = arith.constant 0 : i32
        %parallel_loop3A_774 = arith.index_cast %parallel_loop3A_773 : i32 to index
        %parallel_loop3A_775 = arith.index_cast %parallel_loop3A_772 : i32 to index
        %parallel_loop3A_776 = tpu.vector_load %arg20[%parallel_loop3A_774, %parallel_loop3A_775] {strides = array<i32>} : memref<8x1024xf32, #tpu.memory_space<vmem>>, vector<1x16xf32>,
        %parallel_loop3A_777 = vector.shape_cast %parallel_loop3A_776 : vector<1x16xf32> to vector<16xf32>
        %parallel_loop3A_778 = arith.constant 0 : i32
        %parallel_loop3A_779 = arith.index_cast %parallel_loop3A_778 : i32 to index
        %parallel_loop3A_780 = arith.index_cast %parallel_loop3A_772 : i32 to index
        %parallel_loop3A_781 = tpu.vector_load %arg14[%parallel_loop3A_779, %parallel_loop3A_780] {strides = array<i32>} : memref<8x1024xf32, #tpu.memory_space<vmem>>, vector<1x16xf32>,
        %parallel_loop3A_782 = vector.shape_cast %parallel_loop3A_781 : vector<1x16xf32> to vector<16xf32>
        %parallel_loop3A_783 = arith.addf %parallel_loop3A_782, %parallel_loop3A_777 : vector<16xf32>
        %parallel_loop3A_784 = arith.constant 0 : i32
        %parallel_loop3A_785 = arith.index_cast %parallel_loop3A_784 : i32 to index
        %parallel_loop3A_786 = arith.index_cast %parallel_loop3A_772 : i32 to index
        %parallel_loop3A_787 = tpu.vector_load %arg14[%parallel_loop3A_785, %parallel_loop3A_786] {strides = array<i32>} : memref<8x1024xf32, #tpu.memory_space<vmem>>, vector<1x16xf32>,
        %parallel_loop3A_788 = vector.shape_cast %parallel_loop3A_787 : vector<1x16xf32> to vector<16xf32>
        %parallel_loop3A_789 = vector.shape_cast %parallel_loop3A_783 : vector<16xf32> to vector<1x16xf32>
        tpu.vector_store %arg14[%parallel_loop3A_785, %parallel_loop3A_786], %parallel_loop3A_789 {strides = array<i32>} : memref<8x1024xf32, #tpu.memory_space<vmem>>, vector<1x16xf32>,
        %parallel_loop3A_790 = arith.constant 0 : i32
        %parallel_loop3A_791 = arith.index_cast %parallel_loop3A_790 : i32 to index
        %parallel_loop3A_792 = arith.index_cast %parallel_loop3A_772 : i32 to index
        %parallel_loop3A_793 = tpu.vector_load %arg15[%parallel_loop3A_791, %parallel_loop3A_792] {strides = array<i32>} : memref<8x1024xf32, #tpu.memory_space<vmem>>, vector<1x16xf32>,
        %parallel_loop3A_794 = vector.shape_cast %parallel_loop3A_793 : vector<1x16xf32> to vector<16xf32>
        %parallel_loop3A_795 = arith.addf %parallel_loop3A_794, %parallel_loop3A_777 : vector<16xf32>
        %parallel_loop3A_796 = arith.constant 0 : i32
        %parallel_loop3A_797 = arith.index_cast %parallel_loop3A_796 : i32 to index
        %parallel_loop3A_798 = arith.index_cast %parallel_loop3A_772 : i32 to index
        %parallel_loop3A_799 = tpu.vector_load %arg15[%parallel_loop3A_797, %parallel_loop3A_798] {strides = array<i32>} : memref<8x1024xf32, #tpu.memory_space<vmem>>, vector<1x16xf32>,
        %parallel_loop3A_800 = vector.shape_cast %parallel_loop3A_799 : vector<1x16xf32> to vector<16xf32>
        %parallel_loop3A_801 = vector.shape_cast %parallel_loop3A_795 : vector<16xf32> to vector<1x16xf32>
        tpu.vector_store %arg15[%parallel_loop3A_797, %parallel_loop3A_798], %parallel_loop3A_801 {strides = array<i32>} : memref<8x1024xf32, #tpu.memory_space<vmem>>, vector<1x16xf32>,
        %parallel_loop3A_802 = arith.constant 0 : i32
        %parallel_loop3A_803 = arith.index_cast %parallel_loop3A_802 : i32 to index
        %parallel_loop3A_804 = arith.index_cast %parallel_loop3A_772 : i32 to index
        %parallel_loop3A_805 = tpu.vector_load %arg16[%parallel_loop3A_803, %parallel_loop3A_804] {strides = array<i32>} : memref<8x1024xf32, #tpu.memory_space<vmem>>, vector<1x16xf32>,
        %parallel_loop3A_806 = vector.shape_cast %parallel_loop3A_805 : vector<1x16xf32> to vector<16xf32>
        %parallel_loop3A_807 = arith.addf %parallel_loop3A_806, %parallel_loop3A_777 : vector<16xf32>
        %parallel_loop3A_808 = arith.constant 0 : i32
        %parallel_loop3A_809 = arith.index_cast %parallel_loop3A_808 : i32 to index
        %parallel_loop3A_810 = arith.index_cast %parallel_loop3A_772 : i32 to index
        %parallel_loop3A_811 = tpu.vector_load %arg16[%parallel_loop3A_809, %parallel_loop3A_810] {strides = array<i32>} : memref<8x1024xf32, #tpu.memory_space<vmem>>, vector<1x16xf32>,
        %parallel_loop3A_812 = vector.shape_cast %parallel_loop3A_811 : vector<1x16xf32> to vector<16xf32>
        %parallel_loop3A_813 = vector.shape_cast %parallel_loop3A_807 : vector<16xf32> to vector<1x16xf32>
        tpu.vector_store %arg16[%parallel_loop3A_809, %parallel_loop3A_810], %parallel_loop3A_813 {strides = array<i32>} : memref<8x1024xf32, #tpu.memory_space<vmem>>, vector<1x16xf32>,
        %parallel_loop3A_814 = arith.constant 0 : i32
        %parallel_loop3A_815 = arith.index_cast %parallel_loop3A_814 : i32 to index
        %parallel_loop3A_816 = arith.index_cast %parallel_loop3A_772 : i32 to index
        %parallel_loop3A_817 = tpu.vector_load %arg17[%parallel_loop3A_815, %parallel_loop3A_816] {strides = array<i32>} : memref<8x1024xf32, #tpu.memory_space<vmem>>, vector<1x16xf32>,
        %parallel_loop3A_818 = vector.shape_cast %parallel_loop3A_817 : vector<1x16xf32> to vector<16xf32>
        %parallel_loop3A_819 = arith.addf %parallel_loop3A_818, %parallel_loop3A_777 : vector<16xf32>
        %parallel_loop3A_820 = arith.constant 0 : i32
        %parallel_loop3A_821 = arith.index_cast %parallel_loop3A_820 : i32 to index
        %parallel_loop3A_822 = arith.index_cast %parallel_loop3A_772 : i32 to index
        %parallel_loop3A_823 = tpu.vector_load %arg17[%parallel_loop3A_821, %parallel_loop3A_822] {strides = array<i32>} : memref<8x1024xf32, #tpu.memory_space<vmem>>, vector<1x16xf32>,
        %parallel_loop3A_824 = vector.shape_cast %parallel_loop3A_823 : vector<1x16xf32> to vector<16xf32>
        %parallel_loop3A_825 = vector.shape_cast %parallel_loop3A_819 : vector<16xf32> to vector<1x16xf32>
        tpu.vector_store %arg17[%parallel_loop3A_821, %parallel_loop3A_822], %parallel_loop3A_825 {strides = array<i32>} : memref<8x1024xf32, #tpu.memory_space<vmem>>, vector<1x16xf32>,
        %parallel_loop3A_826 = arith.constant 1 : i32
        %parallel_loop3A_827 = arith.index_cast %parallel_loop3A_826 : i32 to index
        %parallel_loop3A_828 = arith.index_cast %parallel_loop3A_772 : i32 to index
        %parallel_loop3A_829 = tpu.vector_load %arg20[%parallel_loop3A_827, %parallel_loop3A_828] {strides = array<i32>} : memref<8x1024xf32, #tpu.memory_space<vmem>>, vector<1x16xf32>,
        %parallel_loop3A_830 = vector.shape_cast %parallel_loop3A_829 : vector<1x16xf32> to vector<16xf32>
        %parallel_loop3A_831 = arith.constant 1 : i32
        %parallel_loop3A_832 = arith.index_cast %parallel_loop3A_831 : i32 to index
        %parallel_loop3A_833 = arith.index_cast %parallel_loop3A_772 : i32 to index
        %parallel_loop3A_834 = tpu.vector_load %arg14[%parallel_loop3A_832, %parallel_loop3A_833] {strides = array<i32>} : memref<8x1024xf32, #tpu.memory_space<vmem>>, vector<1x16xf32>,
        %parallel_loop3A_835 = vector.shape_cast %parallel_loop3A_834 : vector<1x16xf32> to vector<16xf32>
        %parallel_loop3A_836 = arith.addf %parallel_loop3A_835, %parallel_loop3A_830 : vector<16xf32>
        %parallel_loop3A_837 = arith.constant 1 : i32
        %parallel_loop3A_838 = arith.index_cast %parallel_loop3A_837 : i32 to index
        %parallel_loop3A_839 = arith.index_cast %parallel_loop3A_772 : i32 to index
        %parallel_loop3A_840 = tpu.vector_load %arg14[%parallel_loop3A_838, %parallel_loop3A_839] {strides = array<i32>} : memref<8x1024xf32, #tpu.memory_space<vmem>>, vector<1x16xf32>,
        %parallel_loop3A_841 = vector.shape_cast %parallel_loop3A_840 : vector<1x16xf32> to vector<16xf32>
        %parallel_loop3A_842 = vector.shape_cast %parallel_loop3A_836 : vector<16xf32> to vector<1x16xf32>
        tpu.vector_store %arg14[%parallel_loop3A_838, %parallel_loop3A_839], %parallel_loop3A_842 {strides = array<i32>} : memref<8x1024xf32, #tpu.memory_space<vmem>>, vector<1x16xf32>,
        %parallel_loop3A_843 = arith.constant 1 : i32
        %parallel_loop3A_844 = arith.index_cast %parallel_loop3A_843 : i32 to index
        %parallel_loop3A_845 = arith.index_cast %parallel_loop3A_772 : i32 to index
        %parallel_loop3A_846 = tpu.vector_load %arg15[%parallel_loop3A_844, %parallel_loop3A_845] {strides = array<i32>} : memref<8x1024xf32, #tpu.memory_space<vmem>>, vector<1x16xf32>,
        %parallel_loop3A_847 = vector.shape_cast %parallel_loop3A_846 : vector<1x16xf32> to vector<16xf32>
        %parallel_loop3A_848 = arith.addf %parallel_loop3A_847, %parallel_loop3A_830 : vector<16xf32>
        %parallel_loop3A_849 = arith.constant 1 : i32
        %parallel_loop3A_850 = arith.index_cast %parallel_loop3A_849 : i32 to index
        %parallel_loop3A_851 = arith.index_cast %parallel_loop3A_772 : i32 to index
        %parallel_loop3A_852 = tpu.vector_load %arg15[%parallel_loop3A_850, %parallel_loop3A_851] {strides = array<i32>} : memref<8x1024xf32, #tpu.memory_space<vmem>>, vector<1x16xf32>,
        %parallel_loop3A_853 = vector.shape_cast %parallel_loop3A_852 : vector<1x16xf32> to vector<16xf32>
        %parallel_loop3A_854 = vector.shape_cast %parallel_loop3A_848 : vector<16xf32> to vector<1x16xf32>
        tpu.vector_store %arg15[%parallel_loop3A_850, %parallel_loop3A_851], %parallel_loop3A_854 {strides = array<i32>} : memref<8x1024xf32, #tpu.memory_space<vmem>>, vector<1x16xf32>,
        %parallel_loop3A_855 = arith.constant 1 : i32
        %parallel_loop3A_856 = arith.index_cast %parallel_loop3A_855 : i32 to index
        %parallel_loop3A_857 = arith.index_cast %parallel_loop3A_772 : i32 to index
        %parallel_loop3A_858 = tpu.vector_load %arg16[%parallel_loop3A_856, %parallel_loop3A_857] {strides = array<i32>} : memref<8x1024xf32, #tpu.memory_space<vmem>>, vector<1x16xf32>,
        %parallel_loop3A_859 = vector.shape_cast %parallel_loop3A_858 : vector<1x16xf32> to vector<16xf32>
        %parallel_loop3A_860 = arith.addf %parallel_loop3A_859, %parallel_loop3A_830 : vector<16xf32>
        %parallel_loop3A_861 = arith.constant 1 : i32
        %parallel_loop3A_862 = arith.index_cast %parallel_loop3A_861 : i32 to index
        %parallel_loop3A_863 = arith.index_cast %parallel_loop3A_772 : i32 to index
        %parallel_loop3A_864 = tpu.vector_load %arg16[%parallel_loop3A_862, %parallel_loop3A_863] {strides = array<i32>} : memref<8x1024xf32, #tpu.memory_space<vmem>>, vector<1x16xf32>,
        %parallel_loop3A_865 = vector.shape_cast %parallel_loop3A_864 : vector<1x16xf32> to vector<16xf32>
        %parallel_loop3A_866 = vector.shape_cast %parallel_loop3A_860 : vector<16xf32> to vector<1x16xf32>
        tpu.vector_store %arg16[%parallel_loop3A_862, %parallel_loop3A_863], %parallel_loop3A_866 {strides = array<i32>} : memref<8x1024xf32, #tpu.memory_space<vmem>>, vector<1x16xf32>,
        %parallel_loop3A_867 = arith.constant 1 : i32
        %parallel_loop3A_868 = arith.index_cast %parallel_loop3A_867 : i32 to index
        %parallel_loop3A_869 = arith.index_cast %parallel_loop3A_772 : i32 to index
        %parallel_loop3A_870 = tpu.vector_load %arg17[%parallel_loop3A_868, %parallel_loop3A_869] {strides = array<i32>} : memref<8x1024xf32, #tpu.memory_space<vmem>>, vector<1x16xf32>,
        %parallel_loop3A_871 = vector.shape_cast %parallel_loop3A_870 : vector<1x16xf32> to vector<16xf32>
        %parallel_loop3A_872 = arith.addf %parallel_loop3A_871, %parallel_loop3A_830 : vector<16xf32>
        %parallel_loop3A_873 = arith.constant 1 : i32
        %parallel_loop3A_874 = arith.index_cast %parallel_loop3A_873 : i32 to index
        %parallel_loop3A_875 = arith.index_cast %parallel_loop3A_772 : i32 to index
        %parallel_loop3A_876 = tpu.vector_load %arg17[%parallel_loop3A_874, %parallel_loop3A_875] {strides = array<i32>} : memref<8x1024xf32, #tpu.memory_space<vmem>>, vector<1x16xf32>,
        %parallel_loop3A_877 = vector.shape_cast %parallel_loop3A_876 : vector<1x16xf32> to vector<16xf32>
        %parallel_loop3A_878 = vector.shape_cast %parallel_loop3A_872 : vector<16xf32> to vector<1x16xf32>
        tpu.vector_store %arg17[%parallel_loop3A_874, %parallel_loop3A_875], %parallel_loop3A_878 {strides = array<i32>} : memref<8x1024xf32, #tpu.memory_space<vmem>>, vector<1x16xf32>,
        %parallel_loop3A_879 = arith.constant 2 : i32
        %parallel_loop3A_880 = arith.index_cast %parallel_loop3A_879 : i32 to index
        %parallel_loop3A_881 = arith.index_cast %parallel_loop3A_772 : i32 to index
        %parallel_loop3A_882 = tpu.vector_load %arg20[%parallel_loop3A_880, %parallel_loop3A_881] {strides = array<i32>} : memref<8x1024xf32, #tpu.memory_space<vmem>>, vector<1x16xf32>,
        %parallel_loop3A_883 = vector.shape_cast %parallel_loop3A_882 : vector<1x16xf32> to vector<16xf32>
        %parallel_loop3A_884 = arith.constant 2 : i32
        %parallel_loop3A_885 = arith.index_cast %parallel_loop3A_884 : i32 to index
        %parallel_loop3A_886 = arith.index_cast %parallel_loop3A_772 : i32 to index
        %parallel_loop3A_887 = tpu.vector_load %arg14[%parallel_loop3A_885, %parallel_loop3A_886] {strides = array<i32>} : memref<8x1024xf32, #tpu.memory_space<vmem>>, vector<1x16xf32>,
        %parallel_loop3A_888 = vector.shape_cast %parallel_loop3A_887 : vector<1x16xf32> to vector<16xf32>
        %parallel_loop3A_889 = arith.addf %parallel_loop3A_888, %parallel_loop3A_883 : vector<16xf32>
        %parallel_loop3A_890 = arith.constant 2 : i32
        %parallel_loop3A_891 = arith.index_cast %parallel_loop3A_890 : i32 to index
        %parallel_loop3A_892 = arith.index_cast %parallel_loop3A_772 : i32 to index
        %parallel_loop3A_893 = tpu.vector_load %arg14[%parallel_loop3A_891, %parallel_loop3A_892] {strides = array<i32>} : memref<8x1024xf32, #tpu.memory_space<vmem>>, vector<1x16xf32>,
        %parallel_loop3A_894 = vector.shape_cast %parallel_loop3A_893 : vector<1x16xf32> to vector<16xf32>
        %parallel_loop3A_895 = vector.shape_cast %parallel_loop3A_889 : vector<16xf32> to vector<1x16xf32>
        tpu.vector_store %arg14[%parallel_loop3A_891, %parallel_loop3A_892], %parallel_loop3A_895 {strides = array<i32>} : memref<8x1024xf32, #tpu.memory_space<vmem>>, vector<1x16xf32>,
        %parallel_loop3A_896 = arith.constant 2 : i32
        %parallel_loop3A_897 = arith.index_cast %parallel_loop3A_896 : i32 to index
        %parallel_loop3A_898 = arith.index_cast %parallel_loop3A_772 : i32 to index
        %parallel_loop3A_899 = tpu.vector_load %arg15[%parallel_loop3A_897, %parallel_loop3A_898] {strides = array<i32>} : memref<8x1024xf32, #tpu.memory_space<vmem>>, vector<1x16xf32>,
        %parallel_loop3A_900 = vector.shape_cast %parallel_loop3A_899 : vector<1x16xf32> to vector<16xf32>
        %parallel_loop3A_901 = arith.addf %parallel_loop3A_900, %parallel_loop3A_883 : vector<16xf32>
        %parallel_loop3A_902 = arith.constant 2 : i32
        %parallel_loop3A_903 = arith.index_cast %parallel_loop3A_902 : i32 to index
        %parallel_loop3A_904 = arith.index_cast %parallel_loop3A_772 : i32 to index
        %parallel_loop3A_905 = tpu.vector_load %arg15[%parallel_loop3A_903, %parallel_loop3A_904] {strides = array<i32>} : memref<8x1024xf32, #tpu.memory_space<vmem>>, vector<1x16xf32>,
        %parallel_loop3A_906 = vector.shape_cast %parallel_loop3A_905 : vector<1x16xf32> to vector<16xf32>
        %parallel_loop3A_907 = vector.shape_cast %parallel_loop3A_901 : vector<16xf32> to vector<1x16xf32>
        tpu.vector_store %arg15[%parallel_loop3A_903, %parallel_loop3A_904], %parallel_loop3A_907 {strides = array<i32>} : memref<8x1024xf32, #tpu.memory_space<vmem>>, vector<1x16xf32>,
        %parallel_loop3A_908 = arith.constant 2 : i32
        %parallel_loop3A_909 = arith.index_cast %parallel_loop3A_908 : i32 to index
        %parallel_loop3A_910 = arith.index_cast %parallel_loop3A_772 : i32 to index
        %parallel_loop3A_911 = tpu.vector_load %arg16[%parallel_loop3A_909, %parallel_loop3A_910] {strides = array<i32>} : memref<8x1024xf32, #tpu.memory_space<vmem>>, vector<1x16xf32>,
        %parallel_loop3A_912 = vector.shape_cast %parallel_loop3A_911 : vector<1x16xf32> to vector<16xf32>
        %parallel_loop3A_913 = arith.addf %parallel_loop3A_912, %parallel_loop3A_883 : vector<16xf32>
        %parallel_loop3A_914 = arith.constant 2 : i32
        %parallel_loop3A_915 = arith.index_cast %parallel_loop3A_914 : i32 to index
        %parallel_loop3A_916 = arith.index_cast %parallel_loop3A_772 : i32 to index
        %parallel_loop3A_917 = tpu.vector_load %arg16[%parallel_loop3A_915, %parallel_loop3A_916] {strides = array<i32>} : memref<8x1024xf32, #tpu.memory_space<vmem>>, vector<1x16xf32>,
        %parallel_loop3A_918 = vector.shape_cast %parallel_loop3A_917 : vector<1x16xf32> to vector<16xf32>
        %parallel_loop3A_919 = vector.shape_cast %parallel_loop3A_913 : vector<16xf32> to vector<1x16xf32>
        tpu.vector_store %arg16[%parallel_loop3A_915, %parallel_loop3A_916], %parallel_loop3A_919 {strides = array<i32>} : memref<8x1024xf32, #tpu.memory_space<vmem>>, vector<1x16xf32>,
        %parallel_loop3A_920 = arith.constant 2 : i32
        %parallel_loop3A_921 = arith.index_cast %parallel_loop3A_920 : i32 to index
        %parallel_loop3A_922 = arith.index_cast %parallel_loop3A_772 : i32 to index
        %parallel_loop3A_923 = tpu.vector_load %arg17[%parallel_loop3A_921, %parallel_loop3A_922] {strides = array<i32>} : memref<8x1024xf32, #tpu.memory_space<vmem>>, vector<1x16xf32>,
        %parallel_loop3A_924 = vector.shape_cast %parallel_loop3A_923 : vector<1x16xf32> to vector<16xf32>
        %parallel_loop3A_925 = arith.addf %parallel_loop3A_924, %parallel_loop3A_883 : vector<16xf32>
        %parallel_loop3A_926 = arith.constant 2 : i32
        %parallel_loop3A_927 = arith.index_cast %parallel_loop3A_926 : i32 to index
        %parallel_loop3A_928 = arith.index_cast %parallel_loop3A_772 : i32 to index
        %parallel_loop3A_929 = tpu.vector_load %arg17[%parallel_loop3A_927, %parallel_loop3A_928] {strides = array<i32>} : memref<8x1024xf32, #tpu.memory_space<vmem>>, vector<1x16xf32>,
        %parallel_loop3A_930 = vector.shape_cast %parallel_loop3A_929 : vector<1x16xf32> to vector<16xf32>
        %parallel_loop3A_931 = vector.shape_cast %parallel_loop3A_925 : vector<16xf32> to vector<1x16xf32>
        tpu.vector_store %arg17[%parallel_loop3A_927, %parallel_loop3A_928], %parallel_loop3A_931 {strides = array<i32>} : memref<8x1024xf32, #tpu.memory_space<vmem>>, vector<1x16xf32>,
        %parallel_loop3A_932 = arith.constant 3 : i32
        %parallel_loop3A_933 = arith.index_cast %parallel_loop3A_932 : i32 to index
        %parallel_loop3A_934 = arith.index_cast %parallel_loop3A_772 : i32 to index
        %parallel_loop3A_935 = tpu.vector_load %arg20[%parallel_loop3A_933, %parallel_loop3A_934] {strides = array<i32>} : memref<8x1024xf32, #tpu.memory_space<vmem>>, vector<1x16xf32>,
        %parallel_loop3A_936 = vector.shape_cast %parallel_loop3A_935 : vector<1x16xf32> to vector<16xf32>
        %parallel_loop3A_937 = arith.constant 3 : i32
        %parallel_loop3A_938 = arith.index_cast %parallel_loop3A_937 : i32 to index
        %parallel_loop3A_939 = arith.index_cast %parallel_loop3A_772 : i32 to index
        %parallel_loop3A_940 = tpu.vector_load %arg14[%parallel_loop3A_938, %parallel_loop3A_939] {strides = array<i32>} : memref<8x1024xf32, #tpu.memory_space<vmem>>, vector<1x16xf32>,
        %parallel_loop3A_941 = vector.shape_cast %parallel_loop3A_940 : vector<1x16xf32> to vector<16xf32>
        %parallel_loop3A_942 = arith.addf %parallel_loop3A_941, %parallel_loop3A_936 : vector<16xf32>
        %parallel_loop3A_943 = arith.constant 3 : i32
        %parallel_loop3A_944 = arith.index_cast %parallel_loop3A_943 : i32 to index
        %parallel_loop3A_945 = arith.index_cast %parallel_loop3A_772 : i32 to index
        %parallel_loop3A_946 = tpu.vector_load %arg14[%parallel_loop3A_944, %parallel_loop3A_945] {strides = array<i32>} : memref<8x1024xf32, #tpu.memory_space<vmem>>, vector<1x16xf32>,
        %parallel_loop3A_947 = vector.shape_cast %parallel_loop3A_946 : vector<1x16xf32> to vector<16xf32>
        %parallel_loop3A_948 = vector.shape_cast %parallel_loop3A_942 : vector<16xf32> to vector<1x16xf32>
        tpu.vector_store %arg14[%parallel_loop3A_944, %parallel_loop3A_945], %parallel_loop3A_948 {strides = array<i32>} : memref<8x1024xf32, #tpu.memory_space<vmem>>, vector<1x16xf32>,
        %parallel_loop3A_949 = arith.constant 3 : i32
        %parallel_loop3A_950 = arith.index_cast %parallel_loop3A_949 : i32 to index
        %parallel_loop3A_951 = arith.index_cast %parallel_loop3A_772 : i32 to index
        %parallel_loop3A_952 = tpu.vector_load %arg15[%parallel_loop3A_950, %parallel_loop3A_951] {strides = array<i32>} : memref<8x1024xf32, #tpu.memory_space<vmem>>, vector<1x16xf32>,
        %parallel_loop3A_953 = vector.shape_cast %parallel_loop3A_952 : vector<1x16xf32> to vector<16xf32>
        %parallel_loop3A_954 = arith.addf %parallel_loop3A_953, %parallel_loop3A_936 : vector<16xf32>
        %parallel_loop3A_955 = arith.constant 3 : i32
        %parallel_loop3A_956 = arith.index_cast %parallel_loop3A_955 : i32 to index
        %parallel_loop3A_957 = arith.index_cast %parallel_loop3A_772 : i32 to index
        %parallel_loop3A_958 = tpu.vector_load %arg15[%parallel_loop3A_956, %parallel_loop3A_957] {strides = array<i32>} : memref<8x1024xf32, #tpu.memory_space<vmem>>, vector<1x16xf32>,
        %parallel_loop3A_959 = vector.shape_cast %parallel_loop3A_958 : vector<1x16xf32> to vector<16xf32>
        %parallel_loop3A_960 = vector.shape_cast %parallel_loop3A_954 : vector<16xf32> to vector<1x16xf32>
        tpu.vector_store %arg15[%parallel_loop3A_956, %parallel_loop3A_957], %parallel_loop3A_960 {strides = array<i32>} : memref<8x1024xf32, #tpu.memory_space<vmem>>, vector<1x16xf32>,
        %parallel_loop3A_961 = arith.constant 3 : i32
        %parallel_loop3A_962 = arith.index_cast %parallel_loop3A_961 : i32 to index
        %parallel_loop3A_963 = arith.index_cast %parallel_loop3A_772 : i32 to index
        %parallel_loop3A_964 = tpu.vector_load %arg16[%parallel_loop3A_962, %parallel_loop3A_963] {strides = array<i32>} : memref<8x1024xf32, #tpu.memory_space<vmem>>, vector<1x16xf32>,
        %parallel_loop3A_965 = vector.shape_cast %parallel_loop3A_964 : vector<1x16xf32> to vector<16xf32>
        %parallel_loop3A_966 = arith.addf %parallel_loop3A_965, %parallel_loop3A_936 : vector<16xf32>
        %parallel_loop3A_967 = arith.constant 3 : i32
        %parallel_loop3A_968 = arith.index_cast %parallel_loop3A_967 : i32 to index
        %parallel_loop3A_969 = arith.index_cast %parallel_loop3A_772 : i32 to index
        %parallel_loop3A_970 = tpu.vector_load %arg16[%parallel_loop3A_968, %parallel_loop3A_969] {strides = array<i32>} : memref<8x1024xf32, #tpu.memory_space<vmem>>, vector<1x16xf32>,
        %parallel_loop3A_971 = vector.shape_cast %parallel_loop3A_970 : vector<1x16xf32> to vector<16xf32>
        %parallel_loop3A_972 = vector.shape_cast %parallel_loop3A_966 : vector<16xf32> to vector<1x16xf32>
        tpu.vector_store %arg16[%parallel_loop3A_968, %parallel_loop3A_969], %parallel_loop3A_972 {strides = array<i32>} : memref<8x1024xf32, #tpu.memory_space<vmem>>, vector<1x16xf32>,
        %parallel_loop3A_973 = arith.constant 3 : i32
        %parallel_loop3A_974 = arith.index_cast %parallel_loop3A_973 : i32 to index
        %parallel_loop3A_975 = arith.index_cast %parallel_loop3A_772 : i32 to index
        %parallel_loop3A_976 = tpu.vector_load %arg17[%parallel_loop3A_974, %parallel_loop3A_975] {strides = array<i32>} : memref<8x1024xf32, #tpu.memory_space<vmem>>, vector<1x16xf32>,
        %parallel_loop3A_977 = vector.shape_cast %parallel_loop3A_976 : vector<1x16xf32> to vector<16xf32>
        %parallel_loop3A_978 = arith.addf %parallel_loop3A_977, %parallel_loop3A_936 : vector<16xf32>
        %parallel_loop3A_979 = arith.constant 3 : i32
        %parallel_loop3A_980 = arith.index_cast %parallel_loop3A_979 : i32 to index
        %parallel_loop3A_981 = arith.index_cast %parallel_loop3A_772 : i32 to index
        %parallel_loop3A_982 = tpu.vector_load %arg17[%parallel_loop3A_980, %parallel_loop3A_981] {strides = array<i32>} : memref<8x1024xf32, #tpu.memory_space<vmem>>, vector<1x16xf32>,
        %parallel_loop3A_983 = vector.shape_cast %parallel_loop3A_982 : vector<1x16xf32> to vector<16xf32>
        %parallel_loop3A_984 = vector.shape_cast %parallel_loop3A_978 : vector<16xf32> to vector<1x16xf32>
        tpu.vector_store %arg17[%parallel_loop3A_980, %parallel_loop3A_981], %parallel_loop3A_984 {strides = array<i32>} : memref<8x1024xf32, #tpu.memory_space<vmem>>, vector<1x16xf32>,
        %parallel_loop3A_985 = arith.constant 4 : i32
        %parallel_loop3A_986 = arith.index_cast %parallel_loop3A_985 : i32 to index
        %parallel_loop3A_987 = arith.index_cast %parallel_loop3A_772 : i32 to index
        %parallel_loop3A_988 = tpu.vector_load %arg20[%parallel_loop3A_986, %parallel_loop3A_987] {strides = array<i32>} : memref<8x1024xf32, #tpu.memory_space<vmem>>, vector<1x16xf32>,
        %parallel_loop3A_989 = vector.shape_cast %parallel_loop3A_988 : vector<1x16xf32> to vector<16xf32>
        %parallel_loop3A_990 = arith.constant 4 : i32
        %parallel_loop3A_991 = arith.index_cast %parallel_loop3A_990 : i32 to index
        %parallel_loop3A_992 = arith.index_cast %parallel_loop3A_772 : i32 to index
        %parallel_loop3A_993 = tpu.vector_load %arg14[%parallel_loop3A_991, %parallel_loop3A_992] {strides = array<i32>} : memref<8x1024xf32, #tpu.memory_space<vmem>>, vector<1x16xf32>,
        %parallel_loop3A_994 = vector.shape_cast %parallel_loop3A_993 : vector<1x16xf32> to vector<16xf32>
        %parallel_loop3A_995 = arith.addf %parallel_loop3A_994, %parallel_loop3A_989 : vector<16xf32>
        %parallel_loop3A_996 = arith.constant 4 : i32
        %parallel_loop3A_997 = arith.index_cast %parallel_loop3A_996 : i32 to index
        %parallel_loop3A_998 = arith.index_cast %parallel_loop3A_772 : i32 to index
        %parallel_loop3A_999 = tpu.vector_load %arg14[%parallel_loop3A_997, %parallel_loop3A_998] {strides = array<i32>} : memref<8x1024xf32, #tpu.memory_space<vmem>>, vector<1x16xf32>,
        %parallel_loop3A_1000 = vector.shape_cast %parallel_loop3A_999 : vector<1x16xf32> to vector<16xf32>
        %parallel_loop3A_1001 = vector.shape_cast %parallel_loop3A_995 : vector<16xf32> to vector<1x16xf32>
        tpu.vector_store %arg14[%parallel_loop3A_997, %parallel_loop3A_998], %parallel_loop3A_1001 {strides = array<i32>} : memref<8x1024xf32, #tpu.memory_space<vmem>>, vector<1x16xf32>,
        %parallel_loop3A_1002 = arith.constant 4 : i32
        %parallel_loop3A_1003 = arith.index_cast %parallel_loop3A_1002 : i32 to index
        %parallel_loop3A_1004 = arith.index_cast %parallel_loop3A_772 : i32 to index
        %parallel_loop3A_1005 = tpu.vector_load %arg15[%parallel_loop3A_1003, %parallel_loop3A_1004] {strides = array<i32>} : memref<8x1024xf32, #tpu.memory_space<vmem>>, vector<1x16xf32>,
        %parallel_loop3A_1006 = vector.shape_cast %parallel_loop3A_1005 : vector<1x16xf32> to vector<16xf32>
        %parallel_loop3A_1007 = arith.addf %parallel_loop3A_1006, %parallel_loop3A_989 : vector<16xf32>
        %parallel_loop3A_1008 = arith.constant 4 : i32
        %parallel_loop3A_1009 = arith.index_cast %parallel_loop3A_1008 : i32 to index
        %parallel_loop3A_1010 = arith.index_cast %parallel_loop3A_772 : i32 to index
        %parallel_loop3A_1011 = tpu.vector_load %arg15[%parallel_loop3A_1009, %parallel_loop3A_1010] {strides = array<i32>} : memref<8x1024xf32, #tpu.memory_space<vmem>>, vector<1x16xf32>,
        %parallel_loop3A_1012 = vector.shape_cast %parallel_loop3A_1011 : vector<1x16xf32> to vector<16xf32>
        %parallel_loop3A_1013 = vector.shape_cast %parallel_loop3A_1007 : vector<16xf32> to vector<1x16xf32>
        tpu.vector_store %arg15[%parallel_loop3A_1009, %parallel_loop3A_1010], %parallel_loop3A_1013 {strides = array<i32>} : memref<8x1024xf32, #tpu.memory_space<vmem>>, vector<1x16xf32>,
        %parallel_loop3A_1014 = arith.constant 4 : i32
        %parallel_loop3A_1015 = arith.index_cast %parallel_loop3A_1014 : i32 to index
        %parallel_loop3A_1016 = arith.index_cast %parallel_loop3A_772 : i32 to index
        %parallel_loop3A_1017 = tpu.vector_load %arg16[%parallel_loop3A_1015, %parallel_loop3A_1016] {strides = array<i32>} : memref<8x1024xf32, #tpu.memory_space<vmem>>, vector<1x16xf32>,
        %parallel_loop3A_1018 = vector.shape_cast %parallel_loop3A_1017 : vector<1x16xf32> to vector<16xf32>
        %parallel_loop3A_1019 = arith.addf %parallel_loop3A_1018, %parallel_loop3A_989 : vector<16xf32>
        %parallel_loop3A_1020 = arith.constant 4 : i32
        %parallel_loop3A_1021 = arith.index_cast %parallel_loop3A_1020 : i32 to index
        %parallel_loop3A_1022 = arith.index_cast %parallel_loop3A_772 : i32 to index
        %parallel_loop3A_1023 = tpu.vector_load %arg16[%parallel_loop3A_1021, %parallel_loop3A_1022] {strides = array<i32>} : memref<8x1024xf32, #tpu.memory_space<vmem>>, vector<1x16xf32>,
        %parallel_loop3A_1024 = vector.shape_cast %parallel_loop3A_1023 : vector<1x16xf32> to vector<16xf32>
        %parallel_loop3A_1025 = vector.shape_cast %parallel_loop3A_1019 : vector<16xf32> to vector<1x16xf32>
        tpu.vector_store %arg16[%parallel_loop3A_1021, %parallel_loop3A_1022], %parallel_loop3A_1025 {strides = array<i32>} : memref<8x1024xf32, #tpu.memory_space<vmem>>, vector<1x16xf32>,
        %parallel_loop3A_1026 = arith.constant 4 : i32
        %parallel_loop3A_1027 = arith.index_cast %parallel_loop3A_1026 : i32 to index
        %parallel_loop3A_1028 = arith.index_cast %parallel_loop3A_772 : i32 to index
        %parallel_loop3A_1029 = tpu.vector_load %arg17[%parallel_loop3A_1027, %parallel_loop3A_1028] {strides = array<i32>} : memref<8x1024xf32, #tpu.memory_space<vmem>>, vector<1x16xf32>,
        %parallel_loop3A_1030 = vector.shape_cast %parallel_loop3A_1029 : vector<1x16xf32> to vector<16xf32>
        %parallel_loop3A_1031 = arith.addf %parallel_loop3A_1030, %parallel_loop3A_989 : vector<16xf32>
        %parallel_loop3A_1032 = arith.constant 4 : i32
        %parallel_loop3A_1033 = arith.index_cast %parallel_loop3A_1032 : i32 to index
        %parallel_loop3A_1034 = arith.index_cast %parallel_loop3A_772 : i32 to index
        %parallel_loop3A_1035 = tpu.vector_load %arg17[%parallel_loop3A_1033, %parallel_loop3A_1034] {strides = array<i32>} : memref<8x1024xf32, #tpu.memory_space<vmem>>, vector<1x16xf32>,
        %parallel_loop3A_1036 = vector.shape_cast %parallel_loop3A_1035 : vector<1x16xf32> to vector<16xf32>
        %parallel_loop3A_1037 = vector.shape_cast %parallel_loop3A_1031 : vector<16xf32> to vector<1x16xf32>
        tpu.vector_store %arg17[%parallel_loop3A_1033, %parallel_loop3A_1034], %parallel_loop3A_1037 {strides = array<i32>} : memref<8x1024xf32, #tpu.memory_space<vmem>>, vector<1x16xf32>,
        %parallel_loop3A_1038 = arith.constant 5 : i32
        %parallel_loop3A_1039 = arith.index_cast %parallel_loop3A_1038 : i32 to index
        %parallel_loop3A_1040 = arith.index_cast %parallel_loop3A_772 : i32 to index
        %parallel_loop3A_1041 = tpu.vector_load %arg20[%parallel_loop3A_1039, %parallel_loop3A_1040] {strides = array<i32>} : memref<8x1024xf32, #tpu.memory_space<vmem>>, vector<1x16xf32>,
        %parallel_loop3A_1042 = vector.shape_cast %parallel_loop3A_1041 : vector<1x16xf32> to vector<16xf32>
        %parallel_loop3A_1043 = arith.constant 5 : i32
        %parallel_loop3A_1044 = arith.index_cast %parallel_loop3A_1043 : i32 to index
        %parallel_loop3A_1045 = arith.index_cast %parallel_loop3A_772 : i32 to index
        %parallel_loop3A_1046 = tpu.vector_load %arg14[%parallel_loop3A_1044, %parallel_loop3A_1045] {strides = array<i32>} : memref<8x1024xf32, #tpu.memory_space<vmem>>, vector<1x16xf32>,
        %parallel_loop3A_1047 = vector.shape_cast %parallel_loop3A_1046 : vector<1x16xf32> to vector<16xf32>
        %parallel_loop3A_1048 = arith.addf %parallel_loop3A_1047, %parallel_loop3A_1042 : vector<16xf32>
        %parallel_loop3A_1049 = arith.constant 5 : i32
        %parallel_loop3A_1050 = arith.index_cast %parallel_loop3A_1049 : i32 to index
        %parallel_loop3A_1051 = arith.index_cast %parallel_loop3A_772 : i32 to index
        %parallel_loop3A_1052 = tpu.vector_load %arg14[%parallel_loop3A_1050, %parallel_loop3A_1051] {strides = array<i32>} : memref<8x1024xf32, #tpu.memory_space<vmem>>, vector<1x16xf32>,
        %parallel_loop3A_1053 = vector.shape_cast %parallel_loop3A_1052 : vector<1x16xf32> to vector<16xf32>
        %parallel_loop3A_1054 = vector.shape_cast %parallel_loop3A_1048 : vector<16xf32> to vector<1x16xf32>
        tpu.vector_store %arg14[%parallel_loop3A_1050, %parallel_loop3A_1051], %parallel_loop3A_1054 {strides = array<i32>} : memref<8x1024xf32, #tpu.memory_space<vmem>>, vector<1x16xf32>,
        %parallel_loop3A_1055 = arith.constant 5 : i32
        %parallel_loop3A_1056 = arith.index_cast %parallel_loop3A_1055 : i32 to index
        %parallel_loop3A_1057 = arith.index_cast %parallel_loop3A_772 : i32 to index
        %parallel_loop3A_1058 = tpu.vector_load %arg15[%parallel_loop3A_1056, %parallel_loop3A_1057] {strides = array<i32>} : memref<8x1024xf32, #tpu.memory_space<vmem>>, vector<1x16xf32>,
        %parallel_loop3A_1059 = vector.shape_cast %parallel_loop3A_1058 : vector<1x16xf32> to vector<16xf32>
        %parallel_loop3A_1060 = arith.addf %parallel_loop3A_1059, %parallel_loop3A_1042 : vector<16xf32>
        %parallel_loop3A_1061 = arith.constant 5 : i32
        %parallel_loop3A_1062 = arith.index_cast %parallel_loop3A_1061 : i32 to index
        %parallel_loop3A_1063 = arith.index_cast %parallel_loop3A_772 : i32 to index
        %parallel_loop3A_1064 = tpu.vector_load %arg15[%parallel_loop3A_1062, %parallel_loop3A_1063] {strides = array<i32>} : memref<8x1024xf32, #tpu.memory_space<vmem>>, vector<1x16xf32>,
        %parallel_loop3A_1065 = vector.shape_cast %parallel_loop3A_1064 : vector<1x16xf32> to vector<16xf32>
        %parallel_loop3A_1066 = vector.shape_cast %parallel_loop3A_1060 : vector<16xf32> to vector<1x16xf32>
        tpu.vector_store %arg15[%parallel_loop3A_1062, %parallel_loop3A_1063], %parallel_loop3A_1066 {strides = array<i32>} : memref<8x1024xf32, #tpu.memory_space<vmem>>, vector<1x16xf32>,
        %parallel_loop3A_1067 = arith.constant 5 : i32
        %parallel_loop3A_1068 = arith.index_cast %parallel_loop3A_1067 : i32 to index
        %parallel_loop3A_1069 = arith.index_cast %parallel_loop3A_772 : i32 to index
        %parallel_loop3A_1070 = tpu.vector_load %arg16[%parallel_loop3A_1068, %parallel_loop3A_1069] {strides = array<i32>} : memref<8x1024xf32, #tpu.memory_space<vmem>>, vector<1x16xf32>,
        %parallel_loop3A_1071 = vector.shape_cast %parallel_loop3A_1070 : vector<1x16xf32> to vector<16xf32>
        %parallel_loop3A_1072 = arith.addf %parallel_loop3A_1071, %parallel_loop3A_1042 : vector<16xf32>
        %parallel_loop3A_1073 = arith.constant 5 : i32
        %parallel_loop3A_1074 = arith.index_cast %parallel_loop3A_1073 : i32 to index
        %parallel_loop3A_1075 = arith.index_cast %parallel_loop3A_772 : i32 to index
        %parallel_loop3A_1076 = tpu.vector_load %arg16[%parallel_loop3A_1074, %parallel_loop3A_1075] {strides = array<i32>} : memref<8x1024xf32, #tpu.memory_space<vmem>>, vector<1x16xf32>,
        %parallel_loop3A_1077 = vector.shape_cast %parallel_loop3A_1076 : vector<1x16xf32> to vector<16xf32>
        %parallel_loop3A_1078 = vector.shape_cast %parallel_loop3A_1072 : vector<16xf32> to vector<1x16xf32>
        tpu.vector_store %arg16[%parallel_loop3A_1074, %parallel_loop3A_1075], %parallel_loop3A_1078 {strides = array<i32>} : memref<8x1024xf32, #tpu.memory_space<vmem>>, vector<1x16xf32>,
        %parallel_loop3A_1079 = arith.constant 5 : i32
        %parallel_loop3A_1080 = arith.index_cast %parallel_loop3A_1079 : i32 to index
        %parallel_loop3A_1081 = arith.index_cast %parallel_loop3A_772 : i32 to index
        %parallel_loop3A_1082 = tpu.vector_load %arg17[%parallel_loop3A_1080, %parallel_loop3A_1081] {strides = array<i32>} : memref<8x1024xf32, #tpu.memory_space<vmem>>, vector<1x16xf32>,
        %parallel_loop3A_1083 = vector.shape_cast %parallel_loop3A_1082 : vector<1x16xf32> to vector<16xf32>
        %parallel_loop3A_1084 = arith.addf %parallel_loop3A_1083, %parallel_loop3A_1042 : vector<16xf32>
        %parallel_loop3A_1085 = arith.constant 5 : i32
        %parallel_loop3A_1086 = arith.index_cast %parallel_loop3A_1085 : i32 to index
        %parallel_loop3A_1087 = arith.index_cast %parallel_loop3A_772 : i32 to index
        %parallel_loop3A_1088 = tpu.vector_load %arg17[%parallel_loop3A_1086, %parallel_loop3A_1087] {strides = array<i32>} : memref<8x1024xf32, #tpu.memory_space<vmem>>, vector<1x16xf32>,
        %parallel_loop3A_1089 = vector.shape_cast %parallel_loop3A_1088 : vector<1x16xf32> to vector<16xf32>
        %parallel_loop3A_1090 = vector.shape_cast %parallel_loop3A_1084 : vector<16xf32> to vector<1x16xf32>
        tpu.vector_store %arg17[%parallel_loop3A_1086, %parallel_loop3A_1087], %parallel_loop3A_1090 {strides = array<i32>} : memref<8x1024xf32, #tpu.memory_space<vmem>>, vector<1x16xf32>,
        %parallel_loop3A_1091 = arith.constant 6 : i32
        %parallel_loop3A_1092 = arith.index_cast %parallel_loop3A_1091 : i32 to index
        %parallel_loop3A_1093 = arith.index_cast %parallel_loop3A_772 : i32 to index
        %parallel_loop3A_1094 = tpu.vector_load %arg20[%parallel_loop3A_1092, %parallel_loop3A_1093] {strides = array<i32>} : memref<8x1024xf32, #tpu.memory_space<vmem>>, vector<1x16xf32>,
        %parallel_loop3A_1095 = vector.shape_cast %parallel_loop3A_1094 : vector<1x16xf32> to vector<16xf32>
        %parallel_loop3A_1096 = arith.constant 6 : i32
        %parallel_loop3A_1097 = arith.index_cast %parallel_loop3A_1096 : i32 to index
        %parallel_loop3A_1098 = arith.index_cast %parallel_loop3A_772 : i32 to index
        %parallel_loop3A_1099 = tpu.vector_load %arg14[%parallel_loop3A_1097, %parallel_loop3A_1098] {strides = array<i32>} : memref<8x1024xf32, #tpu.memory_space<vmem>>, vector<1x16xf32>,
        %parallel_loop3A_1100 = vector.shape_cast %parallel_loop3A_1099 : vector<1x16xf32> to vector<16xf32>
        %parallel_loop3A_1101 = arith.addf %parallel_loop3A_1100, %parallel_loop3A_1095 : vector<16xf32>
        %parallel_loop3A_1102 = arith.constant 6 : i32
        %parallel_loop3A_1103 = arith.index_cast %parallel_loop3A_1102 : i32 to index
        %parallel_loop3A_1104 = arith.index_cast %parallel_loop3A_772 : i32 to index
        %parallel_loop3A_1105 = tpu.vector_load %arg14[%parallel_loop3A_1103, %parallel_loop3A_1104] {strides = array<i32>} : memref<8x1024xf32, #tpu.memory_space<vmem>>, vector<1x16xf32>,
        %parallel_loop3A_1106 = vector.shape_cast %parallel_loop3A_1105 : vector<1x16xf32> to vector<16xf32>
        %parallel_loop3A_1107 = vector.shape_cast %parallel_loop3A_1101 : vector<16xf32> to vector<1x16xf32>
        tpu.vector_store %arg14[%parallel_loop3A_1103, %parallel_loop3A_1104], %parallel_loop3A_1107 {strides = array<i32>} : memref<8x1024xf32, #tpu.memory_space<vmem>>, vector<1x16xf32>,
        %parallel_loop3A_1108 = arith.constant 6 : i32
        %parallel_loop3A_1109 = arith.index_cast %parallel_loop3A_1108 : i32 to index
        %parallel_loop3A_1110 = arith.index_cast %parallel_loop3A_772 : i32 to index
        %parallel_loop3A_1111 = tpu.vector_load %arg15[%parallel_loop3A_1109, %parallel_loop3A_1110] {strides = array<i32>} : memref<8x1024xf32, #tpu.memory_space<vmem>>, vector<1x16xf32>,
        %parallel_loop3A_1112 = vector.shape_cast %parallel_loop3A_1111 : vector<1x16xf32> to vector<16xf32>
        %parallel_loop3A_1113 = arith.addf %parallel_loop3A_1112, %parallel_loop3A_1095 : vector<16xf32>
        %parallel_loop3A_1114 = arith.constant 6 : i32
        %parallel_loop3A_1115 = arith.index_cast %parallel_loop3A_1114 : i32 to index
        %parallel_loop3A_1116 = arith.index_cast %parallel_loop3A_772 : i32 to index
        %parallel_loop3A_1117 = tpu.vector_load %arg15[%parallel_loop3A_1115, %parallel_loop3A_1116] {strides = array<i32>} : memref<8x1024xf32, #tpu.memory_space<vmem>>, vector<1x16xf32>,
        %parallel_loop3A_1118 = vector.shape_cast %parallel_loop3A_1117 : vector<1x16xf32> to vector<16xf32>
        %parallel_loop3A_1119 = vector.shape_cast %parallel_loop3A_1113 : vector<16xf32> to vector<1x16xf32>
        tpu.vector_store %arg15[%parallel_loop3A_1115, %parallel_loop3A_1116], %parallel_loop3A_1119 {strides = array<i32>} : memref<8x1024xf32, #tpu.memory_space<vmem>>, vector<1x16xf32>,
        %parallel_loop3A_1120 = arith.constant 6 : i32
        %parallel_loop3A_1121 = arith.index_cast %parallel_loop3A_1120 : i32 to index
        %parallel_loop3A_1122 = arith.index_cast %parallel_loop3A_772 : i32 to index
        %parallel_loop3A_1123 = tpu.vector_load %arg16[%parallel_loop3A_1121, %parallel_loop3A_1122] {strides = array<i32>} : memref<8x1024xf32, #tpu.memory_space<vmem>>, vector<1x16xf32>,
        %parallel_loop3A_1124 = vector.shape_cast %parallel_loop3A_1123 : vector<1x16xf32> to vector<16xf32>
        %parallel_loop3A_1125 = arith.addf %parallel_loop3A_1124, %parallel_loop3A_1095 : vector<16xf32>
        %parallel_loop3A_1126 = arith.constant 6 : i32
        %parallel_loop3A_1127 = arith.index_cast %parallel_loop3A_1126 : i32 to index
        %parallel_loop3A_1128 = arith.index_cast %parallel_loop3A_772 : i32 to index
        %parallel_loop3A_1129 = tpu.vector_load %arg16[%parallel_loop3A_1127, %parallel_loop3A_1128] {strides = array<i32>} : memref<8x1024xf32, #tpu.memory_space<vmem>>, vector<1x16xf32>,
        %parallel_loop3A_1130 = vector.shape_cast %parallel_loop3A_1129 : vector<1x16xf32> to vector<16xf32>
        %parallel_loop3A_1131 = vector.shape_cast %parallel_loop3A_1125 : vector<16xf32> to vector<1x16xf32>
        tpu.vector_store %arg16[%parallel_loop3A_1127, %parallel_loop3A_1128], %parallel_loop3A_1131 {strides = array<i32>} : memref<8x1024xf32, #tpu.memory_space<vmem>>, vector<1x16xf32>,
        %parallel_loop3A_1132 = arith.constant 6 : i32
        %parallel_loop3A_1133 = arith.index_cast %parallel_loop3A_1132 : i32 to index
        %parallel_loop3A_1134 = arith.index_cast %parallel_loop3A_772 : i32 to index
        %parallel_loop3A_1135 = tpu.vector_load %arg17[%parallel_loop3A_1133, %parallel_loop3A_1134] {strides = array<i32>} : memref<8x1024xf32, #tpu.memory_space<vmem>>, vector<1x16xf32>,
        %parallel_loop3A_1136 = vector.shape_cast %parallel_loop3A_1135 : vector<1x16xf32> to vector<16xf32>
        %parallel_loop3A_1137 = arith.addf %parallel_loop3A_1136, %parallel_loop3A_1095 : vector<16xf32>
        %parallel_loop3A_1138 = arith.constant 6 : i32
        %parallel_loop3A_1139 = arith.index_cast %parallel_loop3A_1138 : i32 to index
        %parallel_loop3A_1140 = arith.index_cast %parallel_loop3A_772 : i32 to index
        %parallel_loop3A_1141 = tpu.vector_load %arg17[%parallel_loop3A_1139, %parallel_loop3A_1140] {strides = array<i32>} : memref<8x1024xf32, #tpu.memory_space<vmem>>, vector<1x16xf32>,
        %parallel_loop3A_1142 = vector.shape_cast %parallel_loop3A_1141 : vector<1x16xf32> to vector<16xf32>
        %parallel_loop3A_1143 = vector.shape_cast %parallel_loop3A_1137 : vector<16xf32> to vector<1x16xf32>
        tpu.vector_store %arg17[%parallel_loop3A_1139, %parallel_loop3A_1140], %parallel_loop3A_1143 {strides = array<i32>} : memref<8x1024xf32, #tpu.memory_space<vmem>>, vector<1x16xf32>,
        %parallel_loop3A_1144 = arith.constant 7 : i32
        %parallel_loop3A_1145 = arith.index_cast %parallel_loop3A_1144 : i32 to index
        %parallel_loop3A_1146 = arith.index_cast %parallel_loop3A_772 : i32 to index
        %parallel_loop3A_1147 = tpu.vector_load %arg20[%parallel_loop3A_1145, %parallel_loop3A_1146] {strides = array<i32>} : memref<8x1024xf32, #tpu.memory_space<vmem>>, vector<1x16xf32>,
        %parallel_loop3A_1148 = vector.shape_cast %parallel_loop3A_1147 : vector<1x16xf32> to vector<16xf32>
        %parallel_loop3A_1149 = arith.constant 7 : i32
        %parallel_loop3A_1150 = arith.index_cast %parallel_loop3A_1149 : i32 to index
        %parallel_loop3A_1151 = arith.index_cast %parallel_loop3A_772 : i32 to index
        %parallel_loop3A_1152 = tpu.vector_load %arg14[%parallel_loop3A_1150, %parallel_loop3A_1151] {strides = array<i32>} : memref<8x1024xf32, #tpu.memory_space<vmem>>, vector<1x16xf32>,
        %parallel_loop3A_1153 = vector.shape_cast %parallel_loop3A_1152 : vector<1x16xf32> to vector<16xf32>
        %parallel_loop3A_1154 = arith.addf %parallel_loop3A_1153, %parallel_loop3A_1148 : vector<16xf32>
        %parallel_loop3A_1155 = arith.constant 7 : i32
        %parallel_loop3A_1156 = arith.index_cast %parallel_loop3A_1155 : i32 to index
        %parallel_loop3A_1157 = arith.index_cast %parallel_loop3A_772 : i32 to index
        %parallel_loop3A_1158 = tpu.vector_load %arg14[%parallel_loop3A_1156, %parallel_loop3A_1157] {strides = array<i32>} : memref<8x1024xf32, #tpu.memory_space<vmem>>, vector<1x16xf32>,
        %parallel_loop3A_1159 = vector.shape_cast %parallel_loop3A_1158 : vector<1x16xf32> to vector<16xf32>
        %parallel_loop3A_1160 = vector.shape_cast %parallel_loop3A_1154 : vector<16xf32> to vector<1x16xf32>
        tpu.vector_store %arg14[%parallel_loop3A_1156, %parallel_loop3A_1157], %parallel_loop3A_1160 {strides = array<i32>} : memref<8x1024xf32, #tpu.memory_space<vmem>>, vector<1x16xf32>,
        %parallel_loop3A_1161 = arith.constant 7 : i32
        %parallel_loop3A_1162 = arith.index_cast %parallel_loop3A_1161 : i32 to index
        %parallel_loop3A_1163 = arith.index_cast %parallel_loop3A_772 : i32 to index
        %parallel_loop3A_1164 = tpu.vector_load %arg15[%parallel_loop3A_1162, %parallel_loop3A_1163] {strides = array<i32>} : memref<8x1024xf32, #tpu.memory_space<vmem>>, vector<1x16xf32>,
        %parallel_loop3A_1165 = vector.shape_cast %parallel_loop3A_1164 : vector<1x16xf32> to vector<16xf32>
        %parallel_loop3A_1166 = arith.addf %parallel_loop3A_1165, %parallel_loop3A_1148 : vector<16xf32>
        %parallel_loop3A_1167 = arith.constant 7 : i32
        %parallel_loop3A_1168 = arith.index_cast %parallel_loop3A_1167 : i32 to index
        %parallel_loop3A_1169 = arith.index_cast %parallel_loop3A_772 : i32 to index
        %parallel_loop3A_1170 = tpu.vector_load %arg15[%parallel_loop3A_1168, %parallel_loop3A_1169] {strides = array<i32>} : memref<8x1024xf32, #tpu.memory_space<vmem>>, vector<1x16xf32>,
        %parallel_loop3A_1171 = vector.shape_cast %parallel_loop3A_1170 : vector<1x16xf32> to vector<16xf32>
        %parallel_loop3A_1172 = vector.shape_cast %parallel_loop3A_1166 : vector<16xf32> to vector<1x16xf32>
        tpu.vector_store %arg15[%parallel_loop3A_1168, %parallel_loop3A_1169], %parallel_loop3A_1172 {strides = array<i32>} : memref<8x1024xf32, #tpu.memory_space<vmem>>, vector<1x16xf32>,
        %parallel_loop3A_1173 = arith.constant 7 : i32
        %parallel_loop3A_1174 = arith.index_cast %parallel_loop3A_1173 : i32 to index
        %parallel_loop3A_1175 = arith.index_cast %parallel_loop3A_772 : i32 to index
        %parallel_loop3A_1176 = tpu.vector_load %arg16[%parallel_loop3A_1174, %parallel_loop3A_1175] {strides = array<i32>} : memref<8x1024xf32, #tpu.memory_space<vmem>>, vector<1x16xf32>,
        %parallel_loop3A_1177 = vector.shape_cast %parallel_loop3A_1176 : vector<1x16xf32> to vector<16xf32>
        %parallel_loop3A_1178 = arith.addf %parallel_loop3A_1177, %parallel_loop3A_1148 : vector<16xf32>
        %parallel_loop3A_1179 = arith.constant 7 : i32
        %parallel_loop3A_1180 = arith.index_cast %parallel_loop3A_1179 : i32 to index
        %parallel_loop3A_1181 = arith.index_cast %parallel_loop3A_772 : i32 to index
        %parallel_loop3A_1182 = tpu.vector_load %arg16[%parallel_loop3A_1180, %parallel_loop3A_1181] {strides = array<i32>} : memref<8x1024xf32, #tpu.memory_space<vmem>>, vector<1x16xf32>,
        %parallel_loop3A_1183 = vector.shape_cast %parallel_loop3A_1182 : vector<1x16xf32> to vector<16xf32>
        %parallel_loop3A_1184 = vector.shape_cast %parallel_loop3A_1178 : vector<16xf32> to vector<1x16xf32>
        tpu.vector_store %arg16[%parallel_loop3A_1180, %parallel_loop3A_1181], %parallel_loop3A_1184 {strides = array<i32>} : memref<8x1024xf32, #tpu.memory_space<vmem>>, vector<1x16xf32>,
        %parallel_loop3A_1185 = arith.constant 7 : i32
        %parallel_loop3A_1186 = arith.index_cast %parallel_loop3A_1185 : i32 to index
        %parallel_loop3A_1187 = arith.index_cast %parallel_loop3A_772 : i32 to index
        %parallel_loop3A_1188 = tpu.vector_load %arg17[%parallel_loop3A_1186, %parallel_loop3A_1187] {strides = array<i32>} : memref<8x1024xf32, #tpu.memory_space<vmem>>, vector<1x16xf32>,
        %parallel_loop3A_1189 = vector.shape_cast %parallel_loop3A_1188 : vector<1x16xf32> to vector<16xf32>
        %parallel_loop3A_1190 = arith.addf %parallel_loop3A_1189, %parallel_loop3A_1148 : vector<16xf32>
        %parallel_loop3A_1191 = arith.constant 7 : i32
        %parallel_loop3A_1192 = arith.index_cast %parallel_loop3A_1191 : i32 to index
        %parallel_loop3A_1193 = arith.index_cast %parallel_loop3A_772 : i32 to index
        %parallel_loop3A_1194 = tpu.vector_load %arg17[%parallel_loop3A_1192, %parallel_loop3A_1193] {strides = array<i32>} : memref<8x1024xf32, #tpu.memory_space<vmem>>, vector<1x16xf32>,
        %parallel_loop3A_1195 = vector.shape_cast %parallel_loop3A_1194 : vector<1x16xf32> to vector<16xf32>
        %parallel_loop3A_1196 = vector.shape_cast %parallel_loop3A_1190 : vector<16xf32> to vector<1x16xf32>
        tpu.vector_store %arg17[%parallel_loop3A_1192, %parallel_loop3A_1193], %parallel_loop3A_1196 {strides = array<i32>} : memref<8x1024xf32, #tpu.memory_space<vmem>>, vector<1x16xf32>,
      } {sc.loop_unroll_factor = 2 : i64, sc.parallel_access}
      %mul3A_730 = arith.constant 8 : i32
      %mul3A_731 = arith.muli %add3A_632, %mul3A_730 : i32
      %add3A_732 = arith.addi %mul3A_2, %mul3A_731 : i32
      %dma_start3A_733 = arith.constant 0 : i32
      %dma_start3A_734 = arith.constant 0 : i32
      %dma_start3A_735 = tpu.memref_slice %arg5[%dma_start3A_733, %add3A_732, %dma_start3A_734] : memref<4x8192x1024xf32, #tpu.memory_space<hbm>> -> memref<1x8x1024xf32, #tpu.memory_space<hbm>>
      %dma_start3A_736 = tpu.memref_squeeze %dma_start3A_735 : memref<1x8x1024xf32, #tpu.memory_space<hbm>> -> memref<8x1024xf32, #tpu.memory_space<hbm>>
      %dma_start3A_737 = arith.constant 0 : i32
      %dma_start3A_738 = tpu.memref_slice %arg5[%dma_start3A_733, %add3A_732, %dma_start3A_737] : memref<4x8192x1024xf32, #tpu.memory_space<hbm>> -> memref<1x8x1024xf32, #tpu.memory_space<hbm>>
      %dma_start3A_739 = tpu.memref_squeeze %dma_start3A_738 : memref<1x8x1024xf32, #tpu.memory_space<hbm>> -> memref<8x1024xf32, #tpu.memory_space<hbm>>
      tpu.enqueue_dma source(%arg14 : memref<8x1024xf32, #tpu.memory_space<vmem>>) target(%dma_start3A_739 : memref<8x1024xf32, #tpu.memory_space<hbm>>) target_semaphore(%arg42 : memref<!tpu.dma_semaphore, #tpu.memory_space<semaphore_mem>>)
      %mul3A_740 = arith.constant 8 : i32
      %mul3A_741 = arith.muli %add3A_632, %mul3A_740 : i32
      %add3A_742 = arith.addi %mul3A_2, %mul3A_741 : i32
      %dma_start3A_743 = arith.constant 1 : i32
      %dma_start3A_744 = arith.constant 0 : i32
      %dma_start3A_745 = tpu.memref_slice %arg5[%dma_start3A_743, %add3A_742, %dma_start3A_744] : memref<4x8192x1024xf32, #tpu.memory_space<hbm>> -> memref<1x8x1024xf32, #tpu.memory_space<hbm>>
      %dma_start3A_746 = tpu.memref_squeeze %dma_start3A_745 : memref<1x8x1024xf32, #tpu.memory_space<hbm>> -> memref<8x1024xf32, #tpu.memory_space<hbm>>
      %dma_start3A_747 = arith.constant 0 : i32
      %dma_start3A_748 = tpu.memref_slice %arg5[%dma_start3A_743, %add3A_742, %dma_start3A_747] : memref<4x8192x1024xf32, #tpu.memory_space<hbm>> -> memref<1x8x1024xf32, #tpu.memory_space<hbm>>
      %dma_start3A_749 = tpu.memref_squeeze %dma_start3A_748 : memref<1x8x1024xf32, #tpu.memory_space<hbm>> -> memref<8x1024xf32, #tpu.memory_space<hbm>>
      tpu.enqueue_dma source(%arg15 : memref<8x1024xf32, #tpu.memory_space<vmem>>) target(%dma_start3A_749 : memref<8x1024xf32, #tpu.memory_space<hbm>>) target_semaphore(%arg43 : memref<!tpu.dma_semaphore, #tpu.memory_space<semaphore_mem>>)
      %mul3A_750 = arith.constant 8 : i32
      %mul3A_751 = arith.muli %add3A_632, %mul3A_750 : i32
      %add3A_752 = arith.addi %mul3A_2, %mul3A_751 : i32
      %dma_start3A_753 = arith.constant 2 : i32
      %dma_start3A_754 = arith.constant 0 : i32
      %dma_start3A_755 = tpu.memref_slice %arg5[%dma_start3A_753, %add3A_752, %dma_start3A_754] : memref<4x8192x1024xf32, #tpu.memory_space<hbm>> -> memref<1x8x1024xf32, #tpu.memory_space<hbm>>
      %dma_start3A_756 = tpu.memref_squeeze %dma_start3A_755 : memref<1x8x1024xf32, #tpu.memory_space<hbm>> -> memref<8x1024xf32, #tpu.memory_space<hbm>>
      %dma_start3A_757 = arith.constant 0 : i32
      %dma_start3A_758 = tpu.memref_slice %arg5[%dma_start3A_753, %add3A_752, %dma_start3A_757] : memref<4x8192x1024xf32, #tpu.memory_space<hbm>> -> memref<1x8x1024xf32, #tpu.memory_space<hbm>>
      %dma_start3A_759 = tpu.memref_squeeze %dma_start3A_758 : memref<1x8x1024xf32, #tpu.memory_space<hbm>> -> memref<8x1024xf32, #tpu.memory_space<hbm>>
      tpu.enqueue_dma source(%arg16 : memref<8x1024xf32, #tpu.memory_space<vmem>>) target(%dma_start3A_759 : memref<8x1024xf32, #tpu.memory_space<hbm>>) target_semaphore(%arg44 : memref<!tpu.dma_semaphore, #tpu.memory_space<semaphore_mem>>)
      %mul3A_760 = arith.constant 8 : i32
      %mul3A_761 = arith.muli %add3A_632, %mul3A_760 : i32
      %add3A_762 = arith.addi %mul3A_2, %mul3A_761 : i32
      %dma_start3A_763 = arith.constant 3 : i32
      %dma_start3A_764 = arith.constant 0 : i32
      %dma_start3A_765 = tpu.memref_slice %arg5[%dma_start3A_763, %add3A_762, %dma_start3A_764] : memref<4x8192x1024xf32, #tpu.memory_space<hbm>> -> memref<1x8x1024xf32, #tpu.memory_space<hbm>>
      %dma_start3A_766 = tpu.memref_squeeze %dma_start3A_765 : memref<1x8x1024xf32, #tpu.memory_space<hbm>> -> memref<8x1024xf32, #tpu.memory_space<hbm>>
      %dma_start3A_767 = arith.constant 0 : i32
      %dma_start3A_768 = tpu.memref_slice %arg5[%dma_start3A_763, %add3A_762, %dma_start3A_767] : memref<4x8192x1024xf32, #tpu.memory_space<hbm>> -> memref<1x8x1024xf32, #tpu.memory_space<hbm>>
      %dma_start3A_769 = tpu.memref_squeeze %dma_start3A_768 : memref<1x8x1024xf32, #tpu.memory_space<hbm>> -> memref<8x1024xf32, #tpu.memory_space<hbm>>
      tpu.enqueue_dma source(%arg17 : memref<8x1024xf32, #tpu.memory_space<vmem>>) target(%dma_start3A_769 : memref<8x1024xf32, #tpu.memory_space<hbm>>) target_semaphore(%arg45 : memref<!tpu.dma_semaphore, #tpu.memory_space<semaphore_mem>>)
    }
    %scan3A_88 = arith.constant 10 : i32
    %dma_wait3A = arith.constant 0 : i32
    %dma_wait3A_89 = tpu.memref_slice %arg21[%dma_wait3A] : memref<256xi32, #tpu.memory_space<vmem>> -> memref<8xi32, #tpu.memory_space<vmem>>
    %dma_wait3A_90 = arith.constant 0 : i32
    %dma_wait3A_91 = arith.constant 0 : i32
    %dma_wait3A_92 = tpu.memref_slice %arg3[%dma_wait3A_90, %dma_wait3A_91] : memref<8192x1024xf32, #tpu.memory_space<hbm>> -> memref<8192x1024xf32, #tpu.memory_space<hbm>>
    tpu.wait_indirect_dma semaphore(%arg46 : memref<!tpu.dma_semaphore, #tpu.memory_space<semaphore_mem>>) src(%dma_wait3A_92 : memref<8192x1024xf32, #tpu.memory_space<hbm>>) dst(%arg18 : memref<8x1024xf32, #tpu.memory_space<vmem>>)
    %add3A_93 = arith.constant 0 : i32
    %add3A_94 = arith.addi %mul3A_2, %add3A_93 : i32
    %dma_wait3A_95 = arith.constant 0 : i32
    %dma_wait3A_96 = arith.constant 0 : i32
    %dma_wait3A_97 = tpu.memref_slice %arg2[%dma_wait3A_95, %add3A_94, %dma_wait3A_96] : memref<4x8192x1024xf32, #tpu.memory_space<hbm>> -> memref<1x8x1024xf32, #tpu.memory_space<hbm>>
    %dma_wait3A_98 = tpu.memref_squeeze %dma_wait3A_97 : memref<1x8x1024xf32, #tpu.memory_space<hbm>> -> memref<8x1024xf32, #tpu.memory_space<hbm>>
    %dma_wait3A_99 = arith.constant 0 : i32
    %dma_wait3A_100 = tpu.memref_slice %arg2[%dma_wait3A_95, %add3A_94, %dma_wait3A_99] : memref<4x8192x1024xf32, #tpu.memory_space<hbm>> -> memref<1x8x1024xf32, #tpu.memory_space<hbm>>
    %dma_wait3A_101 = tpu.memref_squeeze %dma_wait3A_100 : memref<1x8x1024xf32, #tpu.memory_space<hbm>> -> memref<8x1024xf32, #tpu.memory_space<hbm>>
    tpu.wait_dma2 semaphore(%arg22 : memref<!tpu.dma_semaphore, #tpu.memory_space<semaphore_mem>>) src(%dma_wait3A_101 : memref<8x1024xf32, #tpu.memory_space<hbm>>) dst(%arg6 : memref<8x1024xf32, #tpu.memory_space<vmem>>)
    %add3A_102 = arith.constant 0 : i32
    %add3A_103 = arith.addi %mul3A_2, %add3A_102 : i32
    %dma_wait3A_104 = arith.constant 0 : i32
    %dma_wait3A_105 = arith.constant 0 : i32
    %dma_wait3A_106 = tpu.memref_slice %arg2[%dma_wait3A_104, %add3A_103, %dma_wait3A_105] : memref<4x8192x1024xf32, #tpu.memory_space<hbm>> -> memref<1x8x1024xf32, #tpu.memory_space<hbm>>
    %dma_wait3A_107 = tpu.memref_squeeze %dma_wait3A_106 : memref<1x8x1024xf32, #tpu.memory_space<hbm>> -> memref<8x1024xf32, #tpu.memory_space<hbm>>
    %dma_wait3A_108 = arith.constant 0 : i32
    %dma_wait3A_109 = tpu.memref_slice %arg2[%dma_wait3A_104, %add3A_103, %dma_wait3A_108] : memref<4x8192x1024xf32, #tpu.memory_space<hbm>> -> memref<1x8x1024xf32, #tpu.memory_space<hbm>>
    %dma_wait3A_110 = tpu.memref_squeeze %dma_wait3A_109 : memref<1x8x1024xf32, #tpu.memory_space<hbm>> -> memref<8x1024xf32, #tpu.memory_space<hbm>>
    tpu.wait_dma2 semaphore(%arg23 : memref<!tpu.dma_semaphore, #tpu.memory_space<semaphore_mem>>) src(%dma_wait3A_110 : memref<8x1024xf32, #tpu.memory_space<hbm>>) dst(%arg7 : memref<8x1024xf32, #tpu.memory_space<vmem>>)
    %add3A_111 = arith.constant 0 : i32
    %add3A_112 = arith.addi %mul3A_2, %add3A_111 : i32
    %dma_wait3A_113 = arith.constant 0 : i32
    %dma_wait3A_114 = arith.constant 0 : i32
    %dma_wait3A_115 = tpu.memref_slice %arg2[%dma_wait3A_113, %add3A_112, %dma_wait3A_114] : memref<4x8192x1024xf32, #tpu.memory_space<hbm>> -> memref<1x8x1024xf32, #tpu.memory_space<hbm>>
    %dma_wait3A_116 = tpu.memref_squeeze %dma_wait3A_115 : memref<1x8x1024xf32, #tpu.memory_space<hbm>> -> memref<8x1024xf32, #tpu.memory_space<hbm>>
    %dma_wait3A_117 = arith.constant 0 : i32
    %dma_wait3A_118 = tpu.memref_slice %arg2[%dma_wait3A_113, %add3A_112, %dma_wait3A_117] : memref<4x8192x1024xf32, #tpu.memory_space<hbm>> -> memref<1x8x1024xf32, #tpu.memory_space<hbm>>
    %dma_wait3A_119 = tpu.memref_squeeze %dma_wait3A_118 : memref<1x8x1024xf32, #tpu.memory_space<hbm>> -> memref<8x1024xf32, #tpu.memory_space<hbm>>
    tpu.wait_dma2 semaphore(%arg24 : memref<!tpu.dma_semaphore, #tpu.memory_space<semaphore_mem>>) src(%dma_wait3A_119 : memref<8x1024xf32, #tpu.memory_space<hbm>>) dst(%arg8 : memref<8x1024xf32, #tpu.memory_space<vmem>>)
    %add3A_120 = arith.constant 0 : i32
    %add3A_121 = arith.addi %mul3A_2, %add3A_120 : i32
    %dma_wait3A_122 = arith.constant 0 : i32
    %dma_wait3A_123 = arith.constant 0 : i32
    %dma_wait3A_124 = tpu.memref_slice %arg2[%dma_wait3A_122, %add3A_121, %dma_wait3A_123] : memref<4x8192x1024xf32, #tpu.memory_space<hbm>> -> memref<1x8x1024xf32, #tpu.memory_space<hbm>>
    %dma_wait3A_125 = tpu.memref_squeeze %dma_wait3A_124 : memref<1x8x1024xf32, #tpu.memory_space<hbm>> -> memref<8x1024xf32, #tpu.memory_space<hbm>>
    %dma_wait3A_126 = arith.constant 0 : i32
    %dma_wait3A_127 = tpu.memref_slice %arg2[%dma_wait3A_122, %add3A_121, %dma_wait3A_126] : memref<4x8192x1024xf32, #tpu.memory_space<hbm>> -> memref<1x8x1024xf32, #tpu.memory_space<hbm>>
    %dma_wait3A_128 = tpu.memref_squeeze %dma_wait3A_127 : memref<1x8x1024xf32, #tpu.memory_space<hbm>> -> memref<8x1024xf32, #tpu.memory_space<hbm>>
    tpu.wait_dma2 semaphore(%arg25 : memref<!tpu.dma_semaphore, #tpu.memory_space<semaphore_mem>>) src(%dma_wait3A_128 : memref<8x1024xf32, #tpu.memory_space<hbm>>) dst(%arg9 : memref<8x1024xf32, #tpu.memory_space<vmem>>)
    %parallel_loop3A = arith.constant 0 : i32
    %parallel_loop3A_129 = arith.constant 64 : i32
    %parallel_loop3A_130 = arith.constant 1 : i32
    scf.for %parallel_loop3A_355 = %parallel_loop3A to %parallel_loop3A_129 step %parallel_loop3A_130  : i32 {
      %parallel_loop3A_356 = arith.constant 16 : i32
      %parallel_loop3A_357 = arith.muli %parallel_loop3A_355, %parallel_loop3A_356 : i32
      %parallel_loop3A_358 = arith.constant 0 : i32
      %parallel_loop3A_359 = arith.index_cast %parallel_loop3A_358 : i32 to index
      %parallel_loop3A_360 = arith.index_cast %parallel_loop3A_357 : i32 to index
      %parallel_loop3A_361 = tpu.vector_load %arg18[%parallel_loop3A_359, %parallel_loop3A_360] {strides = array<i32>} : memref<8x1024xf32, #tpu.memory_space<vmem>>, vector<1x16xf32>,
      %parallel_loop3A_362 = vector.shape_cast %parallel_loop3A_361 : vector<1x16xf32> to vector<16xf32>
      %parallel_loop3A_363 = arith.constant 0 : i32
      %parallel_loop3A_364 = arith.index_cast %parallel_loop3A_363 : i32 to index
      %parallel_loop3A_365 = arith.index_cast %parallel_loop3A_357 : i32 to index
      %parallel_loop3A_366 = tpu.vector_load %arg6[%parallel_loop3A_364, %parallel_loop3A_365] {strides = array<i32>} : memref<8x1024xf32, #tpu.memory_space<vmem>>, vector<1x16xf32>,
      %parallel_loop3A_367 = vector.shape_cast %parallel_loop3A_366 : vector<1x16xf32> to vector<16xf32>
      %parallel_loop3A_368 = arith.addf %parallel_loop3A_367, %parallel_loop3A_362 : vector<16xf32>
      %parallel_loop3A_369 = arith.constant 0 : i32
      %parallel_loop3A_370 = arith.index_cast %parallel_loop3A_369 : i32 to index
      %parallel_loop3A_371 = arith.index_cast %parallel_loop3A_357 : i32 to index
      %parallel_loop3A_372 = tpu.vector_load %arg6[%parallel_loop3A_370, %parallel_loop3A_371] {strides = array<i32>} : memref<8x1024xf32, #tpu.memory_space<vmem>>, vector<1x16xf32>,
      %parallel_loop3A_373 = vector.shape_cast %parallel_loop3A_372 : vector<1x16xf32> to vector<16xf32>
      %parallel_loop3A_374 = vector.shape_cast %parallel_loop3A_368 : vector<16xf32> to vector<1x16xf32>
      tpu.vector_store %arg6[%parallel_loop3A_370, %parallel_loop3A_371], %parallel_loop3A_374 {strides = array<i32>} : memref<8x1024xf32, #tpu.memory_space<vmem>>, vector<1x16xf32>,
      %parallel_loop3A_375 = arith.constant 0 : i32
      %parallel_loop3A_376 = arith.index_cast %parallel_loop3A_375 : i32 to index
      %parallel_loop3A_377 = arith.index_cast %parallel_loop3A_357 : i32 to index
      %parallel_loop3A_378 = tpu.vector_load %arg7[%parallel_loop3A_376, %parallel_loop3A_377] {strides = array<i32>} : memref<8x1024xf32, #tpu.memory_space<vmem>>, vector<1x16xf32>,
      %parallel_loop3A_379 = vector.shape_cast %parallel_loop3A_378 : vector<1x16xf32> to vector<16xf32>
      %parallel_loop3A_380 = arith.addf %parallel_loop3A_379, %parallel_loop3A_362 : vector<16xf32>
      %parallel_loop3A_381 = arith.constant 0 : i32
      %parallel_loop3A_382 = arith.index_cast %parallel_loop3A_381 : i32 to index
      %parallel_loop3A_383 = arith.index_cast %parallel_loop3A_357 : i32 to index
      %parallel_loop3A_384 = tpu.vector_load %arg7[%parallel_loop3A_382, %parallel_loop3A_383] {strides = array<i32>} : memref<8x1024xf32, #tpu.memory_space<vmem>>, vector<1x16xf32>,
      %parallel_loop3A_385 = vector.shape_cast %parallel_loop3A_384 : vector<1x16xf32> to vector<16xf32>
      %parallel_loop3A_386 = vector.shape_cast %parallel_loop3A_380 : vector<16xf32> to vector<1x16xf32>
      tpu.vector_store %arg7[%parallel_loop3A_382, %parallel_loop3A_383], %parallel_loop3A_386 {strides = array<i32>} : memref<8x1024xf32, #tpu.memory_space<vmem>>, vector<1x16xf32>,
      %parallel_loop3A_387 = arith.constant 0 : i32
      %parallel_loop3A_388 = arith.index_cast %parallel_loop3A_387 : i32 to index
      %parallel_loop3A_389 = arith.index_cast %parallel_loop3A_357 : i32 to index
      %parallel_loop3A_390 = tpu.vector_load %arg8[%parallel_loop3A_388, %parallel_loop3A_389] {strides = array<i32>} : memref<8x1024xf32, #tpu.memory_space<vmem>>, vector<1x16xf32>,
      %parallel_loop3A_391 = vector.shape_cast %parallel_loop3A_390 : vector<1x16xf32> to vector<16xf32>
      %parallel_loop3A_392 = arith.addf %parallel_loop3A_391, %parallel_loop3A_362 : vector<16xf32>
      %parallel_loop3A_393 = arith.constant 0 : i32
      %parallel_loop3A_394 = arith.index_cast %parallel_loop3A_393 : i32 to index
      %parallel_loop3A_395 = arith.index_cast %parallel_loop3A_357 : i32 to index
      %parallel_loop3A_396 = tpu.vector_load %arg8[%parallel_loop3A_394, %parallel_loop3A_395] {strides = array<i32>} : memref<8x1024xf32, #tpu.memory_space<vmem>>, vector<1x16xf32>,
      %parallel_loop3A_397 = vector.shape_cast %parallel_loop3A_396 : vector<1x16xf32> to vector<16xf32>
      %parallel_loop3A_398 = vector.shape_cast %parallel_loop3A_392 : vector<16xf32> to vector<1x16xf32>
      tpu.vector_store %arg8[%parallel_loop3A_394, %parallel_loop3A_395], %parallel_loop3A_398 {strides = array<i32>} : memref<8x1024xf32, #tpu.memory_space<vmem>>, vector<1x16xf32>,
      %parallel_loop3A_399 = arith.constant 0 : i32
      %parallel_loop3A_400 = arith.index_cast %parallel_loop3A_399 : i32 to index
      %parallel_loop3A_401 = arith.index_cast %parallel_loop3A_357 : i32 to index
      %parallel_loop3A_402 = tpu.vector_load %arg9[%parallel_loop3A_400, %parallel_loop3A_401] {strides = array<i32>} : memref<8x1024xf32, #tpu.memory_space<vmem>>, vector<1x16xf32>,
      %parallel_loop3A_403 = vector.shape_cast %parallel_loop3A_402 : vector<1x16xf32> to vector<16xf32>
      %parallel_loop3A_404 = arith.addf %parallel_loop3A_403, %parallel_loop3A_362 : vector<16xf32>
      %parallel_loop3A_405 = arith.constant 0 : i32
      %parallel_loop3A_406 = arith.index_cast %parallel_loop3A_405 : i32 to index
      %parallel_loop3A_407 = arith.index_cast %parallel_loop3A_357 : i32 to index
      %parallel_loop3A_408 = tpu.vector_load %arg9[%parallel_loop3A_406, %parallel_loop3A_407] {strides = array<i32>} : memref<8x1024xf32, #tpu.memory_space<vmem>>, vector<1x16xf32>,
      %parallel_loop3A_409 = vector.shape_cast %parallel_loop3A_408 : vector<1x16xf32> to vector<16xf32>
      %parallel_loop3A_410 = vector.shape_cast %parallel_loop3A_404 : vector<16xf32> to vector<1x16xf32>
      tpu.vector_store %arg9[%parallel_loop3A_406, %parallel_loop3A_407], %parallel_loop3A_410 {strides = array<i32>} : memref<8x1024xf32, #tpu.memory_space<vmem>>, vector<1x16xf32>,
      %parallel_loop3A_411 = arith.constant 1 : i32
      %parallel_loop3A_412 = arith.index_cast %parallel_loop3A_411 : i32 to index
      %parallel_loop3A_413 = arith.index_cast %parallel_loop3A_357 : i32 to index
      %parallel_loop3A_414 = tpu.vector_load %arg18[%parallel_loop3A_412, %parallel_loop3A_413] {strides = array<i32>} : memref<8x1024xf32, #tpu.memory_space<vmem>>, vector<1x16xf32>,
      %parallel_loop3A_415 = vector.shape_cast %parallel_loop3A_414 : vector<1x16xf32> to vector<16xf32>
      %parallel_loop3A_416 = arith.constant 1 : i32
      %parallel_loop3A_417 = arith.index_cast %parallel_loop3A_416 : i32 to index
      %parallel_loop3A_418 = arith.index_cast %parallel_loop3A_357 : i32 to index
      %parallel_loop3A_419 = tpu.vector_load %arg6[%parallel_loop3A_417, %parallel_loop3A_418] {strides = array<i32>} : memref<8x1024xf32, #tpu.memory_space<vmem>>, vector<1x16xf32>,
      %parallel_loop3A_420 = vector.shape_cast %parallel_loop3A_419 : vector<1x16xf32> to vector<16xf32>
      %parallel_loop3A_421 = arith.addf %parallel_loop3A_420, %parallel_loop3A_415 : vector<16xf32>
      %parallel_loop3A_422 = arith.constant 1 : i32
      %parallel_loop3A_423 = arith.index_cast %parallel_loop3A_422 : i32 to index
      %parallel_loop3A_424 = arith.index_cast %parallel_loop3A_357 : i32 to index
      %parallel_loop3A_425 = tpu.vector_load %arg6[%parallel_loop3A_423, %parallel_loop3A_424] {strides = array<i32>} : memref<8x1024xf32, #tpu.memory_space<vmem>>, vector<1x16xf32>,
      %parallel_loop3A_426 = vector.shape_cast %parallel_loop3A_425 : vector<1x16xf32> to vector<16xf32>
      %parallel_loop3A_427 = vector.shape_cast %parallel_loop3A_421 : vector<16xf32> to vector<1x16xf32>
      tpu.vector_store %arg6[%parallel_loop3A_423, %parallel_loop3A_424], %parallel_loop3A_427 {strides = array<i32>} : memref<8x1024xf32, #tpu.memory_space<vmem>>, vector<1x16xf32>,
      %parallel_loop3A_428 = arith.constant 1 : i32
      %parallel_loop3A_429 = arith.index_cast %parallel_loop3A_428 : i32 to index
      %parallel_loop3A_430 = arith.index_cast %parallel_loop3A_357 : i32 to index
      %parallel_loop3A_431 = tpu.vector_load %arg7[%parallel_loop3A_429, %parallel_loop3A_430] {strides = array<i32>} : memref<8x1024xf32, #tpu.memory_space<vmem>>, vector<1x16xf32>,
      %parallel_loop3A_432 = vector.shape_cast %parallel_loop3A_431 : vector<1x16xf32> to vector<16xf32>
      %parallel_loop3A_433 = arith.addf %parallel_loop3A_432, %parallel_loop3A_415 : vector<16xf32>
      %parallel_loop3A_434 = arith.constant 1 : i32
      %parallel_loop3A_435 = arith.index_cast %parallel_loop3A_434 : i32 to index
      %parallel_loop3A_436 = arith.index_cast %parallel_loop3A_357 : i32 to index
      %parallel_loop3A_437 = tpu.vector_load %arg7[%parallel_loop3A_435, %parallel_loop3A_436] {strides = array<i32>} : memref<8x1024xf32, #tpu.memory_space<vmem>>, vector<1x16xf32>,
      %parallel_loop3A_438 = vector.shape_cast %parallel_loop3A_437 : vector<1x16xf32> to vector<16xf32>
      %parallel_loop3A_439 = vector.shape_cast %parallel_loop3A_433 : vector<16xf32> to vector<1x16xf32>
      tpu.vector_store %arg7[%parallel_loop3A_435, %parallel_loop3A_436], %parallel_loop3A_439 {strides = array<i32>} : memref<8x1024xf32, #tpu.memory_space<vmem>>, vector<1x16xf32>,
      %parallel_loop3A_440 = arith.constant 1 : i32
      %parallel_loop3A_441 = arith.index_cast %parallel_loop3A_440 : i32 to index
      %parallel_loop3A_442 = arith.index_cast %parallel_loop3A_357 : i32 to index
      %parallel_loop3A_443 = tpu.vector_load %arg8[%parallel_loop3A_441, %parallel_loop3A_442] {strides = array<i32>} : memref<8x1024xf32, #tpu.memory_space<vmem>>, vector<1x16xf32>,
      %parallel_loop3A_444 = vector.shape_cast %parallel_loop3A_443 : vector<1x16xf32> to vector<16xf32>
      %parallel_loop3A_445 = arith.addf %parallel_loop3A_444, %parallel_loop3A_415 : vector<16xf32>
      %parallel_loop3A_446 = arith.constant 1 : i32
      %parallel_loop3A_447 = arith.index_cast %parallel_loop3A_446 : i32 to index
      %parallel_loop3A_448 = arith.index_cast %parallel_loop3A_357 : i32 to index
      %parallel_loop3A_449 = tpu.vector_load %arg8[%parallel_loop3A_447, %parallel_loop3A_448] {strides = array<i32>} : memref<8x1024xf32, #tpu.memory_space<vmem>>, vector<1x16xf32>,
      %parallel_loop3A_450 = vector.shape_cast %parallel_loop3A_449 : vector<1x16xf32> to vector<16xf32>
      %parallel_loop3A_451 = vector.shape_cast %parallel_loop3A_445 : vector<16xf32> to vector<1x16xf32>
      tpu.vector_store %arg8[%parallel_loop3A_447, %parallel_loop3A_448], %parallel_loop3A_451 {strides = array<i32>} : memref<8x1024xf32, #tpu.memory_space<vmem>>, vector<1x16xf32>,
      %parallel_loop3A_452 = arith.constant 1 : i32
      %parallel_loop3A_453 = arith.index_cast %parallel_loop3A_452 : i32 to index
      %parallel_loop3A_454 = arith.index_cast %parallel_loop3A_357 : i32 to index
      %parallel_loop3A_455 = tpu.vector_load %arg9[%parallel_loop3A_453, %parallel_loop3A_454] {strides = array<i32>} : memref<8x1024xf32, #tpu.memory_space<vmem>>, vector<1x16xf32>,
      %parallel_loop3A_456 = vector.shape_cast %parallel_loop3A_455 : vector<1x16xf32> to vector<16xf32>
      %parallel_loop3A_457 = arith.addf %parallel_loop3A_456, %parallel_loop3A_415 : vector<16xf32>
      %parallel_loop3A_458 = arith.constant 1 : i32
      %parallel_loop3A_459 = arith.index_cast %parallel_loop3A_458 : i32 to index
      %parallel_loop3A_460 = arith.index_cast %parallel_loop3A_357 : i32 to index
      %parallel_loop3A_461 = tpu.vector_load %arg9[%parallel_loop3A_459, %parallel_loop3A_460] {strides = array<i32>} : memref<8x1024xf32, #tpu.memory_space<vmem>>, vector<1x16xf32>,
      %parallel_loop3A_462 = vector.shape_cast %parallel_loop3A_461 : vector<1x16xf32> to vector<16xf32>
      %parallel_loop3A_463 = vector.shape_cast %parallel_loop3A_457 : vector<16xf32> to vector<1x16xf32>
      tpu.vector_store %arg9[%parallel_loop3A_459, %parallel_loop3A_460], %parallel_loop3A_463 {strides = array<i32>} : memref<8x1024xf32, #tpu.memory_space<vmem>>, vector<1x16xf32>,
      %parallel_loop3A_464 = arith.constant 2 : i32
      %parallel_loop3A_465 = arith.index_cast %parallel_loop3A_464 : i32 to index
      %parallel_loop3A_466 = arith.index_cast %parallel_loop3A_357 : i32 to index
      %parallel_loop3A_467 = tpu.vector_load %arg18[%parallel_loop3A_465, %parallel_loop3A_466] {strides = array<i32>} : memref<8x1024xf32, #tpu.memory_space<vmem>>, vector<1x16xf32>,
      %parallel_loop3A_468 = vector.shape_cast %parallel_loop3A_467 : vector<1x16xf32> to vector<16xf32>
      %parallel_loop3A_469 = arith.constant 2 : i32
      %parallel_loop3A_470 = arith.index_cast %parallel_loop3A_469 : i32 to index
      %parallel_loop3A_471 = arith.index_cast %parallel_loop3A_357 : i32 to index
      %parallel_loop3A_472 = tpu.vector_load %arg6[%parallel_loop3A_470, %parallel_loop3A_471] {strides = array<i32>} : memref<8x1024xf32, #tpu.memory_space<vmem>>, vector<1x16xf32>,
      %parallel_loop3A_473 = vector.shape_cast %parallel_loop3A_472 : vector<1x16xf32> to vector<16xf32>
      %parallel_loop3A_474 = arith.addf %parallel_loop3A_473, %parallel_loop3A_468 : vector<16xf32>
      %parallel_loop3A_475 = arith.constant 2 : i32
      %parallel_loop3A_476 = arith.index_cast %parallel_loop3A_475 : i32 to index
      %parallel_loop3A_477 = arith.index_cast %parallel_loop3A_357 : i32 to index
      %parallel_loop3A_478 = tpu.vector_load %arg6[%parallel_loop3A_476, %parallel_loop3A_477] {strides = array<i32>} : memref<8x1024xf32, #tpu.memory_space<vmem>>, vector<1x16xf32>,
      %parallel_loop3A_479 = vector.shape_cast %parallel_loop3A_478 : vector<1x16xf32> to vector<16xf32>
      %parallel_loop3A_480 = vector.shape_cast %parallel_loop3A_474 : vector<16xf32> to vector<1x16xf32>
      tpu.vector_store %arg6[%parallel_loop3A_476, %parallel_loop3A_477], %parallel_loop3A_480 {strides = array<i32>} : memref<8x1024xf32, #tpu.memory_space<vmem>>, vector<1x16xf32>,
      %parallel_loop3A_481 = arith.constant 2 : i32
      %parallel_loop3A_482 = arith.index_cast %parallel_loop3A_481 : i32 to index
      %parallel_loop3A_483 = arith.index_cast %parallel_loop3A_357 : i32 to index
      %parallel_loop3A_484 = tpu.vector_load %arg7[%parallel_loop3A_482, %parallel_loop3A_483] {strides = array<i32>} : memref<8x1024xf32, #tpu.memory_space<vmem>>, vector<1x16xf32>,
      %parallel_loop3A_485 = vector.shape_cast %parallel_loop3A_484 : vector<1x16xf32> to vector<16xf32>
      %parallel_loop3A_486 = arith.addf %parallel_loop3A_485, %parallel_loop3A_468 : vector<16xf32>
      %parallel_loop3A_487 = arith.constant 2 : i32
      %parallel_loop3A_488 = arith.index_cast %parallel_loop3A_487 : i32 to index
      %parallel_loop3A_489 = arith.index_cast %parallel_loop3A_357 : i32 to index
      %parallel_loop3A_490 = tpu.vector_load %arg7[%parallel_loop3A_488, %parallel_loop3A_489] {strides = array<i32>} : memref<8x1024xf32, #tpu.memory_space<vmem>>, vector<1x16xf32>,
      %parallel_loop3A_491 = vector.shape_cast %parallel_loop3A_490 : vector<1x16xf32> to vector<16xf32>
      %parallel_loop3A_492 = vector.shape_cast %parallel_loop3A_486 : vector<16xf32> to vector<1x16xf32>
      tpu.vector_store %arg7[%parallel_loop3A_488, %parallel_loop3A_489], %parallel_loop3A_492 {strides = array<i32>} : memref<8x1024xf32, #tpu.memory_space<vmem>>, vector<1x16xf32>,
      %parallel_loop3A_493 = arith.constant 2 : i32
      %parallel_loop3A_494 = arith.index_cast %parallel_loop3A_493 : i32 to index
      %parallel_loop3A_495 = arith.index_cast %parallel_loop3A_357 : i32 to index
      %parallel_loop3A_496 = tpu.vector_load %arg8[%parallel_loop3A_494, %parallel_loop3A_495] {strides = array<i32>} : memref<8x1024xf32, #tpu.memory_space<vmem>>, vector<1x16xf32>,
      %parallel_loop3A_497 = vector.shape_cast %parallel_loop3A_496 : vector<1x16xf32> to vector<16xf32>
      %parallel_loop3A_498 = arith.addf %parallel_loop3A_497, %parallel_loop3A_468 : vector<16xf32>
      %parallel_loop3A_499 = arith.constant 2 : i32
      %parallel_loop3A_500 = arith.index_cast %parallel_loop3A_499 : i32 to index
      %parallel_loop3A_501 = arith.index_cast %parallel_loop3A_357 : i32 to index
      %parallel_loop3A_502 = tpu.vector_load %arg8[%parallel_loop3A_500, %parallel_loop3A_501] {strides = array<i32>} : memref<8x1024xf32, #tpu.memory_space<vmem>>, vector<1x16xf32>,
      %parallel_loop3A_503 = vector.shape_cast %parallel_loop3A_502 : vector<1x16xf32> to vector<16xf32>
      %parallel_loop3A_504 = vector.shape_cast %parallel_loop3A_498 : vector<16xf32> to vector<1x16xf32>
      tpu.vector_store %arg8[%parallel_loop3A_500, %parallel_loop3A_501], %parallel_loop3A_504 {strides = array<i32>} : memref<8x1024xf32, #tpu.memory_space<vmem>>, vector<1x16xf32>,
      %parallel_loop3A_505 = arith.constant 2 : i32
      %parallel_loop3A_506 = arith.index_cast %parallel_loop3A_505 : i32 to index
      %parallel_loop3A_507 = arith.index_cast %parallel_loop3A_357 : i32 to index
      %parallel_loop3A_508 = tpu.vector_load %arg9[%parallel_loop3A_506, %parallel_loop3A_507] {strides = array<i32>} : memref<8x1024xf32, #tpu.memory_space<vmem>>, vector<1x16xf32>,
      %parallel_loop3A_509 = vector.shape_cast %parallel_loop3A_508 : vector<1x16xf32> to vector<16xf32>
      %parallel_loop3A_510 = arith.addf %parallel_loop3A_509, %parallel_loop3A_468 : vector<16xf32>
      %parallel_loop3A_511 = arith.constant 2 : i32
      %parallel_loop3A_512 = arith.index_cast %parallel_loop3A_511 : i32 to index
      %parallel_loop3A_513 = arith.index_cast %parallel_loop3A_357 : i32 to index
      %parallel_loop3A_514 = tpu.vector_load %arg9[%parallel_loop3A_512, %parallel_loop3A_513] {strides = array<i32>} : memref<8x1024xf32, #tpu.memory_space<vmem>>, vector<1x16xf32>,
      %parallel_loop3A_515 = vector.shape_cast %parallel_loop3A_514 : vector<1x16xf32> to vector<16xf32>
      %parallel_loop3A_516 = vector.shape_cast %parallel_loop3A_510 : vector<16xf32> to vector<1x16xf32>
      tpu.vector_store %arg9[%parallel_loop3A_512, %parallel_loop3A_513], %parallel_loop3A_516 {strides = array<i32>} : memref<8x1024xf32, #tpu.memory_space<vmem>>, vector<1x16xf32>,
      %parallel_loop3A_517 = arith.constant 3 : i32
      %parallel_loop3A_518 = arith.index_cast %parallel_loop3A_517 : i32 to index
      %parallel_loop3A_519 = arith.index_cast %parallel_loop3A_357 : i32 to index
      %parallel_loop3A_520 = tpu.vector_load %arg18[%parallel_loop3A_518, %parallel_loop3A_519] {strides = array<i32>} : memref<8x1024xf32, #tpu.memory_space<vmem>>, vector<1x16xf32>,
      %parallel_loop3A_521 = vector.shape_cast %parallel_loop3A_520 : vector<1x16xf32> to vector<16xf32>
      %parallel_loop3A_522 = arith.constant 3 : i32
      %parallel_loop3A_523 = arith.index_cast %parallel_loop3A_522 : i32 to index
      %parallel_loop3A_524 = arith.index_cast %parallel_loop3A_357 : i32 to index
      %parallel_loop3A_525 = tpu.vector_load %arg6[%parallel_loop3A_523, %parallel_loop3A_524] {strides = array<i32>} : memref<8x1024xf32, #tpu.memory_space<vmem>>, vector<1x16xf32>,
      %parallel_loop3A_526 = vector.shape_cast %parallel_loop3A_525 : vector<1x16xf32> to vector<16xf32>
      %parallel_loop3A_527 = arith.addf %parallel_loop3A_526, %parallel_loop3A_521 : vector<16xf32>
      %parallel_loop3A_528 = arith.constant 3 : i32
      %parallel_loop3A_529 = arith.index_cast %parallel_loop3A_528 : i32 to index
      %parallel_loop3A_530 = arith.index_cast %parallel_loop3A_357 : i32 to index
      %parallel_loop3A_531 = tpu.vector_load %arg6[%parallel_loop3A_529, %parallel_loop3A_530] {strides = array<i32>} : memref<8x1024xf32, #tpu.memory_space<vmem>>, vector<1x16xf32>,
      %parallel_loop3A_532 = vector.shape_cast %parallel_loop3A_531 : vector<1x16xf32> to vector<16xf32>
      %parallel_loop3A_533 = vector.shape_cast %parallel_loop3A_527 : vector<16xf32> to vector<1x16xf32>
      tpu.vector_store %arg6[%parallel_loop3A_529, %parallel_loop3A_530], %parallel_loop3A_533 {strides = array<i32>} : memref<8x1024xf32, #tpu.memory_space<vmem>>, vector<1x16xf32>,
      %parallel_loop3A_534 = arith.constant 3 : i32
      %parallel_loop3A_535 = arith.index_cast %parallel_loop3A_534 : i32 to index
      %parallel_loop3A_536 = arith.index_cast %parallel_loop3A_357 : i32 to index
      %parallel_loop3A_537 = tpu.vector_load %arg7[%parallel_loop3A_535, %parallel_loop3A_536] {strides = array<i32>} : memref<8x1024xf32, #tpu.memory_space<vmem>>, vector<1x16xf32>,
      %parallel_loop3A_538 = vector.shape_cast %parallel_loop3A_537 : vector<1x16xf32> to vector<16xf32>
      %parallel_loop3A_539 = arith.addf %parallel_loop3A_538, %parallel_loop3A_521 : vector<16xf32>
      %parallel_loop3A_540 = arith.constant 3 : i32
      %parallel_loop3A_541 = arith.index_cast %parallel_loop3A_540 : i32 to index
      %parallel_loop3A_542 = arith.index_cast %parallel_loop3A_357 : i32 to index
      %parallel_loop3A_543 = tpu.vector_load %arg7[%parallel_loop3A_541, %parallel_loop3A_542] {strides = array<i32>} : memref<8x1024xf32, #tpu.memory_space<vmem>>, vector<1x16xf32>,
      %parallel_loop3A_544 = vector.shape_cast %parallel_loop3A_543 : vector<1x16xf32> to vector<16xf32>
      %parallel_loop3A_545 = vector.shape_cast %parallel_loop3A_539 : vector<16xf32> to vector<1x16xf32>
      tpu.vector_store %arg7[%parallel_loop3A_541, %parallel_loop3A_542], %parallel_loop3A_545 {strides = array<i32>} : memref<8x1024xf32, #tpu.memory_space<vmem>>, vector<1x16xf32>,
      %parallel_loop3A_546 = arith.constant 3 : i32
      %parallel_loop3A_547 = arith.index_cast %parallel_loop3A_546 : i32 to index
      %parallel_loop3A_548 = arith.index_cast %parallel_loop3A_357 : i32 to index
      %parallel_loop3A_549 = tpu.vector_load %arg8[%parallel_loop3A_547, %parallel_loop3A_548] {strides = array<i32>} : memref<8x1024xf32, #tpu.memory_space<vmem>>, vector<1x16xf32>,
      %parallel_loop3A_550 = vector.shape_cast %parallel_loop3A_549 : vector<1x16xf32> to vector<16xf32>
      %parallel_loop3A_551 = arith.addf %parallel_loop3A_550, %parallel_loop3A_521 : vector<16xf32>
      %parallel_loop3A_552 = arith.constant 3 : i32
      %parallel_loop3A_553 = arith.index_cast %parallel_loop3A_552 : i32 to index
      %parallel_loop3A_554 = arith.index_cast %parallel_loop3A_357 : i32 to index
      %parallel_loop3A_555 = tpu.vector_load %arg8[%parallel_loop3A_553, %parallel_loop3A_554] {strides = array<i32>} : memref<8x1024xf32, #tpu.memory_space<vmem>>, vector<1x16xf32>,
      %parallel_loop3A_556 = vector.shape_cast %parallel_loop3A_555 : vector<1x16xf32> to vector<16xf32>
      %parallel_loop3A_557 = vector.shape_cast %parallel_loop3A_551 : vector<16xf32> to vector<1x16xf32>
      tpu.vector_store %arg8[%parallel_loop3A_553, %parallel_loop3A_554], %parallel_loop3A_557 {strides = array<i32>} : memref<8x1024xf32, #tpu.memory_space<vmem>>, vector<1x16xf32>,
      %parallel_loop3A_558 = arith.constant 3 : i32
      %parallel_loop3A_559 = arith.index_cast %parallel_loop3A_558 : i32 to index
      %parallel_loop3A_560 = arith.index_cast %parallel_loop3A_357 : i32 to index
      %parallel_loop3A_561 = tpu.vector_load %arg9[%parallel_loop3A_559, %parallel_loop3A_560] {strides = array<i32>} : memref<8x1024xf32, #tpu.memory_space<vmem>>, vector<1x16xf32>,
      %parallel_loop3A_562 = vector.shape_cast %parallel_loop3A_561 : vector<1x16xf32> to vector<16xf32>
      %parallel_loop3A_563 = arith.addf %parallel_loop3A_562, %parallel_loop3A_521 : vector<16xf32>
      %parallel_loop3A_564 = arith.constant 3 : i32
      %parallel_loop3A_565 = arith.index_cast %parallel_loop3A_564 : i32 to index
      %parallel_loop3A_566 = arith.index_cast %parallel_loop3A_357 : i32 to index
      %parallel_loop3A_567 = tpu.vector_load %arg9[%parallel_loop3A_565, %parallel_loop3A_566] {strides = array<i32>} : memref<8x1024xf32, #tpu.memory_space<vmem>>, vector<1x16xf32>,
      %parallel_loop3A_568 = vector.shape_cast %parallel_loop3A_567 : vector<1x16xf32> to vector<16xf32>
      %parallel_loop3A_569 = vector.shape_cast %parallel_loop3A_563 : vector<16xf32> to vector<1x16xf32>
      tpu.vector_store %arg9[%parallel_loop3A_565, %parallel_loop3A_566], %parallel_loop3A_569 {strides = array<i32>} : memref<8x1024xf32, #tpu.memory_space<vmem>>, vector<1x16xf32>,
      %parallel_loop3A_570 = arith.constant 4 : i32
      %parallel_loop3A_571 = arith.index_cast %parallel_loop3A_570 : i32 to index
      %parallel_loop3A_572 = arith.index_cast %parallel_loop3A_357 : i32 to index
      %parallel_loop3A_573 = tpu.vector_load %arg18[%parallel_loop3A_571, %parallel_loop3A_572] {strides = array<i32>} : memref<8x1024xf32, #tpu.memory_space<vmem>>, vector<1x16xf32>,
      %parallel_loop3A_574 = vector.shape_cast %parallel_loop3A_573 : vector<1x16xf32> to vector<16xf32>
      %parallel_loop3A_575 = arith.constant 4 : i32
      %parallel_loop3A_576 = arith.index_cast %parallel_loop3A_575 : i32 to index
      %parallel_loop3A_577 = arith.index_cast %parallel_loop3A_357 : i32 to index
      %parallel_loop3A_578 = tpu.vector_load %arg6[%parallel_loop3A_576, %parallel_loop3A_577] {strides = array<i32>} : memref<8x1024xf32, #tpu.memory_space<vmem>>, vector<1x16xf32>,
      %parallel_loop3A_579 = vector.shape_cast %parallel_loop3A_578 : vector<1x16xf32> to vector<16xf32>
      %parallel_loop3A_580 = arith.addf %parallel_loop3A_579, %parallel_loop3A_574 : vector<16xf32>
      %parallel_loop3A_581 = arith.constant 4 : i32
      %parallel_loop3A_582 = arith.index_cast %parallel_loop3A_581 : i32 to index
      %parallel_loop3A_583 = arith.index_cast %parallel_loop3A_357 : i32 to index
      %parallel_loop3A_584 = tpu.vector_load %arg6[%parallel_loop3A_582, %parallel_loop3A_583] {strides = array<i32>} : memref<8x1024xf32, #tpu.memory_space<vmem>>, vector<1x16xf32>,
      %parallel_loop3A_585 = vector.shape_cast %parallel_loop3A_584 : vector<1x16xf32> to vector<16xf32>
      %parallel_loop3A_586 = vector.shape_cast %parallel_loop3A_580 : vector<16xf32> to vector<1x16xf32>
      tpu.vector_store %arg6[%parallel_loop3A_582, %parallel_loop3A_583], %parallel_loop3A_586 {strides = array<i32>} : memref<8x1024xf32, #tpu.memory_space<vmem>>, vector<1x16xf32>,
      %parallel_loop3A_587 = arith.constant 4 : i32
      %parallel_loop3A_588 = arith.index_cast %parallel_loop3A_587 : i32 to index
      %parallel_loop3A_589 = arith.index_cast %parallel_loop3A_357 : i32 to index
      %parallel_loop3A_590 = tpu.vector_load %arg7[%parallel_loop3A_588, %parallel_loop3A_589] {strides = array<i32>} : memref<8x1024xf32, #tpu.memory_space<vmem>>, vector<1x16xf32>,
      %parallel_loop3A_591 = vector.shape_cast %parallel_loop3A_590 : vector<1x16xf32> to vector<16xf32>
      %parallel_loop3A_592 = arith.addf %parallel_loop3A_591, %parallel_loop3A_574 : vector<16xf32>
      %parallel_loop3A_593 = arith.constant 4 : i32
      %parallel_loop3A_594 = arith.index_cast %parallel_loop3A_593 : i32 to index
      %parallel_loop3A_595 = arith.index_cast %parallel_loop3A_357 : i32 to index
      %parallel_loop3A_596 = tpu.vector_load %arg7[%parallel_loop3A_594, %parallel_loop3A_595] {strides = array<i32>} : memref<8x1024xf32, #tpu.memory_space<vmem>>, vector<1x16xf32>,
      %parallel_loop3A_597 = vector.shape_cast %parallel_loop3A_596 : vector<1x16xf32> to vector<16xf32>
      %parallel_loop3A_598 = vector.shape_cast %parallel_loop3A_592 : vector<16xf32> to vector<1x16xf32>
      tpu.vector_store %arg7[%parallel_loop3A_594, %parallel_loop3A_595], %parallel_loop3A_598 {strides = array<i32>} : memref<8x1024xf32, #tpu.memory_space<vmem>>, vector<1x16xf32>,
      %parallel_loop3A_599 = arith.constant 4 : i32
      %parallel_loop3A_600 = arith.index_cast %parallel_loop3A_599 : i32 to index
      %parallel_loop3A_601 = arith.index_cast %parallel_loop3A_357 : i32 to index
      %parallel_loop3A_602 = tpu.vector_load %arg8[%parallel_loop3A_600, %parallel_loop3A_601] {strides = array<i32>} : memref<8x1024xf32, #tpu.memory_space<vmem>>, vector<1x16xf32>,
      %parallel_loop3A_603 = vector.shape_cast %parallel_loop3A_602 : vector<1x16xf32> to vector<16xf32>
      %parallel_loop3A_604 = arith.addf %parallel_loop3A_603, %parallel_loop3A_574 : vector<16xf32>
      %parallel_loop3A_605 = arith.constant 4 : i32
      %parallel_loop3A_606 = arith.index_cast %parallel_loop3A_605 : i32 to index
      %parallel_loop3A_607 = arith.index_cast %parallel_loop3A_357 : i32 to index
      %parallel_loop3A_608 = tpu.vector_load %arg8[%parallel_loop3A_606, %parallel_loop3A_607] {strides = array<i32>} : memref<8x1024xf32, #tpu.memory_space<vmem>>, vector<1x16xf32>,
      %parallel_loop3A_609 = vector.shape_cast %parallel_loop3A_608 : vector<1x16xf32> to vector<16xf32>
      %parallel_loop3A_610 = vector.shape_cast %parallel_loop3A_604 : vector<16xf32> to vector<1x16xf32>
      tpu.vector_store %arg8[%parallel_loop3A_606, %parallel_loop3A_607], %parallel_loop3A_610 {strides = array<i32>} : memref<8x1024xf32, #tpu.memory_space<vmem>>, vector<1x16xf32>,
      %parallel_loop3A_611 = arith.constant 4 : i32
      %parallel_loop3A_612 = arith.index_cast %parallel_loop3A_611 : i32 to index
      %parallel_loop3A_613 = arith.index_cast %parallel_loop3A_357 : i32 to index
      %parallel_loop3A_614 = tpu.vector_load %arg9[%parallel_loop3A_612, %parallel_loop3A_613] {strides = array<i32>} : memref<8x1024xf32, #tpu.memory_space<vmem>>, vector<1x16xf32>,
      %parallel_loop3A_615 = vector.shape_cast %parallel_loop3A_614 : vector<1x16xf32> to vector<16xf32>
      %parallel_loop3A_616 = arith.addf %parallel_loop3A_615, %parallel_loop3A_574 : vector<16xf32>
      %parallel_loop3A_617 = arith.constant 4 : i32
      %parallel_loop3A_618 = arith.index_cast %parallel_loop3A_617 : i32 to index
      %parallel_loop3A_619 = arith.index_cast %parallel_loop3A_357 : i32 to index
      %parallel_loop3A_620 = tpu.vector_load %arg9[%parallel_loop3A_618, %parallel_loop3A_619] {strides = array<i32>} : memref<8x1024xf32, #tpu.memory_space<vmem>>, vector<1x16xf32>,
      %parallel_loop3A_621 = vector.shape_cast %parallel_loop3A_620 : vector<1x16xf32> to vector<16xf32>
      %parallel_loop3A_622 = vector.shape_cast %parallel_loop3A_616 : vector<16xf32> to vector<1x16xf32>
      tpu.vector_store %arg9[%parallel_loop3A_618, %parallel_loop3A_619], %parallel_loop3A_622 {strides = array<i32>} : memref<8x1024xf32, #tpu.memory_space<vmem>>, vector<1x16xf32>,
      %parallel_loop3A_623 = arith.constant 5 : i32
      %parallel_loop3A_624 = arith.index_cast %parallel_loop3A_623 : i32 to index
      %parallel_loop3A_625 = arith.index_cast %parallel_loop3A_357 : i32 to index
      %parallel_loop3A_626 = tpu.vector_load %arg18[%parallel_loop3A_624, %parallel_loop3A_625] {strides = array<i32>} : memref<8x1024xf32, #tpu.memory_space<vmem>>, vector<1x16xf32>,
      %parallel_loop3A_627 = vector.shape_cast %parallel_loop3A_626 : vector<1x16xf32> to vector<16xf32>
      %parallel_loop3A_628 = arith.constant 5 : i32
      %parallel_loop3A_629 = arith.index_cast %parallel_loop3A_628 : i32 to index
      %parallel_loop3A_630 = arith.index_cast %parallel_loop3A_357 : i32 to index
      %parallel_loop3A_631 = tpu.vector_load %arg6[%parallel_loop3A_629, %parallel_loop3A_630] {strides = array<i32>} : memref<8x1024xf32, #tpu.memory_space<vmem>>, vector<1x16xf32>,
      %parallel_loop3A_632 = vector.shape_cast %parallel_loop3A_631 : vector<1x16xf32> to vector<16xf32>
      %parallel_loop3A_633 = arith.addf %parallel_loop3A_632, %parallel_loop3A_627 : vector<16xf32>
      %parallel_loop3A_634 = arith.constant 5 : i32
      %parallel_loop3A_635 = arith.index_cast %parallel_loop3A_634 : i32 to index
      %parallel_loop3A_636 = arith.index_cast %parallel_loop3A_357 : i32 to index
      %parallel_loop3A_637 = tpu.vector_load %arg6[%parallel_loop3A_635, %parallel_loop3A_636] {strides = array<i32>} : memref<8x1024xf32, #tpu.memory_space<vmem>>, vector<1x16xf32>,
      %parallel_loop3A_638 = vector.shape_cast %parallel_loop3A_637 : vector<1x16xf32> to vector<16xf32>
      %parallel_loop3A_639 = vector.shape_cast %parallel_loop3A_633 : vector<16xf32> to vector<1x16xf32>
      tpu.vector_store %arg6[%parallel_loop3A_635, %parallel_loop3A_636], %parallel_loop3A_639 {strides = array<i32>} : memref<8x1024xf32, #tpu.memory_space<vmem>>, vector<1x16xf32>,
      %parallel_loop3A_640 = arith.constant 5 : i32
      %parallel_loop3A_641 = arith.index_cast %parallel_loop3A_640 : i32 to index
      %parallel_loop3A_642 = arith.index_cast %parallel_loop3A_357 : i32 to index
      %parallel_loop3A_643 = tpu.vector_load %arg7[%parallel_loop3A_641, %parallel_loop3A_642] {strides = array<i32>} : memref<8x1024xf32, #tpu.memory_space<vmem>>, vector<1x16xf32>,
      %parallel_loop3A_644 = vector.shape_cast %parallel_loop3A_643 : vector<1x16xf32> to vector<16xf32>
      %parallel_loop3A_645 = arith.addf %parallel_loop3A_644, %parallel_loop3A_627 : vector<16xf32>
      %parallel_loop3A_646 = arith.constant 5 : i32
      %parallel_loop3A_647 = arith.index_cast %parallel_loop3A_646 : i32 to index
      %parallel_loop3A_648 = arith.index_cast %parallel_loop3A_357 : i32 to index
      %parallel_loop3A_649 = tpu.vector_load %arg7[%parallel_loop3A_647, %parallel_loop3A_648] {strides = array<i32>} : memref<8x1024xf32, #tpu.memory_space<vmem>>, vector<1x16xf32>,
      %parallel_loop3A_650 = vector.shape_cast %parallel_loop3A_649 : vector<1x16xf32> to vector<16xf32>
      %parallel_loop3A_651 = vector.shape_cast %parallel_loop3A_645 : vector<16xf32> to vector<1x16xf32>
      tpu.vector_store %arg7[%parallel_loop3A_647, %parallel_loop3A_648], %parallel_loop3A_651 {strides = array<i32>} : memref<8x1024xf32, #tpu.memory_space<vmem>>, vector<1x16xf32>,
      %parallel_loop3A_652 = arith.constant 5 : i32
      %parallel_loop3A_653 = arith.index_cast %parallel_loop3A_652 : i32 to index
      %parallel_loop3A_654 = arith.index_cast %parallel_loop3A_357 : i32 to index
      %parallel_loop3A_655 = tpu.vector_load %arg8[%parallel_loop3A_653, %parallel_loop3A_654] {strides = array<i32>} : memref<8x1024xf32, #tpu.memory_space<vmem>>, vector<1x16xf32>,
      %parallel_loop3A_656 = vector.shape_cast %parallel_loop3A_655 : vector<1x16xf32> to vector<16xf32>
      %parallel_loop3A_657 = arith.addf %parallel_loop3A_656, %parallel_loop3A_627 : vector<16xf32>
      %parallel_loop3A_658 = arith.constant 5 : i32
      %parallel_loop3A_659 = arith.index_cast %parallel_loop3A_658 : i32 to index
      %parallel_loop3A_660 = arith.index_cast %parallel_loop3A_357 : i32 to index
      %parallel_loop3A_661 = tpu.vector_load %arg8[%parallel_loop3A_659, %parallel_loop3A_660] {strides = array<i32>} : memref<8x1024xf32, #tpu.memory_space<vmem>>, vector<1x16xf32>,
      %parallel_loop3A_662 = vector.shape_cast %parallel_loop3A_661 : vector<1x16xf32> to vector<16xf32>
      %parallel_loop3A_663 = vector.shape_cast %parallel_loop3A_657 : vector<16xf32> to vector<1x16xf32>
      tpu.vector_store %arg8[%parallel_loop3A_659, %parallel_loop3A_660], %parallel_loop3A_663 {strides = array<i32>} : memref<8x1024xf32, #tpu.memory_space<vmem>>, vector<1x16xf32>,
      %parallel_loop3A_664 = arith.constant 5 : i32
      %parallel_loop3A_665 = arith.index_cast %parallel_loop3A_664 : i32 to index
      %parallel_loop3A_666 = arith.index_cast %parallel_loop3A_357 : i32 to index
      %parallel_loop3A_667 = tpu.vector_load %arg9[%parallel_loop3A_665, %parallel_loop3A_666] {strides = array<i32>} : memref<8x1024xf32, #tpu.memory_space<vmem>>, vector<1x16xf32>,
      %parallel_loop3A_668 = vector.shape_cast %parallel_loop3A_667 : vector<1x16xf32> to vector<16xf32>
      %parallel_loop3A_669 = arith.addf %parallel_loop3A_668, %parallel_loop3A_627 : vector<16xf32>
      %parallel_loop3A_670 = arith.constant 5 : i32
      %parallel_loop3A_671 = arith.index_cast %parallel_loop3A_670 : i32 to index
      %parallel_loop3A_672 = arith.index_cast %parallel_loop3A_357 : i32 to index
      %parallel_loop3A_673 = tpu.vector_load %arg9[%parallel_loop3A_671, %parallel_loop3A_672] {strides = array<i32>} : memref<8x1024xf32, #tpu.memory_space<vmem>>, vector<1x16xf32>,
      %parallel_loop3A_674 = vector.shape_cast %parallel_loop3A_673 : vector<1x16xf32> to vector<16xf32>
      %parallel_loop3A_675 = vector.shape_cast %parallel_loop3A_669 : vector<16xf32> to vector<1x16xf32>
      tpu.vector_store %arg9[%parallel_loop3A_671, %parallel_loop3A_672], %parallel_loop3A_675 {strides = array<i32>} : memref<8x1024xf32, #tpu.memory_space<vmem>>, vector<1x16xf32>,
      %parallel_loop3A_676 = arith.constant 6 : i32
      %parallel_loop3A_677 = arith.index_cast %parallel_loop3A_676 : i32 to index
      %parallel_loop3A_678 = arith.index_cast %parallel_loop3A_357 : i32 to index
      %parallel_loop3A_679 = tpu.vector_load %arg18[%parallel_loop3A_677, %parallel_loop3A_678] {strides = array<i32>} : memref<8x1024xf32, #tpu.memory_space<vmem>>, vector<1x16xf32>,
      %parallel_loop3A_680 = vector.shape_cast %parallel_loop3A_679 : vector<1x16xf32> to vector<16xf32>
      %parallel_loop3A_681 = arith.constant 6 : i32
      %parallel_loop3A_682 = arith.index_cast %parallel_loop3A_681 : i32 to index
      %parallel_loop3A_683 = arith.index_cast %parallel_loop3A_357 : i32 to index
      %parallel_loop3A_684 = tpu.vector_load %arg6[%parallel_loop3A_682, %parallel_loop3A_683] {strides = array<i32>} : memref<8x1024xf32, #tpu.memory_space<vmem>>, vector<1x16xf32>,
      %parallel_loop3A_685 = vector.shape_cast %parallel_loop3A_684 : vector<1x16xf32> to vector<16xf32>
      %parallel_loop3A_686 = arith.addf %parallel_loop3A_685, %parallel_loop3A_680 : vector<16xf32>
      %parallel_loop3A_687 = arith.constant 6 : i32
      %parallel_loop3A_688 = arith.index_cast %parallel_loop3A_687 : i32 to index
      %parallel_loop3A_689 = arith.index_cast %parallel_loop3A_357 : i32 to index
      %parallel_loop3A_690 = tpu.vector_load %arg6[%parallel_loop3A_688, %parallel_loop3A_689] {strides = array<i32>} : memref<8x1024xf32, #tpu.memory_space<vmem>>, vector<1x16xf32>,
      %parallel_loop3A_691 = vector.shape_cast %parallel_loop3A_690 : vector<1x16xf32> to vector<16xf32>
      %parallel_loop3A_692 = vector.shape_cast %parallel_loop3A_686 : vector<16xf32> to vector<1x16xf32>
      tpu.vector_store %arg6[%parallel_loop3A_688, %parallel_loop3A_689], %parallel_loop3A_692 {strides = array<i32>} : memref<8x1024xf32, #tpu.memory_space<vmem>>, vector<1x16xf32>,
      %parallel_loop3A_693 = arith.constant 6 : i32
      %parallel_loop3A_694 = arith.index_cast %parallel_loop3A_693 : i32 to index
      %parallel_loop3A_695 = arith.index_cast %parallel_loop3A_357 : i32 to index
      %parallel_loop3A_696 = tpu.vector_load %arg7[%parallel_loop3A_694, %parallel_loop3A_695] {strides = array<i32>} : memref<8x1024xf32, #tpu.memory_space<vmem>>, vector<1x16xf32>,
      %parallel_loop3A_697 = vector.shape_cast %parallel_loop3A_696 : vector<1x16xf32> to vector<16xf32>
      %parallel_loop3A_698 = arith.addf %parallel_loop3A_697, %parallel_loop3A_680 : vector<16xf32>
      %parallel_loop3A_699 = arith.constant 6 : i32
      %parallel_loop3A_700 = arith.index_cast %parallel_loop3A_699 : i32 to index
      %parallel_loop3A_701 = arith.index_cast %parallel_loop3A_357 : i32 to index
      %parallel_loop3A_702 = tpu.vector_load %arg7[%parallel_loop3A_700, %parallel_loop3A_701] {strides = array<i32>} : memref<8x1024xf32, #tpu.memory_space<vmem>>, vector<1x16xf32>,
      %parallel_loop3A_703 = vector.shape_cast %parallel_loop3A_702 : vector<1x16xf32> to vector<16xf32>
      %parallel_loop3A_704 = vector.shape_cast %parallel_loop3A_698 : vector<16xf32> to vector<1x16xf32>
      tpu.vector_store %arg7[%parallel_loop3A_700, %parallel_loop3A_701], %parallel_loop3A_704 {strides = array<i32>} : memref<8x1024xf32, #tpu.memory_space<vmem>>, vector<1x16xf32>,
      %parallel_loop3A_705 = arith.constant 6 : i32
      %parallel_loop3A_706 = arith.index_cast %parallel_loop3A_705 : i32 to index
      %parallel_loop3A_707 = arith.index_cast %parallel_loop3A_357 : i32 to index
      %parallel_loop3A_708 = tpu.vector_load %arg8[%parallel_loop3A_706, %parallel_loop3A_707] {strides = array<i32>} : memref<8x1024xf32, #tpu.memory_space<vmem>>, vector<1x16xf32>,
      %parallel_loop3A_709 = vector.shape_cast %parallel_loop3A_708 : vector<1x16xf32> to vector<16xf32>
      %parallel_loop3A_710 = arith.addf %parallel_loop3A_709, %parallel_loop3A_680 : vector<16xf32>
      %parallel_loop3A_711 = arith.constant 6 : i32
      %parallel_loop3A_712 = arith.index_cast %parallel_loop3A_711 : i32 to index
      %parallel_loop3A_713 = arith.index_cast %parallel_loop3A_357 : i32 to index
      %parallel_loop3A_714 = tpu.vector_load %arg8[%parallel_loop3A_712, %parallel_loop3A_713] {strides = array<i32>} : memref<8x1024xf32, #tpu.memory_space<vmem>>, vector<1x16xf32>,
      %parallel_loop3A_715 = vector.shape_cast %parallel_loop3A_714 : vector<1x16xf32> to vector<16xf32>
      %parallel_loop3A_716 = vector.shape_cast %parallel_loop3A_710 : vector<16xf32> to vector<1x16xf32>
      tpu.vector_store %arg8[%parallel_loop3A_712, %parallel_loop3A_713], %parallel_loop3A_716 {strides = array<i32>} : memref<8x1024xf32, #tpu.memory_space<vmem>>, vector<1x16xf32>,
      %parallel_loop3A_717 = arith.constant 6 : i32
      %parallel_loop3A_718 = arith.index_cast %parallel_loop3A_717 : i32 to index
      %parallel_loop3A_719 = arith.index_cast %parallel_loop3A_357 : i32 to index
      %parallel_loop3A_720 = tpu.vector_load %arg9[%parallel_loop3A_718, %parallel_loop3A_719] {strides = array<i32>} : memref<8x1024xf32, #tpu.memory_space<vmem>>, vector<1x16xf32>,
      %parallel_loop3A_721 = vector.shape_cast %parallel_loop3A_720 : vector<1x16xf32> to vector<16xf32>
      %parallel_loop3A_722 = arith.addf %parallel_loop3A_721, %parallel_loop3A_680 : vector<16xf32>
      %parallel_loop3A_723 = arith.constant 6 : i32
      %parallel_loop3A_724 = arith.index_cast %parallel_loop3A_723 : i32 to index
      %parallel_loop3A_725 = arith.index_cast %parallel_loop3A_357 : i32 to index
      %parallel_loop3A_726 = tpu.vector_load %arg9[%parallel_loop3A_724, %parallel_loop3A_725] {strides = array<i32>} : memref<8x1024xf32, #tpu.memory_space<vmem>>, vector<1x16xf32>,
      %parallel_loop3A_727 = vector.shape_cast %parallel_loop3A_726 : vector<1x16xf32> to vector<16xf32>
      %parallel_loop3A_728 = vector.shape_cast %parallel_loop3A_722 : vector<16xf32> to vector<1x16xf32>
      tpu.vector_store %arg9[%parallel_loop3A_724, %parallel_loop3A_725], %parallel_loop3A_728 {strides = array<i32>} : memref<8x1024xf32, #tpu.memory_space<vmem>>, vector<1x16xf32>,
      %parallel_loop3A_729 = arith.constant 7 : i32
      %parallel_loop3A_730 = arith.index_cast %parallel_loop3A_729 : i32 to index
      %parallel_loop3A_731 = arith.index_cast %parallel_loop3A_357 : i32 to index
      %parallel_loop3A_732 = tpu.vector_load %arg18[%parallel_loop3A_730, %parallel_loop3A_731] {strides = array<i32>} : memref<8x1024xf32, #tpu.memory_space<vmem>>, vector<1x16xf32>,
      %parallel_loop3A_733 = vector.shape_cast %parallel_loop3A_732 : vector<1x16xf32> to vector<16xf32>
      %parallel_loop3A_734 = arith.constant 7 : i32
      %parallel_loop3A_735 = arith.index_cast %parallel_loop3A_734 : i32 to index
      %parallel_loop3A_736 = arith.index_cast %parallel_loop3A_357 : i32 to index
      %parallel_loop3A_737 = tpu.vector_load %arg6[%parallel_loop3A_735, %parallel_loop3A_736] {strides = array<i32>} : memref<8x1024xf32, #tpu.memory_space<vmem>>, vector<1x16xf32>,
      %parallel_loop3A_738 = vector.shape_cast %parallel_loop3A_737 : vector<1x16xf32> to vector<16xf32>
      %parallel_loop3A_739 = arith.addf %parallel_loop3A_738, %parallel_loop3A_733 : vector<16xf32>
      %parallel_loop3A_740 = arith.constant 7 : i32
      %parallel_loop3A_741 = arith.index_cast %parallel_loop3A_740 : i32 to index
      %parallel_loop3A_742 = arith.index_cast %parallel_loop3A_357 : i32 to index
      %parallel_loop3A_743 = tpu.vector_load %arg6[%parallel_loop3A_741, %parallel_loop3A_742] {strides = array<i32>} : memref<8x1024xf32, #tpu.memory_space<vmem>>, vector<1x16xf32>,
      %parallel_loop3A_744 = vector.shape_cast %parallel_loop3A_743 : vector<1x16xf32> to vector<16xf32>
      %parallel_loop3A_745 = vector.shape_cast %parallel_loop3A_739 : vector<16xf32> to vector<1x16xf32>
      tpu.vector_store %arg6[%parallel_loop3A_741, %parallel_loop3A_742], %parallel_loop3A_745 {strides = array<i32>} : memref<8x1024xf32, #tpu.memory_space<vmem>>, vector<1x16xf32>,
      %parallel_loop3A_746 = arith.constant 7 : i32
      %parallel_loop3A_747 = arith.index_cast %parallel_loop3A_746 : i32 to index
      %parallel_loop3A_748 = arith.index_cast %parallel_loop3A_357 : i32 to index
      %parallel_loop3A_749 = tpu.vector_load %arg7[%parallel_loop3A_747, %parallel_loop3A_748] {strides = array<i32>} : memref<8x1024xf32, #tpu.memory_space<vmem>>, vector<1x16xf32>,
      %parallel_loop3A_750 = vector.shape_cast %parallel_loop3A_749 : vector<1x16xf32> to vector<16xf32>
      %parallel_loop3A_751 = arith.addf %parallel_loop3A_750, %parallel_loop3A_733 : vector<16xf32>
      %parallel_loop3A_752 = arith.constant 7 : i32
      %parallel_loop3A_753 = arith.index_cast %parallel_loop3A_752 : i32 to index
      %parallel_loop3A_754 = arith.index_cast %parallel_loop3A_357 : i32 to index
      %parallel_loop3A_755 = tpu.vector_load %arg7[%parallel_loop3A_753, %parallel_loop3A_754] {strides = array<i32>} : memref<8x1024xf32, #tpu.memory_space<vmem>>, vector<1x16xf32>,
      %parallel_loop3A_756 = vector.shape_cast %parallel_loop3A_755 : vector<1x16xf32> to vector<16xf32>
      %parallel_loop3A_757 = vector.shape_cast %parallel_loop3A_751 : vector<16xf32> to vector<1x16xf32>
      tpu.vector_store %arg7[%parallel_loop3A_753, %parallel_loop3A_754], %parallel_loop3A_757 {strides = array<i32>} : memref<8x1024xf32, #tpu.memory_space<vmem>>, vector<1x16xf32>,
      %parallel_loop3A_758 = arith.constant 7 : i32
      %parallel_loop3A_759 = arith.index_cast %parallel_loop3A_758 : i32 to index
      %parallel_loop3A_760 = arith.index_cast %parallel_loop3A_357 : i32 to index
      %parallel_loop3A_761 = tpu.vector_load %arg8[%parallel_loop3A_759, %parallel_loop3A_760] {strides = array<i32>} : memref<8x1024xf32, #tpu.memory_space<vmem>>, vector<1x16xf32>,
      %parallel_loop3A_762 = vector.shape_cast %parallel_loop3A_761 : vector<1x16xf32> to vector<16xf32>
      %parallel_loop3A_763 = arith.addf %parallel_loop3A_762, %parallel_loop3A_733 : vector<16xf32>
      %parallel_loop3A_764 = arith.constant 7 : i32
      %parallel_loop3A_765 = arith.index_cast %parallel_loop3A_764 : i32 to index
      %parallel_loop3A_766 = arith.index_cast %parallel_loop3A_357 : i32 to index
      %parallel_loop3A_767 = tpu.vector_load %arg8[%parallel_loop3A_765, %parallel_loop3A_766] {strides = array<i32>} : memref<8x1024xf32, #tpu.memory_space<vmem>>, vector<1x16xf32>,
      %parallel_loop3A_768 = vector.shape_cast %parallel_loop3A_767 : vector<1x16xf32> to vector<16xf32>
      %parallel_loop3A_769 = vector.shape_cast %parallel_loop3A_763 : vector<16xf32> to vector<1x16xf32>
      tpu.vector_store %arg8[%parallel_loop3A_765, %parallel_loop3A_766], %parallel_loop3A_769 {strides = array<i32>} : memref<8x1024xf32, #tpu.memory_space<vmem>>, vector<1x16xf32>,
      %parallel_loop3A_770 = arith.constant 7 : i32
      %parallel_loop3A_771 = arith.index_cast %parallel_loop3A_770 : i32 to index
      %parallel_loop3A_772 = arith.index_cast %parallel_loop3A_357 : i32 to index
      %parallel_loop3A_773 = tpu.vector_load %arg9[%parallel_loop3A_771, %parallel_loop3A_772] {strides = array<i32>} : memref<8x1024xf32, #tpu.memory_space<vmem>>, vector<1x16xf32>,
      %parallel_loop3A_774 = vector.shape_cast %parallel_loop3A_773 : vector<1x16xf32> to vector<16xf32>
      %parallel_loop3A_775 = arith.addf %parallel_loop3A_774, %parallel_loop3A_733 : vector<16xf32>
      %parallel_loop3A_776 = arith.constant 7 : i32
      %parallel_loop3A_777 = arith.index_cast %parallel_loop3A_776 : i32 to index
      %parallel_loop3A_778 = arith.index_cast %parallel_loop3A_357 : i32 to index
      %parallel_loop3A_779 = tpu.vector_load %arg9[%parallel_loop3A_777, %parallel_loop3A_778] {strides = array<i32>} : memref<8x1024xf32, #tpu.memory_space<vmem>>, vector<1x16xf32>,
      %parallel_loop3A_780 = vector.shape_cast %parallel_loop3A_779 : vector<1x16xf32> to vector<16xf32>
      %parallel_loop3A_781 = vector.shape_cast %parallel_loop3A_775 : vector<16xf32> to vector<1x16xf32>
      tpu.vector_store %arg9[%parallel_loop3A_777, %parallel_loop3A_778], %parallel_loop3A_781 {strides = array<i32>} : memref<8x1024xf32, #tpu.memory_space<vmem>>, vector<1x16xf32>,
    } {sc.loop_unroll_factor = 2 : i64, sc.parallel_access}
    %add3A_131 = arith.constant 240 : i32
    %add3A_132 = arith.addi %mul3A_2, %add3A_131 : i32
    %dma_start3A_133 = arith.constant 0 : i32
    %dma_start3A_134 = arith.constant 0 : i32
    %dma_start3A_135 = tpu.memref_slice %arg5[%dma_start3A_133, %add3A_132, %dma_start3A_134] : memref<4x8192x1024xf32, #tpu.memory_space<hbm>> -> memref<1x8x1024xf32, #tpu.memory_space<hbm>>
    %dma_start3A_136 = tpu.memref_squeeze %dma_start3A_135 : memref<1x8x1024xf32, #tpu.memory_space<hbm>> -> memref<8x1024xf32, #tpu.memory_space<hbm>>
    %dma_start3A_137 = arith.constant 0 : i32
    %dma_start3A_138 = tpu.memref_slice %arg5[%dma_start3A_133, %add3A_132, %dma_start3A_137] : memref<4x8192x1024xf32, #tpu.memory_space<hbm>> -> memref<1x8x1024xf32, #tpu.memory_space<hbm>>
    %dma_start3A_139 = tpu.memref_squeeze %dma_start3A_138 : memref<1x8x1024xf32, #tpu.memory_space<hbm>> -> memref<8x1024xf32, #tpu.memory_space<hbm>>
    tpu.enqueue_dma source(%arg6 : memref<8x1024xf32, #tpu.memory_space<vmem>>) target(%dma_start3A_139 : memref<8x1024xf32, #tpu.memory_space<hbm>>) target_semaphore(%arg34 : memref<!tpu.dma_semaphore, #tpu.memory_space<semaphore_mem>>)
    %add3A_140 = arith.constant 240 : i32
    %add3A_141 = arith.addi %mul3A_2, %add3A_140 : i32
    %dma_start3A_142 = arith.constant 1 : i32
    %dma_start3A_143 = arith.constant 0 : i32
    %dma_start3A_144 = tpu.memref_slice %arg5[%dma_start3A_142, %add3A_141, %dma_start3A_143] : memref<4x8192x1024xf32, #tpu.memory_space<hbm>> -> memref<1x8x1024xf32, #tpu.memory_space<hbm>>
    %dma_start3A_145 = tpu.memref_squeeze %dma_start3A_144 : memref<1x8x1024xf32, #tpu.memory_space<hbm>> -> memref<8x1024xf32, #tpu.memory_space<hbm>>
    %dma_start3A_146 = arith.constant 0 : i32
    %dma_start3A_147 = tpu.memref_slice %arg5[%dma_start3A_142, %add3A_141, %dma_start3A_146] : memref<4x8192x1024xf32, #tpu.memory_space<hbm>> -> memref<1x8x1024xf32, #tpu.memory_space<hbm>>
    %dma_start3A_148 = tpu.memref_squeeze %dma_start3A_147 : memref<1x8x1024xf32, #tpu.memory_space<hbm>> -> memref<8x1024xf32, #tpu.memory_space<hbm>>
    tpu.enqueue_dma source(%arg7 : memref<8x1024xf32, #tpu.memory_space<vmem>>) target(%dma_start3A_148 : memref<8x1024xf32, #tpu.memory_space<hbm>>) target_semaphore(%arg35 : memref<!tpu.dma_semaphore, #tpu.memory_space<semaphore_mem>>)
    %add3A_149 = arith.constant 240 : i32
    %add3A_150 = arith.addi %mul3A_2, %add3A_149 : i32
    %dma_start3A_151 = arith.constant 2 : i32
    %dma_start3A_152 = arith.constant 0 : i32
    %dma_start3A_153 = tpu.memref_slice %arg5[%dma_start3A_151, %add3A_150, %dma_start3A_152] : memref<4x8192x1024xf32, #tpu.memory_space<hbm>> -> memref<1x8x1024xf32, #tpu.memory_space<hbm>>
    %dma_start3A_154 = tpu.memref_squeeze %dma_start3A_153 : memref<1x8x1024xf32, #tpu.memory_space<hbm>> -> memref<8x1024xf32, #tpu.memory_space<hbm>>
    %dma_start3A_155 = arith.constant 0 : i32
    %dma_start3A_156 = tpu.memref_slice %arg5[%dma_start3A_151, %add3A_150, %dma_start3A_155] : memref<4x8192x1024xf32, #tpu.memory_space<hbm>> -> memref<1x8x1024xf32, #tpu.memory_space<hbm>>
    %dma_start3A_157 = tpu.memref_squeeze %dma_start3A_156 : memref<1x8x1024xf32, #tpu.memory_space<hbm>> -> memref<8x1024xf32, #tpu.memory_space<hbm>>
    tpu.enqueue_dma source(%arg8 : memref<8x1024xf32, #tpu.memory_space<vmem>>) target(%dma_start3A_157 : memref<8x1024xf32, #tpu.memory_space<hbm>>) target_semaphore(%arg36 : memref<!tpu.dma_semaphore, #tpu.memory_space<semaphore_mem>>)
    %add3A_158 = arith.constant 240 : i32
    %add3A_159 = arith.addi %mul3A_2, %add3A_158 : i32
    %dma_start3A_160 = arith.constant 3 : i32
    %dma_start3A_161 = arith.constant 0 : i32
    %dma_start3A_162 = tpu.memref_slice %arg5[%dma_start3A_160, %add3A_159, %dma_start3A_161] : memref<4x8192x1024xf32, #tpu.memory_space<hbm>> -> memref<1x8x1024xf32, #tpu.memory_space<hbm>>
    %dma_start3A_163 = tpu.memref_squeeze %dma_start3A_162 : memref<1x8x1024xf32, #tpu.memory_space<hbm>> -> memref<8x1024xf32, #tpu.memory_space<hbm>>
    %dma_start3A_164 = arith.constant 0 : i32
    %dma_start3A_165 = tpu.memref_slice %arg5[%dma_start3A_160, %add3A_159, %dma_start3A_164] : memref<4x8192x1024xf32, #tpu.memory_space<hbm>> -> memref<1x8x1024xf32, #tpu.memory_space<hbm>>
    %dma_start3A_166 = tpu.memref_squeeze %dma_start3A_165 : memref<1x8x1024xf32, #tpu.memory_space<hbm>> -> memref<8x1024xf32, #tpu.memory_space<hbm>>
    tpu.enqueue_dma source(%arg9 : memref<8x1024xf32, #tpu.memory_space<vmem>>) target(%dma_start3A_166 : memref<8x1024xf32, #tpu.memory_space<hbm>>) target_semaphore(%arg37 : memref<!tpu.dma_semaphore, #tpu.memory_space<semaphore_mem>>)
    %dma_wait3A_167 = arith.constant 0 : i32
    %dma_wait3A_168 = tpu.memref_slice %arg21[%dma_wait3A_167] : memref<256xi32, #tpu.memory_space<vmem>> -> memref<8xi32, #tpu.memory_space<vmem>>
    %dma_wait3A_169 = arith.constant 0 : i32
    %dma_wait3A_170 = arith.constant 0 : i32
    %dma_wait3A_171 = tpu.memref_slice %arg3[%dma_wait3A_169, %dma_wait3A_170] : memref<8192x1024xf32, #tpu.memory_space<hbm>> -> memref<8192x1024xf32, #tpu.memory_space<hbm>>
    tpu.wait_indirect_dma semaphore(%arg47 : memref<!tpu.dma_semaphore, #tpu.memory_space<semaphore_mem>>) src(%dma_wait3A_171 : memref<8192x1024xf32, #tpu.memory_space<hbm>>) dst(%arg19 : memref<8x1024xf32, #tpu.memory_space<vmem>>)
    %add3A_172 = arith.constant 0 : i32
    %add3A_173 = arith.addi %mul3A_2, %add3A_172 : i32
    %dma_wait3A_174 = arith.constant 0 : i32
    %dma_wait3A_175 = arith.constant 0 : i32
    %dma_wait3A_176 = tpu.memref_slice %arg2[%dma_wait3A_174, %add3A_173, %dma_wait3A_175] : memref<4x8192x1024xf32, #tpu.memory_space<hbm>> -> memref<1x8x1024xf32, #tpu.memory_space<hbm>>
    %dma_wait3A_177 = tpu.memref_squeeze %dma_wait3A_176 : memref<1x8x1024xf32, #tpu.memory_space<hbm>> -> memref<8x1024xf32, #tpu.memory_space<hbm>>
    %dma_wait3A_178 = arith.constant 0 : i32
    %dma_wait3A_179 = tpu.memref_slice %arg2[%dma_wait3A_174, %add3A_173, %dma_wait3A_178] : memref<4x8192x1024xf32, #tpu.memory_space<hbm>> -> memref<1x8x1024xf32, #tpu.memory_space<hbm>>
    %dma_wait3A_180 = tpu.memref_squeeze %dma_wait3A_179 : memref<1x8x1024xf32, #tpu.memory_space<hbm>> -> memref<8x1024xf32, #tpu.memory_space<hbm>>
    tpu.wait_dma2 semaphore(%arg26 : memref<!tpu.dma_semaphore, #tpu.memory_space<semaphore_mem>>) src(%dma_wait3A_180 : memref<8x1024xf32, #tpu.memory_space<hbm>>) dst(%arg10 : memref<8x1024xf32, #tpu.memory_space<vmem>>)
    %add3A_181 = arith.constant 0 : i32
    %add3A_182 = arith.addi %mul3A_2, %add3A_181 : i32
    %dma_wait3A_183 = arith.constant 0 : i32
    %dma_wait3A_184 = arith.constant 0 : i32
    %dma_wait3A_185 = tpu.memref_slice %arg2[%dma_wait3A_183, %add3A_182, %dma_wait3A_184] : memref<4x8192x1024xf32, #tpu.memory_space<hbm>> -> memref<1x8x1024xf32, #tpu.memory_space<hbm>>
    %dma_wait3A_186 = tpu.memref_squeeze %dma_wait3A_185 : memref<1x8x1024xf32, #tpu.memory_space<hbm>> -> memref<8x1024xf32, #tpu.memory_space<hbm>>
    %dma_wait3A_187 = arith.constant 0 : i32
    %dma_wait3A_188 = tpu.memref_slice %arg2[%dma_wait3A_183, %add3A_182, %dma_wait3A_187] : memref<4x8192x1024xf32, #tpu.memory_space<hbm>> -> memref<1x8x1024xf32, #tpu.memory_space<hbm>>
    %dma_wait3A_189 = tpu.memref_squeeze %dma_wait3A_188 : memref<1x8x1024xf32, #tpu.memory_space<hbm>> -> memref<8x1024xf32, #tpu.memory_space<hbm>>
    tpu.wait_dma2 semaphore(%arg27 : memref<!tpu.dma_semaphore, #tpu.memory_space<semaphore_mem>>) src(%dma_wait3A_189 : memref<8x1024xf32, #tpu.memory_space<hbm>>) dst(%arg11 : memref<8x1024xf32, #tpu.memory_space<vmem>>)
    %add3A_190 = arith.constant 0 : i32
    %add3A_191 = arith.addi %mul3A_2, %add3A_190 : i32
    %dma_wait3A_192 = arith.constant 0 : i32
    %dma_wait3A_193 = arith.constant 0 : i32
    %dma_wait3A_194 = tpu.memref_slice %arg2[%dma_wait3A_192, %add3A_191, %dma_wait3A_193] : memref<4x8192x1024xf32, #tpu.memory_space<hbm>> -> memref<1x8x1024xf32, #tpu.memory_space<hbm>>
    %dma_wait3A_195 = tpu.memref_squeeze %dma_wait3A_194 : memref<1x8x1024xf32, #tpu.memory_space<hbm>> -> memref<8x1024xf32, #tpu.memory_space<hbm>>
    %dma_wait3A_196 = arith.constant 0 : i32
    %dma_wait3A_197 = tpu.memref_slice %arg2[%dma_wait3A_192, %add3A_191, %dma_wait3A_196] : memref<4x8192x1024xf32, #tpu.memory_space<hbm>> -> memref<1x8x1024xf32, #tpu.memory_space<hbm>>
    %dma_wait3A_198 = tpu.memref_squeeze %dma_wait3A_197 : memref<1x8x1024xf32, #tpu.memory_space<hbm>> -> memref<8x1024xf32, #tpu.memory_space<hbm>>
    tpu.wait_dma2 semaphore(%arg28 : memref<!tpu.dma_semaphore, #tpu.memory_space<semaphore_mem>>) src(%dma_wait3A_198 : memref<8x1024xf32, #tpu.memory_space<hbm>>) dst(%arg12 : memref<8x1024xf32, #tpu.memory_space<vmem>>)
    %add3A_199 = arith.constant 0 : i32
    %add3A_200 = arith.addi %mul3A_2, %add3A_199 : i32
    %dma_wait3A_201 = arith.constant 0 : i32
    %dma_wait3A_202 = arith.constant 0 : i32
    %dma_wait3A_203 = tpu.memref_slice %arg2[%dma_wait3A_201, %add3A_200, %dma_wait3A_202] : memref<4x8192x1024xf32, #tpu.memory_space<hbm>> -> memref<1x8x1024xf32, #tpu.memory_space<hbm>>
    %dma_wait3A_204 = tpu.memref_squeeze %dma_wait3A_203 : memref<1x8x1024xf32, #tpu.memory_space<hbm>> -> memref<8x1024xf32, #tpu.memory_space<hbm>>
    %dma_wait3A_205 = arith.constant 0 : i32
    %dma_wait3A_206 = tpu.memref_slice %arg2[%dma_wait3A_201, %add3A_200, %dma_wait3A_205] : memref<4x8192x1024xf32, #tpu.memory_space<hbm>> -> memref<1x8x1024xf32, #tpu.memory_space<hbm>>
    %dma_wait3A_207 = tpu.memref_squeeze %dma_wait3A_206 : memref<1x8x1024xf32, #tpu.memory_space<hbm>> -> memref<8x1024xf32, #tpu.memory_space<hbm>>
    tpu.wait_dma2 semaphore(%arg29 : memref<!tpu.dma_semaphore, #tpu.memory_space<semaphore_mem>>) src(%dma_wait3A_207 : memref<8x1024xf32, #tpu.memory_space<hbm>>) dst(%arg13 : memref<8x1024xf32, #tpu.memory_space<vmem>>)
    %parallel_loop3A_208 = arith.constant 0 : i32
    %parallel_loop3A_209 = arith.constant 64 : i32
    %parallel_loop3A_210 = arith.constant 1 : i32
    scf.for %parallel_loop3A_355 = %parallel_loop3A_208 to %parallel_loop3A_209 step %parallel_loop3A_210  : i32 {
      %parallel_loop3A_356 = arith.constant 16 : i32
      %parallel_loop3A_357 = arith.muli %parallel_loop3A_355, %parallel_loop3A_356 : i32
      %parallel_loop3A_358 = arith.constant 0 : i32
      %parallel_loop3A_359 = arith.index_cast %parallel_loop3A_358 : i32 to index
      %parallel_loop3A_360 = arith.index_cast %parallel_loop3A_357 : i32 to index
      %parallel_loop3A_361 = tpu.vector_load %arg19[%parallel_loop3A_359, %parallel_loop3A_360] {strides = array<i32>} : memref<8x1024xf32, #tpu.memory_space<vmem>>, vector<1x16xf32>,
      %parallel_loop3A_362 = vector.shape_cast %parallel_loop3A_361 : vector<1x16xf32> to vector<16xf32>
      %parallel_loop3A_363 = arith.constant 0 : i32
      %parallel_loop3A_364 = arith.index_cast %parallel_loop3A_363 : i32 to index
      %parallel_loop3A_365 = arith.index_cast %parallel_loop3A_357 : i32 to index
      %parallel_loop3A_366 = tpu.vector_load %arg10[%parallel_loop3A_364, %parallel_loop3A_365] {strides = array<i32>} : memref<8x1024xf32, #tpu.memory_space<vmem>>, vector<1x16xf32>,
      %parallel_loop3A_367 = vector.shape_cast %parallel_loop3A_366 : vector<1x16xf32> to vector<16xf32>
      %parallel_loop3A_368 = arith.addf %parallel_loop3A_367, %parallel_loop3A_362 : vector<16xf32>
      %parallel_loop3A_369 = arith.constant 0 : i32
      %parallel_loop3A_370 = arith.index_cast %parallel_loop3A_369 : i32 to index
      %parallel_loop3A_371 = arith.index_cast %parallel_loop3A_357 : i32 to index
      %parallel_loop3A_372 = tpu.vector_load %arg10[%parallel_loop3A_370, %parallel_loop3A_371] {strides = array<i32>} : memref<8x1024xf32, #tpu.memory_space<vmem>>, vector<1x16xf32>,
      %parallel_loop3A_373 = vector.shape_cast %parallel_loop3A_372 : vector<1x16xf32> to vector<16xf32>
      %parallel_loop3A_374 = vector.shape_cast %parallel_loop3A_368 : vector<16xf32> to vector<1x16xf32>
      tpu.vector_store %arg10[%parallel_loop3A_370, %parallel_loop3A_371], %parallel_loop3A_374 {strides = array<i32>} : memref<8x1024xf32, #tpu.memory_space<vmem>>, vector<1x16xf32>,
      %parallel_loop3A_375 = arith.constant 0 : i32
      %parallel_loop3A_376 = arith.index_cast %parallel_loop3A_375 : i32 to index
      %parallel_loop3A_377 = arith.index_cast %parallel_loop3A_357 : i32 to index
      %parallel_loop3A_378 = tpu.vector_load %arg11[%parallel_loop3A_376, %parallel_loop3A_377] {strides = array<i32>} : memref<8x1024xf32, #tpu.memory_space<vmem>>, vector<1x16xf32>,
      %parallel_loop3A_379 = vector.shape_cast %parallel_loop3A_378 : vector<1x16xf32> to vector<16xf32>
      %parallel_loop3A_380 = arith.addf %parallel_loop3A_379, %parallel_loop3A_362 : vector<16xf32>
      %parallel_loop3A_381 = arith.constant 0 : i32
      %parallel_loop3A_382 = arith.index_cast %parallel_loop3A_381 : i32 to index
      %parallel_loop3A_383 = arith.index_cast %parallel_loop3A_357 : i32 to index
      %parallel_loop3A_384 = tpu.vector_load %arg11[%parallel_loop3A_382, %parallel_loop3A_383] {strides = array<i32>} : memref<8x1024xf32, #tpu.memory_space<vmem>>, vector<1x16xf32>,
      %parallel_loop3A_385 = vector.shape_cast %parallel_loop3A_384 : vector<1x16xf32> to vector<16xf32>
      %parallel_loop3A_386 = vector.shape_cast %parallel_loop3A_380 : vector<16xf32> to vector<1x16xf32>
      tpu.vector_store %arg11[%parallel_loop3A_382, %parallel_loop3A_383], %parallel_loop3A_386 {strides = array<i32>} : memref<8x1024xf32, #tpu.memory_space<vmem>>, vector<1x16xf32>,
      %parallel_loop3A_387 = arith.constant 0 : i32
      %parallel_loop3A_388 = arith.index_cast %parallel_loop3A_387 : i32 to index
      %parallel_loop3A_389 = arith.index_cast %parallel_loop3A_357 : i32 to index
      %parallel_loop3A_390 = tpu.vector_load %arg12[%parallel_loop3A_388, %parallel_loop3A_389] {strides = array<i32>} : memref<8x1024xf32, #tpu.memory_space<vmem>>, vector<1x16xf32>,
      %parallel_loop3A_391 = vector.shape_cast %parallel_loop3A_390 : vector<1x16xf32> to vector<16xf32>
      %parallel_loop3A_392 = arith.addf %parallel_loop3A_391, %parallel_loop3A_362 : vector<16xf32>
      %parallel_loop3A_393 = arith.constant 0 : i32
      %parallel_loop3A_394 = arith.index_cast %parallel_loop3A_393 : i32 to index
      %parallel_loop3A_395 = arith.index_cast %parallel_loop3A_357 : i32 to index
      %parallel_loop3A_396 = tpu.vector_load %arg12[%parallel_loop3A_394, %parallel_loop3A_395] {strides = array<i32>} : memref<8x1024xf32, #tpu.memory_space<vmem>>, vector<1x16xf32>,
      %parallel_loop3A_397 = vector.shape_cast %parallel_loop3A_396 : vector<1x16xf32> to vector<16xf32>
      %parallel_loop3A_398 = vector.shape_cast %parallel_loop3A_392 : vector<16xf32> to vector<1x16xf32>
      tpu.vector_store %arg12[%parallel_loop3A_394, %parallel_loop3A_395], %parallel_loop3A_398 {strides = array<i32>} : memref<8x1024xf32, #tpu.memory_space<vmem>>, vector<1x16xf32>,
      %parallel_loop3A_399 = arith.constant 0 : i32
      %parallel_loop3A_400 = arith.index_cast %parallel_loop3A_399 : i32 to index
      %parallel_loop3A_401 = arith.index_cast %parallel_loop3A_357 : i32 to index
      %parallel_loop3A_402 = tpu.vector_load %arg13[%parallel_loop3A_400, %parallel_loop3A_401] {strides = array<i32>} : memref<8x1024xf32, #tpu.memory_space<vmem>>, vector<1x16xf32>,
      %parallel_loop3A_403 = vector.shape_cast %parallel_loop3A_402 : vector<1x16xf32> to vector<16xf32>
      %parallel_loop3A_404 = arith.addf %parallel_loop3A_403, %parallel_loop3A_362 : vector<16xf32>
      %parallel_loop3A_405 = arith.constant 0 : i32
      %parallel_loop3A_406 = arith.index_cast %parallel_loop3A_405 : i32 to index
      %parallel_loop3A_407 = arith.index_cast %parallel_loop3A_357 : i32 to index
      %parallel_loop3A_408 = tpu.vector_load %arg13[%parallel_loop3A_406, %parallel_loop3A_407] {strides = array<i32>} : memref<8x1024xf32, #tpu.memory_space<vmem>>, vector<1x16xf32>,
      %parallel_loop3A_409 = vector.shape_cast %parallel_loop3A_408 : vector<1x16xf32> to vector<16xf32>
      %parallel_loop3A_410 = vector.shape_cast %parallel_loop3A_404 : vector<16xf32> to vector<1x16xf32>
      tpu.vector_store %arg13[%parallel_loop3A_406, %parallel_loop3A_407], %parallel_loop3A_410 {strides = array<i32>} : memref<8x1024xf32, #tpu.memory_space<vmem>>, vector<1x16xf32>,
      %parallel_loop3A_411 = arith.constant 1 : i32
      %parallel_loop3A_412 = arith.index_cast %parallel_loop3A_411 : i32 to index
      %parallel_loop3A_413 = arith.index_cast %parallel_loop3A_357 : i32 to index
      %parallel_loop3A_414 = tpu.vector_load %arg19[%parallel_loop3A_412, %parallel_loop3A_413] {strides = array<i32>} : memref<8x1024xf32, #tpu.memory_space<vmem>>, vector<1x16xf32>,
      %parallel_loop3A_415 = vector.shape_cast %parallel_loop3A_414 : vector<1x16xf32> to vector<16xf32>
      %parallel_loop3A_416 = arith.constant 1 : i32
      %parallel_loop3A_417 = arith.index_cast %parallel_loop3A_416 : i32 to index
      %parallel_loop3A_418 = arith.index_cast %parallel_loop3A_357 : i32 to index
      %parallel_loop3A_419 = tpu.vector_load %arg10[%parallel_loop3A_417, %parallel_loop3A_418] {strides = array<i32>} : memref<8x1024xf32, #tpu.memory_space<vmem>>, vector<1x16xf32>,
      %parallel_loop3A_420 = vector.shape_cast %parallel_loop3A_419 : vector<1x16xf32> to vector<16xf32>
      %parallel_loop3A_421 = arith.addf %parallel_loop3A_420, %parallel_loop3A_415 : vector<16xf32>
      %parallel_loop3A_422 = arith.constant 1 : i32
      %parallel_loop3A_423 = arith.index_cast %parallel_loop3A_422 : i32 to index
      %parallel_loop3A_424 = arith.index_cast %parallel_loop3A_357 : i32 to index
      %parallel_loop3A_425 = tpu.vector_load %arg10[%parallel_loop3A_423, %parallel_loop3A_424] {strides = array<i32>} : memref<8x1024xf32, #tpu.memory_space<vmem>>, vector<1x16xf32>,
      %parallel_loop3A_426 = vector.shape_cast %parallel_loop3A_425 : vector<1x16xf32> to vector<16xf32>
      %parallel_loop3A_427 = vector.shape_cast %parallel_loop3A_421 : vector<16xf32> to vector<1x16xf32>
      tpu.vector_store %arg10[%parallel_loop3A_423, %parallel_loop3A_424], %parallel_loop3A_427 {strides = array<i32>} : memref<8x1024xf32, #tpu.memory_space<vmem>>, vector<1x16xf32>,
      %parallel_loop3A_428 = arith.constant 1 : i32
      %parallel_loop3A_429 = arith.index_cast %parallel_loop3A_428 : i32 to index
      %parallel_loop3A_430 = arith.index_cast %parallel_loop3A_357 : i32 to index
      %parallel_loop3A_431 = tpu.vector_load %arg11[%parallel_loop3A_429, %parallel_loop3A_430] {strides = array<i32>} : memref<8x1024xf32, #tpu.memory_space<vmem>>, vector<1x16xf32>,
      %parallel_loop3A_432 = vector.shape_cast %parallel_loop3A_431 : vector<1x16xf32> to vector<16xf32>
      %parallel_loop3A_433 = arith.addf %parallel_loop3A_432, %parallel_loop3A_415 : vector<16xf32>
      %parallel_loop3A_434 = arith.constant 1 : i32
      %parallel_loop3A_435 = arith.index_cast %parallel_loop3A_434 : i32 to index
      %parallel_loop3A_436 = arith.index_cast %parallel_loop3A_357 : i32 to index
      %parallel_loop3A_437 = tpu.vector_load %arg11[%parallel_loop3A_435, %parallel_loop3A_436] {strides = array<i32>} : memref<8x1024xf32, #tpu.memory_space<vmem>>, vector<1x16xf32>,
      %parallel_loop3A_438 = vector.shape_cast %parallel_loop3A_437 : vector<1x16xf32> to vector<16xf32>
      %parallel_loop3A_439 = vector.shape_cast %parallel_loop3A_433 : vector<16xf32> to vector<1x16xf32>
      tpu.vector_store %arg11[%parallel_loop3A_435, %parallel_loop3A_436], %parallel_loop3A_439 {strides = array<i32>} : memref<8x1024xf32, #tpu.memory_space<vmem>>, vector<1x16xf32>,
      %parallel_loop3A_440 = arith.constant 1 : i32
      %parallel_loop3A_441 = arith.index_cast %parallel_loop3A_440 : i32 to index
      %parallel_loop3A_442 = arith.index_cast %parallel_loop3A_357 : i32 to index
      %parallel_loop3A_443 = tpu.vector_load %arg12[%parallel_loop3A_441, %parallel_loop3A_442] {strides = array<i32>} : memref<8x1024xf32, #tpu.memory_space<vmem>>, vector<1x16xf32>,
      %parallel_loop3A_444 = vector.shape_cast %parallel_loop3A_443 : vector<1x16xf32> to vector<16xf32>
      %parallel_loop3A_445 = arith.addf %parallel_loop3A_444, %parallel_loop3A_415 : vector<16xf32>
      %parallel_loop3A_446 = arith.constant 1 : i32
      %parallel_loop3A_447 = arith.index_cast %parallel_loop3A_446 : i32 to index
      %parallel_loop3A_448 = arith.index_cast %parallel_loop3A_357 : i32 to index
      %parallel_loop3A_449 = tpu.vector_load %arg12[%parallel_loop3A_447, %parallel_loop3A_448] {strides = array<i32>} : memref<8x1024xf32, #tpu.memory_space<vmem>>, vector<1x16xf32>,
      %parallel_loop3A_450 = vector.shape_cast %parallel_loop3A_449 : vector<1x16xf32> to vector<16xf32>
      %parallel_loop3A_451 = vector.shape_cast %parallel_loop3A_445 : vector<16xf32> to vector<1x16xf32>
      tpu.vector_store %arg12[%parallel_loop3A_447, %parallel_loop3A_448], %parallel_loop3A_451 {strides = array<i32>} : memref<8x1024xf32, #tpu.memory_space<vmem>>, vector<1x16xf32>,
      %parallel_loop3A_452 = arith.constant 1 : i32
      %parallel_loop3A_453 = arith.index_cast %parallel_loop3A_452 : i32 to index
      %parallel_loop3A_454 = arith.index_cast %parallel_loop3A_357 : i32 to index
      %parallel_loop3A_455 = tpu.vector_load %arg13[%parallel_loop3A_453, %parallel_loop3A_454] {strides = array<i32>} : memref<8x1024xf32, #tpu.memory_space<vmem>>, vector<1x16xf32>,
      %parallel_loop3A_456 = vector.shape_cast %parallel_loop3A_455 : vector<1x16xf32> to vector<16xf32>
      %parallel_loop3A_457 = arith.addf %parallel_loop3A_456, %parallel_loop3A_415 : vector<16xf32>
      %parallel_loop3A_458 = arith.constant 1 : i32
      %parallel_loop3A_459 = arith.index_cast %parallel_loop3A_458 : i32 to index
      %parallel_loop3A_460 = arith.index_cast %parallel_loop3A_357 : i32 to index
      %parallel_loop3A_461 = tpu.vector_load %arg13[%parallel_loop3A_459, %parallel_loop3A_460] {strides = array<i32>} : memref<8x1024xf32, #tpu.memory_space<vmem>>, vector<1x16xf32>,
      %parallel_loop3A_462 = vector.shape_cast %parallel_loop3A_461 : vector<1x16xf32> to vector<16xf32>
      %parallel_loop3A_463 = vector.shape_cast %parallel_loop3A_457 : vector<16xf32> to vector<1x16xf32>
      tpu.vector_store %arg13[%parallel_loop3A_459, %parallel_loop3A_460], %parallel_loop3A_463 {strides = array<i32>} : memref<8x1024xf32, #tpu.memory_space<vmem>>, vector<1x16xf32>,
      %parallel_loop3A_464 = arith.constant 2 : i32
      %parallel_loop3A_465 = arith.index_cast %parallel_loop3A_464 : i32 to index
      %parallel_loop3A_466 = arith.index_cast %parallel_loop3A_357 : i32 to index
      %parallel_loop3A_467 = tpu.vector_load %arg19[%parallel_loop3A_465, %parallel_loop3A_466] {strides = array<i32>} : memref<8x1024xf32, #tpu.memory_space<vmem>>, vector<1x16xf32>,
      %parallel_loop3A_468 = vector.shape_cast %parallel_loop3A_467 : vector<1x16xf32> to vector<16xf32>
      %parallel_loop3A_469 = arith.constant 2 : i32
      %parallel_loop3A_470 = arith.index_cast %parallel_loop3A_469 : i32 to index
      %parallel_loop3A_471 = arith.index_cast %parallel_loop3A_357 : i32 to index
      %parallel_loop3A_472 = tpu.vector_load %arg10[%parallel_loop3A_470, %parallel_loop3A_471] {strides = array<i32>} : memref<8x1024xf32, #tpu.memory_space<vmem>>, vector<1x16xf32>,
      %parallel_loop3A_473 = vector.shape_cast %parallel_loop3A_472 : vector<1x16xf32> to vector<16xf32>
      %parallel_loop3A_474 = arith.addf %parallel_loop3A_473, %parallel_loop3A_468 : vector<16xf32>
      %parallel_loop3A_475 = arith.constant 2 : i32
      %parallel_loop3A_476 = arith.index_cast %parallel_loop3A_475 : i32 to index
      %parallel_loop3A_477 = arith.index_cast %parallel_loop3A_357 : i32 to index
      %parallel_loop3A_478 = tpu.vector_load %arg10[%parallel_loop3A_476, %parallel_loop3A_477] {strides = array<i32>} : memref<8x1024xf32, #tpu.memory_space<vmem>>, vector<1x16xf32>,
      %parallel_loop3A_479 = vector.shape_cast %parallel_loop3A_478 : vector<1x16xf32> to vector<16xf32>
      %parallel_loop3A_480 = vector.shape_cast %parallel_loop3A_474 : vector<16xf32> to vector<1x16xf32>
      tpu.vector_store %arg10[%parallel_loop3A_476, %parallel_loop3A_477], %parallel_loop3A_480 {strides = array<i32>} : memref<8x1024xf32, #tpu.memory_space<vmem>>, vector<1x16xf32>,
      %parallel_loop3A_481 = arith.constant 2 : i32
      %parallel_loop3A_482 = arith.index_cast %parallel_loop3A_481 : i32 to index
      %parallel_loop3A_483 = arith.index_cast %parallel_loop3A_357 : i32 to index
      %parallel_loop3A_484 = tpu.vector_load %arg11[%parallel_loop3A_482, %parallel_loop3A_483] {strides = array<i32>} : memref<8x1024xf32, #tpu.memory_space<vmem>>, vector<1x16xf32>,
      %parallel_loop3A_485 = vector.shape_cast %parallel_loop3A_484 : vector<1x16xf32> to vector<16xf32>
      %parallel_loop3A_486 = arith.addf %parallel_loop3A_485, %parallel_loop3A_468 : vector<16xf32>
      %parallel_loop3A_487 = arith.constant 2 : i32
      %parallel_loop3A_488 = arith.index_cast %parallel_loop3A_487 : i32 to index
      %parallel_loop3A_489 = arith.index_cast %parallel_loop3A_357 : i32 to index
      %parallel_loop3A_490 = tpu.vector_load %arg11[%parallel_loop3A_488, %parallel_loop3A_489] {strides = array<i32>} : memref<8x1024xf32, #tpu.memory_space<vmem>>, vector<1x16xf32>,
      %parallel_loop3A_491 = vector.shape_cast %parallel_loop3A_490 : vector<1x16xf32> to vector<16xf32>
      %parallel_loop3A_492 = vector.shape_cast %parallel_loop3A_486 : vector<16xf32> to vector<1x16xf32>
      tpu.vector_store %arg11[%parallel_loop3A_488, %parallel_loop3A_489], %parallel_loop3A_492 {strides = array<i32>} : memref<8x1024xf32, #tpu.memory_space<vmem>>, vector<1x16xf32>,
      %parallel_loop3A_493 = arith.constant 2 : i32
      %parallel_loop3A_494 = arith.index_cast %parallel_loop3A_493 : i32 to index
      %parallel_loop3A_495 = arith.index_cast %parallel_loop3A_357 : i32 to index
      %parallel_loop3A_496 = tpu.vector_load %arg12[%parallel_loop3A_494, %parallel_loop3A_495] {strides = array<i32>} : memref<8x1024xf32, #tpu.memory_space<vmem>>, vector<1x16xf32>,
      %parallel_loop3A_497 = vector.shape_cast %parallel_loop3A_496 : vector<1x16xf32> to vector<16xf32>
      %parallel_loop3A_498 = arith.addf %parallel_loop3A_497, %parallel_loop3A_468 : vector<16xf32>
      %parallel_loop3A_499 = arith.constant 2 : i32
      %parallel_loop3A_500 = arith.index_cast %parallel_loop3A_499 : i32 to index
      %parallel_loop3A_501 = arith.index_cast %parallel_loop3A_357 : i32 to index
      %parallel_loop3A_502 = tpu.vector_load %arg12[%parallel_loop3A_500, %parallel_loop3A_501] {strides = array<i32>} : memref<8x1024xf32, #tpu.memory_space<vmem>>, vector<1x16xf32>,
      %parallel_loop3A_503 = vector.shape_cast %parallel_loop3A_502 : vector<1x16xf32> to vector<16xf32>
      %parallel_loop3A_504 = vector.shape_cast %parallel_loop3A_498 : vector<16xf32> to vector<1x16xf32>
      tpu.vector_store %arg12[%parallel_loop3A_500, %parallel_loop3A_501], %parallel_loop3A_504 {strides = array<i32>} : memref<8x1024xf32, #tpu.memory_space<vmem>>, vector<1x16xf32>,
      %parallel_loop3A_505 = arith.constant 2 : i32
      %parallel_loop3A_506 = arith.index_cast %parallel_loop3A_505 : i32 to index
      %parallel_loop3A_507 = arith.index_cast %parallel_loop3A_357 : i32 to index
      %parallel_loop3A_508 = tpu.vector_load %arg13[%parallel_loop3A_506, %parallel_loop3A_507] {strides = array<i32>} : memref<8x1024xf32, #tpu.memory_space<vmem>>, vector<1x16xf32>,
      %parallel_loop3A_509 = vector.shape_cast %parallel_loop3A_508 : vector<1x16xf32> to vector<16xf32>
      %parallel_loop3A_510 = arith.addf %parallel_loop3A_509, %parallel_loop3A_468 : vector<16xf32>
      %parallel_loop3A_511 = arith.constant 2 : i32
      %parallel_loop3A_512 = arith.index_cast %parallel_loop3A_511 : i32 to index
      %parallel_loop3A_513 = arith.index_cast %parallel_loop3A_357 : i32 to index
      %parallel_loop3A_514 = tpu.vector_load %arg13[%parallel_loop3A_512, %parallel_loop3A_513] {strides = array<i32>} : memref<8x1024xf32, #tpu.memory_space<vmem>>, vector<1x16xf32>,
      %parallel_loop3A_515 = vector.shape_cast %parallel_loop3A_514 : vector<1x16xf32> to vector<16xf32>
      %parallel_loop3A_516 = vector.shape_cast %parallel_loop3A_510 : vector<16xf32> to vector<1x16xf32>
      tpu.vector_store %arg13[%parallel_loop3A_512, %parallel_loop3A_513], %parallel_loop3A_516 {strides = array<i32>} : memref<8x1024xf32, #tpu.memory_space<vmem>>, vector<1x16xf32>,
      %parallel_loop3A_517 = arith.constant 3 : i32
      %parallel_loop3A_518 = arith.index_cast %parallel_loop3A_517 : i32 to index
      %parallel_loop3A_519 = arith.index_cast %parallel_loop3A_357 : i32 to index
      %parallel_loop3A_520 = tpu.vector_load %arg19[%parallel_loop3A_518, %parallel_loop3A_519] {strides = array<i32>} : memref<8x1024xf32, #tpu.memory_space<vmem>>, vector<1x16xf32>,
      %parallel_loop3A_521 = vector.shape_cast %parallel_loop3A_520 : vector<1x16xf32> to vector<16xf32>
      %parallel_loop3A_522 = arith.constant 3 : i32
      %parallel_loop3A_523 = arith.index_cast %parallel_loop3A_522 : i32 to index
      %parallel_loop3A_524 = arith.index_cast %parallel_loop3A_357 : i32 to index
      %parallel_loop3A_525 = tpu.vector_load %arg10[%parallel_loop3A_523, %parallel_loop3A_524] {strides = array<i32>} : memref<8x1024xf32, #tpu.memory_space<vmem>>, vector<1x16xf32>,
      %parallel_loop3A_526 = vector.shape_cast %parallel_loop3A_525 : vector<1x16xf32> to vector<16xf32>
      %parallel_loop3A_527 = arith.addf %parallel_loop3A_526, %parallel_loop3A_521 : vector<16xf32>
      %parallel_loop3A_528 = arith.constant 3 : i32
      %parallel_loop3A_529 = arith.index_cast %parallel_loop3A_528 : i32 to index
      %parallel_loop3A_530 = arith.index_cast %parallel_loop3A_357 : i32 to index
      %parallel_loop3A_531 = tpu.vector_load %arg10[%parallel_loop3A_529, %parallel_loop3A_530] {strides = array<i32>} : memref<8x1024xf32, #tpu.memory_space<vmem>>, vector<1x16xf32>,
      %parallel_loop3A_532 = vector.shape_cast %parallel_loop3A_531 : vector<1x16xf32> to vector<16xf32>
      %parallel_loop3A_533 = vector.shape_cast %parallel_loop3A_527 : vector<16xf32> to vector<1x16xf32>
      tpu.vector_store %arg10[%parallel_loop3A_529, %parallel_loop3A_530], %parallel_loop3A_533 {strides = array<i32>} : memref<8x1024xf32, #tpu.memory_space<vmem>>, vector<1x16xf32>,
      %parallel_loop3A_534 = arith.constant 3 : i32
      %parallel_loop3A_535 = arith.index_cast %parallel_loop3A_534 : i32 to index
      %parallel_loop3A_536 = arith.index_cast %parallel_loop3A_357 : i32 to index
      %parallel_loop3A_537 = tpu.vector_load %arg11[%parallel_loop3A_535, %parallel_loop3A_536] {strides = array<i32>} : memref<8x1024xf32, #tpu.memory_space<vmem>>, vector<1x16xf32>,
      %parallel_loop3A_538 = vector.shape_cast %parallel_loop3A_537 : vector<1x16xf32> to vector<16xf32>
      %parallel_loop3A_539 = arith.addf %parallel_loop3A_538, %parallel_loop3A_521 : vector<16xf32>
      %parallel_loop3A_540 = arith.constant 3 : i32
      %parallel_loop3A_541 = arith.index_cast %parallel_loop3A_540 : i32 to index
      %parallel_loop3A_542 = arith.index_cast %parallel_loop3A_357 : i32 to index
      %parallel_loop3A_543 = tpu.vector_load %arg11[%parallel_loop3A_541, %parallel_loop3A_542] {strides = array<i32>} : memref<8x1024xf32, #tpu.memory_space<vmem>>, vector<1x16xf32>,
      %parallel_loop3A_544 = vector.shape_cast %parallel_loop3A_543 : vector<1x16xf32> to vector<16xf32>
      %parallel_loop3A_545 = vector.shape_cast %parallel_loop3A_539 : vector<16xf32> to vector<1x16xf32>
      tpu.vector_store %arg11[%parallel_loop3A_541, %parallel_loop3A_542], %parallel_loop3A_545 {strides = array<i32>} : memref<8x1024xf32, #tpu.memory_space<vmem>>, vector<1x16xf32>,
      %parallel_loop3A_546 = arith.constant 3 : i32
      %parallel_loop3A_547 = arith.index_cast %parallel_loop3A_546 : i32 to index
      %parallel_loop3A_548 = arith.index_cast %parallel_loop3A_357 : i32 to index
      %parallel_loop3A_549 = tpu.vector_load %arg12[%parallel_loop3A_547, %parallel_loop3A_548] {strides = array<i32>} : memref<8x1024xf32, #tpu.memory_space<vmem>>, vector<1x16xf32>,
      %parallel_loop3A_550 = vector.shape_cast %parallel_loop3A_549 : vector<1x16xf32> to vector<16xf32>
      %parallel_loop3A_551 = arith.addf %parallel_loop3A_550, %parallel_loop3A_521 : vector<16xf32>
      %parallel_loop3A_552 = arith.constant 3 : i32
      %parallel_loop3A_553 = arith.index_cast %parallel_loop3A_552 : i32 to index
      %parallel_loop3A_554 = arith.index_cast %parallel_loop3A_357 : i32 to index
      %parallel_loop3A_555 = tpu.vector_load %arg12[%parallel_loop3A_553, %parallel_loop3A_554] {strides = array<i32>} : memref<8x1024xf32, #tpu.memory_space<vmem>>, vector<1x16xf32>,
      %parallel_loop3A_556 = vector.shape_cast %parallel_loop3A_555 : vector<1x16xf32> to vector<16xf32>
      %parallel_loop3A_557 = vector.shape_cast %parallel_loop3A_551 : vector<16xf32> to vector<1x16xf32>
      tpu.vector_store %arg12[%parallel_loop3A_553, %parallel_loop3A_554], %parallel_loop3A_557 {strides = array<i32>} : memref<8x1024xf32, #tpu.memory_space<vmem>>, vector<1x16xf32>,
      %parallel_loop3A_558 = arith.constant 3 : i32
      %parallel_loop3A_559 = arith.index_cast %parallel_loop3A_558 : i32 to index
      %parallel_loop3A_560 = arith.index_cast %parallel_loop3A_357 : i32 to index
      %parallel_loop3A_561 = tpu.vector_load %arg13[%parallel_loop3A_559, %parallel_loop3A_560] {strides = array<i32>} : memref<8x1024xf32, #tpu.memory_space<vmem>>, vector<1x16xf32>,
      %parallel_loop3A_562 = vector.shape_cast %parallel_loop3A_561 : vector<1x16xf32> to vector<16xf32>
      %parallel_loop3A_563 = arith.addf %parallel_loop3A_562, %parallel_loop3A_521 : vector<16xf32>
      %parallel_loop3A_564 = arith.constant 3 : i32
      %parallel_loop3A_565 = arith.index_cast %parallel_loop3A_564 : i32 to index
      %parallel_loop3A_566 = arith.index_cast %parallel_loop3A_357 : i32 to index
      %parallel_loop3A_567 = tpu.vector_load %arg13[%parallel_loop3A_565, %parallel_loop3A_566] {strides = array<i32>} : memref<8x1024xf32, #tpu.memory_space<vmem>>, vector<1x16xf32>,
      %parallel_loop3A_568 = vector.shape_cast %parallel_loop3A_567 : vector<1x16xf32> to vector<16xf32>
      %parallel_loop3A_569 = vector.shape_cast %parallel_loop3A_563 : vector<16xf32> to vector<1x16xf32>
      tpu.vector_store %arg13[%parallel_loop3A_565, %parallel_loop3A_566], %parallel_loop3A_569 {strides = array<i32>} : memref<8x1024xf32, #tpu.memory_space<vmem>>, vector<1x16xf32>,
      %parallel_loop3A_570 = arith.constant 4 : i32
      %parallel_loop3A_571 = arith.index_cast %parallel_loop3A_570 : i32 to index
      %parallel_loop3A_572 = arith.index_cast %parallel_loop3A_357 : i32 to index
      %parallel_loop3A_573 = tpu.vector_load %arg19[%parallel_loop3A_571, %parallel_loop3A_572] {strides = array<i32>} : memref<8x1024xf32, #tpu.memory_space<vmem>>, vector<1x16xf32>,
      %parallel_loop3A_574 = vector.shape_cast %parallel_loop3A_573 : vector<1x16xf32> to vector<16xf32>
      %parallel_loop3A_575 = arith.constant 4 : i32
      %parallel_loop3A_576 = arith.index_cast %parallel_loop3A_575 : i32 to index
      %parallel_loop3A_577 = arith.index_cast %parallel_loop3A_357 : i32 to index
      %parallel_loop3A_578 = tpu.vector_load %arg10[%parallel_loop3A_576, %parallel_loop3A_577] {strides = array<i32>} : memref<8x1024xf32, #tpu.memory_space<vmem>>, vector<1x16xf32>,
      %parallel_loop3A_579 = vector.shape_cast %parallel_loop3A_578 : vector<1x16xf32> to vector<16xf32>
      %parallel_loop3A_580 = arith.addf %parallel_loop3A_579, %parallel_loop3A_574 : vector<16xf32>
      %parallel_loop3A_581 = arith.constant 4 : i32
      %parallel_loop3A_582 = arith.index_cast %parallel_loop3A_581 : i32 to index
      %parallel_loop3A_583 = arith.index_cast %parallel_loop3A_357 : i32 to index
      %parallel_loop3A_584 = tpu.vector_load %arg10[%parallel_loop3A_582, %parallel_loop3A_583] {strides = array<i32>} : memref<8x1024xf32, #tpu.memory_space<vmem>>, vector<1x16xf32>,
      %parallel_loop3A_585 = vector.shape_cast %parallel_loop3A_584 : vector<1x16xf32> to vector<16xf32>
      %parallel_loop3A_586 = vector.shape_cast %parallel_loop3A_580 : vector<16xf32> to vector<1x16xf32>
      tpu.vector_store %arg10[%parallel_loop3A_582, %parallel_loop3A_583], %parallel_loop3A_586 {strides = array<i32>} : memref<8x1024xf32, #tpu.memory_space<vmem>>, vector<1x16xf32>,
      %parallel_loop3A_587 = arith.constant 4 : i32
      %parallel_loop3A_588 = arith.index_cast %parallel_loop3A_587 : i32 to index
      %parallel_loop3A_589 = arith.index_cast %parallel_loop3A_357 : i32 to index
      %parallel_loop3A_590 = tpu.vector_load %arg11[%parallel_loop3A_588, %parallel_loop3A_589] {strides = array<i32>} : memref<8x1024xf32, #tpu.memory_space<vmem>>, vector<1x16xf32>,
      %parallel_loop3A_591 = vector.shape_cast %parallel_loop3A_590 : vector<1x16xf32> to vector<16xf32>
      %parallel_loop3A_592 = arith.addf %parallel_loop3A_591, %parallel_loop3A_574 : vector<16xf32>
      %parallel_loop3A_593 = arith.constant 4 : i32
      %parallel_loop3A_594 = arith.index_cast %parallel_loop3A_593 : i32 to index
      %parallel_loop3A_595 = arith.index_cast %parallel_loop3A_357 : i32 to index
      %parallel_loop3A_596 = tpu.vector_load %arg11[%parallel_loop3A_594, %parallel_loop3A_595] {strides = array<i32>} : memref<8x1024xf32, #tpu.memory_space<vmem>>, vector<1x16xf32>,
      %parallel_loop3A_597 = vector.shape_cast %parallel_loop3A_596 : vector<1x16xf32> to vector<16xf32>
      %parallel_loop3A_598 = vector.shape_cast %parallel_loop3A_592 : vector<16xf32> to vector<1x16xf32>
      tpu.vector_store %arg11[%parallel_loop3A_594, %parallel_loop3A_595], %parallel_loop3A_598 {strides = array<i32>} : memref<8x1024xf32, #tpu.memory_space<vmem>>, vector<1x16xf32>,
      %parallel_loop3A_599 = arith.constant 4 : i32
      %parallel_loop3A_600 = arith.index_cast %parallel_loop3A_599 : i32 to index
      %parallel_loop3A_601 = arith.index_cast %parallel_loop3A_357 : i32 to index
      %parallel_loop3A_602 = tpu.vector_load %arg12[%parallel_loop3A_600, %parallel_loop3A_601] {strides = array<i32>} : memref<8x1024xf32, #tpu.memory_space<vmem>>, vector<1x16xf32>,
      %parallel_loop3A_603 = vector.shape_cast %parallel_loop3A_602 : vector<1x16xf32> to vector<16xf32>
      %parallel_loop3A_604 = arith.addf %parallel_loop3A_603, %parallel_loop3A_574 : vector<16xf32>
      %parallel_loop3A_605 = arith.constant 4 : i32
      %parallel_loop3A_606 = arith.index_cast %parallel_loop3A_605 : i32 to index
      %parallel_loop3A_607 = arith.index_cast %parallel_loop3A_357 : i32 to index
      %parallel_loop3A_608 = tpu.vector_load %arg12[%parallel_loop3A_606, %parallel_loop3A_607] {strides = array<i32>} : memref<8x1024xf32, #tpu.memory_space<vmem>>, vector<1x16xf32>,
      %parallel_loop3A_609 = vector.shape_cast %parallel_loop3A_608 : vector<1x16xf32> to vector<16xf32>
      %parallel_loop3A_610 = vector.shape_cast %parallel_loop3A_604 : vector<16xf32> to vector<1x16xf32>
      tpu.vector_store %arg12[%parallel_loop3A_606, %parallel_loop3A_607], %parallel_loop3A_610 {strides = array<i32>} : memref<8x1024xf32, #tpu.memory_space<vmem>>, vector<1x16xf32>,
      %parallel_loop3A_611 = arith.constant 4 : i32
      %parallel_loop3A_612 = arith.index_cast %parallel_loop3A_611 : i32 to index
      %parallel_loop3A_613 = arith.index_cast %parallel_loop3A_357 : i32 to index
      %parallel_loop3A_614 = tpu.vector_load %arg13[%parallel_loop3A_612, %parallel_loop3A_613] {strides = array<i32>} : memref<8x1024xf32, #tpu.memory_space<vmem>>, vector<1x16xf32>,
      %parallel_loop3A_615 = vector.shape_cast %parallel_loop3A_614 : vector<1x16xf32> to vector<16xf32>
      %parallel_loop3A_616 = arith.addf %parallel_loop3A_615, %parallel_loop3A_574 : vector<16xf32>
      %parallel_loop3A_617 = arith.constant 4 : i32
      %parallel_loop3A_618 = arith.index_cast %parallel_loop3A_617 : i32 to index
      %parallel_loop3A_619 = arith.index_cast %parallel_loop3A_357 : i32 to index
      %parallel_loop3A_620 = tpu.vector_load %arg13[%parallel_loop3A_618, %parallel_loop3A_619] {strides = array<i32>} : memref<8x1024xf32, #tpu.memory_space<vmem>>, vector<1x16xf32>,
      %parallel_loop3A_621 = vector.shape_cast %parallel_loop3A_620 : vector<1x16xf32> to vector<16xf32>
      %parallel_loop3A_622 = vector.shape_cast %parallel_loop3A_616 : vector<16xf32> to vector<1x16xf32>
      tpu.vector_store %arg13[%parallel_loop3A_618, %parallel_loop3A_619], %parallel_loop3A_622 {strides = array<i32>} : memref<8x1024xf32, #tpu.memory_space<vmem>>, vector<1x16xf32>,
      %parallel_loop3A_623 = arith.constant 5 : i32
      %parallel_loop3A_624 = arith.index_cast %parallel_loop3A_623 : i32 to index
      %parallel_loop3A_625 = arith.index_cast %parallel_loop3A_357 : i32 to index
      %parallel_loop3A_626 = tpu.vector_load %arg19[%parallel_loop3A_624, %parallel_loop3A_625] {strides = array<i32>} : memref<8x1024xf32, #tpu.memory_space<vmem>>, vector<1x16xf32>,
      %parallel_loop3A_627 = vector.shape_cast %parallel_loop3A_626 : vector<1x16xf32> to vector<16xf32>
      %parallel_loop3A_628 = arith.constant 5 : i32
      %parallel_loop3A_629 = arith.index_cast %parallel_loop3A_628 : i32 to index
      %parallel_loop3A_630 = arith.index_cast %parallel_loop3A_357 : i32 to index
      %parallel_loop3A_631 = tpu.vector_load %arg10[%parallel_loop3A_629, %parallel_loop3A_630] {strides = array<i32>} : memref<8x1024xf32, #tpu.memory_space<vmem>>, vector<1x16xf32>,
      %parallel_loop3A_632 = vector.shape_cast %parallel_loop3A_631 : vector<1x16xf32> to vector<16xf32>
      %parallel_loop3A_633 = arith.addf %parallel_loop3A_632, %parallel_loop3A_627 : vector<16xf32>
      %parallel_loop3A_634 = arith.constant 5 : i32
      %parallel_loop3A_635 = arith.index_cast %parallel_loop3A_634 : i32 to index
      %parallel_loop3A_636 = arith.index_cast %parallel_loop3A_357 : i32 to index
      %parallel_loop3A_637 = tpu.vector_load %arg10[%parallel_loop3A_635, %parallel_loop3A_636] {strides = array<i32>} : memref<8x1024xf32, #tpu.memory_space<vmem>>, vector<1x16xf32>,
      %parallel_loop3A_638 = vector.shape_cast %parallel_loop3A_637 : vector<1x16xf32> to vector<16xf32>
      %parallel_loop3A_639 = vector.shape_cast %parallel_loop3A_633 : vector<16xf32> to vector<1x16xf32>
      tpu.vector_store %arg10[%parallel_loop3A_635, %parallel_loop3A_636], %parallel_loop3A_639 {strides = array<i32>} : memref<8x1024xf32, #tpu.memory_space<vmem>>, vector<1x16xf32>,
      %parallel_loop3A_640 = arith.constant 5 : i32
      %parallel_loop3A_641 = arith.index_cast %parallel_loop3A_640 : i32 to index
      %parallel_loop3A_642 = arith.index_cast %parallel_loop3A_357 : i32 to index
      %parallel_loop3A_643 = tpu.vector_load %arg11[%parallel_loop3A_641, %parallel_loop3A_642] {strides = array<i32>} : memref<8x1024xf32, #tpu.memory_space<vmem>>, vector<1x16xf32>,
      %parallel_loop3A_644 = vector.shape_cast %parallel_loop3A_643 : vector<1x16xf32> to vector<16xf32>
      %parallel_loop3A_645 = arith.addf %parallel_loop3A_644, %parallel_loop3A_627 : vector<16xf32>
      %parallel_loop3A_646 = arith.constant 5 : i32
      %parallel_loop3A_647 = arith.index_cast %parallel_loop3A_646 : i32 to index
      %parallel_loop3A_648 = arith.index_cast %parallel_loop3A_357 : i32 to index
      %parallel_loop3A_649 = tpu.vector_load %arg11[%parallel_loop3A_647, %parallel_loop3A_648] {strides = array<i32>} : memref<8x1024xf32, #tpu.memory_space<vmem>>, vector<1x16xf32>,
      %parallel_loop3A_650 = vector.shape_cast %parallel_loop3A_649 : vector<1x16xf32> to vector<16xf32>
      %parallel_loop3A_651 = vector.shape_cast %parallel_loop3A_645 : vector<16xf32> to vector<1x16xf32>
      tpu.vector_store %arg11[%parallel_loop3A_647, %parallel_loop3A_648], %parallel_loop3A_651 {strides = array<i32>} : memref<8x1024xf32, #tpu.memory_space<vmem>>, vector<1x16xf32>,
      %parallel_loop3A_652 = arith.constant 5 : i32
      %parallel_loop3A_653 = arith.index_cast %parallel_loop3A_652 : i32 to index
      %parallel_loop3A_654 = arith.index_cast %parallel_loop3A_357 : i32 to index
      %parallel_loop3A_655 = tpu.vector_load %arg12[%parallel_loop3A_653, %parallel_loop3A_654] {strides = array<i32>} : memref<8x1024xf32, #tpu.memory_space<vmem>>, vector<1x16xf32>,
      %parallel_loop3A_656 = vector.shape_cast %parallel_loop3A_655 : vector<1x16xf32> to vector<16xf32>
      %parallel_loop3A_657 = arith.addf %parallel_loop3A_656, %parallel_loop3A_627 : vector<16xf32>
      %parallel_loop3A_658 = arith.constant 5 : i32
      %parallel_loop3A_659 = arith.index_cast %parallel_loop3A_658 : i32 to index
      %parallel_loop3A_660 = arith.index_cast %parallel_loop3A_357 : i32 to index
      %parallel_loop3A_661 = tpu.vector_load %arg12[%parallel_loop3A_659, %parallel_loop3A_660] {strides = array<i32>} : memref<8x1024xf32, #tpu.memory_space<vmem>>, vector<1x16xf32>,
      %parallel_loop3A_662 = vector.shape_cast %parallel_loop3A_661 : vector<1x16xf32> to vector<16xf32>
      %parallel_loop3A_663 = vector.shape_cast %parallel_loop3A_657 : vector<16xf32> to vector<1x16xf32>
      tpu.vector_store %arg12[%parallel_loop3A_659, %parallel_loop3A_660], %parallel_loop3A_663 {strides = array<i32>} : memref<8x1024xf32, #tpu.memory_space<vmem>>, vector<1x16xf32>,
      %parallel_loop3A_664 = arith.constant 5 : i32
      %parallel_loop3A_665 = arith.index_cast %parallel_loop3A_664 : i32 to index
      %parallel_loop3A_666 = arith.index_cast %parallel_loop3A_357 : i32 to index
      %parallel_loop3A_667 = tpu.vector_load %arg13[%parallel_loop3A_665, %parallel_loop3A_666] {strides = array<i32>} : memref<8x1024xf32, #tpu.memory_space<vmem>>, vector<1x16xf32>,
      %parallel_loop3A_668 = vector.shape_cast %parallel_loop3A_667 : vector<1x16xf32> to vector<16xf32>
      %parallel_loop3A_669 = arith.addf %parallel_loop3A_668, %parallel_loop3A_627 : vector<16xf32>
      %parallel_loop3A_670 = arith.constant 5 : i32
      %parallel_loop3A_671 = arith.index_cast %parallel_loop3A_670 : i32 to index
      %parallel_loop3A_672 = arith.index_cast %parallel_loop3A_357 : i32 to index
      %parallel_loop3A_673 = tpu.vector_load %arg13[%parallel_loop3A_671, %parallel_loop3A_672] {strides = array<i32>} : memref<8x1024xf32, #tpu.memory_space<vmem>>, vector<1x16xf32>,
      %parallel_loop3A_674 = vector.shape_cast %parallel_loop3A_673 : vector<1x16xf32> to vector<16xf32>
      %parallel_loop3A_675 = vector.shape_cast %parallel_loop3A_669 : vector<16xf32> to vector<1x16xf32>
      tpu.vector_store %arg13[%parallel_loop3A_671, %parallel_loop3A_672], %parallel_loop3A_675 {strides = array<i32>} : memref<8x1024xf32, #tpu.memory_space<vmem>>, vector<1x16xf32>,
      %parallel_loop3A_676 = arith.constant 6 : i32
      %parallel_loop3A_677 = arith.index_cast %parallel_loop3A_676 : i32 to index
      %parallel_loop3A_678 = arith.index_cast %parallel_loop3A_357 : i32 to index
      %parallel_loop3A_679 = tpu.vector_load %arg19[%parallel_loop3A_677, %parallel_loop3A_678] {strides = array<i32>} : memref<8x1024xf32, #tpu.memory_space<vmem>>, vector<1x16xf32>,
      %parallel_loop3A_680 = vector.shape_cast %parallel_loop3A_679 : vector<1x16xf32> to vector<16xf32>
      %parallel_loop3A_681 = arith.constant 6 : i32
      %parallel_loop3A_682 = arith.index_cast %parallel_loop3A_681 : i32 to index
      %parallel_loop3A_683 = arith.index_cast %parallel_loop3A_357 : i32 to index
      %parallel_loop3A_684 = tpu.vector_load %arg10[%parallel_loop3A_682, %parallel_loop3A_683] {strides = array<i32>} : memref<8x1024xf32, #tpu.memory_space<vmem>>, vector<1x16xf32>,
      %parallel_loop3A_685 = vector.shape_cast %parallel_loop3A_684 : vector<1x16xf32> to vector<16xf32>
      %parallel_loop3A_686 = arith.addf %parallel_loop3A_685, %parallel_loop3A_680 : vector<16xf32>
      %parallel_loop3A_687 = arith.constant 6 : i32
      %parallel_loop3A_688 = arith.index_cast %parallel_loop3A_687 : i32 to index
      %parallel_loop3A_689 = arith.index_cast %parallel_loop3A_357 : i32 to index
      %parallel_loop3A_690 = tpu.vector_load %arg10[%parallel_loop3A_688, %parallel_loop3A_689] {strides = array<i32>} : memref<8x1024xf32, #tpu.memory_space<vmem>>, vector<1x16xf32>,
      %parallel_loop3A_691 = vector.shape_cast %parallel_loop3A_690 : vector<1x16xf32> to vector<16xf32>
      %parallel_loop3A_692 = vector.shape_cast %parallel_loop3A_686 : vector<16xf32> to vector<1x16xf32>
      tpu.vector_store %arg10[%parallel_loop3A_688, %parallel_loop3A_689], %parallel_loop3A_692 {strides = array<i32>} : memref<8x1024xf32, #tpu.memory_space<vmem>>, vector<1x16xf32>,
      %parallel_loop3A_693 = arith.constant 6 : i32
      %parallel_loop3A_694 = arith.index_cast %parallel_loop3A_693 : i32 to index
      %parallel_loop3A_695 = arith.index_cast %parallel_loop3A_357 : i32 to index
      %parallel_loop3A_696 = tpu.vector_load %arg11[%parallel_loop3A_694, %parallel_loop3A_695] {strides = array<i32>} : memref<8x1024xf32, #tpu.memory_space<vmem>>, vector<1x16xf32>,
      %parallel_loop3A_697 = vector.shape_cast %parallel_loop3A_696 : vector<1x16xf32> to vector<16xf32>
      %parallel_loop3A_698 = arith.addf %parallel_loop3A_697, %parallel_loop3A_680 : vector<16xf32>
      %parallel_loop3A_699 = arith.constant 6 : i32
      %parallel_loop3A_700 = arith.index_cast %parallel_loop3A_699 : i32 to index
      %parallel_loop3A_701 = arith.index_cast %parallel_loop3A_357 : i32 to index
      %parallel_loop3A_702 = tpu.vector_load %arg11[%parallel_loop3A_700, %parallel_loop3A_701] {strides = array<i32>} : memref<8x1024xf32, #tpu.memory_space<vmem>>, vector<1x16xf32>,
      %parallel_loop3A_703 = vector.shape_cast %parallel_loop3A_702 : vector<1x16xf32> to vector<16xf32>
      %parallel_loop3A_704 = vector.shape_cast %parallel_loop3A_698 : vector<16xf32> to vector<1x16xf32>
      tpu.vector_store %arg11[%parallel_loop3A_700, %parallel_loop3A_701], %parallel_loop3A_704 {strides = array<i32>} : memref<8x1024xf32, #tpu.memory_space<vmem>>, vector<1x16xf32>,
      %parallel_loop3A_705 = arith.constant 6 : i32
      %parallel_loop3A_706 = arith.index_cast %parallel_loop3A_705 : i32 to index
      %parallel_loop3A_707 = arith.index_cast %parallel_loop3A_357 : i32 to index
      %parallel_loop3A_708 = tpu.vector_load %arg12[%parallel_loop3A_706, %parallel_loop3A_707] {strides = array<i32>} : memref<8x1024xf32, #tpu.memory_space<vmem>>, vector<1x16xf32>,
      %parallel_loop3A_709 = vector.shape_cast %parallel_loop3A_708 : vector<1x16xf32> to vector<16xf32>
      %parallel_loop3A_710 = arith.addf %parallel_loop3A_709, %parallel_loop3A_680 : vector<16xf32>
      %parallel_loop3A_711 = arith.constant 6 : i32
      %parallel_loop3A_712 = arith.index_cast %parallel_loop3A_711 : i32 to index
      %parallel_loop3A_713 = arith.index_cast %parallel_loop3A_357 : i32 to index
      %parallel_loop3A_714 = tpu.vector_load %arg12[%parallel_loop3A_712, %parallel_loop3A_713] {strides = array<i32>} : memref<8x1024xf32, #tpu.memory_space<vmem>>, vector<1x16xf32>,
      %parallel_loop3A_715 = vector.shape_cast %parallel_loop3A_714 : vector<1x16xf32> to vector<16xf32>
      %parallel_loop3A_716 = vector.shape_cast %parallel_loop3A_710 : vector<16xf32> to vector<1x16xf32>
      tpu.vector_store %arg12[%parallel_loop3A_712, %parallel_loop3A_713], %parallel_loop3A_716 {strides = array<i32>} : memref<8x1024xf32, #tpu.memory_space<vmem>>, vector<1x16xf32>,
      %parallel_loop3A_717 = arith.constant 6 : i32
      %parallel_loop3A_718 = arith.index_cast %parallel_loop3A_717 : i32 to index
      %parallel_loop3A_719 = arith.index_cast %parallel_loop3A_357 : i32 to index
      %parallel_loop3A_720 = tpu.vector_load %arg13[%parallel_loop3A_718, %parallel_loop3A_719] {strides = array<i32>} : memref<8x1024xf32, #tpu.memory_space<vmem>>, vector<1x16xf32>,
      %parallel_loop3A_721 = vector.shape_cast %parallel_loop3A_720 : vector<1x16xf32> to vector<16xf32>
      %parallel_loop3A_722 = arith.addf %parallel_loop3A_721, %parallel_loop3A_680 : vector<16xf32>
      %parallel_loop3A_723 = arith.constant 6 : i32
      %parallel_loop3A_724 = arith.index_cast %parallel_loop3A_723 : i32 to index
      %parallel_loop3A_725 = arith.index_cast %parallel_loop3A_357 : i32 to index
      %parallel_loop3A_726 = tpu.vector_load %arg13[%parallel_loop3A_724, %parallel_loop3A_725] {strides = array<i32>} : memref<8x1024xf32, #tpu.memory_space<vmem>>, vector<1x16xf32>,
      %parallel_loop3A_727 = vector.shape_cast %parallel_loop3A_726 : vector<1x16xf32> to vector<16xf32>
      %parallel_loop3A_728 = vector.shape_cast %parallel_loop3A_722 : vector<16xf32> to vector<1x16xf32>
      tpu.vector_store %arg13[%parallel_loop3A_724, %parallel_loop3A_725], %parallel_loop3A_728 {strides = array<i32>} : memref<8x1024xf32, #tpu.memory_space<vmem>>, vector<1x16xf32>,
      %parallel_loop3A_729 = arith.constant 7 : i32
      %parallel_loop3A_730 = arith.index_cast %parallel_loop3A_729 : i32 to index
      %parallel_loop3A_731 = arith.index_cast %parallel_loop3A_357 : i32 to index
      %parallel_loop3A_732 = tpu.vector_load %arg19[%parallel_loop3A_730, %parallel_loop3A_731] {strides = array<i32>} : memref<8x1024xf32, #tpu.memory_space<vmem>>, vector<1x16xf32>,
      %parallel_loop3A_733 = vector.shape_cast %parallel_loop3A_732 : vector<1x16xf32> to vector<16xf32>
      %parallel_loop3A_734 = arith.constant 7 : i32
      %parallel_loop3A_735 = arith.index_cast %parallel_loop3A_734 : i32 to index
      %parallel_loop3A_736 = arith.index_cast %parallel_loop3A_357 : i32 to index
      %parallel_loop3A_737 = tpu.vector_load %arg10[%parallel_loop3A_735, %parallel_loop3A_736] {strides = array<i32>} : memref<8x1024xf32, #tpu.memory_space<vmem>>, vector<1x16xf32>,
      %parallel_loop3A_738 = vector.shape_cast %parallel_loop3A_737 : vector<1x16xf32> to vector<16xf32>
      %parallel_loop3A_739 = arith.addf %parallel_loop3A_738, %parallel_loop3A_733 : vector<16xf32>
      %parallel_loop3A_740 = arith.constant 7 : i32
      %parallel_loop3A_741 = arith.index_cast %parallel_loop3A_740 : i32 to index
      %parallel_loop3A_742 = arith.index_cast %parallel_loop3A_357 : i32 to index
      %parallel_loop3A_743 = tpu.vector_load %arg10[%parallel_loop3A_741, %parallel_loop3A_742] {strides = array<i32>} : memref<8x1024xf32, #tpu.memory_space<vmem>>, vector<1x16xf32>,
      %parallel_loop3A_744 = vector.shape_cast %parallel_loop3A_743 : vector<1x16xf32> to vector<16xf32>
      %parallel_loop3A_745 = vector.shape_cast %parallel_loop3A_739 : vector<16xf32> to vector<1x16xf32>
      tpu.vector_store %arg10[%parallel_loop3A_741, %parallel_loop3A_742], %parallel_loop3A_745 {strides = array<i32>} : memref<8x1024xf32, #tpu.memory_space<vmem>>, vector<1x16xf32>,
      %parallel_loop3A_746 = arith.constant 7 : i32
      %parallel_loop3A_747 = arith.index_cast %parallel_loop3A_746 : i32 to index
      %parallel_loop3A_748 = arith.index_cast %parallel_loop3A_357 : i32 to index
      %parallel_loop3A_749 = tpu.vector_load %arg11[%parallel_loop3A_747, %parallel_loop3A_748] {strides = array<i32>} : memref<8x1024xf32, #tpu.memory_space<vmem>>, vector<1x16xf32>,
      %parallel_loop3A_750 = vector.shape_cast %parallel_loop3A_749 : vector<1x16xf32> to vector<16xf32>
      %parallel_loop3A_751 = arith.addf %parallel_loop3A_750, %parallel_loop3A_733 : vector<16xf32>
      %parallel_loop3A_752 = arith.constant 7 : i32
      %parallel_loop3A_753 = arith.index_cast %parallel_loop3A_752 : i32 to index
      %parallel_loop3A_754 = arith.index_cast %parallel_loop3A_357 : i32 to index
      %parallel_loop3A_755 = tpu.vector_load %arg11[%parallel_loop3A_753, %parallel_loop3A_754] {strides = array<i32>} : memref<8x1024xf32, #tpu.memory_space<vmem>>, vector<1x16xf32>,
      %parallel_loop3A_756 = vector.shape_cast %parallel_loop3A_755 : vector<1x16xf32> to vector<16xf32>
      %parallel_loop3A_757 = vector.shape_cast %parallel_loop3A_751 : vector<16xf32> to vector<1x16xf32>
      tpu.vector_store %arg11[%parallel_loop3A_753, %parallel_loop3A_754], %parallel_loop3A_757 {strides = array<i32>} : memref<8x1024xf32, #tpu.memory_space<vmem>>, vector<1x16xf32>,
      %parallel_loop3A_758 = arith.constant 7 : i32
      %parallel_loop3A_759 = arith.index_cast %parallel_loop3A_758 : i32 to index
      %parallel_loop3A_760 = arith.index_cast %parallel_loop3A_357 : i32 to index
      %parallel_loop3A_761 = tpu.vector_load %arg12[%parallel_loop3A_759, %parallel_loop3A_760] {strides = array<i32>} : memref<8x1024xf32, #tpu.memory_space<vmem>>, vector<1x16xf32>,
      %parallel_loop3A_762 = vector.shape_cast %parallel_loop3A_761 : vector<1x16xf32> to vector<16xf32>
      %parallel_loop3A_763 = arith.addf %parallel_loop3A_762, %parallel_loop3A_733 : vector<16xf32>
      %parallel_loop3A_764 = arith.constant 7 : i32
      %parallel_loop3A_765 = arith.index_cast %parallel_loop3A_764 : i32 to index
      %parallel_loop3A_766 = arith.index_cast %parallel_loop3A_357 : i32 to index
      %parallel_loop3A_767 = tpu.vector_load %arg12[%parallel_loop3A_765, %parallel_loop3A_766] {strides = array<i32>} : memref<8x1024xf32, #tpu.memory_space<vmem>>, vector<1x16xf32>,
      %parallel_loop3A_768 = vector.shape_cast %parallel_loop3A_767 : vector<1x16xf32> to vector<16xf32>
      %parallel_loop3A_769 = vector.shape_cast %parallel_loop3A_763 : vector<16xf32> to vector<1x16xf32>
      tpu.vector_store %arg12[%parallel_loop3A_765, %parallel_loop3A_766], %parallel_loop3A_769 {strides = array<i32>} : memref<8x1024xf32, #tpu.memory_space<vmem>>, vector<1x16xf32>,
      %parallel_loop3A_770 = arith.constant 7 : i32
      %parallel_loop3A_771 = arith.index_cast %parallel_loop3A_770 : i32 to index
      %parallel_loop3A_772 = arith.index_cast %parallel_loop3A_357 : i32 to index
      %parallel_loop3A_773 = tpu.vector_load %arg13[%parallel_loop3A_771, %parallel_loop3A_772] {strides = array<i32>} : memref<8x1024xf32, #tpu.memory_space<vmem>>, vector<1x16xf32>,
      %parallel_loop3A_774 = vector.shape_cast %parallel_loop3A_773 : vector<1x16xf32> to vector<16xf32>
      %parallel_loop3A_775 = arith.addf %parallel_loop3A_774, %parallel_loop3A_733 : vector<16xf32>
      %parallel_loop3A_776 = arith.constant 7 : i32
      %parallel_loop3A_777 = arith.index_cast %parallel_loop3A_776 : i32 to index
      %parallel_loop3A_778 = arith.index_cast %parallel_loop3A_357 : i32 to index
      %parallel_loop3A_779 = tpu.vector_load %arg13[%parallel_loop3A_777, %parallel_loop3A_778] {strides = array<i32>} : memref<8x1024xf32, #tpu.memory_space<vmem>>, vector<1x16xf32>,
      %parallel_loop3A_780 = vector.shape_cast %parallel_loop3A_779 : vector<1x16xf32> to vector<16xf32>
      %parallel_loop3A_781 = vector.shape_cast %parallel_loop3A_775 : vector<16xf32> to vector<1x16xf32>
      tpu.vector_store %arg13[%parallel_loop3A_777, %parallel_loop3A_778], %parallel_loop3A_781 {strides = array<i32>} : memref<8x1024xf32, #tpu.memory_space<vmem>>, vector<1x16xf32>,
    } {sc.loop_unroll_factor = 2 : i64, sc.parallel_access}
    %add3A_211 = arith.constant 248 : i32
    %add3A_212 = arith.addi %mul3A_2, %add3A_211 : i32
    %dma_start3A_213 = arith.constant 0 : i32
    %dma_start3A_214 = arith.constant 0 : i32
    %dma_start3A_215 = tpu.memref_slice %arg5[%dma_start3A_213, %add3A_212, %dma_start3A_214] : memref<4x8192x1024xf32, #tpu.memory_space<hbm>> -> memref<1x8x1024xf32, #tpu.memory_space<hbm>>
    %dma_start3A_216 = tpu.memref_squeeze %dma_start3A_215 : memref<1x8x1024xf32, #tpu.memory_space<hbm>> -> memref<8x1024xf32, #tpu.memory_space<hbm>>
    %dma_start3A_217 = arith.constant 0 : i32
    %dma_start3A_218 = tpu.memref_slice %arg5[%dma_start3A_213, %add3A_212, %dma_start3A_217] : memref<4x8192x1024xf32, #tpu.memory_space<hbm>> -> memref<1x8x1024xf32, #tpu.memory_space<hbm>>
    %dma_start3A_219 = tpu.memref_squeeze %dma_start3A_218 : memref<1x8x1024xf32, #tpu.memory_space<hbm>> -> memref<8x1024xf32, #tpu.memory_space<hbm>>
    tpu.enqueue_dma source(%arg10 : memref<8x1024xf32, #tpu.memory_space<vmem>>) target(%dma_start3A_219 : memref<8x1024xf32, #tpu.memory_space<hbm>>) target_semaphore(%arg38 : memref<!tpu.dma_semaphore, #tpu.memory_space<semaphore_mem>>)
    %add3A_220 = arith.constant 248 : i32
    %add3A_221 = arith.addi %mul3A_2, %add3A_220 : i32
    %dma_start3A_222 = arith.constant 1 : i32
    %dma_start3A_223 = arith.constant 0 : i32
    %dma_start3A_224 = tpu.memref_slice %arg5[%dma_start3A_222, %add3A_221, %dma_start3A_223] : memref<4x8192x1024xf32, #tpu.memory_space<hbm>> -> memref<1x8x1024xf32, #tpu.memory_space<hbm>>
    %dma_start3A_225 = tpu.memref_squeeze %dma_start3A_224 : memref<1x8x1024xf32, #tpu.memory_space<hbm>> -> memref<8x1024xf32, #tpu.memory_space<hbm>>
    %dma_start3A_226 = arith.constant 0 : i32
    %dma_start3A_227 = tpu.memref_slice %arg5[%dma_start3A_222, %add3A_221, %dma_start3A_226] : memref<4x8192x1024xf32, #tpu.memory_space<hbm>> -> memref<1x8x1024xf32, #tpu.memory_space<hbm>>
    %dma_start3A_228 = tpu.memref_squeeze %dma_start3A_227 : memref<1x8x1024xf32, #tpu.memory_space<hbm>> -> memref<8x1024xf32, #tpu.memory_space<hbm>>
    tpu.enqueue_dma source(%arg11 : memref<8x1024xf32, #tpu.memory_space<vmem>>) target(%dma_start3A_228 : memref<8x1024xf32, #tpu.memory_space<hbm>>) target_semaphore(%arg39 : memref<!tpu.dma_semaphore, #tpu.memory_space<semaphore_mem>>)
    %add3A_229 = arith.constant 248 : i32
    %add3A_230 = arith.addi %mul3A_2, %add3A_229 : i32
    %dma_start3A_231 = arith.constant 2 : i32
    %dma_start3A_232 = arith.constant 0 : i32
    %dma_start3A_233 = tpu.memref_slice %arg5[%dma_start3A_231, %add3A_230, %dma_start3A_232] : memref<4x8192x1024xf32, #tpu.memory_space<hbm>> -> memref<1x8x1024xf32, #tpu.memory_space<hbm>>
    %dma_start3A_234 = tpu.memref_squeeze %dma_start3A_233 : memref<1x8x1024xf32, #tpu.memory_space<hbm>> -> memref<8x1024xf32, #tpu.memory_space<hbm>>
    %dma_start3A_235 = arith.constant 0 : i32
    %dma_start3A_236 = tpu.memref_slice %arg5[%dma_start3A_231, %add3A_230, %dma_start3A_235] : memref<4x8192x1024xf32, #tpu.memory_space<hbm>> -> memref<1x8x1024xf32, #tpu.memory_space<hbm>>
    %dma_start3A_237 = tpu.memref_squeeze %dma_start3A_236 : memref<1x8x1024xf32, #tpu.memory_space<hbm>> -> memref<8x1024xf32, #tpu.memory_space<hbm>>
    tpu.enqueue_dma source(%arg12 : memref<8x1024xf32, #tpu.memory_space<vmem>>) target(%dma_start3A_237 : memref<8x1024xf32, #tpu.memory_space<hbm>>) target_semaphore(%arg40 : memref<!tpu.dma_semaphore, #tpu.memory_space<semaphore_mem>>)
    %add3A_238 = arith.constant 248 : i32
    %add3A_239 = arith.addi %mul3A_2, %add3A_238 : i32
    %dma_start3A_240 = arith.constant 3 : i32
    %dma_start3A_241 = arith.constant 0 : i32
    %dma_start3A_242 = tpu.memref_slice %arg5[%dma_start3A_240, %add3A_239, %dma_start3A_241] : memref<4x8192x1024xf32, #tpu.memory_space<hbm>> -> memref<1x8x1024xf32, #tpu.memory_space<hbm>>
    %dma_start3A_243 = tpu.memref_squeeze %dma_start3A_242 : memref<1x8x1024xf32, #tpu.memory_space<hbm>> -> memref<8x1024xf32, #tpu.memory_space<hbm>>
    %dma_start3A_244 = arith.constant 0 : i32
    %dma_start3A_245 = tpu.memref_slice %arg5[%dma_start3A_240, %add3A_239, %dma_start3A_244] : memref<4x8192x1024xf32, #tpu.memory_space<hbm>> -> memref<1x8x1024xf32, #tpu.memory_space<hbm>>
    %dma_start3A_246 = tpu.memref_squeeze %dma_start3A_245 : memref<1x8x1024xf32, #tpu.memory_space<hbm>> -> memref<8x1024xf32, #tpu.memory_space<hbm>>
    tpu.enqueue_dma source(%arg13 : memref<8x1024xf32, #tpu.memory_space<vmem>>) target(%dma_start3A_246 : memref<8x1024xf32, #tpu.memory_space<hbm>>) target_semaphore(%arg41 : memref<!tpu.dma_semaphore, #tpu.memory_space<semaphore_mem>>)
    %add3A_247 = arith.constant 0 : i32
    %add3A_248 = arith.addi %mul3A_2, %add3A_247 : i32
    %dma_wait3A_249 = arith.constant 0 : i32
    %dma_wait3A_250 = arith.constant 0 : i32
    %dma_wait3A_251 = tpu.memref_slice %arg5[%dma_wait3A_249, %add3A_248, %dma_wait3A_250] : memref<4x8192x1024xf32, #tpu.memory_space<hbm>> -> memref<1x8x1024xf32, #tpu.memory_space<hbm>>
    %dma_wait3A_252 = tpu.memref_squeeze %dma_wait3A_251 : memref<1x8x1024xf32, #tpu.memory_space<hbm>> -> memref<8x1024xf32, #tpu.memory_space<hbm>>
    %dma_wait3A_253 = arith.constant 0 : i32
    %dma_wait3A_254 = tpu.memref_slice %arg5[%dma_wait3A_249, %add3A_248, %dma_wait3A_253] : memref<4x8192x1024xf32, #tpu.memory_space<hbm>> -> memref<1x8x1024xf32, #tpu.memory_space<hbm>>
    %dma_wait3A_255 = tpu.memref_squeeze %dma_wait3A_254 : memref<1x8x1024xf32, #tpu.memory_space<hbm>> -> memref<8x1024xf32, #tpu.memory_space<hbm>>
    tpu.wait_dma2 semaphore(%arg34 : memref<!tpu.dma_semaphore, #tpu.memory_space<semaphore_mem>>) src(%arg6 : memref<8x1024xf32, #tpu.memory_space<vmem>>) dst(%dma_wait3A_255 : memref<8x1024xf32, #tpu.memory_space<hbm>>)
    %add3A_256 = arith.constant 0 : i32
    %add3A_257 = arith.addi %mul3A_2, %add3A_256 : i32
    %dma_wait3A_258 = arith.constant 0 : i32
    %dma_wait3A_259 = arith.constant 0 : i32
    %dma_wait3A_260 = tpu.memref_slice %arg5[%dma_wait3A_258, %add3A_257, %dma_wait3A_259] : memref<4x8192x1024xf32, #tpu.memory_space<hbm>> -> memref<1x8x1024xf32, #tpu.memory_space<hbm>>
    %dma_wait3A_261 = tpu.memref_squeeze %dma_wait3A_260 : memref<1x8x1024xf32, #tpu.memory_space<hbm>> -> memref<8x1024xf32, #tpu.memory_space<hbm>>
    %dma_wait3A_262 = arith.constant 0 : i32
    %dma_wait3A_263 = tpu.memref_slice %arg5[%dma_wait3A_258, %add3A_257, %dma_wait3A_262] : memref<4x8192x1024xf32, #tpu.memory_space<hbm>> -> memref<1x8x1024xf32, #tpu.memory_space<hbm>>
    %dma_wait3A_264 = tpu.memref_squeeze %dma_wait3A_263 : memref<1x8x1024xf32, #tpu.memory_space<hbm>> -> memref<8x1024xf32, #tpu.memory_space<hbm>>
    tpu.wait_dma2 semaphore(%arg35 : memref<!tpu.dma_semaphore, #tpu.memory_space<semaphore_mem>>) src(%arg7 : memref<8x1024xf32, #tpu.memory_space<vmem>>) dst(%dma_wait3A_264 : memref<8x1024xf32, #tpu.memory_space<hbm>>)
    %add3A_265 = arith.constant 0 : i32
    %add3A_266 = arith.addi %mul3A_2, %add3A_265 : i32
    %dma_wait3A_267 = arith.constant 0 : i32
    %dma_wait3A_268 = arith.constant 0 : i32
    %dma_wait3A_269 = tpu.memref_slice %arg5[%dma_wait3A_267, %add3A_266, %dma_wait3A_268] : memref<4x8192x1024xf32, #tpu.memory_space<hbm>> -> memref<1x8x1024xf32, #tpu.memory_space<hbm>>
    %dma_wait3A_270 = tpu.memref_squeeze %dma_wait3A_269 : memref<1x8x1024xf32, #tpu.memory_space<hbm>> -> memref<8x1024xf32, #tpu.memory_space<hbm>>
    %dma_wait3A_271 = arith.constant 0 : i32
    %dma_wait3A_272 = tpu.memref_slice %arg5[%dma_wait3A_267, %add3A_266, %dma_wait3A_271] : memref<4x8192x1024xf32, #tpu.memory_space<hbm>> -> memref<1x8x1024xf32, #tpu.memory_space<hbm>>
    %dma_wait3A_273 = tpu.memref_squeeze %dma_wait3A_272 : memref<1x8x1024xf32, #tpu.memory_space<hbm>> -> memref<8x1024xf32, #tpu.memory_space<hbm>>
    tpu.wait_dma2 semaphore(%arg36 : memref<!tpu.dma_semaphore, #tpu.memory_space<semaphore_mem>>) src(%arg8 : memref<8x1024xf32, #tpu.memory_space<vmem>>) dst(%dma_wait3A_273 : memref<8x1024xf32, #tpu.memory_space<hbm>>)
    %add3A_274 = arith.constant 0 : i32
    %add3A_275 = arith.addi %mul3A_2, %add3A_274 : i32
    %dma_wait3A_276 = arith.constant 0 : i32
    %dma_wait3A_277 = arith.constant 0 : i32
    %dma_wait3A_278 = tpu.memref_slice %arg5[%dma_wait3A_276, %add3A_275, %dma_wait3A_277] : memref<4x8192x1024xf32, #tpu.memory_space<hbm>> -> memref<1x8x1024xf32, #tpu.memory_space<hbm>>
    %dma_wait3A_279 = tpu.memref_squeeze %dma_wait3A_278 : memref<1x8x1024xf32, #tpu.memory_space<hbm>> -> memref<8x1024xf32, #tpu.memory_space<hbm>>
    %dma_wait3A_280 = arith.constant 0 : i32
    %dma_wait3A_281 = tpu.memref_slice %arg5[%dma_wait3A_276, %add3A_275, %dma_wait3A_280] : memref<4x8192x1024xf32, #tpu.memory_space<hbm>> -> memref<1x8x1024xf32, #tpu.memory_space<hbm>>
    %dma_wait3A_282 = tpu.memref_squeeze %dma_wait3A_281 : memref<1x8x1024xf32, #tpu.memory_space<hbm>> -> memref<8x1024xf32, #tpu.memory_space<hbm>>
    tpu.wait_dma2 semaphore(%arg37 : memref<!tpu.dma_semaphore, #tpu.memory_space<semaphore_mem>>) src(%arg9 : memref<8x1024xf32, #tpu.memory_space<vmem>>) dst(%dma_wait3A_282 : memref<8x1024xf32, #tpu.memory_space<hbm>>)
    %add3A_283 = arith.constant 0 : i32
    %add3A_284 = arith.addi %mul3A_2, %add3A_283 : i32
    %dma_wait3A_285 = arith.constant 0 : i32
    %dma_wait3A_286 = arith.constant 0 : i32
    %dma_wait3A_287 = tpu.memref_slice %arg5[%dma_wait3A_285, %add3A_284, %dma_wait3A_286] : memref<4x8192x1024xf32, #tpu.memory_space<hbm>> -> memref<1x8x1024xf32, #tpu.memory_space<hbm>>
    %dma_wait3A_288 = tpu.memref_squeeze %dma_wait3A_287 : memref<1x8x1024xf32, #tpu.memory_space<hbm>> -> memref<8x1024xf32, #tpu.memory_space<hbm>>
    %dma_wait3A_289 = arith.constant 0 : i32
    %dma_wait3A_290 = tpu.memref_slice %arg5[%dma_wait3A_285, %add3A_284, %dma_wait3A_289] : memref<4x8192x1024xf32, #tpu.memory_space<hbm>> -> memref<1x8x1024xf32, #tpu.memory_space<hbm>>
    %dma_wait3A_291 = tpu.memref_squeeze %dma_wait3A_290 : memref<1x8x1024xf32, #tpu.memory_space<hbm>> -> memref<8x1024xf32, #tpu.memory_space<hbm>>
    tpu.wait_dma2 semaphore(%arg38 : memref<!tpu.dma_semaphore, #tpu.memory_space<semaphore_mem>>) src(%arg10 : memref<8x1024xf32, #tpu.memory_space<vmem>>) dst(%dma_wait3A_291 : memref<8x1024xf32, #tpu.memory_space<hbm>>)
    %add3A_292 = arith.constant 0 : i32
    %add3A_293 = arith.addi %mul3A_2, %add3A_292 : i32
    %dma_wait3A_294 = arith.constant 0 : i32
    %dma_wait3A_295 = arith.constant 0 : i32
    %dma_wait3A_296 = tpu.memref_slice %arg5[%dma_wait3A_294, %add3A_293, %dma_wait3A_295] : memref<4x8192x1024xf32, #tpu.memory_space<hbm>> -> memref<1x8x1024xf32, #tpu.memory_space<hbm>>
    %dma_wait3A_297 = tpu.memref_squeeze %dma_wait3A_296 : memref<1x8x1024xf32, #tpu.memory_space<hbm>> -> memref<8x1024xf32, #tpu.memory_space<hbm>>
    %dma_wait3A_298 = arith.constant 0 : i32
    %dma_wait3A_299 = tpu.memref_slice %arg5[%dma_wait3A_294, %add3A_293, %dma_wait3A_298] : memref<4x8192x1024xf32, #tpu.memory_space<hbm>> -> memref<1x8x1024xf32, #tpu.memory_space<hbm>>
    %dma_wait3A_300 = tpu.memref_squeeze %dma_wait3A_299 : memref<1x8x1024xf32, #tpu.memory_space<hbm>> -> memref<8x1024xf32, #tpu.memory_space<hbm>>
    tpu.wait_dma2 semaphore(%arg39 : memref<!tpu.dma_semaphore, #tpu.memory_space<semaphore_mem>>) src(%arg11 : memref<8x1024xf32, #tpu.memory_space<vmem>>) dst(%dma_wait3A_300 : memref<8x1024xf32, #tpu.memory_space<hbm>>)
    %add3A_301 = arith.constant 0 : i32
    %add3A_302 = arith.addi %mul3A_2, %add3A_301 : i32
    %dma_wait3A_303 = arith.constant 0 : i32
    %dma_wait3A_304 = arith.constant 0 : i32
    %dma_wait3A_305 = tpu.memref_slice %arg5[%dma_wait3A_303, %add3A_302, %dma_wait3A_304] : memref<4x8192x1024xf32, #tpu.memory_space<hbm>> -> memref<1x8x1024xf32, #tpu.memory_space<hbm>>
    %dma_wait3A_306 = tpu.memref_squeeze %dma_wait3A_305 : memref<1x8x1024xf32, #tpu.memory_space<hbm>> -> memref<8x1024xf32, #tpu.memory_space<hbm>>
    %dma_wait3A_307 = arith.constant 0 : i32
    %dma_wait3A_308 = tpu.memref_slice %arg5[%dma_wait3A_303, %add3A_302, %dma_wait3A_307] : memref<4x8192x1024xf32, #tpu.memory_space<hbm>> -> memref<1x8x1024xf32, #tpu.memory_space<hbm>>
    %dma_wait3A_309 = tpu.memref_squeeze %dma_wait3A_308 : memref<1x8x1024xf32, #tpu.memory_space<hbm>> -> memref<8x1024xf32, #tpu.memory_space<hbm>>
    tpu.wait_dma2 semaphore(%arg40 : memref<!tpu.dma_semaphore, #tpu.memory_space<semaphore_mem>>) src(%arg12 : memref<8x1024xf32, #tpu.memory_space<vmem>>) dst(%dma_wait3A_309 : memref<8x1024xf32, #tpu.memory_space<hbm>>)
    %add3A_310 = arith.constant 0 : i32
    %add3A_311 = arith.addi %mul3A_2, %add3A_310 : i32
    %dma_wait3A_312 = arith.constant 0 : i32
    %dma_wait3A_313 = arith.constant 0 : i32
    %dma_wait3A_314 = tpu.memref_slice %arg5[%dma_wait3A_312, %add3A_311, %dma_wait3A_313] : memref<4x8192x1024xf32, #tpu.memory_space<hbm>> -> memref<1x8x1024xf32, #tpu.memory_space<hbm>>
    %dma_wait3A_315 = tpu.memref_squeeze %dma_wait3A_314 : memref<1x8x1024xf32, #tpu.memory_space<hbm>> -> memref<8x1024xf32, #tpu.memory_space<hbm>>
    %dma_wait3A_316 = arith.constant 0 : i32
    %dma_wait3A_317 = tpu.memref_slice %arg5[%dma_wait3A_312, %add3A_311, %dma_wait3A_316] : memref<4x8192x1024xf32, #tpu.memory_space<hbm>> -> memref<1x8x1024xf32, #tpu.memory_space<hbm>>
    %dma_wait3A_318 = tpu.memref_squeeze %dma_wait3A_317 : memref<1x8x1024xf32, #tpu.memory_space<hbm>> -> memref<8x1024xf32, #tpu.memory_space<hbm>>
    tpu.wait_dma2 semaphore(%arg41 : memref<!tpu.dma_semaphore, #tpu.memory_space<semaphore_mem>>) src(%arg13 : memref<8x1024xf32, #tpu.memory_space<vmem>>) dst(%dma_wait3A_318 : memref<8x1024xf32, #tpu.memory_space<hbm>>)
    %add3A_319 = arith.constant 0 : i32
    %add3A_320 = arith.addi %mul3A_2, %add3A_319 : i32
    %dma_wait3A_321 = arith.constant 0 : i32
    %dma_wait3A_322 = arith.constant 0 : i32
    %dma_wait3A_323 = tpu.memref_slice %arg5[%dma_wait3A_321, %add3A_320, %dma_wait3A_322] : memref<4x8192x1024xf32, #tpu.memory_space<hbm>> -> memref<1x8x1024xf32, #tpu.memory_space<hbm>>
    %dma_wait3A_324 = tpu.memref_squeeze %dma_wait3A_323 : memref<1x8x1024xf32, #tpu.memory_space<hbm>> -> memref<8x1024xf32, #tpu.memory_space<hbm>>
    %dma_wait3A_325 = arith.constant 0 : i32
    %dma_wait3A_326 = tpu.memref_slice %arg5[%dma_wait3A_321, %add3A_320, %dma_wait3A_325] : memref<4x8192x1024xf32, #tpu.memory_space<hbm>> -> memref<1x8x1024xf32, #tpu.memory_space<hbm>>
    %dma_wait3A_327 = tpu.memref_squeeze %dma_wait3A_326 : memref<1x8x1024xf32, #tpu.memory_space<hbm>> -> memref<8x1024xf32, #tpu.memory_space<hbm>>
    tpu.wait_dma2 semaphore(%arg42 : memref<!tpu.dma_semaphore, #tpu.memory_space<semaphore_mem>>) src(%arg14 : memref<8x1024xf32, #tpu.memory_space<vmem>>) dst(%dma_wait3A_327 : memref<8x1024xf32, #tpu.memory_space<hbm>>)
    %add3A_328 = arith.constant 0 : i32
    %add3A_329 = arith.addi %mul3A_2, %add3A_328 : i32
    %dma_wait3A_330 = arith.constant 0 : i32
    %dma_wait3A_331 = arith.constant 0 : i32
    %dma_wait3A_332 = tpu.memref_slice %arg5[%dma_wait3A_330, %add3A_329, %dma_wait3A_331] : memref<4x8192x1024xf32, #tpu.memory_space<hbm>> -> memref<1x8x1024xf32, #tpu.memory_space<hbm>>
    %dma_wait3A_333 = tpu.memref_squeeze %dma_wait3A_332 : memref<1x8x1024xf32, #tpu.memory_space<hbm>> -> memref<8x1024xf32, #tpu.memory_space<hbm>>
    %dma_wait3A_334 = arith.constant 0 : i32
    %dma_wait3A_335 = tpu.memref_slice %arg5[%dma_wait3A_330, %add3A_329, %dma_wait3A_334] : memref<4x8192x1024xf32, #tpu.memory_space<hbm>> -> memref<1x8x1024xf32, #tpu.memory_space<hbm>>
    %dma_wait3A_336 = tpu.memref_squeeze %dma_wait3A_335 : memref<1x8x1024xf32, #tpu.memory_space<hbm>> -> memref<8x1024xf32, #tpu.memory_space<hbm>>
    tpu.wait_dma2 semaphore(%arg43 : memref<!tpu.dma_semaphore, #tpu.memory_space<semaphore_mem>>) src(%arg15 : memref<8x1024xf32, #tpu.memory_space<vmem>>) dst(%dma_wait3A_336 : memref<8x1024xf32, #tpu.memory_space<hbm>>)
    %add3A_337 = arith.constant 0 : i32
    %add3A_338 = arith.addi %mul3A_2, %add3A_337 : i32
    %dma_wait3A_339 = arith.constant 0 : i32
    %dma_wait3A_340 = arith.constant 0 : i32
    %dma_wait3A_341 = tpu.memref_slice %arg5[%dma_wait3A_339, %add3A_338, %dma_wait3A_340] : memref<4x8192x1024xf32, #tpu.memory_space<hbm>> -> memref<1x8x1024xf32, #tpu.memory_space<hbm>>
    %dma_wait3A_342 = tpu.memref_squeeze %dma_wait3A_341 : memref<1x8x1024xf32, #tpu.memory_space<hbm>> -> memref<8x1024xf32, #tpu.memory_space<hbm>>
    %dma_wait3A_343 = arith.constant 0 : i32
    %dma_wait3A_344 = tpu.memref_slice %arg5[%dma_wait3A_339, %add3A_338, %dma_wait3A_343] : memref<4x8192x1024xf32, #tpu.memory_space<hbm>> -> memref<1x8x1024xf32, #tpu.memory_space<hbm>>
    %dma_wait3A_345 = tpu.memref_squeeze %dma_wait3A_344 : memref<1x8x1024xf32, #tpu.memory_space<hbm>> -> memref<8x1024xf32, #tpu.memory_space<hbm>>
    tpu.wait_dma2 semaphore(%arg44 : memref<!tpu.dma_semaphore, #tpu.memory_space<semaphore_mem>>) src(%arg16 : memref<8x1024xf32, #tpu.memory_space<vmem>>) dst(%dma_wait3A_345 : memref<8x1024xf32, #tpu.memory_space<hbm>>)
    %add3A_346 = arith.constant 0 : i32
    %add3A_347 = arith.addi %mul3A_2, %add3A_346 : i32
    %dma_wait3A_348 = arith.constant 0 : i32
    %dma_wait3A_349 = arith.constant 0 : i32
    %dma_wait3A_350 = tpu.memref_slice %arg5[%dma_wait3A_348, %add3A_347, %dma_wait3A_349] : memref<4x8192x1024xf32, #tpu.memory_space<hbm>> -> memref<1x8x1024xf32, #tpu.memory_space<hbm>>
    %dma_wait3A_351 = tpu.memref_squeeze %dma_wait3A_350 : memref<1x8x1024xf32, #tpu.memory_space<hbm>> -> memref<8x1024xf32, #tpu.memory_space<hbm>>
    %dma_wait3A_352 = arith.constant 0 : i32
    %dma_wait3A_353 = tpu.memref_slice %arg5[%dma_wait3A_348, %add3A_347, %dma_wait3A_352] : memref<4x8192x1024xf32, #tpu.memory_space<hbm>> -> memref<1x8x1024xf32, #tpu.memory_space<hbm>>
    %dma_wait3A_354 = tpu.memref_squeeze %dma_wait3A_353 : memref<1x8x1024xf32, #tpu.memory_space<hbm>> -> memref<8x1024xf32, #tpu.memory_space<hbm>>
    tpu.wait_dma2 semaphore(%arg45 : memref<!tpu.dma_semaphore, #tpu.memory_space<semaphore_mem>>) src(%arg17 : memref<8x1024xf32, #tpu.memory_space<vmem>>) dst(%dma_wait3A_354 : memref<8x1024xf32, #tpu.memory_space<hbm>>)
    return
  }
}

</mosaic_0001>

<sc_bundles>
// kernel: kernel.3.cloned.1.call-start
scs
__scs_entry_jumppad:
0x0: {  	(pc) =	sbr.rel $0x88, $3  }
0x1: {  	(tag) =	ssettag $0x0;
	lr =	simm.s32 $0x1  }
0x2: {  	[smem:$0x3F9E] =	sst lr;
	_ =	strace $0xD0000000  }
0x3: {  	_ = 	snop  }
0x4: {  	_ = 	snop  }
0x5: {  	_ = 	snop  }
0x6: {  	_ = 	snop  }
0x7: {  	_ = 	snop  }
__scs_overlays_trampoline_lowered:
0x8: {  	[smem:$0x3FAD] =	sst s0  }
0x9: {  	[smem:$0x3FAE] =	sst s1  }
0xa: {  	[smem:$0x3FAF] =	sst s2  }
0xb: {  	[smem:$0x3FB0] =	sst s3  }
0xc: {  	[smem:$0x3FB1] =	sst s4  }
0xd: {  	[smem:$0x3FB2] =	sst s5  }
0xe: {  	[smem:$0x3FB3] =	sst s6  }
0xf: {  	[smem:$0x3FB4] =	sst s7  }
0x10: {  	[smem:$0x3FB5] =	sst s8  }
0x11: {  	[smem:$0x3FB6] =	sst s9;
	s0 =	simm.s32 @!p0 $0x0  }
0x12: {  	s1 =	sld [smem:$0x3F9C];
	s0 =	simm.s32 @p0 $0x1  }
0x13: {  	[smem:$0x3FB7] =	sst s0;
	s0 =	simm.s32 @!p1 $0x0  }
0x14: {  	s2 =	sld [smem:$0x3F9B];
	s0 =	simm.s32 @p1 $0x1  }
0x15: {  	[smem:$0x3FB8] =	sst s0;
	s0 =	simm.s32 @!p2 $0x0  }
0x16: {  	s3 =	sld [smem:$0x3FDB];
	s0 =	simm.s32 @p2 $0x1  }
0x17: {  	s4 =	simm.s32 $0x1BF5;
	[smem:$0x3FBA] =	sst s0  }
0x18: {  	s0 =	sld [smem:$0x3F9D];
	_ =	swait.ge [sflag:s4], $0x0  }
0x19: {  	s7 =	sld [smem:$0x3F9E]  }
0x1a: {  	s8 =	sadd.s32 $0xFFFFE003, lr  }
0x1b: {  	s9 =	sadd.s32 $0xFFFFFEF7, lr;
	s5 =	simm.s32 $0xFFFFFFFF;
	p2 =	slt.u32 s8, $0xFFFFF086  }
0x1c: {  	p1 =	slt.u32 s9, $0xF7A;
	s5 =	simm.s32 @!p2 $0x0  }
0x1d: {  	s5 =	simm.s32 @p1 $0x1;
	p0 =	seq.s32 s7, s2  }
0x1e: {  	s7 =	smul.u32 @!p0 $0xF7A, s2;
	p2 =	seq.s32 @!p0 s5, $0x0  }
0x1f: {  	s9 =	smul.u32 $0xF7A, s1;
	s8 =	simm.s32 @!p0 $0x1BF5;
	p2 =	por !p2, p0  }
0x20: {  	[sflag:s8] =	ssyncset.s32 @!p0 $0xFFFFF086;
	s6 =	sadd.s32 @!p0 s3, s7;
	s7 =	simm.s32 @!p0 $0x108  }
0x21: {  	s3 =	sadd.s32 s3, s9;
	s6 =	sadd.s32 @!p0 $0x88, s6;
	s7 =	simm.s32 @p2 $0x1082  }
0x22: {  	[simem:s7], [sflag:s8] =	dma.local @!p0 [hbm:s6], $0xF7A  }
0x23: {  	s9 =	sor.u32 $0xD0000000, s2;
	s6 =	simm.s32 $0x108;
	_ =	swait.ge @!p0 [sflag:s8], $0x0  }
0x24: {  	s3 =	sadd.s32 $0x88, s3;
	s6 =	simm.s32 @!p1 $0x1082;
	[sflag:s4] =	ssyncset.s32 $0xFFFFF086  }
0x25: {  	[simem:s6], [sflag:s4] =	dma.local [hbm:s3], $0xF7A  }
0x26: {  	[smem:$0x3F9E] =	sst s1;
	(tag) =	ssettag s2;
	_ =	strace s9  }
0x27: {  	s1 =	sld [smem:$0x3FAE]  }
0x28: {  	s2 =	sld [smem:$0x3FAF]  }
0x29: {  	s4 =	sld [smem:$0x3FB1]  }
0x2a: {  	p0 =	seq.s32 s5, $0x0;
	s5 =	sld [smem:$0x3FB2]  }
0x2b: {  	s6 =	sld [smem:$0x3FB3]  }
0x2c: {  	s7 =	sld [smem:$0x3FB4]  }
0x2d: {  	s3 =	simm.s32 $0x108;
	s8 =	sld [smem:$0x3FB5]  }
0x2e: {  	s3 =	simm.s32 @!p0 $0x1082;
	s9 =	sld [smem:$0x3FB6]  }
0x2f: {  	lr =	sadd.s32 s0, s3;
	s0 =	sld [smem:$0x3FAD]  }
0x30: {  	s3 =	sld [smem:$0x3FB0]  }
0x31: {  	[smem:$0x3FB9] =	sst s10  }
0x32: {  	s10 =	sld [smem:$0x3FB7];
	_ =	sdelay $0x3  }
0x33: {  	p0 =	seq.s32 s10, $0x1;
	s10 =	sld [smem:$0x3FB9];
	_ =	sdelay $0x3  }
0x34: {  	[smem:$0x3FB9] =	sst s10  }
0x35: {  	s10 =	sld [smem:$0x3FB8];
	_ =	sdelay $0x3  }
0x36: {  	p1 =	seq.s32 s10, $0x1;
	s10 =	sld [smem:$0x3FB9];
	_ =	sdelay $0x3  }
0x37: {  	[smem:$0x3FB9] =	sst s10  }
0x38: {  	s10 =	sld [smem:$0x3FBA]  }
0x39: {  	_ = 	snop;
	(pc) =	sbr.ind lr, $3  }
0x3a: {  	_ = 	snop  }
0x3b: {  	_ = 	snop  }
0x3c: {  	p2 =	seq.s32 s10, $0x1;
	s10 =	sld [smem:$0x3FB9]  }
0x3d: {  	_ =	shalt  }
0x3e: {  	_ =	shalt  }
0x3f: {  	_ =	shalt  }
0x40: {  	_ =	shalt  }
0x41: {  	_ =	shalt  }
0x42: {  	_ =	shalt  }
0x43: {  	_ =	shalt  }
0x44: {  	_ =	shalt  }
0x45: {  	_ =	shalt  }
0x46: {  	_ =	shalt  }
0x47: {  	_ =	shalt  }
0x48: {  	_ =	shalt  }
0x49: {  	_ =	shalt  }
0x4a: {  	_ =	shalt  }
0x4b: {  	_ =	shalt  }
0x4c: {  	_ =	shalt  }
0x4d: {  	_ =	shalt  }
0x4e: {  	_ =	shalt  }
0x4f: {  	_ =	shalt  }
0x50: {  	_ =	shalt  }
0x51: {  	_ =	shalt  }
0x52: {  	_ =	shalt  }
0x53: {  	_ =	shalt  }
0x54: {  	_ =	shalt  }
0x55: {  	_ =	shalt  }
0x56: {  	_ =	shalt  }
0x57: {  	_ =	shalt  }
0x58: {  	_ =	shalt  }
0x59: {  	_ =	shalt  }
0x5a: {  	_ =	shalt  }
0x5b: {  	_ =	shalt  }
0x5c: {  	_ =	shalt  }
0x5d: {  	_ =	shalt  }
0x5e: {  	_ =	shalt  }
0x5f: {  	_ =	shalt  }
0x60: {  	_ =	shalt  }
0x61: {  	_ =	shalt  }
0x62: {  	_ =	shalt  }
0x63: {  	_ =	shalt  }
0x64: {  	_ =	shalt  }
0x65: {  	_ =	shalt  }
0x66: {  	_ =	shalt  }
0x67: {  	_ =	shalt  }
0x68: {  	_ =	shalt  }
0x69: {  	_ =	shalt  }
0x6a: {  	_ =	shalt  }
0x6b: {  	_ =	shalt  }
0x6c: {  	_ =	shalt  }
0x6d: {  	_ =	shalt  }
0x6e: {  	_ =	shalt  }
0x6f: {  	_ =	shalt  }
0x70: {  	_ =	shalt  }
0x71: {  	_ =	shalt  }
0x72: {  	_ =	shalt  }
0x73: {  	_ =	shalt  }
0x74: {  	_ =	shalt  }
0x75: {  	_ =	shalt  }
0x76: {  	_ =	shalt  }
0x77: {  	_ =	shalt  }
0x78: {  	_ =	shalt  }
0x79: {  	_ =	shalt  }
0x7a: {  	_ =	shalt  }
0x7b: {  	_ =	shalt  }
0x7c: {  	_ =	shalt  }
0x7d: {  	_ =	shalt  }
0x7e: {  	_ =	shalt  }
0x7f: {  	_ =	shalt  }
0x80: {  	_ =	shalt  }
0x81: {  	_ =	shalt  }
0x82: {  	_ =	shalt  }
0x83: {  	_ =	shalt  }
0x84: {  	_ =	shalt  }
0x85: {  	_ =	shalt  }
0x86: {  	_ =	shalt  }
0x87: {  	_ =	shalt  }
.Lfunc_end0:
.L_simem_size_0:
called_computation_lowered:
.L_overlay_start_0:
0x88: {  	s2 =	sld [smem:$0x3FD9]  }
0x89: {  	s3 =	sld [smem:$0x3FFE];
	_ =	sdelay $0x1  }
0x8a: {  	s1 =	srdreg.scid  }
0x8b: {  	s0 =	sand.u32 $0x1, s1  }
0x8c: {  	s17 =	sshll.u32 s0, $0xA;
	s2 =	sadd.s32 s3, s2  }
0x8d: {  	s2 =	sadd.s32 s2, s17  }
0x8e: {  	[smem:$0x3FC5] =	sst s2  }
0x8f: {  	_ = 	snop  }
0x90: {  	s2 =	sld [smem:$0x3FC9]  }
0x91: {  	s18 =	sld [smem:$0x3FC8]  }
0x92: {  	s4 =	sld [smem:$0x3FD0];
	(tm) =	ssettm $0x1  }
0x93: {  	s5 =	sld [smem:$0x3FFB];
	_ =	sdelay $0x3  }
0x94: {  	_ =	strace s5  }
0x95: {  	s5 =	sld [smem:$0x3FFC];
	_ =	sdelay $0x3  }
0x96: {  	_ =	strace s5  }
0x97: {  	s5 =	sld [smem:$0x3FFD];
	_ =	sdelay $0x3  }
0x98: {  	_ =	strace s5  }
0x99: {  	_ =	strace $0x8FFFFFFF  }
0x9a: {  	s19 =	sld [smem:$0x3FDB];
	_ =	sdelay $0x1  }
0x9b: {  	s6 =	simm.s32 $_scs_section_size  }
0x9c: {  	s7 =	simm.s32 $_size__tile_overlayer_lowered;
	s8 =	simm.s32 $_tile_overlayer_lowered  }
0x9d: {  	s22 =	simm.s32 $0x1BFF;
	s21 =	sshll.u32 s8, $0x1;
	s5 =	sadd.s32 s6, s19  }
0x9e: {  	s9 =	simm.s32 $0x0;
	s20 =	sshll.u32 s7, $0x1;
	s7 =	sadd.s32 s21, s5  }
0x9f: {  	[timem:s9], [sflag:s22] =	dma.local [hbm:s7], s20  }
0xa0: {  	_ =	swait.ge [sflag:s22], s20  }
0xa1: {  	s6 =	ssub.s32 $0x0, s20;
	[sflag:s22] =	ssyncset.done $0x0  }
0xa2: {  	[sflag:s22] =	ssyncadd.s32 s6;
	_ =	sdelay $0x1  }
0xa3: {  	s23 =	simm.s32 $0x1B8B  }
0xa4: {  	_ =	swait.ge [sflag:s23], $0x1  }
0xa5: {  	[sflag:s23] =	ssyncset.done $0x0  }
0xa6: {  	s25 =	simm.s32 $0x1B8E;
	s24 =	sld [smem:$0x3FFE];
	[sflag:s23] =	ssyncadd.s32 $0xFFFFFFFF  }
0xa7: {  	s26 =	simm.s32 $execute0_lowered;
	[smem:$0x3FD2] =	sst s25  }
0xa8: {  	s7 =	sshll.u32 s26, $0x1;
	_ =	strace $0x80000046;
	[dreg:$0x1] =	wrdreg $0xFFFFFFFF  }
0xa9: {  	s28 =	simm.s32 $_size_execute0_lowered;
	s5 =	sadd.s32 s5, s7;
	[dreg:$0x0] =	wrdreg $0x0  }
0xaa: {  	s7 =	sshll.u32 s28, $0x1;
	[dreg:$0x2] =	wrdreg s5  }
0xab: {  	[dreg:$0x3] =	wrdreg s7  }
0xac: {  	[dreg:$0x4] =	wrdreg $0xC0  }
0xad: {  	_ =	task [dreg:s9], $0x5FFFF  }
0xae: {  	[dreg:$0x1] =	wrdreg $0xFFFFFFFF  }
0xaf: {  	[dreg:$0x0] =	wrdreg $0x60  }
0xb0: {  	[dreg:$0x2] =	wrdreg s2  }
0xb1: {  	[dreg:$0x3] =	wrdreg s18  }
0xb2: {  	[dreg:$0x4] =	wrdreg s24  }
0xb3: {  	[dreg:$0x5] =	wrdreg s4  }
0xb4: {  	[dreg:$0x6] =	wrdreg $0x9  }
0xb5: {  	_ =	task.clear_ibuf [dreg:s9], $0x7FFFF;
	_ =	strace $0x90000046  }
0xb6: {  	s29 =	simm.s32 $0x9;
	_ =	strace $0x80000048  }
0xb7: {  	_ =	swait.ge [sflag:s29], $0x1  }
0xb8: {  	[sflag:s29] =	ssyncadd.s32 $0xFFFFFFFF  }
0xb9: {  	_ =	strace $0x90000048  }
0xba: {  	_ =	sfence  }
0xbb: {  	s30 =	sld [smem:$0x0];
	_ =	sdelay $0x2  }
0xbc: {  	s31 =	sshll.u32 s1, $0xD;
	s1 =	sshrl.u32 s1, $0x2  }
0xbd: {  	s3 =	sand.u32 $0x4000, s31;
	s1 =	sadd.s32 s1, s30  }
0xbe: {  	s0 =	sor.u32 s3, s0;
	s1 =	sshll.u32 s1, $0x11  }
0xbf: {  	s0 =	sor.u32 s1, s0  }
0xc0: {  	s0 =	sadd.s32 $0x8F2B, s0  }
0xc1: {  	[sflag:s0] =	ssyncadd.remote.s32 $0x1  }
0xc2: {  	_ =	sfence.sel $0xFFFF  }
0xc3: {  	[dreg:$0x0] =	wrdreg $0xFFFFFFFF;
	(pc) =	sbr.abs _section_cstart, $3  }
0xc4: {  	[dreg:$0x1] =	wrdreg $0xFFFFFFFF  }
0xc5: {  	_ =	task.clear_ibuf [dreg:s9], $0x2FFFF;
	_ =	strace $0x9FFFFFFF  }
0xc6: {  	(tm) =	ssettm $0x7FFFFFFF  }
0xc7: {  	_ =	shalt  }
tec
execute0_lowered:
.L_overlay_start_1:
0x0: {  	(tag) =	ssettag $0x1  }
0x1: {  	s1 =	rddreg [dreg:$0x0]  }
0x2: {  	s7 =	rddreg [dreg:$0x1]  }
0x3: {  	s0 =	rddreg [dreg:$0x2]  }
0x4: {  	s4 =	rddreg [dreg:$0x3]  }
0x5: {  	s2 =	srdreg.scid;
	s3 =	stileid.u32;
	s5 =	simm.s32 $0x0  }
0x6: {  	s2 =	sand.u32 $0x1, s2;
	s3 =	sshll.u32 s3, $0x9;
	[smem:$0x7FF] =	sst s5  }
0x7: {  	s13 =	sadd.s32 $0x200000, s1;
	s6 =	sshll.u32 s2, $0x8;
	s2 =	ssub.s32 $0x2, s2  }
0x8: {  	_ =	strace $0x80000047;
	s9 =	sor.u32 s6, s3;
	s25 =	sshrl.u32 s2, $0x1  }
0x9: {  	s3 =	sshrl.u32 s9, $0x3;
	s2 =	ssub.s32 s2, s25;
	s26 =	sshll.u32 s9, $0x7  }
0xa: {  	[dreg:$0x5] =	wrdreg s9;
	s0 =	sadd.s32 s3, s0;
	s3 =	sadd.s32 s26, s13  }
0xb: {  	s23 =	smax.u32 s2, $0x1;
	[dreg:$0xa] =	wrdreg s3  }
0xc: {  	s8 =	sadd.s32 $0x100, s7;
	s28 =	sadd.s32 s1, s26;
	[dreg:$0x14] =	wrdreg s23  }
0xd: {  	s10 =	sadd.s32 $0x200, s7;
	s0 =	sadd.s32 $0x400, s0;
	[dreg:$0x7] =	wrdreg s28  }
0xe: {  	s11 =	sadd.s32 $0x300, s7;
	s7 =	sadd.s32 $0x100000, s28;
	[dreg:$0x6] =	wrdreg s0  }
0xf: {  	s12 =	sadd.s32 $0x300000, s28;
	[dreg:$0x8] =	wrdreg s7  }
0x10: {  	s14 =	sadd.s32 s26, s4;
	s15 =	sadd.s32 $0x100400, s28;
	[dreg:$0x9] =	wrdreg s12  }
0x11: {  	s16 =	sadd.s32 $0x107800, s14;
	[dreg:$0xb] =	wrdreg s15  }
0x12: {  	s17 =	sadd.s32 $0x7800, s14;
	[dreg:$0xc] =	wrdreg s16  }
0x13: {  	s18 =	sadd.s32 $0x207800, s14;
	[dreg:$0xd] =	wrdreg s17  }
0x14: {  	s19 =	sadd.s32 $0x307800, s14;
	[dreg:$0xe] =	wrdreg s18  }
0x15: {  	s20 =	sadd.s32 $0x7C00, s14;
	[dreg:$0xf] =	wrdreg s19  }
0x16: {  	s21 =	sadd.s32 $0x107C00, s14;
	[dreg:$0x10] =	wrdreg s20  }
0x17: {  	s29 =	simm.s32 $0x8000;
	s22 =	sadd.s32 $0x207C00, s14;
	[dreg:$0x11] =	wrdreg s21  }
0x18: {  	s31 =	simm.s32 $0xA000;
	s24 =	sadd.s32 $0x200400, s28;
	[dreg:$0x12] =	wrdreg s22  }
0x19: {  	s30 =	sadd.s32 $0x200000, s4;
	s25 =	sadd.s32 $0x400, s28;
	[dreg:$0x15] =	wrdreg s24  }
0x1a: {  	s6 =	simm.s32 $0xC000;
	s26 =	sadd.s32 $0x300400, s28;
	[dreg:$0x16] =	wrdreg s25  }
0x1b: {  	s28 =	sor.u32 $0x8, s9;
	s23 =	simm.s32 $0x11;
	[dreg:$0x17] =	wrdreg s26  }
0x1c: {  	s3 =	simm.s32 $0x0;
	s0 =	sadd.s32 $0x307C00, s14;
	[dreg:$0x18] =	wrdreg s28  }
0x1d: {  	v0 =	vlaneseq.u32;
	s7 =	simm.s32 $0xE000;
	s20 =	simm.s32 $0x10000;
	s21 =	simm.s32 $0x12000  }
0x1e: {  	v1 =	vshrl.u32 v0, $0x3;
	s12 =	simm.s32 $0x14000;
	s18 =	simm.s32 $0x16000;
	s24 =	simm.s32 $0x12  }
0x1f: {  	vm0 =	vmmov $0xffff;
	v0 =	vand.u32 $0x7, v0;
	v1 =	vmul.u32 $0x8, v1;
	s25 =	simm.s32 $0x13;
	s14 =	simm.s32 $0x14;
	[dreg:$0x13] =	wrdreg s0  }
.LBB2_1:
0x20: {  	s0 =	rddreg [dreg:$0x6];
	s2 =	simm.s32 $0x1E000  }
0x21: {  	[tilespmem:s2], [sflag:$0x1C] =	stream.linear.gather [hbm4b:s0+s5], $0x100, $0x38;
	[tilespmem:$0x1E100] =	vst v63  }
0x22: {  	[dreg:$0x19] =	wrdreg s3;
	s2 =	simm.s32 $0x1C  }
0x23: {  	_ =	swait.ge [sflag:s2], $0x100  }
0x24: {  	[sflag:s2] =	ssyncset.done $0x0  }
0x25: {  	[sflag:s2] =	ssyncadd.s32 $0xFFFFFF00  }
0x26: {  	v2 =	vld.msk [tilespmem:$0x1E000], $0xff;
	_ =	sdelay $0x4  }
0x27: {  	v3 =	vshll.u32 v2, $0x3  }
0x28: {  	v2 =	vand.u32 $0x7, v2;
	v3 =	vand.u32 $0xFFFFFFC0, v3  }
0x29: {  	v2 =	vor.u32 v2, v3  }
0x2a: {  	v2 =	vperm.xlane v2, v0;
	_ =	sdelay $0x1  }
0x2b: {  	v2 =	vadd.s32 v1, v2;
	_ =	sdelay $0x3  }
0x2c: {  	s3 =	simm.s32 $0x18000;
	s0 =	rddreg [dreg:$0x1]  }
0x2d: {  	[tilespmem:s3], [sflag:$0x19] =	stream.indirect_vreg.gather [hbm4b:s0+s5], $0x80, v2, vm0, $0xb8;
	[tilespmem:$0x1E100] =	vst v63  }
0x2e: {  	s9 =	simm.s32 $0x18800  }
0x2f: {  	[tilespmem:s9], [sflag:$0x19] =	stream.indirect_vreg.gather [hbm4b:s8+s5], $0x80, v2, vm0, $0xb8;
	[tilespmem:$0x1E100] =	vst v63  }
0x30: {  	s15 =	simm.s32 $0x19000  }
0x31: {  	[tilespmem:s15], [sflag:$0x19] =	stream.indirect_vreg.gather [hbm4b:s10+s5], $0x80, v2, vm0, $0xb8;
	[tilespmem:$0x1E100] =	vst v63  }
0x32: {  	s16 =	simm.s32 $0x19800  }
0x33: {  	[tilespmem:s16], [sflag:$0x19] =	stream.indirect_vreg.gather [hbm4b:s11+s5], $0x80, v2, vm0, $0xb8;
	[tilespmem:$0x1E100] =	vst v63  }
0x34: {  	s17 =	rddreg [dreg:$0x7]  }
0x35: {  	[tilespmem:s5], [sflag:$0x1] =	stream.linear.gather [hbm4b:s17+s5], $0x2000, $0x38;
	[tilespmem:$0x1E100] =	vst v63  }
0x36: {  	s22 =	simm.s32 $0x2000;
	s19 =	rddreg [dreg:$0x8]  }
0x37: {  	[tilespmem:s22], [sflag:$0x2] =	stream.linear.gather [hbm4b:s19+s5], $0x2000, $0x38;
	[tilespmem:$0x1E100] =	vst v63  }
0x38: {  	s28 =	simm.s32 $0x4000;
	s26 =	rddreg [dreg:$0xa]  }
0x39: {  	[tilespmem:s28], [sflag:$0x3] =	stream.linear.gather [hbm4b:s26+s5], $0x2000, $0x38;
	[tilespmem:$0x1E100] =	vst v63  }
0x3a: {  	s9 =	rddreg [dreg:$0x9];
	s15 =	simm.s32 $0x6000  }
0x3b: {  	[tilespmem:s15], [sflag:$0x4] =	stream.linear.gather [hbm4b:s9+s5], $0x2000, $0x38;
	[tilespmem:$0x1E100] =	vst v63  }
0x3c: {  	v2 =	vld.msk [tilespmem:$0x1E008], $0xff;
	_ =	sdelay $0x4  }
0x3d: {  	v3 =	vshll.u32 v2, $0x3  }
0x3e: {  	v2 =	vand.u32 $0x7, v2;
	v3 =	vand.u32 $0xFFFFFFC0, v3  }
0x3f: {  	v2 =	vor.u32 v2, v3  }
0x40: {  	v2 =	vperm.xlane v2, v0;
	_ =	sdelay $0x1  }
0x41: {  	v2 =	vadd.s32 v1, v2;
	_ =	sdelay $0x3  }
0x42: {  	s16 =	simm.s32 $0x1A000  }
0x43: {  	[tilespmem:s16], [sflag:$0x1A] =	stream.indirect_vreg.gather [hbm4b:s0+s5], $0x80, v2, vm0, $0xb8;
	[tilespmem:$0x1E100] =	vst v63  }
0x44: {  	s17 =	simm.s32 $0x1A800  }
0x45: {  	[tilespmem:s17], [sflag:$0x1A] =	stream.indirect_vreg.gather [hbm4b:s8+s5], $0x80, v2, vm0, $0xb8;
	[tilespmem:$0x1E100] =	vst v63  }
0x46: {  	s19 =	simm.s32 $0x1B000  }
0x47: {  	[tilespmem:s19], [sflag:$0x1A] =	stream.indirect_vreg.gather [hbm4b:s10+s5], $0x80, v2, vm0, $0xb8;
	[tilespmem:$0x1E100] =	vst v63  }
0x48: {  	s22 =	simm.s32 $0x1B800  }
0x49: {  	[tilespmem:s22], [sflag:$0x1A] =	stream.indirect_vreg.gather [hbm4b:s11+s5], $0x80, v2, vm0, $0xb8;
	[tilespmem:$0x1E100] =	vst v63  }
0x4a: {  	s26 =	rddreg [dreg:$0x16]  }
0x4b: {  	[tilespmem:s29], [sflag:$0x5] =	stream.linear.gather [hbm4b:s26+s5], $0x2000, $0x38;
	[tilespmem:$0x1E100] =	vst v63  }
0x4c: {  	s28 =	rddreg [dreg:$0xb]  }
0x4d: {  	[tilespmem:s31], [sflag:$0x6] =	stream.linear.gather [hbm4b:s28+s5], $0x2000, $0x38;
	[tilespmem:$0x1E100] =	vst v63  }
0x4e: {  	s29 =	rddreg [dreg:$0x15]  }
0x4f: {  	[tilespmem:s6], [sflag:$0x7] =	stream.linear.gather [hbm4b:s29+s5], $0x2000, $0x38;
	[tilespmem:$0x1E100] =	vst v63  }
0x50: {  	s15 =	simm.s32 $0x0;
	s31 =	rddreg [dreg:$0x17]  }
0x51: {  	[tilespmem:s7], [sflag:$0x8] =	stream.linear.gather [hbm4b:s31+s5], $0x2000, $0x38;
	[tilespmem:$0x1E100] =	vst v63  }
.LBB2_2:
0x52: {  	s0 =	simm.s32 $0x19  }
0x53: {  	_ =	swait.ge [sflag:s0], $0x2000  }
0x54: {  	[sflag:s0] =	ssyncset.done $0x0  }
0x55: {  	s7 =	simm.s32 $0x1;
	[sflag:s0] =	ssyncadd.s32 $0xFFFFE000  }
0x56: {  	_ =	swait.ge [sflag:s7], $0x2000  }
0x57: {  	[sflag:s7] =	ssyncset.done $0x0  }
0x58: {  	s9 =	simm.s32 $0x2;
	[sflag:s7] =	ssyncadd.s32 $0xFFFFE000  }
0x59: {  	_ =	swait.ge [sflag:s9], $0x2000  }
0x5a: {  	[sflag:s9] =	ssyncset.done $0x0  }
0x5b: {  	s16 =	simm.s32 $0x3;
	[sflag:s9] =	ssyncadd.s32 $0xFFFFE000  }
0x5c: {  	_ =	swait.ge [sflag:s16], $0x2000  }
0x5d: {  	[sflag:s16] =	ssyncset.done $0x0  }
0x5e: {  	s17 =	simm.s32 $0x4;
	[sflag:s16] =	ssyncadd.s32 $0xFFFFE000  }
0x5f: {  	_ =	swait.ge [sflag:s17], $0x2000  }
0x60: {  	p0 =	seq.s32 s15, $0x0;
	[sflag:s17] =	ssyncset.done $0x0  }
0x61: {  	s2 =	simm.s32 @!p0 $0x15;
	[sflag:s17] =	ssyncadd.s32 $0xFFFFE000  }
0x62: {  	_ =	swait.ge @!p0 [sflag:s2], $0x2000  }
0x63: {  	[sflag:s2] =	ssyncset.done @!p0 $0x0  }
0x64: {  	[sflag:s2] =	ssyncadd.s32 @!p0 $0xFFFFE000;
	s2 =	simm.s32 @!p0 $0x16  }
0x65: {  	_ =	swait.ge @!p0 [sflag:s2], $0x2000  }
0x66: {  	[sflag:s2] =	ssyncset.done @!p0 $0x0  }
0x67: {  	[sflag:s2] =	ssyncadd.s32 @!p0 $0xFFFFE000;
	s2 =	simm.s32 @!p0 $0x17  }
0x68: {  	_ =	swait.ge @!p0 [sflag:s2], $0x2000  }
0x69: {  	[sflag:s2] =	ssyncset.done @!p0 $0x0  }
0x6a: {  	[sflag:s2] =	ssyncadd.s32 @!p0 $0xFFFFE000;
	s2 =	simm.s32 @!p0 $0x18  }
0x6b: {  	_ =	swait.ge @!p0 [sflag:s2], $0x2000  }
0x6c: {  	s26 =	smul.u32 $0x18, s15;
	[sflag:s2] =	ssyncset.done @!p0 $0x0  }
0x6d: {  	[sflag:s2] =	ssyncadd.s32 @!p0 $0xFFFFE000  }
0x6e: {  	v2 =	vld.msk [tilespmem:s26+$0x1E010], $0xff;
	_ =	sdelay $0x4  }
0x6f: {  	v3 =	vshll.u32 v2, $0x3  }
0x70: {  	v2 =	vand.u32 $0x7, v2;
	v3 =	vand.u32 $0xFFFFFFC0, v3  }
0x71: {  	v2 =	vor.u32 v2, v3  }
0x72: {  	v2 =	vperm.xlane v2, v0;
	_ =	sdelay $0x1  }
0x73: {  	v2 =	vadd.s32 v1, v2;
	_ =	sdelay $0x3  }
0x74: {  	s22 =	simm.s32 $0x1C000;
	s9 =	simm.s32 $0x0;
	s19 =	rddreg [dreg:$0x1]  }
0x75: {  	[tilespmem:s22], [sflag:$0x1B] =	stream.indirect_vreg.gather [hbm4b:s19+s9], $0x80, v2, vm0, $0xb8;
	[tilespmem:$0x1E100] =	vst v63  }
0x76: {  	s6 =	rddreg [dreg:$0x5];
	s2 =	simm.s32 $0x1C800  }
0x77: {  	[tilespmem:s2], [sflag:$0x1B] =	stream.indirect_vreg.gather [hbm4b:s8+s9], $0x80, v2, vm0, $0xb8;
	[tilespmem:$0x1E100] =	vst v63  }
0x78: {  	s3 =	simm.s32 $0x1D000;
	s7 =	sadd.s32 s6, s26  }
0x79: {  	[tilespmem:s3], [sflag:$0x1B] =	stream.indirect_vreg.gather [hbm4b:s10+s9], $0x80, v2, vm0, $0xb8;
	[tilespmem:$0x1E100] =	vst v63  }
0x7a: {  	s16 =	simm.s32 $0x1D800;
	s28 =	sshll.u32 s7, $0x7  }
0x7b: {  	[tilespmem:s16], [sflag:$0x1B] =	stream.indirect_vreg.gather [hbm4b:s11+s9], $0x80, v2, vm0, $0xb8;
	[tilespmem:$0x1E100] =	vst v63  }
0x7c: {  	s16 =	sadd.s32 $0x800, s28  }
0x7d: {  	s17 =	sadd.s32 s1, s16;
	s19 =	sand.u32 $0x1FFFFF80, s16  }
0x7e: {  	[tilespmem:s20], [sflag:$0x9] =	stream.linear.gather [hbm4b:s17+s9], $0x2000, $0x38;
	[tilespmem:$0x1E100] =	vst v63  }
0x7f: {  	s17 =	sadd.s32 $0x100000, s19  }
0x80: {  	s0 =	sand.u32 $0x60, s9;
	s22 =	sadd.s32 $0x200800, s28;
	s3 =	sadd.s32 s1, s17  }
0x81: {  	[tilespmem:s21], [sflag:$0xA] =	stream.linear.gather [hbm4b:s3+s9], $0x2000, $0x38;
	[tilespmem:$0x1E100] =	vst v63  }
0x82: {  	s6 =	sand.u32 $0x1C00, s9;
	s20 =	sadd.s32 s1, s22;
	s2 =	sadd.s32 $0x300000, s19  }
0x83: {  	[tilespmem:s12], [sflag:$0xB] =	stream.linear.gather [hbm4b:s20+s9], $0x2000, $0x38;
	[tilespmem:$0x1E100] =	vst v63  }
0x84: {  	s6 =	sor.u32 s0, s6;
	s21 =	sadd.s32 s1, s2  }
0x85: {  	[tilespmem:s18], [sflag:$0xC] =	stream.linear.gather [hbm4b:s21+s9], $0x2000, $0x38;
	[tilespmem:$0x1E100] =	vst v63  }
0x86: {  	v2 =	vld [tilespmem:s6+$0x18010]  }
0x87: {  	v3 =	vld [tilespmem:s6+$0x10]  }
0x88: {  	v4 =	vld [tilespmem:s6+$0x2010]  }
0x89: {  	v5 =	vld [tilespmem:s6+$0x4010]  }
0x8a: {  	v6 =	vld [tilespmem:s6+$0x6010]  }
0x8b: {  	v7 =	vld [tilespmem:s6+$0x18090]  }
0x8c: {  	v8 =	vld [tilespmem:s6+$0x90]  }
0x8d: {  	v9 =	vld [tilespmem:s6+$0x2090]  }
0x8e: {  	v10 =	vld [tilespmem:s6+$0x4090]  }
0x8f: {  	v11 =	vld [tilespmem:s6+$0x6090]  }
0x90: {  	v12 =	vld [tilespmem:s6+$0x18110]  }
0x91: {  	v13 =	vld [tilespmem:s6+$0x110]  }
0x92: {  	v14 =	vld [tilespmem:s6+$0x2110]  }
0x93: {  	v22 =	vld [tilespmem:s6+$0x2080];
	v3 =	vadd.f32 v3, v2  }
0x94: {  	v15 =	vld [tilespmem:s6+$0x4080];
	v4 =	vadd.f32 v4, v2  }
0x95: {  	[tilespmem:s6+$0x10] =	vst v3;
	v3 =	vadd.f32 v5, v2;
	v5 =	vld [tilespmem:s6+$0x4110]  }
0x96: {  	[tilespmem:s6+$0x2010] =	vst v4;
	v2 =	vadd.f32 v6, v2;
	v4 =	vld [tilespmem:s6+$0x6110]  }
0x97: {  	v6 =	vld [tilespmem:s6+$0x18190];
	[tilespmem:s6+$0x4010] =	vst v3;
	v3 =	vadd.f32 v8, v7  }
0x98: {  	[tilespmem:s6+$0x6010] =	vst v2;
	v2 =	vadd.f32 v9, v7;
	v8 =	vld [tilespmem:s6+$0x190]  }
0x99: {  	v9 =	vld [tilespmem:s6+$0x2190];
	[tilespmem:s6+$0x90] =	vst v3;
	v3 =	vadd.f32 v10, v7  }
0x9a: {  	[tilespmem:s6+$0x2090] =	vst v2;
	v2 =	vadd.f32 v11, v7;
	v7 =	vld [tilespmem:s6+$0x4190]  }
0x9b: {  	v10 =	vld [tilespmem:s6+$0x6190];
	[tilespmem:s6+$0x4090] =	vst v3;
	v3 =	vadd.f32 v13, v12  }
0x9c: {  	v11 =	vld [tilespmem:s6+$0x18210];
	[tilespmem:s6+$0x6090] =	vst v2;
	v2 =	vadd.f32 v14, v12  }
0x9d: {  	[tilespmem:s6+$0x110] =	vst v3;
	v3 =	vadd.f32 v5, v12;
	v5 =	vld [tilespmem:s6+$0x210]  }
0x9e: {  	[tilespmem:s6+$0x2110] =	vst v2;
	v2 =	vadd.f32 v4, v12;
	v4 =	vld [tilespmem:s6+$0x2210]  }
0x9f: {  	[tilespmem:s6+$0x4110] =	vst v3;
	v3 =	vadd.f32 v8, v6;
	v8 =	vld [tilespmem:s6+$0x4210]  }
0xa0: {  	[tilespmem:s6+$0x6110] =	vst v2;
	v2 =	vadd.f32 v9, v6;
	v9 =	vld [tilespmem:s6+$0x6210]  }
0xa1: {  	[tilespmem:s6+$0x190] =	vst v3;
	v3 =	vadd.f32 v7, v6;
	v7 =	vld [tilespmem:s6+$0x18290]  }
0xa2: {  	[tilespmem:s6+$0x2190] =	vst v2;
	v2 =	vadd.f32 v10, v6;
	v6 =	vld [tilespmem:s6+$0x290]  }
0xa3: {  	v10 =	vld [tilespmem:s6+$0x18000]  }
0xa4: {  	[tilespmem:s6+$0x4190] =	vst v3;
	v3 =	vadd.f32 v5, v11;
	v5 =	vld [tilespmem:s6+$0x2290]  }
0xa5: {  	[tilespmem:s6+$0x6190] =	vst v2;
	v2 =	vadd.f32 v4, v11;
	v4 =	vld [tilespmem:s6+$0x4290]  }
0xa6: {  	[tilespmem:s6+$0x210] =	vst v3;
	v3 =	vadd.f32 v8, v11;
	v8 =	vld [tilespmem:s6+$0x6290]  }
0xa7: {  	[tilespmem:s6+$0x2210] =	vst v2;
	v2 =	vadd.f32 v9, v11;
	v9 =	vld [tilespmem:s6+$0x0]  }
0xa8: {  	v25 =	vld [tilespmem:s6+$0x6180];
	[tilespmem:s6+$0x4210] =	vst v3;
	v3 =	vadd.f32 v6, v7  }
0xa9: {  	v6 =	vld [tilespmem:s6+$0x2000];
	[tilespmem:s6+$0x6210] =	vst v2;
	v2 =	vadd.f32 v5, v7  }
0xaa: {  	s7 =	sand.u32 $0x3, s9;
	v5 =	vld [tilespmem:s6+$0x4000];
	[tilespmem:s6+$0x290] =	vst v3;
	v3 =	vadd.f32 v4, v7  }
0xab: {  	s3 =	sshll.u32 s7, $0x5;
	v4 =	vld [tilespmem:s6+$0x6000];
	[tilespmem:s6+$0x2290] =	vst v2;
	v2 =	vadd.f32 v8, v7  }
0xac: {  	s12 =	sadd.s32 $0x0, s3;
	v7 =	vld [tilespmem:s6+$0x18080];
	v9 =	vadd.f32 v9, v10;
	[tilespmem:s6+$0x4290] =	vst v3  }
0xad: {  	s3 =	sadd.s32 $0x10, s12;
	v3 =	vld [tilespmem:s6+$0x80];
	[tilespmem:s6+$0x6290] =	vst v2  }
0xae: {  	s19 =	sor.u32 $0x300, s3;
	[tilespmem:s6+$0x0] =	vst v9;
	v9 =	vld [tilespmem:s6+$0x6080]  }
0xaf: {  	v2 =	vld [tilespmem:s19+$0x18000]  }
0xb0: {  	v8 =	vld [tilespmem:s19+$0x0]  }
0xb1: {  	v11 =	vld [tilespmem:s19+$0x2000]  }
0xb2: {  	v6 =	vadd.f32 v6, v10;
	v20 =	vld [tilespmem:s19+$0x4000]  }
0xb3: {  	v21 =	vld [tilespmem:s19+$0x6000]  }
0xb4: {  	v5 =	vadd.f32 v5, v10;
	[tilespmem:s6+$0x2000] =	vst v6;
	v6 =	vld [tilespmem:s6+$0x18100]  }
0xb5: {  	v4 =	vadd.f32 v4, v10;
	v10 =	vld [tilespmem:s6+$0x4100];
	v23 =	vadd.f32 v22, v7  }
0xb6: {  	[tilespmem:s6+$0x4000] =	vst v5;
	v5 =	vld [tilespmem:s6+$0x100];
	v24 =	vadd.f32 v15, v7;
	v3 =	vadd.f32 v3, v7  }
0xb7: {  	[tilespmem:s6+$0x6000] =	vst v4;
	v7 =	vadd.f32 v9, v7;
	v9 =	vld [tilespmem:s6+$0x4180];
	v4 =	vadd.f32 v8, v2  }
0xb8: {  	v8 =	vld [tilespmem:s6+$0x2100];
	[tilespmem:s6+$0x80] =	vst v3;
	v3 =	vadd.f32 v11, v2  }
0xb9: {  	v11 =	vld [tilespmem:s6+$0x6100];
	[tilespmem:s19+$0x0] =	vst v4;
	v4 =	vadd.f32 v20, v2  }
0xba: {  	[tilespmem:s19+$0x2000] =	vst v3;
	v2 =	vadd.f32 v21, v2;
	v3 =	vld [tilespmem:s6+$0x18180]  }
0xbb: {  	v5 =	vadd.f32 v5, v6;
	[tilespmem:s19+$0x4000] =	vst v4;
	v4 =	vld [tilespmem:s6+$0x180]  }
0xbc: {  	[tilespmem:s19+$0x6000] =	vst v2;
	v2 =	vld [tilespmem:s6+$0x2180]  }
0xbd: {  	[tilespmem:s6+$0x100] =	vst v5;
	v5 =	vadd.f32 v10, v6;
	v10 =	vld [tilespmem:s6+$0x200]  }
0xbe: {  	[tilespmem:s6+$0x6080] =	vst v7;
	v7 =	vadd.f32 v8, v6;
	v8 =	vld [tilespmem:s6+$0x18200]  }
0xbf: {  	s18 =	simm.s32 $0x100;
	s19 =	simm.s32 $0x20;
	v6 =	vadd.f32 v11, v6;
	[tilespmem:s6+$0x4100] =	vst v5;
	v5 =	vld [tilespmem:s6+$0x4200]  }
0xc0: {  	s21 =	sand.u32 $0x1C00, s18;
	s20 =	sand.u32 $0x60, s19;
	[tilespmem:s6+$0x2100] =	vst v7;
	v7 =	vld [tilespmem:s6+$0x2200]  }
0xc1: {  	s20 =	sor.u32 s20, s21;
	[tilespmem:s6+$0x6100] =	vst v6;
	v6 =	vld [tilespmem:s6+$0x6200]  }
0xc2: {  	v11 =	vld [tilespmem:s20+$0x2010]  }
0xc3: {  	v26 =	vld [tilespmem:s20+$0x4010]  }
0xc4: {  	v27 =	vld [tilespmem:s20+$0x6010]  }
0xc5: {  	v28 =	vld [tilespmem:s20+$0x18090]  }
0xc6: {  	v29 =	vld [tilespmem:s20+$0x90]  }
0xc7: {  	v16 =	vld [tilespmem:s20+$0x2090]  }
0xc8: {  	v17 =	vld [tilespmem:s20+$0x4090]  }
0xc9: {  	v18 =	vld [tilespmem:s20+$0x6090]  }
0xca: {  	v19 =	vld [tilespmem:s20+$0x18110]  }
0xcb: {  	v20 =	vld [tilespmem:s20+$0x110]  }
0xcc: {  	v21 =	vld [tilespmem:s20+$0x2110]  }
0xcd: {  	v30 =	vld [tilespmem:s20+$0x4110]  }
0xce: {  	v31 =	vld [tilespmem:s20+$0x18190]  }
0xcf: {  	v40 =	vld [tilespmem:s20+$0x18290]  }
0xd0: {  	v42 =	vld [tilespmem:s20+$0x2290];
	v4 =	vadd.f32 v4, v3  }
0xd1: {  	[tilespmem:s6+$0x2080] =	vst v23;
	v32 =	vld [tilespmem:s20+$0x190];
	v2 =	vadd.f32 v2, v3  }
0xd2: {  	v43 =	vld [tilespmem:s20+$0x6290];
	[tilespmem:s6+$0x180] =	vst v4;
	v4 =	vadd.f32 v9, v3  }
0xd3: {  	v9 =	vld [tilespmem:s6+$0x18280];
	[tilespmem:s6+$0x2180] =	vst v2  }
0xd4: {  	v2 =	vadd.f32 v25, v3;
	[tilespmem:s6+$0x4180] =	vst v4;
	v4 =	vadd.f32 v10, v8;
	v10 =	vld [tilespmem:s6+$0x2280]  }
0xd5: {  	[tilespmem:s6+$0x4080] =	vst v24;
	v46 =	vld [tilespmem:s20+$0x18000];
	v12 =	vadd.f32 v42, v40  }
0xd6: {  	v48 =	vld [tilespmem:s20+$0x2000];
	[tilespmem:s6+$0x6180] =	vst v2  }
0xd7: {  	v3 =	vld [tilespmem:s6+$0x280];
	v2 =	vadd.f32 v7, v8;
	[tilespmem:s20+$0x2290] =	vst v12  }
0xd8: {  	v47 =	vadd.f32 v43, v40;
	v7 =	vld [tilespmem:s6+$0x4280];
	[tilespmem:s6+$0x200] =	vst v4;
	v4 =	vadd.f32 v5, v8  }
0xd9: {  	v5 =	vld [tilespmem:s6+$0x6280];
	[tilespmem:s6+$0x2200] =	vst v2;
	v2 =	vadd.f32 v6, v8;
	v6 =	vadd.f32 v10, v9  }
0xda: {  	[tilespmem:s20+$0x6290] =	vst v47;
	v10 =	vld [tilespmem:s20+$0x10]  }
0xdb: {  	v14 =	vadd.f32 v48, v46;
	[tilespmem:s6+$0x2280] =	vst v6;
	v6 =	vld [tilespmem:s20+$0x18010]  }
0xdc: {  	v33 =	vld [tilespmem:s20+$0x2190];
	[tilespmem:s6+$0x4200] =	vst v4;
	v4 =	vadd.f32 v3, v9  }
0xdd: {  	v34 =	vld [tilespmem:s20+$0x4190];
	[tilespmem:s20+$0x2000] =	vst v14  }
0xde: {  	v35 =	vld [tilespmem:s20+$0x6190];
	[tilespmem:s6+$0x280] =	vst v4;
	v4 =	vadd.f32 v7, v9  }
0xdf: {  	v36 =	vld [tilespmem:s20+$0x18210];
	[tilespmem:s6+$0x6200] =	vst v2;
	v5 =	vadd.f32 v5, v9  }
0xe0: {  	v37 =	vld [tilespmem:s20+$0x210];
	[tilespmem:s6+$0x4280] =	vst v4;
	v10 =	vadd.f32 v10, v6  }
0xe1: {  	v38 =	vld [tilespmem:s20+$0x4210];
	[tilespmem:s6+$0x6280] =	vst v5;
	v11 =	vadd.f32 v11, v6  }
0xe2: {  	v39 =	vld [tilespmem:s20+$0x6210];
	[tilespmem:s20+$0x10] =	vst v10;
	v10 =	vadd.f32 v26, v6  }
0xe3: {  	v41 =	vld [tilespmem:s20+$0x290];
	[tilespmem:s20+$0x2010] =	vst v11;
	v6 =	vadd.f32 v27, v6  }
0xe4: {  	v52 =	vld [tilespmem:s20+$0x2080];
	[tilespmem:s20+$0x4010] =	vst v10;
	v10 =	vadd.f32 v29, v28  }
0xe5: {  	v54 =	vld [tilespmem:s20+$0x4080];
	[tilespmem:s20+$0x6010] =	vst v6;
	v6 =	vadd.f32 v16, v28  }
0xe6: {  	v11 =	vld [tilespmem:s20+$0x6110];
	[tilespmem:s20+$0x90] =	vst v10;
	v10 =	vadd.f32 v17, v28  }
0xe7: {  	v55 =	vld [tilespmem:s20+$0x6080];
	[tilespmem:s20+$0x2090] =	vst v6;
	v6 =	vadd.f32 v18, v28  }
0xe8: {  	v56 =	vld [tilespmem:s20+$0x18100];
	[tilespmem:s20+$0x4090] =	vst v10;
	v10 =	vadd.f32 v20, v19  }
0xe9: {  	s31 =	sor.u32 $0x300, s12;
	v57 =	vld [tilespmem:s20+$0x4100];
	[tilespmem:s20+$0x6090] =	vst v6;
	v6 =	vadd.f32 v21, v19  }
0xea: {  	v7 =	vld [tilespmem:s31+$0x18000];
	[tilespmem:s20+$0x110] =	vst v10;
	v10 =	vadd.f32 v30, v19  }
0xeb: {  	v9 =	vld [tilespmem:s31+$0x2000];
	[tilespmem:s20+$0x2110] =	vst v6;
	v6 =	vadd.f32 v11, v19  }
0xec: {  	v11 =	vld [tilespmem:s20+$0x2210];
	[tilespmem:s20+$0x4110] =	vst v10;
	v10 =	vadd.f32 v32, v31  }
0xed: {  	s3 =	sor.u32 $0x380, s3;
	v58 =	vld [tilespmem:s20+$0x18180];
	[tilespmem:s20+$0x6110] =	vst v6;
	v6 =	vadd.f32 v33, v31  }
0xee: {  	v3 =	vld [tilespmem:s3+$0x18000];
	[tilespmem:s20+$0x190] =	vst v10;
	v10 =	vadd.f32 v34, v31  }
0xef: {  	v2 =	vld [tilespmem:s3+$0x6000];
	[tilespmem:s20+$0x2190] =	vst v6;
	v6 =	vadd.f32 v35, v31  }
0xf0: {  	v4 =	vld [tilespmem:s3+$0x0];
	[tilespmem:s20+$0x4190] =	vst v10;
	v10 =	vadd.f32 v37, v36  }
0xf1: {  	v9 =	vadd.f32 v9, v7;
	[tilespmem:s20+$0x6190] =	vst v6;
	v6 =	vadd.f32 v11, v36;
	v11 =	vld [tilespmem:s20+$0x4290]  }
0xf2: {  	v5 =	vld [tilespmem:s3+$0x2000];
	[tilespmem:s20+$0x210] =	vst v10;
	v10 =	vadd.f32 v38, v36  }
0xf3: {  	s29 =	simm.s32 $0x1;
	v8 =	vld [tilespmem:s31+$0x0];
	v16 =	vadd.f32 v39, v36;
	[tilespmem:s31+$0x2000] =	vst v9  }
0xf4: {  	s0 =	sand.u32 $0x3, s29;
	v44 =	vld [tilespmem:s31+$0x4000];
	[tilespmem:s20+$0x4210] =	vst v10;
	v10 =	vadd.f32 v41, v40  }
0xf5: {  	s6 =	sshll.u32 s0, $0x5;
	v45 =	vld [tilespmem:s31+$0x6000];
	[tilespmem:s20+$0x6210] =	vst v16  }
0xf6: {  	s21 =	sadd.s32 $0x100, s6;
	v9 =	vld [tilespmem:s20+$0x6000];
	[tilespmem:s20+$0x290] =	vst v10;
	v10 =	vadd.f32 v11, v40  }
0xf7: {  	v2 =	vadd.f32 v2, v3;
	s6 =	sadd.s32 $0x10, s21;
	[tilespmem:s20+$0x2210] =	vst v6;
	v11 =	vld [tilespmem:s20+$0x0]  }
0xf8: {  	s7 =	sor.u32 $0x300, s6;
	v4 =	vadd.f32 v4, v3;
	[tilespmem:s20+$0x4290] =	vst v10;
	v10 =	vld [tilespmem:s20+$0x4000]  }
0xf9: {  	[tilespmem:s3+$0x6000] =	vst v2;
	v8 =	vadd.f32 v8, v7;
	v12 =	vld [tilespmem:s7+$0x18000]  }
0xfa: {  	v2 =	vadd.f32 v5, v3;
	[tilespmem:s3+$0x0] =	vst v4;
	v49 =	vld [tilespmem:s7+$0x0]  }
0xfb: {  	[tilespmem:s31+$0x0] =	vst v8;
	v8 =	vadd.f32 v44, v7;
	v16 =	vld [tilespmem:s7+$0x2000]  }
0xfc: {  	[tilespmem:s3+$0x2000] =	vst v2;
	v50 =	vld [tilespmem:s7+$0x4000];
	v4 =	vadd.f32 v11, v46  }
0xfd: {  	v7 =	vadd.f32 v45, v7;
	[tilespmem:s31+$0x4000] =	vst v8;
	v51 =	vld [tilespmem:s7+$0x6000]  }
0xfe: {  	v8 =	vld [tilespmem:s20+$0x18080];
	[tilespmem:s20+$0x0] =	vst v4;
	v4 =	vadd.f32 v10, v46  }
0xff: {  	[tilespmem:s31+$0x6000] =	vst v7;
	v7 =	vld [tilespmem:s20+$0x80];
	v15 =	vadd.f32 v49, v12  }
0x100: {  	v59 =	vld [tilespmem:s20+$0x180];
	v16 =	vadd.f32 v16, v12;
	[tilespmem:s20+$0x4000] =	vst v4  }
0x101: {  	v60 =	vld [tilespmem:s20+$0x18200];
	v53 =	vadd.f32 v50, v12;
	[tilespmem:s7+$0x0] =	vst v15  }
0x102: {  	v61 =	vld [tilespmem:s20+$0x4200];
	v12 =	vadd.f32 v51, v12;
	[tilespmem:s7+$0x2000] =	vst v16  }
0x103: {  	v5 =	vld [tilespmem:s20+$0x100];
	v9 =	vadd.f32 v9, v46;
	[tilespmem:s7+$0x4000] =	vst v53  }
0x104: {  	s6 =	sor.u32 $0x380, s6;
	v11 =	vld [tilespmem:s20+$0x2100];
	v4 =	vadd.f32 v7, v8;
	[tilespmem:s7+$0x6000] =	vst v12  }
0x105: {  	[tilespmem:s20+$0x6000] =	vst v9;
	v9 =	vadd.f32 v52, v8;
	v2 =	vld [tilespmem:s6+$0x18000]  }
0x106: {  	v10 =	vld [tilespmem:s6+$0x6000];
	[tilespmem:s20+$0x80] =	vst v4;
	v4 =	vadd.f32 v54, v8  }
0x107: {  	[tilespmem:s20+$0x2080] =	vst v9;
	v7 =	vld [tilespmem:s20+$0x6100];
	v8 =	vadd.f32 v55, v8  }
0x108: {  	v62 =	vld [tilespmem:s20+$0x6280];
	[tilespmem:s20+$0x4080] =	vst v4;
	v4 =	vadd.f32 v5, v56  }
0x109: {  	v9 =	vld [tilespmem:s20+$0x2180];
	[tilespmem:s20+$0x6080] =	vst v8;
	v8 =	vadd.f32 v11, v56  }
0x10a: {  	v5 =	vld [tilespmem:s20+$0x4180];
	[tilespmem:s20+$0x100] =	vst v4;
	v4 =	vadd.f32 v57, v56  }
0x10b: {  	v11 =	vld [tilespmem:s20+$0x6180];
	[tilespmem:s20+$0x2100] =	vst v8;
	v8 =	vadd.f32 v10, v2  }
0x10c: {  	v10 =	vld [tilespmem:s20+$0x200];
	[tilespmem:s20+$0x4100] =	vst v4;
	v4 =	vadd.f32 v7, v56  }
0x10d: {  	v7 =	vld [tilespmem:s20+$0x2200];
	[tilespmem:s6+$0x6000] =	vst v8;
	v8 =	vadd.f32 v59, v58  }
0x10e: {  	[tilespmem:s20+$0x6100] =	vst v4;
	v4 =	vadd.f32 v9, v58;
	v9 =	vld [tilespmem:s20+$0x6200]  }
0x10f: {  	v5 =	vadd.f32 v5, v58;
	[tilespmem:s20+$0x180] =	vst v8;
	v8 =	vld [tilespmem:s20+$0x18280]  }
0x110: {  	[tilespmem:s20+$0x2180] =	vst v4;
	v4 =	vadd.f32 v11, v58;
	v11 =	vld [tilespmem:s20+$0x280]  }
0x111: {  	[tilespmem:s20+$0x4180] =	vst v5;
	v5 =	vadd.f32 v10, v60;
	v10 =	vld [tilespmem:s20+$0x2280]  }
0x112: {  	s12 =	sor.u32 s9, s9;
	[tilespmem:s20+$0x6180] =	vst v4;
	v4 =	vadd.f32 v7, v60;
	v7 =	vld [tilespmem:s20+$0x4280]  }
0x113: {  	s9 =	sor.u32 $0x380, s12;
	v6 =	vld [tilespmem:s3+$0x4000];
	[tilespmem:s20+$0x200] =	vst v5;
	v5 =	vadd.f32 v61, v60  }
0x114: {  	[tilespmem:s20+$0x2200] =	vst v4;
	v4 =	vadd.f32 v9, v60;
	v9 =	vld [tilespmem:s9+$0x18000]  }
0x115: {  	[tilespmem:s20+$0x4200] =	vst v5;
	v5 =	vadd.f32 v11, v8;
	v11 =	vld [tilespmem:s9+$0x0]  }
0x116: {  	[tilespmem:s20+$0x6200] =	vst v4;
	v4 =	vadd.f32 v10, v8;
	v10 =	vld [tilespmem:s9+$0x2000]  }
0x117: {  	[tilespmem:s20+$0x280] =	vst v5;
	v5 =	vadd.f32 v7, v8;
	v7 =	vld [tilespmem:s9+$0x4000]  }
0x118: {  	[tilespmem:s20+$0x2280] =	vst v4;
	v4 =	vadd.f32 v62, v8;
	v8 =	vld [tilespmem:s9+$0x6000]  }
0x119: {  	v3 =	vadd.f32 v6, v3;
	v63 =	vld [tilespmem:s6+$0x0];
	[tilespmem:s20+$0x4280] =	vst v5  }
0x11a: {  	s31 =	sor.u32 $0x300, s21;
	[tilespmem:s20+$0x6280] =	vst v4;
	v4 =	vld [tilespmem:s6+$0x2000];
	v6 =	vadd.f32 v11, v9  }
0x11b: {  	[tilespmem:s3+$0x4000] =	vst v3;
	v3 =	vld [tilespmem:s31+$0x18000];
	v10 =	vadd.f32 v10, v9  }
0x11c: {  	v5 =	vld [tilespmem:s31+$0x0];
	[tilespmem:s9+$0x0] =	vst v6;
	v11 =	vadd.f32 v7, v9  }
0x11d: {  	s21 =	sor.u32 s18, s19;
	s18 =	simm.s32 $0x2;
	v6 =	vld [tilespmem:s31+$0x2000];
	[tilespmem:s9+$0x2000] =	vst v10;
	v8 =	vadd.f32 v8, v9  }
0x11e: {  	s19 =	simm.s32 $0x200;
	s3 =	sor.u32 $0x380, s21;
	s20 =	simm.s32 $0x40;
	v7 =	vld [tilespmem:s31+$0x4000];
	v9 =	vadd.f32 v63, v2;
	[tilespmem:s9+$0x4000] =	vst v11  }
.LBB2_3:
0x11f: {  	s0 =	sand.u32 $0x60, s20;
	s21 =	sand.u32 $0x1C00, s19;
	s7 =	sor.u32 s19, s20;
	v10 =	vld [tilespmem:s31+$0x6000];
	v4 =	vadd.f32 v4, v2;
	[tilespmem:s9+$0x6000] =	vst v8  }
0x120: {  	s9 =	smov.u32 s3;
	s21 =	sor.u32 s0, s21;
	[tilespmem:s6+$0x0] =	vst v9;
	v8 =	vld [tilespmem:s6+$0x4000];
	s3 =	sor.u32 $0x380, s7  }
0x121: {  	v9 =	vld [tilespmem:s21+$0x18010];
	v5 =	vadd.f32 v5, v3;
	[tilespmem:s6+$0x2000] =	vst v4  }
0x122: {  	v4 =	vld [tilespmem:s21+$0x10];
	v6 =	vadd.f32 v6, v3  }
0x123: {  	v11 =	vld [tilespmem:s21+$0x2010];
	[tilespmem:s31+$0x0] =	vst v5;
	v5 =	vadd.f32 v7, v3  }
0x124: {  	v7 =	vld [tilespmem:s21+$0x4010];
	[tilespmem:s31+$0x2000] =	vst v6;
	v3 =	vadd.f32 v10, v3  }
0x125: {  	v6 =	vld [tilespmem:s21+$0x6010];
	[tilespmem:s31+$0x4000] =	vst v5;
	v2 =	vadd.f32 v8, v2  }
0x126: {  	v5 =	vld [tilespmem:s21+$0x18090];
	[tilespmem:s31+$0x6000] =	vst v3  }
0x127: {  	v3 =	vld [tilespmem:s21+$0x90];
	[tilespmem:s6+$0x4000] =	vst v2  }
0x128: {  	v2 =	vld [tilespmem:s21+$0x2090]  }
0x129: {  	v8 =	vld [tilespmem:s21+$0x4090]  }
0x12a: {  	v10 =	vld [tilespmem:s21+$0x6090]  }
0x12b: {  	v12 =	vld [tilespmem:s21+$0x18110]  }
0x12c: {  	v4 =	vadd.f32 v4, v9;
	v13 =	vld [tilespmem:s21+$0x110]  }
0x12d: {  	v11 =	vadd.f32 v11, v9;
	v14 =	vld [tilespmem:s21+$0x2110]  }
0x12e: {  	[tilespmem:s21+$0x10] =	vst v4;
	v4 =	vadd.f32 v7, v9;
	v7 =	vld [tilespmem:s21+$0x4110]  }
0x12f: {  	v6 =	vadd.f32 v6, v9;
	[tilespmem:s21+$0x2010] =	vst v11;
	v9 =	vld [tilespmem:s21+$0x6110]  }
0x130: {  	v3 =	vadd.f32 v3, v5;
	[tilespmem:s21+$0x4010] =	vst v4;
	v4 =	vld [tilespmem:s21+$0x18190]  }
0x131: {  	v2 =	vadd.f32 v2, v5;
	[tilespmem:s21+$0x6010] =	vst v6;
	v6 =	vld [tilespmem:s21+$0x190]  }
0x132: {  	[tilespmem:s21+$0x90] =	vst v3;
	v3 =	vadd.f32 v8, v5;
	v8 =	vld [tilespmem:s21+$0x2190]  }
0x133: {  	[tilespmem:s21+$0x2090] =	vst v2;
	v2 =	vadd.f32 v10, v5;
	v5 =	vld [tilespmem:s21+$0x4190]  }
0x134: {  	[tilespmem:s21+$0x4090] =	vst v3;
	v3 =	vadd.f32 v13, v12;
	v10 =	vld [tilespmem:s21+$0x6190]  }
0x135: {  	[tilespmem:s21+$0x6090] =	vst v2;
	v2 =	vadd.f32 v14, v12;
	v11 =	vld [tilespmem:s21+$0x18210]  }
0x136: {  	[tilespmem:s21+$0x110] =	vst v3;
	v3 =	vadd.f32 v7, v12;
	v7 =	vld [tilespmem:s21+$0x210]  }
0x137: {  	[tilespmem:s21+$0x2110] =	vst v2;
	v2 =	vadd.f32 v9, v12;
	v9 =	vld [tilespmem:s21+$0x2210]  }
0x138: {  	[tilespmem:s21+$0x4110] =	vst v3;
	v3 =	vadd.f32 v6, v4;
	v6 =	vld [tilespmem:s21+$0x4210]  }
0x139: {  	[tilespmem:s21+$0x6110] =	vst v2;
	v2 =	vadd.f32 v8, v4;
	v8 =	vld [tilespmem:s21+$0x6210]  }
0x13a: {  	[tilespmem:s21+$0x190] =	vst v3;
	v3 =	vadd.f32 v5, v4;
	v5 =	vld [tilespmem:s21+$0x18290]  }
0x13b: {  	[tilespmem:s21+$0x2190] =	vst v2;
	v2 =	vadd.f32 v10, v4;
	v4 =	vld [tilespmem:s21+$0x290]  }
0x13c: {  	[tilespmem:s21+$0x4190] =	vst v3;
	v3 =	vadd.f32 v7, v11;
	v7 =	vld [tilespmem:s21+$0x2290]  }
0x13d: {  	[tilespmem:s21+$0x6190] =	vst v2;
	v2 =	vadd.f32 v9, v11;
	v9 =	vld [tilespmem:s21+$0x4290]  }
0x13e: {  	[tilespmem:s21+$0x210] =	vst v3;
	v3 =	vadd.f32 v6, v11;
	v6 =	vld [tilespmem:s21+$0x6290]  }
0x13f: {  	v10 =	vld [tilespmem:s21+$0x18000];
	[tilespmem:s21+$0x2210] =	vst v2;
	v2 =	vadd.f32 v8, v11  }
0x140: {  	s29 =	sadd.s32 $0x1, s29;
	v8 =	vld [tilespmem:s21+$0x0];
	[tilespmem:s21+$0x4210] =	vst v3;
	v3 =	vadd.f32 v4, v5  }
0x141: {  	s18 =	sadd.s32 $0x2, s18;
	s0 =	sand.u32 $0x3, s29;
	v4 =	vld [tilespmem:s21+$0x2000];
	[tilespmem:s21+$0x6210] =	vst v2;
	v2 =	vadd.f32 v7, v5  }
0x142: {  	p0 =	slt.u32 s18, $0x3E;
	s0 =	sshll.u32 s0, $0x5;
	v7 =	vld [tilespmem:s21+$0x4000];
	[tilespmem:s21+$0x290] =	vst v3;
	v3 =	vadd.f32 v9, v5  }
0x143: {  	s0 =	sadd.s32 s0, s19;
	v9 =	vld [tilespmem:s21+$0x6000];
	[tilespmem:s21+$0x2290] =	vst v2;
	v2 =	vadd.f32 v6, v5  }
0x144: {  	s31 =	sor.u32 $0x300, s0;
	s0 =	sadd.s32 $0x10, s0;
	v5 =	vld [tilespmem:s21+$0x18080];
	[tilespmem:s21+$0x4290] =	vst v3  }
0x145: {  	s6 =	sor.u32 $0x300, s0;
	v3 =	vadd.f32 v8, v10;
	v6 =	vld [tilespmem:s21+$0x80];
	[tilespmem:s21+$0x6290] =	vst v2  }
0x146: {  	v2 =	vadd.f32 v4, v10;
	v4 =	vld [tilespmem:s6+$0x18000]  }
0x147: {  	[tilespmem:s21+$0x0] =	vst v3;
	v3 =	vadd.f32 v7, v10;
	v7 =	vld [tilespmem:s6+$0x0]  }
0x148: {  	[tilespmem:s21+$0x2000] =	vst v2;
	v2 =	vadd.f32 v9, v10;
	v8 =	vld [tilespmem:s6+$0x2000]  }
0x149: {  	[tilespmem:s21+$0x4000] =	vst v3;
	v3 =	vld [tilespmem:s6+$0x4000]  }
0x14a: {  	[tilespmem:s21+$0x6000] =	vst v2;
	v2 =	vadd.f32 v6, v5;
	v6 =	vld [tilespmem:s6+$0x6000]  }
0x14b: {  	v9 =	vld [tilespmem:s21+$0x2080]  }
0x14c: {  	[tilespmem:s21+$0x80] =	vst v2;
	v2 =	vld [tilespmem:s21+$0x4080];
	v7 =	vadd.f32 v7, v4  }
0x14d: {  	v10 =	vld [tilespmem:s21+$0x6080];
	v8 =	vadd.f32 v8, v4  }
0x14e: {  	v11 =	vld [tilespmem:s21+$0x18100];
	[tilespmem:s6+$0x0] =	vst v7;
	v3 =	vadd.f32 v3, v4  }
0x14f: {  	v7 =	vld [tilespmem:s21+$0x100];
	[tilespmem:s6+$0x2000] =	vst v8;
	v4 =	vadd.f32 v6, v4  }
0x150: {  	v6 =	vadd.f32 v9, v5;
	v8 =	vld [tilespmem:s21+$0x2100];
	[tilespmem:s6+$0x4000] =	vst v3  }
0x151: {  	v3 =	vadd.f32 v2, v5;
	v9 =	vld [tilespmem:s21+$0x4100];
	[tilespmem:s6+$0x6000] =	vst v4;
	s6 =	sor.u32 $0x380, s0  }
0x152: {  	[tilespmem:s21+$0x2080] =	vst v6;
	v4 =	vadd.f32 v10, v5;
	v2 =	vld [tilespmem:s6+$0x18000]  }
0x153: {  	[tilespmem:s21+$0x4080] =	vst v3;
	v3 =	vld [tilespmem:s6+$0x6000]  }
0x154: {  	[tilespmem:s21+$0x6080] =	vst v4;
	v4 =	vadd.f32 v7, v11;
	v5 =	vld [tilespmem:s21+$0x6100]  }
0x155: {  	v6 =	vadd.f32 v8, v11;
	v7 =	vld [tilespmem:s21+$0x18180]  }
0x156: {  	[tilespmem:s21+$0x100] =	vst v4;
	v4 =	vadd.f32 v9, v11;
	v8 =	vld [tilespmem:s21+$0x180]  }
0x157: {  	[tilespmem:s21+$0x2100] =	vst v6;
	v6 =	vld [tilespmem:s21+$0x2180]  }
0x158: {  	[tilespmem:s21+$0x4100] =	vst v4;
	v4 =	vld [tilespmem:s21+$0x4180];
	v3 =	vadd.f32 v3, v2  }
0x159: {  	v5 =	vadd.f32 v5, v11;
	v9 =	vld [tilespmem:s21+$0x6180]  }
0x15a: {  	v10 =	vld [tilespmem:s21+$0x18200];
	[tilespmem:s6+$0x6000] =	vst v3  }
0x15b: {  	[tilespmem:s21+$0x6100] =	vst v5;
	v3 =	vadd.f32 v8, v7;
	v5 =	vld [tilespmem:s21+$0x200]  }
0x15c: {  	v6 =	vadd.f32 v6, v7;
	v8 =	vld [tilespmem:s21+$0x2200]  }
0x15d: {  	[tilespmem:s21+$0x180] =	vst v3;
	v3 =	vadd.f32 v4, v7;
	v4 =	vld [tilespmem:s21+$0x4200]  }
0x15e: {  	[tilespmem:s21+$0x2180] =	vst v6;
	v6 =	vadd.f32 v9, v7;
	v7 =	vld [tilespmem:s21+$0x6200]  }
0x15f: {  	[tilespmem:s21+$0x4180] =	vst v3;
	v3 =	vld [tilespmem:s21+$0x18280]  }
0x160: {  	[tilespmem:s21+$0x6180] =	vst v6;
	v5 =	vadd.f32 v5, v10;
	v6 =	vld [tilespmem:s21+$0x280]  }
0x161: {  	v8 =	vadd.f32 v8, v10;
	v9 =	vld [tilespmem:s21+$0x2280]  }
0x162: {  	[tilespmem:s21+$0x200] =	vst v5;
	v4 =	vadd.f32 v4, v10;
	v5 =	vld [tilespmem:s21+$0x4280]  }
0x163: {  	[tilespmem:s21+$0x2200] =	vst v8;
	v7 =	vadd.f32 v7, v10;
	v8 =	vld [tilespmem:s21+$0x6280]  }
0x164: {  	[tilespmem:s21+$0x4200] =	vst v4;
	v10 =	vld [tilespmem:s9+$0x18000]  }
0x165: {  	[tilespmem:s21+$0x6200] =	vst v7;
	v4 =	vadd.f32 v6, v3;
	v6 =	vld [tilespmem:s9+$0x0]  }
0x166: {  	v7 =	vadd.f32 v9, v3;
	v9 =	vld [tilespmem:s9+$0x2000]  }
0x167: {  	[tilespmem:s21+$0x280] =	vst v4;
	v4 =	vadd.f32 v5, v3;
	v11 =	vld [tilespmem:s9+$0x4000]  }
0x168: {  	[tilespmem:s21+$0x2280] =	vst v7;
	v3 =	vadd.f32 v8, v3;
	v7 =	vld [tilespmem:s9+$0x6000]  }
0x169: {  	[tilespmem:s21+$0x4280] =	vst v4;
	v12 =	vld [tilespmem:s6+$0x0]  }
.Ltmp0:
0x16a: {  	[tilespmem:s21+$0x6280] =	vst v3;
	v4 =	vld [tilespmem:s6+$0x2000];
	v6 =	vadd.f32 v6, v10;
	(pc) =	sbr.rel @p0 .LBB2_3-.Ltmp0, $4  }
0x16b: {  	v3 =	vld [tilespmem:s31+$0x18000];
	v8 =	vadd.f32 v9, v10  }
0x16c: {  	v5 =	vld [tilespmem:s31+$0x0];
	[tilespmem:s9+$0x0] =	vst v6;
	v11 =	vadd.f32 v11, v10  }
0x16d: {  	v6 =	vld [tilespmem:s31+$0x2000];
	[tilespmem:s9+$0x2000] =	vst v8;
	v8 =	vadd.f32 v7, v10  }
0x16e: {  	s20 =	sadd.s32 $0x20, s20;
	s19 =	sadd.s32 $0x100, s19;
	v7 =	vld [tilespmem:s31+$0x4000];
	v9 =	vadd.f32 v12, v2;
	[tilespmem:s9+$0x4000] =	vst v11  }
0x16f: {  	v10 =	vld [tilespmem:s31+$0x6000];
	_ =	sdelay $0x1  }
0x170: {  	v5 =	vadd.f32 v5, v3  }
0x171: {  	v6 =	vadd.f32 v6, v3  }
0x172: {  	[tilespmem:s31+$0x0] =	vst v5;
	v5 =	vadd.f32 v7, v3  }
0x173: {  	[tilespmem:s31+$0x2000] =	vst v6;
	v3 =	vadd.f32 v10, v3  }
0x174: {  	[tilespmem:s31+$0x4000] =	vst v5  }
0x175: {  	v5 =	vld [tilespmem:s6+$0x4000];
	[tilespmem:s31+$0x6000] =	vst v3  }
0x176: {  	v3 =	vld [tilespmem:s3+$0x18000]  }
0x177: {  	v6 =	vld [tilespmem:s3+$0x0]  }
0x178: {  	v7 =	vld [tilespmem:s3+$0x2000]  }
0x179: {  	[tilespmem:s6+$0x0] =	vst v9;
	v9 =	vld [tilespmem:s3+$0x4000]  }
0x17a: {  	v4 =	vadd.f32 v4, v2;
	v10 =	vld [tilespmem:s3+$0x6000]  }
0x17b: {  	[tilespmem:s9+$0x6000] =	vst v8;
	v2 =	vadd.f32 v5, v2  }
0x17c: {  	[tilespmem:s6+$0x2000] =	vst v4;
	v4 =	vadd.f32 v6, v3  }
0x17d: {  	[tilespmem:s6+$0x4000] =	vst v2;
	v2 =	vadd.f32 v7, v3  }
0x17e: {  	[tilespmem:s3+$0x0] =	vst v4;
	v4 =	vadd.f32 v9, v3  }
0x17f: {  	[tilespmem:s3+$0x2000] =	vst v2;
	v2 =	vadd.f32 v10, v3  }
0x180: {  	[tilespmem:s3+$0x4000] =	vst v4  }
0x181: {  	s0 =	sadd.s32 s4, s28;
	s9 =	simm.s32 $0x0;
	s18 =	sand.u32 $0x1FFFFF80, s28;
	[tilespmem:s3+$0x6000] =	vst v2  }
0x182: {  	[hbm4b:s0+s9] =	stream.linear.scatter [tilespmem:s9], [sflag:$0xD], $0x2000, $0x38;
	[tilespmem:$0x1E100] =	vst v63  }
0x183: {  	s0 =	sadd.s32 s4, s18  }
0x184: {  	s7 =	simm.s32 $0x2000;
	s19 =	sadd.s32 $0x100000, s0  }
0x185: {  	[hbm4b:s19+s9] =	stream.linear.scatter [tilespmem:s7], [sflag:$0xE], $0x2000, $0x38;
	[tilespmem:$0x1E100] =	vst v63  }
0x186: {  	s20 =	sadd.s32 s28, s30;
	s12 =	simm.s32 $0x4000  }
0x187: {  	[hbm4b:s20+s9] =	stream.linear.scatter [tilespmem:s12], [sflag:$0xF], $0x2000, $0x38;
	[tilespmem:$0x1E100] =	vst v63  }
0x188: {  	s21 =	simm.s32 $0x1A;
	s18 =	simm.s32 $0x6000;
	s0 =	sadd.s32 $0x300000, s0  }
0x189: {  	[hbm4b:s0+s9] =	stream.linear.scatter [tilespmem:s18], [sflag:$0x10], $0x2000, $0x38;
	[tilespmem:$0x1E100] =	vst v63  }
0x18a: {  	_ =	swait.ge [sflag:s21], $0x2000  }
0x18b: {  	[sflag:s21] =	ssyncset.done $0x0  }
0x18c: {  	s3 =	simm.s32 $0x5;
	[sflag:s21] =	ssyncadd.s32 $0xFFFFE000  }
0x18d: {  	_ =	swait.ge [sflag:s3], $0x2000  }
0x18e: {  	[sflag:s3] =	ssyncset.done $0x0  }
0x18f: {  	s6 =	simm.s32 $0x6;
	[sflag:s3] =	ssyncadd.s32 $0xFFFFE000  }
0x190: {  	_ =	swait.ge [sflag:s6], $0x2000  }
0x191: {  	[sflag:s6] =	ssyncset.done $0x0  }
0x192: {  	s19 =	simm.s32 $0x7;
	[sflag:s6] =	ssyncadd.s32 $0xFFFFE000  }
0x193: {  	_ =	swait.ge [sflag:s19], $0x2000  }
0x194: {  	[sflag:s19] =	ssyncset.done $0x0  }
0x195: {  	s20 =	simm.s32 $0x8;
	[sflag:s19] =	ssyncadd.s32 $0xFFFFE000  }
0x196: {  	_ =	swait.ge [sflag:s20], $0x2000  }
0x197: {  	[sflag:s20] =	ssyncset.done $0x0  }
0x198: {  	s21 =	simm.s32 $0xD;
	[sflag:s20] =	ssyncadd.s32 $0xFFFFE000  }
0x199: {  	_ =	swait.ge [sflag:s21], $0x2000  }
0x19a: {  	[sflag:s21] =	ssyncset.done $0x0  }
0x19b: {  	s3 =	simm.s32 $0xE;
	[sflag:s21] =	ssyncadd.s32 $0xFFFFE000  }
0x19c: {  	_ =	swait.ge [sflag:s3], $0x2000  }
0x19d: {  	[sflag:s3] =	ssyncset.done $0x0  }
0x19e: {  	s6 =	simm.s32 $0xF;
	[sflag:s3] =	ssyncadd.s32 $0xFFFFE000  }
0x19f: {  	_ =	swait.ge [sflag:s6], $0x2000  }
0x1a0: {  	[sflag:s6] =	ssyncset.done $0x0  }
0x1a1: {  	s19 =	simm.s32 $0x10;
	[sflag:s6] =	ssyncadd.s32 $0xFFFFE000  }
0x1a2: {  	_ =	swait.ge [sflag:s19], $0x2000  }
0x1a3: {  	[sflag:s19] =	ssyncset.done $0x0  }
0x1a4: {  	[sflag:s19] =	ssyncadd.s32 $0xFFFFE000  }
0x1a5: {  	v2 =	vld.msk [tilespmem:s26+$0x1E018], $0xff;
	_ =	sdelay $0x4  }
0x1a6: {  	v3 =	vshll.u32 v2, $0x3  }
0x1a7: {  	v2 =	vand.u32 $0x7, v2;
	v3 =	vand.u32 $0xFFFFFFC0, v3  }
0x1a8: {  	v2 =	vor.u32 v2, v3  }
0x1a9: {  	v2 =	vperm.xlane v2, v0;
	_ =	sdelay $0x1  }
0x1aa: {  	v2 =	vadd.s32 v1, v2;
	_ =	sdelay $0x3  }
0x1ab: {  	s20 =	simm.s32 $0x18000;
	s0 =	rddreg [dreg:$0x1]  }
0x1ac: {  	[tilespmem:s20], [sflag:$0x19] =	stream.indirect_vreg.gather [hbm4b:s0+s9], $0x80, v2, vm0, $0xb8;
	[tilespmem:$0x1E100] =	vst v63  }
0x1ad: {  	s21 =	simm.s32 $0x18800  }
0x1ae: {  	[tilespmem:s21], [sflag:$0x19] =	stream.indirect_vreg.gather [hbm4b:s8+s9], $0x80, v2, vm0, $0xb8;
	[tilespmem:$0x1E100] =	vst v63  }
0x1af: {  	s3 =	simm.s32 $0x19000;
	s0 =	sadd.s32 $0xC00, s28  }
0x1b0: {  	[tilespmem:s3], [sflag:$0x19] =	stream.indirect_vreg.gather [hbm4b:s10+s9], $0x80, v2, vm0, $0xb8;
	[tilespmem:$0x1E100] =	vst v63  }
0x1b1: {  	s6 =	simm.s32 $0x19800;
	s20 =	sand.u32 $0x1FFFFF80, s0  }
0x1b2: {  	[tilespmem:s6], [sflag:$0x19] =	stream.indirect_vreg.gather [hbm4b:s11+s9], $0x80, v2, vm0, $0xb8;
	[tilespmem:$0x1E100] =	vst v63  }
0x1b3: {  	s19 =	sadd.s32 s1, s0;
	s3 =	sadd.s32 s1, s20  }
0x1b4: {  	[tilespmem:s9], [sflag:$0x1] =	stream.linear.gather [hbm4b:s19+s9], $0x2000, $0x38;
	[tilespmem:$0x1E100] =	vst v63  }
0x1b5: {  	s21 =	sadd.s32 $0x100000, s3  }
0x1b6: {  	[tilespmem:s7], [sflag:$0x2] =	stream.linear.gather [hbm4b:s21+s9], $0x2000, $0x38;
	[tilespmem:$0x1E100] =	vst v63  }
0x1b7: {  	s0 =	sadd.s32 s0, s13;
	s20 =	sand.u32 $0x1C00, s9;
	s19 =	sand.u32 $0x60, s9  }
0x1b8: {  	[tilespmem:s12], [sflag:$0x3] =	stream.linear.gather [hbm4b:s0+s9], $0x2000, $0x38;
	[tilespmem:$0x1E100] =	vst v63  }
0x1b9: {  	s21 =	sor.u32 s19, s20;
	s12 =	sadd.s32 $0x300000, s3  }
0x1ba: {  	[tilespmem:s18], [sflag:$0x4] =	stream.linear.gather [hbm4b:s12+s9], $0x2000, $0x38;
	[tilespmem:$0x1E100] =	vst v63  }
0x1bb: {  	v2 =	vld [tilespmem:s21+$0x1A010]  }
0x1bc: {  	v3 =	vld [tilespmem:s21+$0x8010]  }
0x1bd: {  	v4 =	vld [tilespmem:s21+$0xA010]  }
0x1be: {  	v5 =	vld [tilespmem:s21+$0xC010]  }
0x1bf: {  	v6 =	vld [tilespmem:s21+$0xE010]  }
0x1c0: {  	v7 =	vld [tilespmem:s21+$0x1A090]  }
0x1c1: {  	v8 =	vld [tilespmem:s21+$0x8090]  }
0x1c2: {  	v9 =	vld [tilespmem:s21+$0xA090]  }
0x1c3: {  	v10 =	vld [tilespmem:s21+$0xC090]  }
0x1c4: {  	v11 =	vld [tilespmem:s21+$0xE090]  }
0x1c5: {  	v12 =	vld [tilespmem:s21+$0x1A110]  }
0x1c6: {  	v13 =	vld [tilespmem:s21+$0x8110]  }
0x1c7: {  	v14 =	vld [tilespmem:s21+$0xA110]  }
0x1c8: {  	v22 =	vld [tilespmem:s21+$0xA080];
	v3 =	vadd.f32 v3, v2  }
0x1c9: {  	v15 =	vld [tilespmem:s21+$0xC080];
	v4 =	vadd.f32 v4, v2  }
0x1ca: {  	[tilespmem:s21+$0x8010] =	vst v3;
	v3 =	vadd.f32 v5, v2;
	v5 =	vld [tilespmem:s21+$0xC110]  }
0x1cb: {  	[tilespmem:s21+$0xA010] =	vst v4;
	v2 =	vadd.f32 v6, v2;
	v4 =	vld [tilespmem:s21+$0xE110]  }
0x1cc: {  	v6 =	vld [tilespmem:s21+$0x1A190];
	[tilespmem:s21+$0xC010] =	vst v3;
	v3 =	vadd.f32 v8, v7  }
0x1cd: {  	[tilespmem:s21+$0xE010] =	vst v2;
	v2 =	vadd.f32 v9, v7;
	v8 =	vld [tilespmem:s21+$0x8190]  }
0x1ce: {  	v9 =	vld [tilespmem:s21+$0xA190];
	[tilespmem:s21+$0x8090] =	vst v3;
	v3 =	vadd.f32 v10, v7  }
0x1cf: {  	[tilespmem:s21+$0xA090] =	vst v2;
	v2 =	vadd.f32 v11, v7;
	v7 =	vld [tilespmem:s21+$0xC190]  }
0x1d0: {  	v10 =	vld [tilespmem:s21+$0xE190];
	[tilespmem:s21+$0xC090] =	vst v3;
	v3 =	vadd.f32 v13, v12  }
0x1d1: {  	v11 =	vld [tilespmem:s21+$0x1A210];
	[tilespmem:s21+$0xE090] =	vst v2;
	v2 =	vadd.f32 v14, v12  }
0x1d2: {  	[tilespmem:s21+$0x8110] =	vst v3;
	v3 =	vadd.f32 v5, v12;
	v5 =	vld [tilespmem:s21+$0x8210]  }
0x1d3: {  	[tilespmem:s21+$0xA110] =	vst v2;
	v2 =	vadd.f32 v4, v12;
	v4 =	vld [tilespmem:s21+$0xA210]  }
0x1d4: {  	[tilespmem:s21+$0xC110] =	vst v3;
	v3 =	vadd.f32 v8, v6;
	v8 =	vld [tilespmem:s21+$0xC210]  }
0x1d5: {  	[tilespmem:s21+$0xE110] =	vst v2;
	v2 =	vadd.f32 v9, v6;
	v9 =	vld [tilespmem:s21+$0xE210]  }
0x1d6: {  	[tilespmem:s21+$0x8190] =	vst v3;
	v3 =	vadd.f32 v7, v6;
	v7 =	vld [tilespmem:s21+$0x1A290]  }
0x1d7: {  	[tilespmem:s21+$0xA190] =	vst v2;
	v2 =	vadd.f32 v10, v6;
	v6 =	vld [tilespmem:s21+$0x8290]  }
0x1d8: {  	v10 =	vld [tilespmem:s21+$0x1A000]  }
0x1d9: {  	[tilespmem:s21+$0xC190] =	vst v3;
	v3 =	vadd.f32 v5, v11;
	v5 =	vld [tilespmem:s21+$0xA290]  }
0x1da: {  	[tilespmem:s21+$0xE190] =	vst v2;
	v2 =	vadd.f32 v4, v11;
	v4 =	vld [tilespmem:s21+$0xC290]  }
0x1db: {  	[tilespmem:s21+$0x8210] =	vst v3;
	v3 =	vadd.f32 v8, v11;
	v8 =	vld [tilespmem:s21+$0xE290]  }
0x1dc: {  	[tilespmem:s21+$0xA210] =	vst v2;
	v2 =	vadd.f32 v9, v11;
	v9 =	vld [tilespmem:s21+$0x8000]  }
0x1dd: {  	v25 =	vld [tilespmem:s21+$0xE180];
	[tilespmem:s21+$0xC210] =	vst v3;
	v3 =	vadd.f32 v6, v7  }
0x1de: {  	v6 =	vld [tilespmem:s21+$0xA000];
	[tilespmem:s21+$0xE210] =	vst v2;
	v2 =	vadd.f32 v5, v7  }
0x1df: {  	s3 =	sand.u32 $0x3, s9;
	v5 =	vld [tilespmem:s21+$0xC000];
	[tilespmem:s21+$0x8290] =	vst v3;
	v3 =	vadd.f32 v4, v7  }
0x1e0: {  	s0 =	sshll.u32 s3, $0x5;
	v4 =	vld [tilespmem:s21+$0xE000];
	[tilespmem:s21+$0xA290] =	vst v2;
	v2 =	vadd.f32 v8, v7  }
0x1e1: {  	s7 =	sadd.s32 $0x0, s0;
	v7 =	vld [tilespmem:s21+$0x1A080];
	v9 =	vadd.f32 v9, v10;
	[tilespmem:s21+$0xC290] =	vst v3  }
0x1e2: {  	s12 =	sadd.s32 $0x10, s7;
	v3 =	vld [tilespmem:s21+$0x8080];
	[tilespmem:s21+$0xE290] =	vst v2  }
0x1e3: {  	s19 =	sor.u32 $0x300, s12;
	[tilespmem:s21+$0x8000] =	vst v9;
	v9 =	vld [tilespmem:s21+$0xE080]  }
0x1e4: {  	v2 =	vld [tilespmem:s19+$0x1A000]  }
0x1e5: {  	v8 =	vld [tilespmem:s19+$0x8000]  }
0x1e6: {  	v6 =	vadd.f32 v6, v10;
	v11 =	vld [tilespmem:s19+$0xA000]  }
0x1e7: {  	v20 =	vld [tilespmem:s19+$0xC000];
	v5 =	vadd.f32 v5, v10  }
0x1e8: {  	v21 =	vld [tilespmem:s19+$0xE000];
	[tilespmem:s21+$0xA000] =	vst v6;
	v4 =	vadd.f32 v4, v10  }
0x1e9: {  	v6 =	vld [tilespmem:s21+$0x1A100];
	[tilespmem:s21+$0xC000] =	vst v5;
	v23 =	vadd.f32 v22, v7  }
0x1ea: {  	v10 =	vld [tilespmem:s21+$0xC100];
	v24 =	vadd.f32 v15, v7;
	[tilespmem:s21+$0xE000] =	vst v4  }
0x1eb: {  	v5 =	vld [tilespmem:s21+$0x8100];
	v3 =	vadd.f32 v3, v7;
	[tilespmem:s21+$0xA080] =	vst v23  }
0x1ec: {  	v7 =	vadd.f32 v9, v7;
	v9 =	vld [tilespmem:s21+$0xC180];
	[tilespmem:s21+$0xC080] =	vst v24;
	v4 =	vadd.f32 v8, v2  }
0x1ed: {  	v8 =	vld [tilespmem:s21+$0xA100];
	[tilespmem:s21+$0x8080] =	vst v3;
	v3 =	vadd.f32 v11, v2  }
0x1ee: {  	v11 =	vld [tilespmem:s21+$0xE100];
	[tilespmem:s19+$0x8000] =	vst v4;
	v4 =	vadd.f32 v20, v2  }
0x1ef: {  	[tilespmem:s19+$0xA000] =	vst v3;
	v2 =	vadd.f32 v21, v2;
	v3 =	vld [tilespmem:s21+$0x1A180]  }
0x1f0: {  	v5 =	vadd.f32 v5, v6;
	[tilespmem:s19+$0xC000] =	vst v4;
	v4 =	vld [tilespmem:s21+$0x8180]  }
0x1f1: {  	[tilespmem:s19+$0xE000] =	vst v2;
	v2 =	vld [tilespmem:s21+$0xA180]  }
0x1f2: {  	[tilespmem:s21+$0x8100] =	vst v5;
	v5 =	vadd.f32 v10, v6;
	v10 =	vld [tilespmem:s21+$0x8200]  }
0x1f3: {  	[tilespmem:s21+$0xE080] =	vst v7;
	v7 =	vadd.f32 v8, v6;
	v8 =	vld [tilespmem:s21+$0x1A200]  }
0x1f4: {  	v6 =	vadd.f32 v11, v6;
	[tilespmem:s21+$0xC100] =	vst v5;
	v5 =	vld [tilespmem:s21+$0xC200]  }
0x1f5: {  	[tilespmem:s21+$0xA100] =	vst v7;
	v7 =	vld [tilespmem:s21+$0xA200];
	v4 =	vadd.f32 v4, v3  }
0x1f6: {  	[tilespmem:s21+$0xE100] =	vst v6;
	v6 =	vld [tilespmem:s21+$0xE200];
	v2 =	vadd.f32 v2, v3  }
0x1f7: {  	[tilespmem:s21+$0x8180] =	vst v4;
	v4 =	vadd.f32 v9, v3;
	v9 =	vld [tilespmem:s21+$0x1A280]  }
0x1f8: {  	[tilespmem:s21+$0xA180] =	vst v2;
	v2 =	vadd.f32 v25, v3;
	v3 =	vld [tilespmem:s21+$0x8280]  }
0x1f9: {  	[tilespmem:s21+$0xC180] =	vst v4;
	v4 =	vadd.f32 v10, v8;
	v10 =	vld [tilespmem:s21+$0xA280]  }
0x1fa: {  	[tilespmem:s21+$0xE180] =	vst v2;
	v2 =	vadd.f32 v7, v8;
	v7 =	vld [tilespmem:s21+$0xC280]  }
0x1fb: {  	[tilespmem:s21+$0x8200] =	vst v4;
	v4 =	vadd.f32 v5, v8;
	v5 =	vld [tilespmem:s21+$0xE280]  }
0x1fc: {  	[tilespmem:s21+$0xA200] =	vst v2;
	v2 =	vadd.f32 v6, v8  }
0x1fd: {  	[tilespmem:s21+$0xC200] =	vst v4;
	v4 =	vadd.f32 v3, v9  }
0x1fe: {  	s3 =	sor.u32 $0x380, s12;
	[tilespmem:s21+$0xE200] =	vst v2;
	v6 =	vadd.f32 v10, v9  }
0x1ff: {  	v3 =	vld [tilespmem:s3+$0x1A000];
	[tilespmem:s21+$0x8280] =	vst v4;
	v4 =	vadd.f32 v7, v9  }
0x200: {  	v2 =	vld [tilespmem:s3+$0xE000];
	[tilespmem:s21+$0xA280] =	vst v6;
	v5 =	vadd.f32 v5, v9  }
0x201: {  	[tilespmem:s21+$0xC280] =	vst v4;
	v4 =	vld [tilespmem:s3+$0x8000]  }
0x202: {  	s31 =	sor.u32 $0x300, s7;
	[tilespmem:s21+$0xE280] =	vst v5;
	v5 =	vld [tilespmem:s3+$0xA000]  }
0x203: {  	v7 =	vld [tilespmem:s31+$0x1A000]  }
0x204: {  	v8 =	vld [tilespmem:s31+$0x8000]  }
0x205: {  	s18 =	simm.s32 $0x100;
	s19 =	simm.s32 $0x20;
	v9 =	vld [tilespmem:s31+$0xA000]  }
0x206: {  	s20 =	sand.u32 $0x60, s19;
	s21 =	sand.u32 $0x1C00, s18;
	v44 =	vld [tilespmem:s31+$0xC000]  }
0x207: {  	s20 =	sor.u32 s20, s21;
	v45 =	vld [tilespmem:s31+$0xE000]  }
0x208: {  	v6 =	vld [tilespmem:s20+$0x1A010]  }
0x209: {  	v10 =	vld [tilespmem:s20+$0x8010]  }
0x20a: {  	v11 =	vld [tilespmem:s20+$0xA010]  }
0x20b: {  	v26 =	vld [tilespmem:s20+$0xC010]  }
0x20c: {  	v27 =	vld [tilespmem:s20+$0xE010]  }
0x20d: {  	v28 =	vld [tilespmem:s20+$0x1A090]  }
0x20e: {  	v29 =	vld [tilespmem:s20+$0x8090]  }
0x20f: {  	v16 =	vld [tilespmem:s20+$0xA090]  }
0x210: {  	v17 =	vld [tilespmem:s20+$0xC090]  }
0x211: {  	v18 =	vld [tilespmem:s20+$0xE090]  }
0x212: {  	v19 =	vld [tilespmem:s20+$0x1A110]  }
0x213: {  	v40 =	vld [tilespmem:s20+$0x1A290]  }
0x214: {  	v42 =	vld [tilespmem:s20+$0xA290]  }
0x215: {  	v2 =	vadd.f32 v2, v3;
	v20 =	vld [tilespmem:s20+$0x8110]  }
0x216: {  	v21 =	vld [tilespmem:s20+$0xA110];
	v9 =	vadd.f32 v9, v7  }
0x217: {  	v30 =	vld [tilespmem:s20+$0xC110];
	[tilespmem:s3+$0xE000] =	vst v2;
	v10 =	vadd.f32 v10, v6  }
0x218: {  	v31 =	vld [tilespmem:s20+$0x1A190];
	v11 =	vadd.f32 v11, v6;
	[tilespmem:s31+$0xA000] =	vst v9  }
0x219: {  	v32 =	vld [tilespmem:s20+$0x8190];
	v12 =	vadd.f32 v42, v40;
	[tilespmem:s20+$0x8010] =	vst v10  }
0x21a: {  	v33 =	vld [tilespmem:s20+$0xA190];
	v10 =	vadd.f32 v26, v6;
	[tilespmem:s20+$0xA010] =	vst v11  }
0x21b: {  	v34 =	vld [tilespmem:s20+$0xC190];
	v6 =	vadd.f32 v27, v6;
	[tilespmem:s20+$0xA290] =	vst v12  }
0x21c: {  	v35 =	vld [tilespmem:s20+$0xE190];
	[tilespmem:s20+$0xC010] =	vst v10;
	v10 =	vadd.f32 v29, v28  }
0x21d: {  	v36 =	vld [tilespmem:s20+$0x1A210];
	[tilespmem:s20+$0xE010] =	vst v6;
	v6 =	vadd.f32 v16, v28  }
0x21e: {  	v11 =	vld [tilespmem:s20+$0xE110];
	[tilespmem:s20+$0x8090] =	vst v10;
	v10 =	vadd.f32 v17, v28  }
0x21f: {  	v37 =	vld [tilespmem:s20+$0x8210];
	[tilespmem:s20+$0xA090] =	vst v6;
	v6 =	vadd.f32 v18, v28  }
0x220: {  	v38 =	vld [tilespmem:s20+$0xC210];
	[tilespmem:s20+$0xC090] =	vst v10;
	v10 =	vadd.f32 v20, v19  }
0x221: {  	v39 =	vld [tilespmem:s20+$0xE210];
	[tilespmem:s20+$0xE090] =	vst v6;
	v6 =	vadd.f32 v21, v19  }
0x222: {  	v41 =	vld [tilespmem:s20+$0x8290];
	[tilespmem:s20+$0x8110] =	vst v10;
	v10 =	vadd.f32 v30, v19  }
0x223: {  	v43 =	vld [tilespmem:s20+$0xE290];
	[tilespmem:s20+$0xA110] =	vst v6;
	v6 =	vadd.f32 v11, v19  }
0x224: {  	v11 =	vld [tilespmem:s20+$0xA210];
	[tilespmem:s20+$0xC110] =	vst v10;
	v10 =	vadd.f32 v32, v31  }
0x225: {  	v46 =	vld [tilespmem:s20+$0x1A000];
	[tilespmem:s20+$0xE110] =	vst v6;
	v6 =	vadd.f32 v33, v31  }
0x226: {  	v48 =	vld [tilespmem:s20+$0xA000];
	[tilespmem:s20+$0x8190] =	vst v10;
	v10 =	vadd.f32 v34, v31  }
0x227: {  	v52 =	vld [tilespmem:s20+$0xA080];
	[tilespmem:s20+$0xA190] =	vst v6;
	v6 =	vadd.f32 v35, v31  }
0x228: {  	v54 =	vld [tilespmem:s20+$0xC080];
	[tilespmem:s20+$0xC190] =	vst v10;
	v10 =	vadd.f32 v37, v36  }
0x229: {  	v47 =	vadd.f32 v43, v40;
	[tilespmem:s20+$0xE190] =	vst v6;
	v6 =	vadd.f32 v11, v36;
	v11 =	vld [tilespmem:s20+$0xC290]  }
0x22a: {  	v55 =	vld [tilespmem:s20+$0xE080];
	[tilespmem:s20+$0x8210] =	vst v10;
	v10 =	vadd.f32 v38, v36  }
0x22b: {  	s29 =	simm.s32 $0x1;
	v56 =	vld [tilespmem:s20+$0x1A100];
	[tilespmem:s20+$0xE290] =	vst v47;
	v16 =	vadd.f32 v39, v36  }
0x22c: {  	s6 =	sand.u32 $0x3, s29;
	v57 =	vld [tilespmem:s20+$0xC100];
	[tilespmem:s20+$0xC210] =	vst v10;
	v10 =	vadd.f32 v41, v40  }
0x22d: {  	s0 =	sshll.u32 s6, $0x5;
	v58 =	vld [tilespmem:s20+$0x1A180];
	[tilespmem:s20+$0xE210] =	vst v16  }
0x22e: {  	s21 =	sadd.s32 $0x100, s0;
	v9 =	vld [tilespmem:s20+$0xE000];
	[tilespmem:s20+$0x8290] =	vst v10;
	v10 =	vadd.f32 v11, v40  }
0x22f: {  	s0 =	sadd.s32 $0x10, s21;
	v4 =	vadd.f32 v4, v3;
	[tilespmem:s20+$0xA210] =	vst v6;
	v11 =	vld [tilespmem:s20+$0x8000]  }
0x230: {  	s7 =	sor.u32 $0x300, s0;
	v2 =	vadd.f32 v5, v3;
	[tilespmem:s20+$0xC290] =	vst v10;
	v10 =	vld [tilespmem:s20+$0xC000]  }
0x231: {  	v8 =	vadd.f32 v8, v7;
	[tilespmem:s3+$0x8000] =	vst v4;
	v12 =	vld [tilespmem:s7+$0x1A000]  }
0x232: {  	[tilespmem:s3+$0xA000] =	vst v2;
	v14 =	vadd.f32 v48, v46;
	v49 =	vld [tilespmem:s7+$0x8000]  }
0x233: {  	[tilespmem:s31+$0x8000] =	vst v8;
	v8 =	vadd.f32 v44, v7;
	v16 =	vld [tilespmem:s7+$0xA000]  }
0x234: {  	[tilespmem:s20+$0xA000] =	vst v14;
	v50 =	vld [tilespmem:s7+$0xC000];
	v4 =	vadd.f32 v11, v46  }
0x235: {  	v7 =	vadd.f32 v45, v7;
	[tilespmem:s31+$0xC000] =	vst v8;
	v51 =	vld [tilespmem:s7+$0xE000]  }
0x236: {  	v8 =	vld [tilespmem:s20+$0x1A080];
	[tilespmem:s20+$0x8000] =	vst v4;
	v4 =	vadd.f32 v10, v46  }
0x237: {  	[tilespmem:s31+$0xE000] =	vst v7;
	v7 =	vld [tilespmem:s20+$0x8080];
	v15 =	vadd.f32 v49, v12  }
0x238: {  	v59 =	vld [tilespmem:s20+$0x8180];
	v16 =	vadd.f32 v16, v12;
	[tilespmem:s20+$0xC000] =	vst v4  }
0x239: {  	v60 =	vld [tilespmem:s20+$0x1A200];
	v53 =	vadd.f32 v50, v12;
	[tilespmem:s7+$0x8000] =	vst v15  }
0x23a: {  	v61 =	vld [tilespmem:s20+$0xC200];
	v12 =	vadd.f32 v51, v12;
	[tilespmem:s7+$0xA000] =	vst v16  }
0x23b: {  	v5 =	vld [tilespmem:s20+$0x8100];
	v9 =	vadd.f32 v9, v46;
	[tilespmem:s7+$0xC000] =	vst v53  }
0x23c: {  	s6 =	sor.u32 $0x380, s0;
	v11 =	vld [tilespmem:s20+$0xA100];
	v4 =	vadd.f32 v7, v8;
	[tilespmem:s7+$0xE000] =	vst v12  }
0x23d: {  	[tilespmem:s20+$0xE000] =	vst v9;
	v9 =	vadd.f32 v52, v8;
	v2 =	vld [tilespmem:s6+$0x1A000]  }
0x23e: {  	v10 =	vld [tilespmem:s6+$0xE000];
	[tilespmem:s20+$0x8080] =	vst v4;
	v4 =	vadd.f32 v54, v8  }
0x23f: {  	[tilespmem:s20+$0xA080] =	vst v9;
	v7 =	vld [tilespmem:s20+$0xE100];
	v8 =	vadd.f32 v55, v8  }
0x240: {  	v62 =	vld [tilespmem:s20+$0xE280];
	[tilespmem:s20+$0xC080] =	vst v4;
	v4 =	vadd.f32 v5, v56  }
0x241: {  	v9 =	vld [tilespmem:s20+$0xA180];
	[tilespmem:s20+$0xE080] =	vst v8;
	v8 =	vadd.f32 v11, v56  }
0x242: {  	v5 =	vld [tilespmem:s20+$0xC180];
	[tilespmem:s20+$0x8100] =	vst v4;
	v4 =	vadd.f32 v57, v56  }
0x243: {  	v11 =	vld [tilespmem:s20+$0xE180];
	[tilespmem:s20+$0xA100] =	vst v8;
	v8 =	vadd.f32 v10, v2  }
0x244: {  	v10 =	vld [tilespmem:s20+$0x8200];
	[tilespmem:s20+$0xC100] =	vst v4;
	v4 =	vadd.f32 v7, v56  }
0x245: {  	v7 =	vld [tilespmem:s20+$0xA200];
	[tilespmem:s6+$0xE000] =	vst v8;
	v8 =	vadd.f32 v59, v58  }
0x246: {  	[tilespmem:s20+$0xE100] =	vst v4;
	v4 =	vadd.f32 v9, v58;
	v9 =	vld [tilespmem:s20+$0xE200]  }
0x247: {  	v5 =	vadd.f32 v5, v58;
	[tilespmem:s20+$0x8180] =	vst v8;
	v8 =	vld [tilespmem:s20+$0x1A280]  }
0x248: {  	[tilespmem:s20+$0xA180] =	vst v4;
	v4 =	vadd.f32 v11, v58;
	v11 =	vld [tilespmem:s20+$0x8280]  }
0x249: {  	[tilespmem:s20+$0xC180] =	vst v5;
	v5 =	vadd.f32 v10, v60;
	v10 =	vld [tilespmem:s20+$0xA280]  }
0x24a: {  	s12 =	sor.u32 s9, s9;
	[tilespmem:s20+$0xE180] =	vst v4;
	v4 =	vadd.f32 v7, v60;
	v7 =	vld [tilespmem:s20+$0xC280]  }
0x24b: {  	s9 =	sor.u32 $0x380, s12;
	v6 =	vld [tilespmem:s3+$0xC000];
	[tilespmem:s20+$0x8200] =	vst v5;
	v5 =	vadd.f32 v61, v60  }
0x24c: {  	[tilespmem:s20+$0xA200] =	vst v4;
	v4 =	vadd.f32 v9, v60;
	v9 =	vld [tilespmem:s9+$0x1A000]  }
0x24d: {  	[tilespmem:s20+$0xC200] =	vst v5;
	v5 =	vadd.f32 v11, v8;
	v11 =	vld [tilespmem:s9+$0x8000]  }
0x24e: {  	[tilespmem:s20+$0xE200] =	vst v4;
	v4 =	vadd.f32 v10, v8;
	v10 =	vld [tilespmem:s9+$0xA000]  }
0x24f: {  	[tilespmem:s20+$0x8280] =	vst v5;
	v5 =	vadd.f32 v7, v8;
	v7 =	vld [tilespmem:s9+$0xC000]  }
0x250: {  	[tilespmem:s20+$0xA280] =	vst v4;
	v4 =	vadd.f32 v62, v8;
	v8 =	vld [tilespmem:s9+$0xE000]  }
0x251: {  	v3 =	vadd.f32 v6, v3;
	v63 =	vld [tilespmem:s6+$0x8000];
	[tilespmem:s20+$0xC280] =	vst v5  }
0x252: {  	s31 =	sor.u32 $0x300, s21;
	[tilespmem:s20+$0xE280] =	vst v4;
	v4 =	vld [tilespmem:s6+$0xA000];
	v6 =	vadd.f32 v11, v9  }
0x253: {  	[tilespmem:s3+$0xC000] =	vst v3;
	v3 =	vld [tilespmem:s31+$0x1A000];
	v10 =	vadd.f32 v10, v9  }
0x254: {  	v5 =	vld [tilespmem:s31+$0x8000];
	[tilespmem:s9+$0x8000] =	vst v6;
	v11 =	vadd.f32 v7, v9  }
0x255: {  	s21 =	sor.u32 s18, s19;
	s18 =	simm.s32 $0x2;
	v6 =	vld [tilespmem:s31+$0xA000];
	[tilespmem:s9+$0xA000] =	vst v10;
	v8 =	vadd.f32 v8, v9  }
0x256: {  	s19 =	simm.s32 $0x200;
	s3 =	sor.u32 $0x380, s21;
	s20 =	simm.s32 $0x40;
	v7 =	vld [tilespmem:s31+$0xC000];
	v9 =	vadd.f32 v63, v2;
	[tilespmem:s9+$0xC000] =	vst v11  }
.LBB2_5:
0x257: {  	s0 =	sand.u32 $0x60, s20;
	s7 =	sand.u32 $0x1C00, s19;
	s12 =	sor.u32 s19, s20;
	v10 =	vld [tilespmem:s31+$0xE000];
	v4 =	vadd.f32 v4, v2;
	[tilespmem:s9+$0xE000] =	vst v8  }
0x258: {  	s9 =	smov.u32 s3;
	s21 =	sor.u32 s0, s7;
	[tilespmem:s6+$0x8000] =	vst v9;
	v8 =	vld [tilespmem:s6+$0xC000];
	s3 =	sor.u32 $0x380, s12  }
0x259: {  	v9 =	vld [tilespmem:s21+$0x1A010];
	v5 =	vadd.f32 v5, v3;
	[tilespmem:s6+$0xA000] =	vst v4  }
0x25a: {  	v4 =	vld [tilespmem:s21+$0x8010];
	v6 =	vadd.f32 v6, v3  }
0x25b: {  	v11 =	vld [tilespmem:s21+$0xA010];
	[tilespmem:s31+$0x8000] =	vst v5;
	v5 =	vadd.f32 v7, v3  }
0x25c: {  	v7 =	vld [tilespmem:s21+$0xC010];
	[tilespmem:s31+$0xA000] =	vst v6;
	v3 =	vadd.f32 v10, v3  }
0x25d: {  	v6 =	vld [tilespmem:s21+$0xE010];
	[tilespmem:s31+$0xC000] =	vst v5;
	v2 =	vadd.f32 v8, v2  }
0x25e: {  	v5 =	vld [tilespmem:s21+$0x1A090];
	[tilespmem:s31+$0xE000] =	vst v3  }
0x25f: {  	v3 =	vld [tilespmem:s21+$0x8090];
	[tilespmem:s6+$0xC000] =	vst v2  }
0x260: {  	v2 =	vld [tilespmem:s21+$0xA090]  }
0x261: {  	v8 =	vld [tilespmem:s21+$0xC090]  }
0x262: {  	v10 =	vld [tilespmem:s21+$0xE090]  }
0x263: {  	v12 =	vld [tilespmem:s21+$0x1A110]  }
0x264: {  	v4 =	vadd.f32 v4, v9;
	v13 =	vld [tilespmem:s21+$0x8110]  }
0x265: {  	v11 =	vadd.f32 v11, v9;
	v14 =	vld [tilespmem:s21+$0xA110]  }
0x266: {  	[tilespmem:s21+$0x8010] =	vst v4;
	v4 =	vadd.f32 v7, v9;
	v7 =	vld [tilespmem:s21+$0xC110]  }
0x267: {  	v6 =	vadd.f32 v6, v9;
	[tilespmem:s21+$0xA010] =	vst v11;
	v9 =	vld [tilespmem:s21+$0xE110]  }
0x268: {  	v3 =	vadd.f32 v3, v5;
	[tilespmem:s21+$0xC010] =	vst v4;
	v4 =	vld [tilespmem:s21+$0x1A190]  }
0x269: {  	v2 =	vadd.f32 v2, v5;
	[tilespmem:s21+$0xE010] =	vst v6;
	v6 =	vld [tilespmem:s21+$0x8190]  }
0x26a: {  	[tilespmem:s21+$0x8090] =	vst v3;
	v3 =	vadd.f32 v8, v5;
	v8 =	vld [tilespmem:s21+$0xA190]  }
0x26b: {  	[tilespmem:s21+$0xA090] =	vst v2;
	v2 =	vadd.f32 v10, v5;
	v5 =	vld [tilespmem:s21+$0xC190]  }
0x26c: {  	[tilespmem:s21+$0xC090] =	vst v3;
	v3 =	vadd.f32 v13, v12;
	v10 =	vld [tilespmem:s21+$0xE190]  }
0x26d: {  	[tilespmem:s21+$0xE090] =	vst v2;
	v2 =	vadd.f32 v14, v12;
	v11 =	vld [tilespmem:s21+$0x1A210]  }
0x26e: {  	[tilespmem:s21+$0x8110] =	vst v3;
	v3 =	vadd.f32 v7, v12;
	v7 =	vld [tilespmem:s21+$0x8210]  }
0x26f: {  	[tilespmem:s21+$0xA110] =	vst v2;
	v2 =	vadd.f32 v9, v12;
	v9 =	vld [tilespmem:s21+$0xA210]  }
0x270: {  	[tilespmem:s21+$0xC110] =	vst v3;
	v3 =	vadd.f32 v6, v4;
	v6 =	vld [tilespmem:s21+$0xC210]  }
0x271: {  	[tilespmem:s21+$0xE110] =	vst v2;
	v2 =	vadd.f32 v8, v4;
	v8 =	vld [tilespmem:s21+$0xE210]  }
0x272: {  	[tilespmem:s21+$0x8190] =	vst v3;
	v3 =	vadd.f32 v5, v4;
	v5 =	vld [tilespmem:s21+$0x1A290]  }
0x273: {  	[tilespmem:s21+$0xA190] =	vst v2;
	v2 =	vadd.f32 v10, v4;
	v4 =	vld [tilespmem:s21+$0x8290]  }
0x274: {  	[tilespmem:s21+$0xC190] =	vst v3;
	v3 =	vadd.f32 v7, v11;
	v7 =	vld [tilespmem:s21+$0xA290]  }
0x275: {  	[tilespmem:s21+$0xE190] =	vst v2;
	v2 =	vadd.f32 v9, v11;
	v9 =	vld [tilespmem:s21+$0xC290]  }
0x276: {  	[tilespmem:s21+$0x8210] =	vst v3;
	v3 =	vadd.f32 v6, v11;
	v6 =	vld [tilespmem:s21+$0xE290]  }
0x277: {  	v10 =	vld [tilespmem:s21+$0x1A000];
	[tilespmem:s21+$0xA210] =	vst v2;
	v2 =	vadd.f32 v8, v11  }
0x278: {  	s29 =	sadd.s32 $0x1, s29;
	v8 =	vld [tilespmem:s21+$0x8000];
	[tilespmem:s21+$0xC210] =	vst v3;
	v3 =	vadd.f32 v4, v5  }
0x279: {  	s18 =	sadd.s32 $0x2, s18;
	s0 =	sand.u32 $0x3, s29;
	v4 =	vld [tilespmem:s21+$0xA000];
	[tilespmem:s21+$0xE210] =	vst v2;
	v2 =	vadd.f32 v7, v5  }
0x27a: {  	p0 =	slt.u32 s18, $0x3E;
	s0 =	sshll.u32 s0, $0x5;
	v7 =	vld [tilespmem:s21+$0xC000];
	[tilespmem:s21+$0x8290] =	vst v3;
	v3 =	vadd.f32 v9, v5  }
0x27b: {  	s0 =	sadd.s32 s0, s19;
	v9 =	vld [tilespmem:s21+$0xE000];
	[tilespmem:s21+$0xA290] =	vst v2;
	v2 =	vadd.f32 v6, v5  }
0x27c: {  	s31 =	sor.u32 $0x300, s0;
	s0 =	sadd.s32 $0x10, s0;
	v5 =	vld [tilespmem:s21+$0x1A080];
	[tilespmem:s21+$0xC290] =	vst v3  }
0x27d: {  	s6 =	sor.u32 $0x300, s0;
	v3 =	vadd.f32 v8, v10;
	v6 =	vld [tilespmem:s21+$0x8080];
	[tilespmem:s21+$0xE290] =	vst v2  }
0x27e: {  	v2 =	vadd.f32 v4, v10;
	v4 =	vld [tilespmem:s6+$0x1A000]  }
0x27f: {  	[tilespmem:s21+$0x8000] =	vst v3;
	v3 =	vadd.f32 v7, v10;
	v7 =	vld [tilespmem:s6+$0x8000]  }
0x280: {  	[tilespmem:s21+$0xA000] =	vst v2;
	v2 =	vadd.f32 v9, v10;
	v8 =	vld [tilespmem:s6+$0xA000]  }
0x281: {  	[tilespmem:s21+$0xC000] =	vst v3;
	v3 =	vld [tilespmem:s6+$0xC000]  }
0x282: {  	[tilespmem:s21+$0xE000] =	vst v2;
	v2 =	vadd.f32 v6, v5;
	v6 =	vld [tilespmem:s6+$0xE000]  }
0x283: {  	v9 =	vld [tilespmem:s21+$0xA080]  }
0x284: {  	[tilespmem:s21+$0x8080] =	vst v2;
	v2 =	vld [tilespmem:s21+$0xC080];
	v7 =	vadd.f32 v7, v4  }
0x285: {  	v10 =	vld [tilespmem:s21+$0xE080];
	v8 =	vadd.f32 v8, v4  }
0x286: {  	v11 =	vld [tilespmem:s21+$0x1A100];
	[tilespmem:s6+$0x8000] =	vst v7;
	v3 =	vadd.f32 v3, v4  }
0x287: {  	v7 =	vld [tilespmem:s21+$0x8100];
	[tilespmem:s6+$0xA000] =	vst v8;
	v4 =	vadd.f32 v6, v4  }
0x288: {  	v6 =	vadd.f32 v9, v5;
	v8 =	vld [tilespmem:s21+$0xA100];
	[tilespmem:s6+$0xC000] =	vst v3  }
0x289: {  	v3 =	vadd.f32 v2, v5;
	v9 =	vld [tilespmem:s21+$0xC100];
	[tilespmem:s6+$0xE000] =	vst v4;
	s6 =	sor.u32 $0x380, s0  }
0x28a: {  	[tilespmem:s21+$0xA080] =	vst v6;
	v4 =	vadd.f32 v10, v5;
	v2 =	vld [tilespmem:s6+$0x1A000]  }
0x28b: {  	[tilespmem:s21+$0xC080] =	vst v3;
	v3 =	vld [tilespmem:s6+$0xE000]  }
0x28c: {  	[tilespmem:s21+$0xE080] =	vst v4;
	v4 =	vadd.f32 v7, v11;
	v5 =	vld [tilespmem:s21+$0xE100]  }
0x28d: {  	v6 =	vadd.f32 v8, v11;
	v7 =	vld [tilespmem:s21+$0x1A180]  }
0x28e: {  	[tilespmem:s21+$0x8100] =	vst v4;
	v4 =	vadd.f32 v9, v11;
	v8 =	vld [tilespmem:s21+$0x8180]  }
0x28f: {  	[tilespmem:s21+$0xA100] =	vst v6;
	v6 =	vld [tilespmem:s21+$0xA180]  }
0x290: {  	[tilespmem:s21+$0xC100] =	vst v4;
	v4 =	vld [tilespmem:s21+$0xC180];
	v3 =	vadd.f32 v3, v2  }
0x291: {  	v5 =	vadd.f32 v5, v11;
	v9 =	vld [tilespmem:s21+$0xE180]  }
0x292: {  	v10 =	vld [tilespmem:s21+$0x1A200];
	[tilespmem:s6+$0xE000] =	vst v3  }
0x293: {  	[tilespmem:s21+$0xE100] =	vst v5;
	v3 =	vadd.f32 v8, v7;
	v5 =	vld [tilespmem:s21+$0x8200]  }
0x294: {  	v6 =	vadd.f32 v6, v7;
	v8 =	vld [tilespmem:s21+$0xA200]  }
0x295: {  	[tilespmem:s21+$0x8180] =	vst v3;
	v3 =	vadd.f32 v4, v7;
	v4 =	vld [tilespmem:s21+$0xC200]  }
0x296: {  	[tilespmem:s21+$0xA180] =	vst v6;
	v6 =	vadd.f32 v9, v7;
	v7 =	vld [tilespmem:s21+$0xE200]  }
0x297: {  	[tilespmem:s21+$0xC180] =	vst v3;
	v3 =	vld [tilespmem:s21+$0x1A280]  }
0x298: {  	[tilespmem:s21+$0xE180] =	vst v6;
	v5 =	vadd.f32 v5, v10;
	v6 =	vld [tilespmem:s21+$0x8280]  }
0x299: {  	v8 =	vadd.f32 v8, v10;
	v9 =	vld [tilespmem:s21+$0xA280]  }
0x29a: {  	[tilespmem:s21+$0x8200] =	vst v5;
	v4 =	vadd.f32 v4, v10;
	v5 =	vld [tilespmem:s21+$0xC280]  }
0x29b: {  	[tilespmem:s21+$0xA200] =	vst v8;
	v7 =	vadd.f32 v7, v10;
	v8 =	vld [tilespmem:s21+$0xE280]  }
0x29c: {  	[tilespmem:s21+$0xC200] =	vst v4;
	v10 =	vld [tilespmem:s9+$0x1A000]  }
0x29d: {  	[tilespmem:s21+$0xE200] =	vst v7;
	v4 =	vadd.f32 v6, v3;
	v6 =	vld [tilespmem:s9+$0x8000]  }
0x29e: {  	v7 =	vadd.f32 v9, v3;
	v9 =	vld [tilespmem:s9+$0xA000]  }
0x29f: {  	[tilespmem:s21+$0x8280] =	vst v4;
	v4 =	vadd.f32 v5, v3;
	v11 =	vld [tilespmem:s9+$0xC000]  }
0x2a0: {  	[tilespmem:s21+$0xA280] =	vst v7;
	v3 =	vadd.f32 v8, v3;
	v7 =	vld [tilespmem:s9+$0xE000]  }
0x2a1: {  	[tilespmem:s21+$0xC280] =	vst v4;
	v12 =	vld [tilespmem:s6+$0x8000]  }
.Ltmp1:
0x2a2: {  	[tilespmem:s21+$0xE280] =	vst v3;
	v4 =	vld [tilespmem:s6+$0xA000];
	v6 =	vadd.f32 v6, v10;
	(pc) =	sbr.rel @p0 .LBB2_5-.Ltmp1, $4  }
0x2a3: {  	v3 =	vld [tilespmem:s31+$0x1A000];
	v8 =	vadd.f32 v9, v10  }
0x2a4: {  	v5 =	vld [tilespmem:s31+$0x8000];
	[tilespmem:s9+$0x8000] =	vst v6;
	v11 =	vadd.f32 v11, v10  }
0x2a5: {  	v6 =	vld [tilespmem:s31+$0xA000];
	[tilespmem:s9+$0xA000] =	vst v8;
	v8 =	vadd.f32 v7, v10  }
0x2a6: {  	s20 =	sadd.s32 $0x20, s20;
	s19 =	sadd.s32 $0x100, s19;
	v7 =	vld [tilespmem:s31+$0xC000];
	v9 =	vadd.f32 v12, v2;
	[tilespmem:s9+$0xC000] =	vst v11  }
0x2a7: {  	v10 =	vld [tilespmem:s31+$0xE000];
	_ =	sdelay $0x1  }
0x2a8: {  	v5 =	vadd.f32 v5, v3  }
0x2a9: {  	v6 =	vadd.f32 v6, v3  }
0x2aa: {  	[tilespmem:s31+$0x8000] =	vst v5;
	v5 =	vadd.f32 v7, v3  }
0x2ab: {  	[tilespmem:s31+$0xA000] =	vst v6;
	v3 =	vadd.f32 v10, v3  }
0x2ac: {  	[tilespmem:s31+$0xC000] =	vst v5  }
0x2ad: {  	v5 =	vld [tilespmem:s6+$0xC000];
	[tilespmem:s31+$0xE000] =	vst v3  }
0x2ae: {  	v3 =	vld [tilespmem:s3+$0x1A000]  }
0x2af: {  	v6 =	vld [tilespmem:s3+$0x8000]  }
0x2b0: {  	v7 =	vld [tilespmem:s3+$0xA000];
	_ =	sdelay $0x1  }
0x2b1: {  	v4 =	vadd.f32 v4, v2;
	[tilespmem:s9+$0xE000] =	vst v8  }
0x2b2: {  	[tilespmem:s6+$0x8000] =	vst v9;
	v9 =	vld [tilespmem:s3+$0xC000];
	v2 =	vadd.f32 v5, v2  }
0x2b3: {  	[tilespmem:s6+$0xA000] =	vst v4;
	v10 =	vld [tilespmem:s3+$0xE000];
	v4 =	vadd.f32 v6, v3  }
0x2b4: {  	[tilespmem:s6+$0xC000] =	vst v2;
	v2 =	vadd.f32 v7, v3  }
0x2b5: {  	[tilespmem:s3+$0x8000] =	vst v4  }
0x2b6: {  	[tilespmem:s3+$0xA000] =	vst v2  }
0x2b7: {  	v4 =	vadd.f32 v9, v3;
	s0 =	rddreg [dreg:$0x18]  }
0x2b8: {  	v2 =	vadd.f32 v10, v3;
	s0 =	sadd.s32 s26, s0  }
0x2b9: {  	s9 =	simm.s32 $0x0;
	[tilespmem:s3+$0xC000] =	vst v4;
	s0 =	sshll.u32 s0, $0x7  }
0x2ba: {  	s29 =	simm.s32 $0x8000;
	[tilespmem:s3+$0xE000] =	vst v2;
	s18 =	sadd.s32 s4, s0;
	s19 =	sand.u32 $0x1FFFFF80, s0  }
0x2bb: {  	[hbm4b:s18+s9] =	stream.linear.scatter [tilespmem:s29], [sflag:$0x11], $0x2000, $0x38;
	[tilespmem:$0x1E100] =	vst v63  }
0x2bc: {  	s3 =	sadd.s32 s4, s19  }
0x2bd: {  	s31 =	simm.s32 $0xA000;
	s20 =	sadd.s32 $0x100000, s3  }
0x2be: {  	[hbm4b:s20+s9] =	stream.linear.scatter [tilespmem:s31], [sflag:$0x12], $0x2000, $0x38;
	[tilespmem:$0x1E100] =	vst v63  }
0x2bf: {  	s7 =	simm.s32 $0xC000;
	s0 =	sadd.s32 s0, s30  }
0x2c0: {  	[hbm4b:s0+s9] =	stream.linear.scatter [tilespmem:s7], [sflag:$0x13], $0x2000, $0x38;
	[tilespmem:$0x1E100] =	vst v63  }
0x2c1: {  	s12 =	simm.s32 $0xE000;
	s21 =	sadd.s32 $0x300000, s3;
	s3 =	simm.s32 $0x1B  }
0x2c2: {  	[hbm4b:s21+s9] =	stream.linear.scatter [tilespmem:s12], [sflag:$0x14], $0x2000, $0x38;
	[tilespmem:$0x1E100] =	vst v63  }
0x2c3: {  	_ =	swait.ge [sflag:s3], $0x2000  }
0x2c4: {  	[sflag:s3] =	ssyncset.done $0x0  }
0x2c5: {  	s6 =	simm.s32 $0x9;
	[sflag:s3] =	ssyncadd.s32 $0xFFFFE000  }
0x2c6: {  	_ =	swait.ge [sflag:s6], $0x2000  }
0x2c7: {  	[sflag:s6] =	ssyncset.done $0x0  }
0x2c8: {  	s18 =	simm.s32 $0xA;
	[sflag:s6] =	ssyncadd.s32 $0xFFFFE000  }
0x2c9: {  	_ =	swait.ge [sflag:s18], $0x2000  }
0x2ca: {  	[sflag:s18] =	ssyncset.done $0x0  }
0x2cb: {  	s19 =	simm.s32 $0xB;
	[sflag:s18] =	ssyncadd.s32 $0xFFFFE000  }
0x2cc: {  	_ =	swait.ge [sflag:s19], $0x2000  }
0x2cd: {  	[sflag:s19] =	ssyncset.done $0x0  }
0x2ce: {  	s20 =	simm.s32 $0xC;
	[sflag:s19] =	ssyncadd.s32 $0xFFFFE000  }
0x2cf: {  	_ =	swait.ge [sflag:s20], $0x2000  }
0x2d0: {  	[sflag:s20] =	ssyncset.done $0x0  }
0x2d1: {  	[sflag:s20] =	ssyncadd.s32 $0xFFFFE000  }
0x2d2: {  	_ =	swait.ge [sflag:s23], $0x2000  }
0x2d3: {  	[sflag:s23] =	ssyncset.done $0x0  }
0x2d4: {  	[sflag:s23] =	ssyncadd.s32 $0xFFFFE000  }
0x2d5: {  	_ =	swait.ge [sflag:s24], $0x2000  }
0x2d6: {  	[sflag:s24] =	ssyncset.done $0x0  }
0x2d7: {  	[sflag:s24] =	ssyncadd.s32 $0xFFFFE000  }
0x2d8: {  	_ =	swait.ge [sflag:s25], $0x2000  }
0x2d9: {  	[sflag:s25] =	ssyncset.done $0x0  }
0x2da: {  	[sflag:s25] =	ssyncadd.s32 $0xFFFFE000  }
0x2db: {  	_ =	swait.ge [sflag:s14], $0x2000  }
0x2dc: {  	[sflag:s14] =	ssyncset.done $0x0  }
0x2dd: {  	[sflag:s14] =	ssyncadd.s32 $0xFFFFE000  }
0x2de: {  	v2 =	vld.msk [tilespmem:s26+$0x1E020], $0xff;
	_ =	sdelay $0x4  }
0x2df: {  	v3 =	vshll.u32 v2, $0x3  }
0x2e0: {  	v2 =	vand.u32 $0x7, v2;
	v3 =	vand.u32 $0xFFFFFFC0, v3  }
0x2e1: {  	v2 =	vor.u32 v2, v3  }
0x2e2: {  	v2 =	vperm.xlane v2, v0;
	_ =	sdelay $0x1  }
0x2e3: {  	v2 =	vadd.s32 v1, v2;
	_ =	sdelay $0x3  }
0x2e4: {  	s21 =	rddreg [dreg:$0x1];
	s26 =	simm.s32 $0x1A000  }
0x2e5: {  	[tilespmem:s26], [sflag:$0x1A] =	stream.indirect_vreg.gather [hbm4b:s21+s9], $0x80, v2, vm0, $0xb8;
	[tilespmem:$0x1E100] =	vst v63  }
0x2e6: {  	s3 =	simm.s32 $0x1A800  }
0x2e7: {  	[tilespmem:s3], [sflag:$0x1A] =	stream.indirect_vreg.gather [hbm4b:s8+s9], $0x80, v2, vm0, $0xb8;
	[tilespmem:$0x1E100] =	vst v63  }
0x2e8: {  	s6 =	simm.s32 $0x1B000;
	s19 =	sadd.s32 $0x1000, s28  }
0x2e9: {  	[tilespmem:s6], [sflag:$0x1A] =	stream.indirect_vreg.gather [hbm4b:s10+s9], $0x80, v2, vm0, $0xb8;
	[tilespmem:$0x1E100] =	vst v63  }
0x2ea: {  	s18 =	simm.s32 $0x1B800;
	s21 =	sand.u32 $0x1FFFFF80, s19  }
0x2eb: {  	[tilespmem:s18], [sflag:$0x1A] =	stream.indirect_vreg.gather [hbm4b:s11+s9], $0x80, v2, vm0, $0xb8;
	[tilespmem:$0x1E100] =	vst v63  }
0x2ec: {  	s20 =	sadd.s32 s1, s19;
	s3 =	sadd.s32 s1, s21  }
0x2ed: {  	[tilespmem:s29], [sflag:$0x5] =	stream.linear.gather [hbm4b:s20+s9], $0x2000, $0x38;
	[tilespmem:$0x1E100] =	vst v63  }
0x2ee: {  	s26 =	sadd.s32 $0x100000, s3  }
0x2ef: {  	[tilespmem:s31], [sflag:$0x6] =	stream.linear.gather [hbm4b:s26+s9], $0x2000, $0x38;
	[tilespmem:$0x1E100] =	vst v63  }
0x2f0: {  	s0 =	sadd.s32 s19, s13  }
0x2f1: {  	[tilespmem:s7], [sflag:$0x7] =	stream.linear.gather [hbm4b:s0+s9], $0x2000, $0x38;
	[tilespmem:$0x1E100] =	vst v63  }
0x2f2: {  	s3 =	sadd.s32 $0x300000, s3;
	s6 =	sand.u32 $0x60, s9;
	s7 =	sand.u32 $0x1C00, s9  }
0x2f3: {  	[tilespmem:s12], [sflag:$0x8] =	stream.linear.gather [hbm4b:s3+s9], $0x2000, $0x38;
	[tilespmem:$0x1E100] =	vst v63  }
0x2f4: {  	s12 =	sor.u32 s6, s7  }
0x2f5: {  	v2 =	vld [tilespmem:s12+$0x1C010]  }
0x2f6: {  	v3 =	vld [tilespmem:s12+$0x10010]  }
0x2f7: {  	v4 =	vld [tilespmem:s12+$0x12010]  }
0x2f8: {  	v5 =	vld [tilespmem:s12+$0x14010]  }
0x2f9: {  	v6 =	vld [tilespmem:s12+$0x16010]  }
0x2fa: {  	v7 =	vld [tilespmem:s12+$0x1C090]  }
0x2fb: {  	v8 =	vld [tilespmem:s12+$0x10090]  }
0x2fc: {  	v9 =	vld [tilespmem:s12+$0x12090]  }
0x2fd: {  	v10 =	vld [tilespmem:s12+$0x14090]  }
0x2fe: {  	v11 =	vld [tilespmem:s12+$0x16090]  }
0x2ff: {  	v12 =	vld [tilespmem:s12+$0x1C110]  }
0x300: {  	v13 =	vld [tilespmem:s12+$0x10110]  }
0x301: {  	v14 =	vld [tilespmem:s12+$0x12110]  }
0x302: {  	v22 =	vld [tilespmem:s12+$0x12080];
	v3 =	vadd.f32 v3, v2  }
0x303: {  	v15 =	vld [tilespmem:s12+$0x14080];
	v4 =	vadd.f32 v4, v2  }
0x304: {  	[tilespmem:s12+$0x10010] =	vst v3;
	v3 =	vadd.f32 v5, v2;
	v5 =	vld [tilespmem:s12+$0x14110]  }
0x305: {  	[tilespmem:s12+$0x12010] =	vst v4;
	v2 =	vadd.f32 v6, v2;
	v4 =	vld [tilespmem:s12+$0x16110]  }
0x306: {  	v6 =	vld [tilespmem:s12+$0x1C190];
	[tilespmem:s12+$0x14010] =	vst v3;
	v3 =	vadd.f32 v8, v7  }
0x307: {  	[tilespmem:s12+$0x16010] =	vst v2;
	v2 =	vadd.f32 v9, v7;
	v8 =	vld [tilespmem:s12+$0x10190]  }
0x308: {  	v9 =	vld [tilespmem:s12+$0x12190];
	[tilespmem:s12+$0x10090] =	vst v3;
	v3 =	vadd.f32 v10, v7  }
0x309: {  	[tilespmem:s12+$0x12090] =	vst v2;
	v2 =	vadd.f32 v11, v7;
	v7 =	vld [tilespmem:s12+$0x14190]  }
0x30a: {  	v10 =	vld [tilespmem:s12+$0x16190];
	[tilespmem:s12+$0x14090] =	vst v3;
	v3 =	vadd.f32 v13, v12  }
0x30b: {  	v11 =	vld [tilespmem:s12+$0x1C210];
	[tilespmem:s12+$0x16090] =	vst v2;
	v2 =	vadd.f32 v14, v12  }
0x30c: {  	[tilespmem:s12+$0x10110] =	vst v3;
	v3 =	vadd.f32 v5, v12;
	v5 =	vld [tilespmem:s12+$0x10210]  }
0x30d: {  	[tilespmem:s12+$0x12110] =	vst v2;
	v2 =	vadd.f32 v4, v12;
	v4 =	vld [tilespmem:s12+$0x12210]  }
0x30e: {  	[tilespmem:s12+$0x14110] =	vst v3;
	v3 =	vadd.f32 v8, v6;
	v8 =	vld [tilespmem:s12+$0x14210]  }
0x30f: {  	[tilespmem:s12+$0x16110] =	vst v2;
	v2 =	vadd.f32 v9, v6;
	v9 =	vld [tilespmem:s12+$0x16210]  }
0x310: {  	[tilespmem:s12+$0x10190] =	vst v3;
	v3 =	vadd.f32 v7, v6;
	v7 =	vld [tilespmem:s12+$0x1C290]  }
0x311: {  	[tilespmem:s12+$0x12190] =	vst v2;
	v2 =	vadd.f32 v10, v6;
	v6 =	vld [tilespmem:s12+$0x10290]  }
0x312: {  	v10 =	vld [tilespmem:s12+$0x1C000]  }
0x313: {  	[tilespmem:s12+$0x14190] =	vst v3;
	v3 =	vadd.f32 v5, v11;
	v5 =	vld [tilespmem:s12+$0x12290]  }
0x314: {  	[tilespmem:s12+$0x16190] =	vst v2;
	v2 =	vadd.f32 v4, v11;
	v4 =	vld [tilespmem:s12+$0x14290]  }
0x315: {  	[tilespmem:s12+$0x10210] =	vst v3;
	v3 =	vadd.f32 v8, v11;
	v8 =	vld [tilespmem:s12+$0x16290]  }
0x316: {  	[tilespmem:s12+$0x12210] =	vst v2;
	v2 =	vadd.f32 v9, v11;
	v9 =	vld [tilespmem:s12+$0x10000]  }
0x317: {  	v25 =	vld [tilespmem:s12+$0x16180];
	[tilespmem:s12+$0x14210] =	vst v3;
	v3 =	vadd.f32 v6, v7  }
0x318: {  	v6 =	vld [tilespmem:s12+$0x12000];
	[tilespmem:s12+$0x16210] =	vst v2;
	v2 =	vadd.f32 v5, v7  }
0x319: {  	s18 =	sand.u32 $0x3, s9;
	v5 =	vld [tilespmem:s12+$0x14000];
	[tilespmem:s12+$0x10290] =	vst v3;
	v3 =	vadd.f32 v4, v7  }
0x31a: {  	s0 =	sshll.u32 s18, $0x5;
	v4 =	vld [tilespmem:s12+$0x16000];
	[tilespmem:s12+$0x12290] =	vst v2;
	v2 =	vadd.f32 v8, v7  }
0x31b: {  	s18 =	sadd.s32 $0x0, s0;
	v7 =	vld [tilespmem:s12+$0x1C080];
	v9 =	vadd.f32 v9, v10;
	[tilespmem:s12+$0x14290] =	vst v3  }
0x31c: {  	s19 =	sadd.s32 $0x10, s18;
	v3 =	vld [tilespmem:s12+$0x10080];
	[tilespmem:s12+$0x16290] =	vst v2  }
0x31d: {  	s20 =	sor.u32 $0x300, s19;
	[tilespmem:s12+$0x10000] =	vst v9;
	v9 =	vld [tilespmem:s12+$0x16080]  }
0x31e: {  	v2 =	vld [tilespmem:s20+$0x1C000]  }
0x31f: {  	v8 =	vld [tilespmem:s20+$0x10000]  }
0x320: {  	v11 =	vld [tilespmem:s20+$0x12000]  }
0x321: {  	v6 =	vadd.f32 v6, v10;
	v20 =	vld [tilespmem:s20+$0x14000]  }
0x322: {  	v21 =	vld [tilespmem:s20+$0x16000]  }
0x323: {  	v5 =	vadd.f32 v5, v10;
	[tilespmem:s12+$0x12000] =	vst v6;
	v6 =	vld [tilespmem:s12+$0x1C100]  }
0x324: {  	v4 =	vadd.f32 v4, v10;
	v10 =	vld [tilespmem:s12+$0x14100];
	v23 =	vadd.f32 v22, v7  }
0x325: {  	[tilespmem:s12+$0x14000] =	vst v5;
	v5 =	vld [tilespmem:s12+$0x10100];
	v24 =	vadd.f32 v15, v7;
	v3 =	vadd.f32 v3, v7  }
0x326: {  	[tilespmem:s12+$0x16000] =	vst v4;
	v7 =	vadd.f32 v9, v7;
	v9 =	vld [tilespmem:s12+$0x14180];
	v4 =	vadd.f32 v8, v2  }
0x327: {  	v8 =	vld [tilespmem:s12+$0x12100];
	[tilespmem:s12+$0x10080] =	vst v3;
	v3 =	vadd.f32 v11, v2  }
0x328: {  	v11 =	vld [tilespmem:s12+$0x16100];
	[tilespmem:s20+$0x10000] =	vst v4;
	v4 =	vadd.f32 v20, v2  }
0x329: {  	[tilespmem:s20+$0x12000] =	vst v3;
	v2 =	vadd.f32 v21, v2;
	v3 =	vld [tilespmem:s12+$0x1C180]  }
0x32a: {  	s28 =	sor.u32 $0x300, s18;
	v5 =	vadd.f32 v5, v6;
	[tilespmem:s20+$0x14000] =	vst v4;
	v4 =	vld [tilespmem:s12+$0x10180]  }
0x32b: {  	s18 =	simm.s32 $0x100;
	s3 =	sor.u32 $0x380, s19;
	s19 =	simm.s32 $0x20;
	[tilespmem:s20+$0x16000] =	vst v2;
	v2 =	vld [tilespmem:s12+$0x12180]  }
0x32c: {  	s26 =	sand.u32 $0x1C00, s18;
	s21 =	sand.u32 $0x60, s19;
	[tilespmem:s12+$0x10100] =	vst v5;
	v5 =	vadd.f32 v10, v6;
	v10 =	vld [tilespmem:s12+$0x10200]  }
0x32d: {  	[tilespmem:s12+$0x16080] =	vst v7;
	s20 =	sor.u32 s21, s26;
	v7 =	vadd.f32 v8, v6;
	v8 =	vld [tilespmem:s12+$0x1C200]  }
0x32e: {  	v6 =	vadd.f32 v11, v6;
	v11 =	vld [tilespmem:s20+$0x12010]  }
0x32f: {  	v26 =	vld [tilespmem:s20+$0x14010]  }
0x330: {  	v27 =	vld [tilespmem:s20+$0x16010]  }
0x331: {  	v28 =	vld [tilespmem:s20+$0x1C090]  }
0x332: {  	v29 =	vld [tilespmem:s20+$0x10090]  }
0x333: {  	v16 =	vld [tilespmem:s20+$0x12090]  }
0x334: {  	v17 =	vld [tilespmem:s20+$0x14090]  }
0x335: {  	v18 =	vld [tilespmem:s20+$0x16090]  }
0x336: {  	v19 =	vld [tilespmem:s20+$0x1C110]  }
0x337: {  	v20 =	vld [tilespmem:s20+$0x10110]  }
0x338: {  	v21 =	vld [tilespmem:s20+$0x12110]  }
0x339: {  	v30 =	vld [tilespmem:s20+$0x14110]  }
0x33a: {  	v31 =	vld [tilespmem:s20+$0x1C190]  }
0x33b: {  	v32 =	vld [tilespmem:s20+$0x10190]  }
0x33c: {  	v40 =	vld [tilespmem:s20+$0x1C290]  }
0x33d: {  	[tilespmem:s12+$0x12080] =	vst v23;
	v42 =	vld [tilespmem:s20+$0x12290]  }
0x33e: {  	v43 =	vld [tilespmem:s20+$0x16290];
	[tilespmem:s12+$0x14100] =	vst v5  }
0x33f: {  	v5 =	vld [tilespmem:s12+$0x14200];
	[tilespmem:s12+$0x12100] =	vst v7;
	v4 =	vadd.f32 v4, v3  }
0x340: {  	v7 =	vld [tilespmem:s12+$0x12200];
	[tilespmem:s12+$0x16100] =	vst v6  }
0x341: {  	v6 =	vld [tilespmem:s12+$0x16200];
	[tilespmem:s12+$0x10180] =	vst v4;
	v4 =	vadd.f32 v9, v3  }
0x342: {  	[tilespmem:s12+$0x14080] =	vst v24;
	v2 =	vadd.f32 v2, v3;
	v9 =	vld [tilespmem:s12+$0x1C280]  }
0x343: {  	v12 =	vadd.f32 v42, v40;
	[tilespmem:s12+$0x14180] =	vst v4;
	v4 =	vadd.f32 v10, v8;
	v10 =	vld [tilespmem:s12+$0x12280]  }
0x344: {  	v46 =	vld [tilespmem:s20+$0x1C000];
	[tilespmem:s12+$0x12180] =	vst v2;
	v2 =	vadd.f32 v25, v3  }
0x345: {  	v48 =	vld [tilespmem:s20+$0x12000];
	[tilespmem:s20+$0x12290] =	vst v12  }
0x346: {  	v3 =	vld [tilespmem:s12+$0x10280];
	[tilespmem:s12+$0x16180] =	vst v2;
	v2 =	vadd.f32 v7, v8  }
0x347: {  	v47 =	vadd.f32 v43, v40;
	v7 =	vld [tilespmem:s12+$0x14280];
	[tilespmem:s12+$0x10200] =	vst v4;
	v4 =	vadd.f32 v5, v8  }
0x348: {  	v5 =	vld [tilespmem:s12+$0x16280];
	[tilespmem:s12+$0x12200] =	vst v2;
	v2 =	vadd.f32 v6, v8;
	v6 =	vadd.f32 v10, v9  }
0x349: {  	[tilespmem:s20+$0x16290] =	vst v47;
	v10 =	vld [tilespmem:s20+$0x10010]  }
0x34a: {  	v14 =	vadd.f32 v48, v46;
	[tilespmem:s12+$0x12280] =	vst v6;
	v6 =	vld [tilespmem:s20+$0x1C010]  }
0x34b: {  	v33 =	vld [tilespmem:s20+$0x12190];
	[tilespmem:s12+$0x14200] =	vst v4;
	v4 =	vadd.f32 v3, v9  }
0x34c: {  	v34 =	vld [tilespmem:s20+$0x14190];
	[tilespmem:s20+$0x12000] =	vst v14  }
0x34d: {  	v35 =	vld [tilespmem:s20+$0x16190];
	[tilespmem:s12+$0x10280] =	vst v4;
	v4 =	vadd.f32 v7, v9  }
0x34e: {  	v36 =	vld [tilespmem:s20+$0x1C210];
	[tilespmem:s12+$0x16200] =	vst v2;
	v5 =	vadd.f32 v5, v9  }
0x34f: {  	v37 =	vld [tilespmem:s20+$0x10210];
	[tilespmem:s12+$0x14280] =	vst v4;
	v10 =	vadd.f32 v10, v6  }
0x350: {  	v38 =	vld [tilespmem:s20+$0x14210];
	[tilespmem:s12+$0x16280] =	vst v5;
	v11 =	vadd.f32 v11, v6  }
0x351: {  	v39 =	vld [tilespmem:s20+$0x16210];
	[tilespmem:s20+$0x10010] =	vst v10;
	v10 =	vadd.f32 v26, v6  }
0x352: {  	v41 =	vld [tilespmem:s20+$0x10290];
	[tilespmem:s20+$0x12010] =	vst v11;
	v6 =	vadd.f32 v27, v6  }
0x353: {  	v52 =	vld [tilespmem:s20+$0x12080];
	[tilespmem:s20+$0x14010] =	vst v10;
	v10 =	vadd.f32 v29, v28  }
0x354: {  	v54 =	vld [tilespmem:s20+$0x14080];
	[tilespmem:s20+$0x16010] =	vst v6;
	v6 =	vadd.f32 v16, v28  }
0x355: {  	v11 =	vld [tilespmem:s20+$0x16110];
	[tilespmem:s20+$0x10090] =	vst v10;
	v10 =	vadd.f32 v17, v28  }
0x356: {  	v55 =	vld [tilespmem:s20+$0x16080];
	[tilespmem:s20+$0x12090] =	vst v6;
	v6 =	vadd.f32 v18, v28  }
0x357: {  	v56 =	vld [tilespmem:s20+$0x1C100];
	[tilespmem:s20+$0x14090] =	vst v10;
	v10 =	vadd.f32 v20, v19  }
0x358: {  	v57 =	vld [tilespmem:s20+$0x14100];
	[tilespmem:s20+$0x16090] =	vst v6;
	v6 =	vadd.f32 v21, v19  }
0x359: {  	v7 =	vld [tilespmem:s28+$0x1C000];
	[tilespmem:s20+$0x10110] =	vst v10;
	v10 =	vadd.f32 v30, v19  }
0x35a: {  	v9 =	vld [tilespmem:s28+$0x12000];
	[tilespmem:s20+$0x12110] =	vst v6;
	v6 =	vadd.f32 v11, v19  }
0x35b: {  	v11 =	vld [tilespmem:s20+$0x12210];
	[tilespmem:s20+$0x14110] =	vst v10;
	v10 =	vadd.f32 v32, v31  }
0x35c: {  	v58 =	vld [tilespmem:s20+$0x1C180];
	[tilespmem:s20+$0x16110] =	vst v6;
	v6 =	vadd.f32 v33, v31  }
0x35d: {  	v3 =	vld [tilespmem:s3+$0x1C000];
	[tilespmem:s20+$0x10190] =	vst v10;
	v10 =	vadd.f32 v34, v31  }
0x35e: {  	v2 =	vld [tilespmem:s3+$0x16000];
	[tilespmem:s20+$0x12190] =	vst v6;
	v6 =	vadd.f32 v35, v31  }
0x35f: {  	v4 =	vld [tilespmem:s3+$0x10000];
	[tilespmem:s20+$0x14190] =	vst v10;
	v10 =	vadd.f32 v37, v36  }
0x360: {  	v9 =	vadd.f32 v9, v7;
	[tilespmem:s20+$0x16190] =	vst v6;
	v6 =	vadd.f32 v11, v36;
	v11 =	vld [tilespmem:s20+$0x14290]  }
0x361: {  	v5 =	vld [tilespmem:s3+$0x12000];
	[tilespmem:s20+$0x10210] =	vst v10;
	v10 =	vadd.f32 v38, v36  }
0x362: {  	s26 =	simm.s32 $0x1;
	v8 =	vld [tilespmem:s28+$0x10000];
	v16 =	vadd.f32 v39, v36;
	[tilespmem:s28+$0x12000] =	vst v9  }
0x363: {  	s6 =	sand.u32 $0x3, s26;
	v44 =	vld [tilespmem:s28+$0x14000];
	[tilespmem:s20+$0x14210] =	vst v10;
	v10 =	vadd.f32 v41, v40  }
0x364: {  	s0 =	sshll.u32 s6, $0x5;
	v45 =	vld [tilespmem:s28+$0x16000];
	[tilespmem:s20+$0x16210] =	vst v16  }
0x365: {  	s21 =	sadd.s32 $0x100, s0;
	v9 =	vld [tilespmem:s20+$0x16000];
	[tilespmem:s20+$0x10290] =	vst v10;
	v10 =	vadd.f32 v11, v40  }
0x366: {  	s0 =	sadd.s32 $0x10, s21;
	v2 =	vadd.f32 v2, v3;
	[tilespmem:s20+$0x12210] =	vst v6;
	v11 =	vld [tilespmem:s20+$0x10000]  }
0x367: {  	s7 =	sor.u32 $0x300, s0;
	v4 =	vadd.f32 v4, v3;
	[tilespmem:s20+$0x14290] =	vst v10;
	v10 =	vld [tilespmem:s20+$0x14000]  }
0x368: {  	[tilespmem:s3+$0x16000] =	vst v2;
	v8 =	vadd.f32 v8, v7;
	v12 =	vld [tilespmem:s7+$0x1C000]  }
0x369: {  	v2 =	vadd.f32 v5, v3;
	[tilespmem:s3+$0x10000] =	vst v4;
	v49 =	vld [tilespmem:s7+$0x10000]  }
0x36a: {  	[tilespmem:s28+$0x10000] =	vst v8;
	v8 =	vadd.f32 v44, v7;
	v16 =	vld [tilespmem:s7+$0x12000]  }
0x36b: {  	[tilespmem:s3+$0x12000] =	vst v2;
	v50 =	vld [tilespmem:s7+$0x14000];
	v4 =	vadd.f32 v11, v46  }
0x36c: {  	v7 =	vadd.f32 v45, v7;
	[tilespmem:s28+$0x14000] =	vst v8;
	v51 =	vld [tilespmem:s7+$0x16000]  }
0x36d: {  	v8 =	vld [tilespmem:s20+$0x1C080];
	[tilespmem:s20+$0x10000] =	vst v4;
	v4 =	vadd.f32 v10, v46  }
0x36e: {  	[tilespmem:s28+$0x16000] =	vst v7;
	v7 =	vld [tilespmem:s20+$0x10080];
	v15 =	vadd.f32 v49, v12  }
0x36f: {  	v59 =	vld [tilespmem:s20+$0x10180];
	v16 =	vadd.f32 v16, v12;
	[tilespmem:s20+$0x14000] =	vst v4  }
0x370: {  	v60 =	vld [tilespmem:s20+$0x1C200];
	v53 =	vadd.f32 v50, v12;
	[tilespmem:s7+$0x10000] =	vst v15  }
0x371: {  	v61 =	vld [tilespmem:s20+$0x14200];
	v12 =	vadd.f32 v51, v12;
	[tilespmem:s7+$0x12000] =	vst v16  }
0x372: {  	v5 =	vld [tilespmem:s20+$0x10100];
	v9 =	vadd.f32 v9, v46;
	[tilespmem:s7+$0x14000] =	vst v53  }
0x373: {  	s6 =	sor.u32 $0x380, s0;
	v11 =	vld [tilespmem:s20+$0x12100];
	v4 =	vadd.f32 v7, v8;
	[tilespmem:s7+$0x16000] =	vst v12  }
0x374: {  	[tilespmem:s20+$0x16000] =	vst v9;
	v9 =	vadd.f32 v52, v8;
	v2 =	vld [tilespmem:s6+$0x1C000]  }
0x375: {  	v10 =	vld [tilespmem:s6+$0x16000];
	[tilespmem:s20+$0x10080] =	vst v4;
	v4 =	vadd.f32 v54, v8  }
0x376: {  	[tilespmem:s20+$0x12080] =	vst v9;
	v7 =	vld [tilespmem:s20+$0x16100];
	v8 =	vadd.f32 v55, v8  }
0x377: {  	v62 =	vld [tilespmem:s20+$0x16280];
	[tilespmem:s20+$0x14080] =	vst v4;
	v4 =	vadd.f32 v5, v56  }
0x378: {  	v9 =	vld [tilespmem:s20+$0x12180];
	[tilespmem:s20+$0x16080] =	vst v8;
	v8 =	vadd.f32 v11, v56  }
0x379: {  	v5 =	vld [tilespmem:s20+$0x14180];
	[tilespmem:s20+$0x10100] =	vst v4;
	v4 =	vadd.f32 v57, v56  }
0x37a: {  	v11 =	vld [tilespmem:s20+$0x16180];
	[tilespmem:s20+$0x12100] =	vst v8;
	v8 =	vadd.f32 v10, v2  }
0x37b: {  	v10 =	vld [tilespmem:s20+$0x10200];
	[tilespmem:s20+$0x14100] =	vst v4;
	v4 =	vadd.f32 v7, v56  }
0x37c: {  	v7 =	vld [tilespmem:s20+$0x12200];
	[tilespmem:s6+$0x16000] =	vst v8;
	v8 =	vadd.f32 v59, v58  }
0x37d: {  	[tilespmem:s20+$0x16100] =	vst v4;
	v4 =	vadd.f32 v9, v58;
	v9 =	vld [tilespmem:s20+$0x16200]  }
0x37e: {  	v5 =	vadd.f32 v5, v58;
	[tilespmem:s20+$0x10180] =	vst v8;
	v8 =	vld [tilespmem:s20+$0x1C280]  }
0x37f: {  	[tilespmem:s20+$0x12180] =	vst v4;
	v4 =	vadd.f32 v11, v58;
	v11 =	vld [tilespmem:s20+$0x10280]  }
0x380: {  	[tilespmem:s20+$0x14180] =	vst v5;
	v5 =	vadd.f32 v10, v60;
	v10 =	vld [tilespmem:s20+$0x12280]  }
0x381: {  	s12 =	sor.u32 s9, s9;
	[tilespmem:s20+$0x16180] =	vst v4;
	v4 =	vadd.f32 v7, v60;
	v7 =	vld [tilespmem:s20+$0x14280]  }
0x382: {  	s9 =	sor.u32 $0x380, s12;
	v6 =	vld [tilespmem:s3+$0x14000];
	[tilespmem:s20+$0x10200] =	vst v5;
	v5 =	vadd.f32 v61, v60  }
0x383: {  	[tilespmem:s20+$0x12200] =	vst v4;
	v4 =	vadd.f32 v9, v60;
	v9 =	vld [tilespmem:s9+$0x1C000]  }
0x384: {  	[tilespmem:s20+$0x14200] =	vst v5;
	v5 =	vadd.f32 v11, v8;
	v11 =	vld [tilespmem:s9+$0x10000]  }
0x385: {  	[tilespmem:s20+$0x16200] =	vst v4;
	v4 =	vadd.f32 v10, v8;
	v10 =	vld [tilespmem:s9+$0x12000]  }
0x386: {  	[tilespmem:s20+$0x10280] =	vst v5;
	v5 =	vadd.f32 v7, v8;
	v7 =	vld [tilespmem:s9+$0x14000]  }
0x387: {  	[tilespmem:s20+$0x12280] =	vst v4;
	v4 =	vadd.f32 v62, v8;
	v8 =	vld [tilespmem:s9+$0x16000]  }
0x388: {  	v3 =	vadd.f32 v6, v3;
	v63 =	vld [tilespmem:s6+$0x10000];
	[tilespmem:s20+$0x14280] =	vst v5  }
0x389: {  	s28 =	sor.u32 $0x300, s21;
	[tilespmem:s20+$0x16280] =	vst v4;
	v4 =	vld [tilespmem:s6+$0x12000];
	v6 =	vadd.f32 v11, v9  }
0x38a: {  	[tilespmem:s3+$0x14000] =	vst v3;
	v3 =	vld [tilespmem:s28+$0x1C000];
	v10 =	vadd.f32 v10, v9  }
0x38b: {  	v5 =	vld [tilespmem:s28+$0x10000];
	[tilespmem:s9+$0x10000] =	vst v6;
	v11 =	vadd.f32 v7, v9  }
0x38c: {  	s21 =	sor.u32 s18, s19;
	s18 =	simm.s32 $0x2;
	v6 =	vld [tilespmem:s28+$0x12000];
	[tilespmem:s9+$0x12000] =	vst v10;
	v8 =	vadd.f32 v8, v9  }
0x38d: {  	s19 =	simm.s32 $0x200;
	s3 =	sor.u32 $0x380, s21;
	s20 =	simm.s32 $0x40;
	v7 =	vld [tilespmem:s28+$0x14000];
	v9 =	vadd.f32 v63, v2;
	[tilespmem:s9+$0x14000] =	vst v11  }
.LBB2_7:
0x38e: {  	s0 =	sand.u32 $0x60, s20;
	s7 =	sand.u32 $0x1C00, s19;
	s12 =	sor.u32 s19, s20;
	v10 =	vld [tilespmem:s28+$0x16000];
	v4 =	vadd.f32 v4, v2;
	[tilespmem:s9+$0x16000] =	vst v8  }
0x38f: {  	s9 =	smov.u32 s3;
	s21 =	sor.u32 s0, s7;
	[tilespmem:s6+$0x10000] =	vst v9;
	v8 =	vld [tilespmem:s6+$0x14000];
	s3 =	sor.u32 $0x380, s12  }
0x390: {  	v9 =	vld [tilespmem:s21+$0x1C010];
	v5 =	vadd.f32 v5, v3;
	[tilespmem:s6+$0x12000] =	vst v4  }
0x391: {  	v4 =	vld [tilespmem:s21+$0x10010];
	v6 =	vadd.f32 v6, v3  }
0x392: {  	v11 =	vld [tilespmem:s21+$0x12010];
	[tilespmem:s28+$0x10000] =	vst v5;
	v5 =	vadd.f32 v7, v3  }
0x393: {  	v7 =	vld [tilespmem:s21+$0x14010];
	[tilespmem:s28+$0x12000] =	vst v6;
	v3 =	vadd.f32 v10, v3  }
0x394: {  	v6 =	vld [tilespmem:s21+$0x16010];
	[tilespmem:s28+$0x14000] =	vst v5;
	v2 =	vadd.f32 v8, v2  }
0x395: {  	v5 =	vld [tilespmem:s21+$0x1C090];
	[tilespmem:s28+$0x16000] =	vst v3  }
0x396: {  	v3 =	vld [tilespmem:s21+$0x10090];
	[tilespmem:s6+$0x14000] =	vst v2  }
0x397: {  	v2 =	vld [tilespmem:s21+$0x12090]  }
0x398: {  	v8 =	vld [tilespmem:s21+$0x14090]  }
0x399: {  	v10 =	vld [tilespmem:s21+$0x16090]  }
0x39a: {  	v12 =	vld [tilespmem:s21+$0x1C110]  }
0x39b: {  	v4 =	vadd.f32 v4, v9;
	v13 =	vld [tilespmem:s21+$0x10110]  }
0x39c: {  	v11 =	vadd.f32 v11, v9;
	v14 =	vld [tilespmem:s21+$0x12110]  }
0x39d: {  	[tilespmem:s21+$0x10010] =	vst v4;
	v4 =	vadd.f32 v7, v9;
	v7 =	vld [tilespmem:s21+$0x14110]  }
0x39e: {  	v6 =	vadd.f32 v6, v9;
	[tilespmem:s21+$0x12010] =	vst v11;
	v9 =	vld [tilespmem:s21+$0x16110]  }
0x39f: {  	v3 =	vadd.f32 v3, v5;
	[tilespmem:s21+$0x14010] =	vst v4;
	v4 =	vld [tilespmem:s21+$0x1C190]  }
0x3a0: {  	v2 =	vadd.f32 v2, v5;
	[tilespmem:s21+$0x16010] =	vst v6;
	v6 =	vld [tilespmem:s21+$0x10190]  }
0x3a1: {  	[tilespmem:s21+$0x10090] =	vst v3;
	v3 =	vadd.f32 v8, v5;
	v8 =	vld [tilespmem:s21+$0x12190]  }
0x3a2: {  	[tilespmem:s21+$0x12090] =	vst v2;
	v2 =	vadd.f32 v10, v5;
	v5 =	vld [tilespmem:s21+$0x14190]  }
0x3a3: {  	[tilespmem:s21+$0x14090] =	vst v3;
	v3 =	vadd.f32 v13, v12;
	v10 =	vld [tilespmem:s21+$0x16190]  }
0x3a4: {  	[tilespmem:s21+$0x16090] =	vst v2;
	v2 =	vadd.f32 v14, v12;
	v11 =	vld [tilespmem:s21+$0x1C210]  }
0x3a5: {  	[tilespmem:s21+$0x10110] =	vst v3;
	v3 =	vadd.f32 v7, v12;
	v7 =	vld [tilespmem:s21+$0x10210]  }
0x3a6: {  	[tilespmem:s21+$0x12110] =	vst v2;
	v2 =	vadd.f32 v9, v12;
	v9 =	vld [tilespmem:s21+$0x12210]  }
0x3a7: {  	[tilespmem:s21+$0x14110] =	vst v3;
	v3 =	vadd.f32 v6, v4;
	v6 =	vld [tilespmem:s21+$0x14210]  }
0x3a8: {  	[tilespmem:s21+$0x16110] =	vst v2;
	v2 =	vadd.f32 v8, v4;
	v8 =	vld [tilespmem:s21+$0x16210]  }
0x3a9: {  	[tilespmem:s21+$0x10190] =	vst v3;
	v3 =	vadd.f32 v5, v4;
	v5 =	vld [tilespmem:s21+$0x1C290]  }
0x3aa: {  	[tilespmem:s21+$0x12190] =	vst v2;
	v2 =	vadd.f32 v10, v4;
	v4 =	vld [tilespmem:s21+$0x10290]  }
0x3ab: {  	[tilespmem:s21+$0x14190] =	vst v3;
	v3 =	vadd.f32 v7, v11;
	v7 =	vld [tilespmem:s21+$0x12290]  }
0x3ac: {  	[tilespmem:s21+$0x16190] =	vst v2;
	v2 =	vadd.f32 v9, v11;
	v9 =	vld [tilespmem:s21+$0x14290]  }
0x3ad: {  	[tilespmem:s21+$0x10210] =	vst v3;
	v3 =	vadd.f32 v6, v11;
	v6 =	vld [tilespmem:s21+$0x16290]  }
0x3ae: {  	v10 =	vld [tilespmem:s21+$0x1C000];
	[tilespmem:s21+$0x12210] =	vst v2;
	v2 =	vadd.f32 v8, v11  }
0x3af: {  	s26 =	sadd.s32 $0x1, s26;
	v8 =	vld [tilespmem:s21+$0x10000];
	[tilespmem:s21+$0x14210] =	vst v3;
	v3 =	vadd.f32 v4, v5  }
0x3b0: {  	s18 =	sadd.s32 $0x2, s18;
	s0 =	sand.u32 $0x3, s26;
	v4 =	vld [tilespmem:s21+$0x12000];
	[tilespmem:s21+$0x16210] =	vst v2;
	v2 =	vadd.f32 v7, v5  }
0x3b1: {  	p0 =	slt.u32 s18, $0x3E;
	s0 =	sshll.u32 s0, $0x5;
	v7 =	vld [tilespmem:s21+$0x14000];
	[tilespmem:s21+$0x10290] =	vst v3;
	v3 =	vadd.f32 v9, v5  }
0x3b2: {  	s0 =	sadd.s32 s0, s19;
	v9 =	vld [tilespmem:s21+$0x16000];
	[tilespmem:s21+$0x12290] =	vst v2;
	v2 =	vadd.f32 v6, v5  }
0x3b3: {  	s28 =	sor.u32 $0x300, s0;
	s0 =	sadd.s32 $0x10, s0;
	v5 =	vld [tilespmem:s21+$0x1C080];
	[tilespmem:s21+$0x14290] =	vst v3  }
0x3b4: {  	s6 =	sor.u32 $0x300, s0;
	v3 =	vadd.f32 v8, v10;
	v6 =	vld [tilespmem:s21+$0x10080];
	[tilespmem:s21+$0x16290] =	vst v2  }
0x3b5: {  	v2 =	vadd.f32 v4, v10;
	v4 =	vld [tilespmem:s6+$0x1C000]  }
0x3b6: {  	[tilespmem:s21+$0x10000] =	vst v3;
	v3 =	vadd.f32 v7, v10;
	v7 =	vld [tilespmem:s6+$0x10000]  }
0x3b7: {  	[tilespmem:s21+$0x12000] =	vst v2;
	v2 =	vadd.f32 v9, v10;
	v8 =	vld [tilespmem:s6+$0x12000]  }
0x3b8: {  	[tilespmem:s21+$0x14000] =	vst v3;
	v3 =	vld [tilespmem:s6+$0x14000]  }
0x3b9: {  	[tilespmem:s21+$0x16000] =	vst v2;
	v2 =	vadd.f32 v6, v5;
	v6 =	vld [tilespmem:s6+$0x16000]  }
0x3ba: {  	v9 =	vld [tilespmem:s21+$0x12080]  }
0x3bb: {  	[tilespmem:s21+$0x10080] =	vst v2;
	v2 =	vld [tilespmem:s21+$0x14080];
	v7 =	vadd.f32 v7, v4  }
0x3bc: {  	v10 =	vld [tilespmem:s21+$0x16080];
	v8 =	vadd.f32 v8, v4  }
0x3bd: {  	v11 =	vld [tilespmem:s21+$0x1C100];
	[tilespmem:s6+$0x10000] =	vst v7;
	v3 =	vadd.f32 v3, v4  }
0x3be: {  	v7 =	vld [tilespmem:s21+$0x10100];
	[tilespmem:s6+$0x12000] =	vst v8;
	v4 =	vadd.f32 v6, v4  }
0x3bf: {  	v6 =	vadd.f32 v9, v5;
	v8 =	vld [tilespmem:s21+$0x12100];
	[tilespmem:s6+$0x14000] =	vst v3  }
0x3c0: {  	v3 =	vadd.f32 v2, v5;
	v9 =	vld [tilespmem:s21+$0x14100];
	[tilespmem:s6+$0x16000] =	vst v4;
	s6 =	sor.u32 $0x380, s0  }
0x3c1: {  	[tilespmem:s21+$0x12080] =	vst v6;
	v4 =	vadd.f32 v10, v5;
	v2 =	vld [tilespmem:s6+$0x1C000]  }
0x3c2: {  	[tilespmem:s21+$0x14080] =	vst v3;
	v3 =	vld [tilespmem:s6+$0x16000]  }
0x3c3: {  	[tilespmem:s21+$0x16080] =	vst v4;
	v4 =	vadd.f32 v7, v11;
	v5 =	vld [tilespmem:s21+$0x16100]  }
0x3c4: {  	v6 =	vadd.f32 v8, v11;
	v7 =	vld [tilespmem:s21+$0x1C180]  }
0x3c5: {  	[tilespmem:s21+$0x10100] =	vst v4;
	v4 =	vadd.f32 v9, v11;
	v8 =	vld [tilespmem:s21+$0x10180]  }
0x3c6: {  	[tilespmem:s21+$0x12100] =	vst v6;
	v6 =	vld [tilespmem:s21+$0x12180]  }
0x3c7: {  	[tilespmem:s21+$0x14100] =	vst v4;
	v4 =	vld [tilespmem:s21+$0x14180];
	v3 =	vadd.f32 v3, v2  }
0x3c8: {  	v5 =	vadd.f32 v5, v11;
	v9 =	vld [tilespmem:s21+$0x16180]  }
0x3c9: {  	v10 =	vld [tilespmem:s21+$0x1C200];
	[tilespmem:s6+$0x16000] =	vst v3  }
0x3ca: {  	[tilespmem:s21+$0x16100] =	vst v5;
	v3 =	vadd.f32 v8, v7;
	v5 =	vld [tilespmem:s21+$0x10200]  }
0x3cb: {  	v6 =	vadd.f32 v6, v7;
	v8 =	vld [tilespmem:s21+$0x12200]  }
0x3cc: {  	[tilespmem:s21+$0x10180] =	vst v3;
	v3 =	vadd.f32 v4, v7;
	v4 =	vld [tilespmem:s21+$0x14200]  }
0x3cd: {  	[tilespmem:s21+$0x12180] =	vst v6;
	v6 =	vadd.f32 v9, v7;
	v7 =	vld [tilespmem:s21+$0x16200]  }
0x3ce: {  	[tilespmem:s21+$0x14180] =	vst v3;
	v3 =	vld [tilespmem:s21+$0x1C280]  }
0x3cf: {  	[tilespmem:s21+$0x16180] =	vst v6;
	v5 =	vadd.f32 v5, v10;
	v6 =	vld [tilespmem:s21+$0x10280]  }
0x3d0: {  	v8 =	vadd.f32 v8, v10;
	v9 =	vld [tilespmem:s21+$0x12280]  }
0x3d1: {  	[tilespmem:s21+$0x10200] =	vst v5;
	v4 =	vadd.f32 v4, v10;
	v5 =	vld [tilespmem:s21+$0x14280]  }
0x3d2: {  	[tilespmem:s21+$0x12200] =	vst v8;
	v7 =	vadd.f32 v7, v10;
	v8 =	vld [tilespmem:s21+$0x16280]  }
0x3d3: {  	[tilespmem:s21+$0x14200] =	vst v4;
	v10 =	vld [tilespmem:s9+$0x1C000]  }
0x3d4: {  	[tilespmem:s21+$0x16200] =	vst v7;
	v4 =	vadd.f32 v6, v3;
	v6 =	vld [tilespmem:s9+$0x10000]  }
0x3d5: {  	v7 =	vadd.f32 v9, v3;
	v9 =	vld [tilespmem:s9+$0x12000]  }
0x3d6: {  	[tilespmem:s21+$0x10280] =	vst v4;
	v4 =	vadd.f32 v5, v3;
	v11 =	vld [tilespmem:s9+$0x14000]  }
0x3d7: {  	[tilespmem:s21+$0x12280] =	vst v7;
	v3 =	vadd.f32 v8, v3;
	v7 =	vld [tilespmem:s9+$0x16000]  }
0x3d8: {  	[tilespmem:s21+$0x14280] =	vst v4;
	v12 =	vld [tilespmem:s6+$0x10000]  }
.Ltmp2:
0x3d9: {  	[tilespmem:s21+$0x16280] =	vst v3;
	v4 =	vld [tilespmem:s6+$0x12000];
	v6 =	vadd.f32 v6, v10;
	(pc) =	sbr.rel @p0 .LBB2_7-.Ltmp2, $4  }
0x3da: {  	v3 =	vld [tilespmem:s28+$0x1C000];
	v8 =	vadd.f32 v9, v10  }
0x3db: {  	v5 =	vld [tilespmem:s28+$0x10000];
	[tilespmem:s9+$0x10000] =	vst v6;
	v11 =	vadd.f32 v11, v10  }
0x3dc: {  	v6 =	vld [tilespmem:s28+$0x12000];
	[tilespmem:s9+$0x12000] =	vst v8;
	v8 =	vadd.f32 v7, v10  }
0x3dd: {  	s20 =	sadd.s32 $0x20, s20;
	s19 =	sadd.s32 $0x100, s19;
	v7 =	vld [tilespmem:s28+$0x14000];
	v9 =	vadd.f32 v12, v2;
	[tilespmem:s9+$0x14000] =	vst v11  }
0x3de: {  	v10 =	vld [tilespmem:s28+$0x16000];
	_ =	sdelay $0x1  }
0x3df: {  	v5 =	vadd.f32 v5, v3  }
0x3e0: {  	v6 =	vadd.f32 v6, v3  }
0x3e1: {  	[tilespmem:s28+$0x10000] =	vst v5;
	v57 =	vadd.f32 v7, v3  }
0x3e2: {  	[tilespmem:s28+$0x12000] =	vst v6;
	v3 =	vadd.f32 v10, v3  }
0x3e3: {  	[tilespmem:s28+$0x14000] =	vst v57  }
0x3e4: {  	v58 =	vld [tilespmem:s6+$0x14000];
	[tilespmem:s28+$0x16000] =	vst v3  }
0x3e5: {  	v3 =	vld [tilespmem:s3+$0x1C000]  }
0x3e6: {  	v6 =	vld [tilespmem:s3+$0x10000]  }
0x3e7: {  	v59 =	vld [tilespmem:s3+$0x12000]  }
0x3e8: {  	v60 =	vld [tilespmem:s3+$0x14000]  }
0x3e9: {  	v4 =	vadd.f32 v4, v2;
	[tilespmem:s9+$0x16000] =	vst v8;
	v61 =	vld [tilespmem:s3+$0x16000]  }
0x3ea: {  	[tilespmem:s6+$0x10000] =	vst v9;
	v2 =	vadd.f32 v58, v2  }
0x3eb: {  	[tilespmem:s6+$0x12000] =	vst v4;
	v62 =	vadd.f32 v6, v3  }
0x3ec: {  	[tilespmem:s6+$0x14000] =	vst v2;
	v2 =	vadd.f32 v59, v3  }
0x3ed: {  	v63 =	vadd.f32 v60, v3;
	[tilespmem:s3+$0x10000] =	vst v62  }
0x3ee: {  	[tilespmem:s3+$0x12000] =	vst v2;
	v2 =	vadd.f32 v61, v3  }
0x3ef: {  	[tilespmem:s3+$0x14000] =	vst v63  }
0x3f0: {  	s0 =	sadd.s32 s4, s16;
	s20 =	simm.s32 $0x10000;
	s15 =	sadd.s32 $0x1, s15;
	[tilespmem:s3+$0x16000] =	vst v2  }
0x3f1: {  	[hbm4b:s0+s5] =	stream.linear.scatter [tilespmem:s20], [sflag:$0x15], $0x2000, $0x38;
	[tilespmem:$0x1E100] =	vst v63  }
0x3f2: {  	s19 =	sadd.s32 s4, s17;
	s21 =	simm.s32 $0x12000;
	p0 =	sne.s32 s15, $0xA  }
0x3f3: {  	[hbm4b:s19+s5] =	stream.linear.scatter [tilespmem:s21], [sflag:$0x16], $0x2000, $0x38;
	[tilespmem:$0x1E100] =	vst v63  }
.Ltmp3:
0x3f4: {  	_ = 	snop;
	(pc) =	sbr.rel @p0 .LBB2_2-.Ltmp3, $4  }
0x3f5: {  	s26 =	sadd.s32 s4, s22;
	s12 =	simm.s32 $0x14000  }
0x3f6: {  	[hbm4b:s26+s5] =	stream.linear.scatter [tilespmem:s12], [sflag:$0x17], $0x2000, $0x38;
	[tilespmem:$0x1E100] =	vst v63  }
0x3f7: {  	s18 =	simm.s32 $0x16000;
	s28 =	sadd.s32 s4, s2  }
0x3f8: {  	[hbm4b:s28+s5] =	stream.linear.scatter [tilespmem:s18], [sflag:$0x18], $0x2000, $0x38;
	[tilespmem:$0x1E100] =	vst v63  }
0x3f9: {  	s0 =	simm.s32 $0x19  }
0x3fa: {  	_ =	swait.ge [sflag:s0], $0x2000  }
0x3fb: {  	[sflag:s0] =	ssyncset.done $0x0  }
0x3fc: {  	s6 =	simm.s32 $0x1;
	[sflag:s0] =	ssyncadd.s32 $0xFFFFE000  }
0x3fd: {  	_ =	swait.ge [sflag:s6], $0x2000  }
0x3fe: {  	[sflag:s6] =	ssyncset.done $0x0  }
0x3ff: {  	s7 =	simm.s32 $0x2;
	[sflag:s6] =	ssyncadd.s32 $0xFFFFE000  }
0x400: {  	_ =	swait.ge [sflag:s7], $0x2000  }
0x401: {  	[sflag:s7] =	ssyncset.done $0x0  }
0x402: {  	s9 =	simm.s32 $0x3;
	[sflag:s7] =	ssyncadd.s32 $0xFFFFE000  }
0x403: {  	_ =	swait.ge [sflag:s9], $0x2000  }
0x404: {  	[sflag:s9] =	ssyncset.done $0x0  }
0x405: {  	s3 =	simm.s32 $0x4;
	[sflag:s9] =	ssyncadd.s32 $0xFFFFE000  }
0x406: {  	s9 =	simm.s32 $0x0;
	_ =	swait.ge [sflag:s3], $0x2000  }
0x407: {  	s12 =	sand.u32 $0x60, s9;
	s2 =	sand.u32 $0x1C00, s9;
	[sflag:s3] =	ssyncset.done $0x0  }
0x408: {  	s2 =	sor.u32 s12, s2;
	[sflag:s3] =	ssyncadd.s32 $0xFFFFE000  }
0x409: {  	v2 =	vld [tilespmem:s2+$0x18010]  }
0x40a: {  	v3 =	vld [tilespmem:s2+$0x10]  }
0x40b: {  	v4 =	vld [tilespmem:s2+$0x2010]  }
0x40c: {  	v5 =	vld [tilespmem:s2+$0x4010]  }
0x40d: {  	v6 =	vld [tilespmem:s2+$0x6010]  }
0x40e: {  	v7 =	vld [tilespmem:s2+$0x18090]  }
0x40f: {  	v8 =	vld [tilespmem:s2+$0x90]  }
0x410: {  	v9 =	vld [tilespmem:s2+$0x2090]  }
0x411: {  	v10 =	vld [tilespmem:s2+$0x4090]  }
0x412: {  	v11 =	vld [tilespmem:s2+$0x6090]  }
0x413: {  	v12 =	vld [tilespmem:s2+$0x18110]  }
0x414: {  	v13 =	vld [tilespmem:s2+$0x110]  }
0x415: {  	v14 =	vld [tilespmem:s2+$0x2110]  }
0x416: {  	v22 =	vld [tilespmem:s2+$0x2080];
	v3 =	vadd.f32 v3, v2  }
0x417: {  	v15 =	vld [tilespmem:s2+$0x4080];
	v4 =	vadd.f32 v4, v2  }
0x418: {  	[tilespmem:s2+$0x10] =	vst v3;
	v3 =	vadd.f32 v5, v2;
	v5 =	vld [tilespmem:s2+$0x4110]  }
0x419: {  	[tilespmem:s2+$0x2010] =	vst v4;
	v2 =	vadd.f32 v6, v2;
	v4 =	vld [tilespmem:s2+$0x6110]  }
0x41a: {  	v6 =	vld [tilespmem:s2+$0x18190];
	[tilespmem:s2+$0x4010] =	vst v3;
	v3 =	vadd.f32 v8, v7  }
0x41b: {  	[tilespmem:s2+$0x6010] =	vst v2;
	v2 =	vadd.f32 v9, v7;
	v8 =	vld [tilespmem:s2+$0x190]  }
0x41c: {  	v9 =	vld [tilespmem:s2+$0x2190];
	[tilespmem:s2+$0x90] =	vst v3;
	v3 =	vadd.f32 v10, v7  }
0x41d: {  	[tilespmem:s2+$0x2090] =	vst v2;
	v2 =	vadd.f32 v11, v7;
	v7 =	vld [tilespmem:s2+$0x4190]  }
0x41e: {  	v10 =	vld [tilespmem:s2+$0x6190];
	[tilespmem:s2+$0x4090] =	vst v3;
	v3 =	vadd.f32 v13, v12  }
0x41f: {  	v11 =	vld [tilespmem:s2+$0x18210];
	[tilespmem:s2+$0x6090] =	vst v2;
	v2 =	vadd.f32 v14, v12  }
0x420: {  	[tilespmem:s2+$0x110] =	vst v3;
	v3 =	vadd.f32 v5, v12;
	v5 =	vld [tilespmem:s2+$0x210]  }
0x421: {  	[tilespmem:s2+$0x2110] =	vst v2;
	v2 =	vadd.f32 v4, v12;
	v4 =	vld [tilespmem:s2+$0x2210]  }
0x422: {  	[tilespmem:s2+$0x4110] =	vst v3;
	v3 =	vadd.f32 v8, v6;
	v8 =	vld [tilespmem:s2+$0x4210]  }
0x423: {  	[tilespmem:s2+$0x6110] =	vst v2;
	v2 =	vadd.f32 v9, v6;
	v9 =	vld [tilespmem:s2+$0x6210]  }
0x424: {  	[tilespmem:s2+$0x190] =	vst v3;
	v3 =	vadd.f32 v7, v6;
	v7 =	vld [tilespmem:s2+$0x18290]  }
0x425: {  	[tilespmem:s2+$0x2190] =	vst v2;
	v2 =	vadd.f32 v10, v6;
	v6 =	vld [tilespmem:s2+$0x290]  }
0x426: {  	v10 =	vld [tilespmem:s2+$0x18000]  }
0x427: {  	[tilespmem:s2+$0x4190] =	vst v3;
	v3 =	vadd.f32 v5, v11;
	v5 =	vld [tilespmem:s2+$0x2290]  }
0x428: {  	[tilespmem:s2+$0x6190] =	vst v2;
	v2 =	vadd.f32 v4, v11;
	v4 =	vld [tilespmem:s2+$0x4290]  }
0x429: {  	[tilespmem:s2+$0x210] =	vst v3;
	v3 =	vadd.f32 v8, v11;
	v8 =	vld [tilespmem:s2+$0x6290]  }
0x42a: {  	[tilespmem:s2+$0x2210] =	vst v2;
	v2 =	vadd.f32 v9, v11;
	v9 =	vld [tilespmem:s2+$0x0]  }
0x42b: {  	v25 =	vld [tilespmem:s2+$0x6180];
	[tilespmem:s2+$0x4210] =	vst v3;
	v3 =	vadd.f32 v6, v7  }
0x42c: {  	v6 =	vld [tilespmem:s2+$0x2000];
	[tilespmem:s2+$0x6210] =	vst v2;
	v2 =	vadd.f32 v5, v7  }
0x42d: {  	s15 =	sand.u32 $0x3, s9;
	v5 =	vld [tilespmem:s2+$0x4000];
	[tilespmem:s2+$0x290] =	vst v3;
	v3 =	vadd.f32 v4, v7  }
0x42e: {  	s0 =	sshll.u32 s15, $0x5;
	v4 =	vld [tilespmem:s2+$0x6000];
	[tilespmem:s2+$0x2290] =	vst v2;
	v2 =	vadd.f32 v8, v7  }
0x42f: {  	s6 =	sadd.s32 $0x0, s0;
	v7 =	vld [tilespmem:s2+$0x18080];
	v9 =	vadd.f32 v9, v10;
	[tilespmem:s2+$0x4290] =	vst v3  }
0x430: {  	s16 =	sadd.s32 $0x10, s6;
	v3 =	vld [tilespmem:s2+$0x80];
	[tilespmem:s2+$0x6290] =	vst v2  }
0x431: {  	s17 =	sor.u32 $0x300, s16;
	[tilespmem:s2+$0x0] =	vst v9;
	v9 =	vld [tilespmem:s2+$0x6080]  }
0x432: {  	v2 =	vld [tilespmem:s17+$0x18000]  }
0x433: {  	v8 =	vld [tilespmem:s17+$0x0]  }
0x434: {  	v11 =	vld [tilespmem:s17+$0x2000]  }
0x435: {  	v6 =	vadd.f32 v6, v10;
	v20 =	vld [tilespmem:s17+$0x4000]  }
0x436: {  	v21 =	vld [tilespmem:s17+$0x6000]  }
0x437: {  	v5 =	vadd.f32 v5, v10;
	[tilespmem:s2+$0x2000] =	vst v6;
	v6 =	vld [tilespmem:s2+$0x18100]  }
0x438: {  	v4 =	vadd.f32 v4, v10;
	v10 =	vld [tilespmem:s2+$0x4100];
	v23 =	vadd.f32 v22, v7  }
0x439: {  	[tilespmem:s2+$0x4000] =	vst v5;
	v5 =	vld [tilespmem:s2+$0x100];
	v24 =	vadd.f32 v15, v7;
	v3 =	vadd.f32 v3, v7  }
0x43a: {  	[tilespmem:s2+$0x6000] =	vst v4;
	v7 =	vadd.f32 v9, v7;
	v9 =	vld [tilespmem:s2+$0x4180];
	v4 =	vadd.f32 v8, v2  }
0x43b: {  	v8 =	vld [tilespmem:s2+$0x2100];
	[tilespmem:s2+$0x80] =	vst v3;
	v3 =	vadd.f32 v11, v2  }
0x43c: {  	v11 =	vld [tilespmem:s2+$0x6100];
	[tilespmem:s17+$0x0] =	vst v4;
	v4 =	vadd.f32 v20, v2  }
0x43d: {  	[tilespmem:s17+$0x2000] =	vst v3;
	v2 =	vadd.f32 v21, v2;
	v3 =	vld [tilespmem:s2+$0x18180]  }
0x43e: {  	v5 =	vadd.f32 v5, v6;
	[tilespmem:s17+$0x4000] =	vst v4;
	v4 =	vld [tilespmem:s2+$0x180]  }
0x43f: {  	s15 =	simm.s32 $0x100;
	s3 =	sor.u32 $0x380, s16;
	s16 =	simm.s32 $0x20;
	[tilespmem:s17+$0x6000] =	vst v2;
	v2 =	vld [tilespmem:s2+$0x2180]  }
0x440: {  	s19 =	sand.u32 $0x1C00, s15;
	s18 =	sand.u32 $0x60, s16;
	[tilespmem:s2+$0x100] =	vst v5;
	v5 =	vadd.f32 v10, v6;
	v10 =	vld [tilespmem:s2+$0x200]  }
0x441: {  	[tilespmem:s2+$0x6080] =	vst v7;
	s17 =	sor.u32 s18, s19;
	v7 =	vadd.f32 v8, v6;
	v8 =	vld [tilespmem:s2+$0x18200]  }
0x442: {  	v6 =	vadd.f32 v11, v6;
	v11 =	vld [tilespmem:s17+$0x2010]  }
0x443: {  	v26 =	vld [tilespmem:s17+$0x4010]  }
0x444: {  	v27 =	vld [tilespmem:s17+$0x6010]  }
0x445: {  	v28 =	vld [tilespmem:s17+$0x18090]  }
0x446: {  	v29 =	vld [tilespmem:s17+$0x90]  }
0x447: {  	v16 =	vld [tilespmem:s17+$0x2090]  }
0x448: {  	v17 =	vld [tilespmem:s17+$0x4090]  }
0x449: {  	v18 =	vld [tilespmem:s17+$0x6090]  }
0x44a: {  	v19 =	vld [tilespmem:s17+$0x18110]  }
0x44b: {  	v20 =	vld [tilespmem:s17+$0x110]  }
0x44c: {  	v21 =	vld [tilespmem:s17+$0x2110]  }
0x44d: {  	v30 =	vld [tilespmem:s17+$0x4110]  }
0x44e: {  	v31 =	vld [tilespmem:s17+$0x18190]  }
0x44f: {  	v32 =	vld [tilespmem:s17+$0x190]  }
0x450: {  	v40 =	vld [tilespmem:s17+$0x18290]  }
0x451: {  	[tilespmem:s2+$0x2080] =	vst v23;
	v42 =	vld [tilespmem:s17+$0x2290]  }
0x452: {  	v43 =	vld [tilespmem:s17+$0x6290];
	[tilespmem:s2+$0x4100] =	vst v5  }
0x453: {  	v5 =	vld [tilespmem:s2+$0x4200];
	[tilespmem:s2+$0x2100] =	vst v7;
	v4 =	vadd.f32 v4, v3  }
0x454: {  	v7 =	vld [tilespmem:s2+$0x2200];
	[tilespmem:s2+$0x6100] =	vst v6  }
0x455: {  	v6 =	vld [tilespmem:s2+$0x6200];
	[tilespmem:s2+$0x180] =	vst v4;
	v4 =	vadd.f32 v9, v3  }
0x456: {  	[tilespmem:s2+$0x4080] =	vst v24;
	v2 =	vadd.f32 v2, v3;
	v9 =	vld [tilespmem:s2+$0x18280]  }
0x457: {  	v12 =	vadd.f32 v42, v40;
	[tilespmem:s2+$0x4180] =	vst v4;
	v4 =	vadd.f32 v10, v8;
	v10 =	vld [tilespmem:s2+$0x2280]  }
0x458: {  	v46 =	vld [tilespmem:s17+$0x18000];
	[tilespmem:s2+$0x2180] =	vst v2;
	v2 =	vadd.f32 v25, v3  }
0x459: {  	v48 =	vld [tilespmem:s17+$0x2000];
	[tilespmem:s17+$0x2290] =	vst v12  }
0x45a: {  	v3 =	vld [tilespmem:s2+$0x280];
	[tilespmem:s2+$0x6180] =	vst v2;
	v2 =	vadd.f32 v7, v8  }
0x45b: {  	v47 =	vadd.f32 v43, v40;
	v7 =	vld [tilespmem:s2+$0x4280];
	[tilespmem:s2+$0x200] =	vst v4;
	v4 =	vadd.f32 v5, v8  }
0x45c: {  	v5 =	vld [tilespmem:s2+$0x6280];
	[tilespmem:s2+$0x2200] =	vst v2;
	v2 =	vadd.f32 v6, v8;
	v6 =	vadd.f32 v10, v9  }
0x45d: {  	[tilespmem:s17+$0x6290] =	vst v47;
	v10 =	vld [tilespmem:s17+$0x10]  }
0x45e: {  	v14 =	vadd.f32 v48, v46;
	[tilespmem:s2+$0x2280] =	vst v6;
	v6 =	vld [tilespmem:s17+$0x18010]  }
0x45f: {  	v33 =	vld [tilespmem:s17+$0x2190];
	[tilespmem:s2+$0x4200] =	vst v4;
	v4 =	vadd.f32 v3, v9  }
0x460: {  	v34 =	vld [tilespmem:s17+$0x4190];
	[tilespmem:s17+$0x2000] =	vst v14  }
0x461: {  	v35 =	vld [tilespmem:s17+$0x6190];
	[tilespmem:s2+$0x280] =	vst v4;
	v4 =	vadd.f32 v7, v9  }
0x462: {  	v36 =	vld [tilespmem:s17+$0x18210];
	[tilespmem:s2+$0x6200] =	vst v2;
	v5 =	vadd.f32 v5, v9  }
0x463: {  	v37 =	vld [tilespmem:s17+$0x210];
	[tilespmem:s2+$0x4280] =	vst v4;
	v10 =	vadd.f32 v10, v6  }
0x464: {  	v38 =	vld [tilespmem:s17+$0x4210];
	[tilespmem:s2+$0x6280] =	vst v5;
	v11 =	vadd.f32 v11, v6  }
0x465: {  	v39 =	vld [tilespmem:s17+$0x6210];
	[tilespmem:s17+$0x10] =	vst v10;
	v10 =	vadd.f32 v26, v6  }
0x466: {  	v41 =	vld [tilespmem:s17+$0x290];
	[tilespmem:s17+$0x2010] =	vst v11;
	v6 =	vadd.f32 v27, v6  }
0x467: {  	v52 =	vld [tilespmem:s17+$0x2080];
	[tilespmem:s17+$0x4010] =	vst v10;
	v10 =	vadd.f32 v29, v28  }
0x468: {  	v54 =	vld [tilespmem:s17+$0x4080];
	[tilespmem:s17+$0x6010] =	vst v6;
	v6 =	vadd.f32 v16, v28  }
0x469: {  	v11 =	vld [tilespmem:s17+$0x6110];
	[tilespmem:s17+$0x90] =	vst v10;
	v10 =	vadd.f32 v17, v28  }
0x46a: {  	v55 =	vld [tilespmem:s17+$0x6080];
	[tilespmem:s17+$0x2090] =	vst v6;
	v6 =	vadd.f32 v18, v28  }
0x46b: {  	v56 =	vld [tilespmem:s17+$0x18100];
	[tilespmem:s17+$0x4090] =	vst v10;
	v10 =	vadd.f32 v20, v19  }
0x46c: {  	s6 =	sor.u32 $0x300, s6;
	v57 =	vld [tilespmem:s17+$0x4100];
	[tilespmem:s17+$0x6090] =	vst v6;
	v6 =	vadd.f32 v21, v19  }
0x46d: {  	v7 =	vld [tilespmem:s6+$0x18000];
	[tilespmem:s17+$0x110] =	vst v10;
	v10 =	vadd.f32 v30, v19  }
0x46e: {  	v9 =	vld [tilespmem:s6+$0x2000];
	[tilespmem:s17+$0x2110] =	vst v6;
	v6 =	vadd.f32 v11, v19  }
0x46f: {  	v11 =	vld [tilespmem:s17+$0x2210];
	[tilespmem:s17+$0x4110] =	vst v10;
	v10 =	vadd.f32 v32, v31  }
0x470: {  	v58 =	vld [tilespmem:s17+$0x18180];
	[tilespmem:s17+$0x6110] =	vst v6;
	v6 =	vadd.f32 v33, v31  }
0x471: {  	v3 =	vld [tilespmem:s3+$0x18000];
	[tilespmem:s17+$0x190] =	vst v10;
	v10 =	vadd.f32 v34, v31  }
0x472: {  	v2 =	vld [tilespmem:s3+$0x6000];
	[tilespmem:s17+$0x2190] =	vst v6;
	v6 =	vadd.f32 v35, v31  }
0x473: {  	v4 =	vld [tilespmem:s3+$0x0];
	[tilespmem:s17+$0x4190] =	vst v10;
	v10 =	vadd.f32 v37, v36  }
0x474: {  	v9 =	vadd.f32 v9, v7;
	[tilespmem:s17+$0x6190] =	vst v6;
	v6 =	vadd.f32 v11, v36;
	v11 =	vld [tilespmem:s17+$0x4290]  }
0x475: {  	v5 =	vld [tilespmem:s3+$0x2000];
	[tilespmem:s17+$0x210] =	vst v10;
	v10 =	vadd.f32 v38, v36  }
0x476: {  	s2 =	simm.s32 $0x1;
	v8 =	vld [tilespmem:s6+$0x0];
	v16 =	vadd.f32 v39, v36;
	[tilespmem:s6+$0x2000] =	vst v9  }
0x477: {  	v44 =	vld [tilespmem:s6+$0x4000];
	s22 =	sand.u32 $0x3, s2;
	[tilespmem:s17+$0x4210] =	vst v10;
	v10 =	vadd.f32 v41, v40  }
0x478: {  	v45 =	vld [tilespmem:s6+$0x6000];
	s0 =	sshll.u32 s22, $0x5;
	[tilespmem:s17+$0x6210] =	vst v16  }
0x479: {  	s18 =	sadd.s32 $0x100, s0;
	v9 =	vld [tilespmem:s17+$0x6000];
	[tilespmem:s17+$0x290] =	vst v10;
	v10 =	vadd.f32 v11, v40  }
0x47a: {  	v2 =	vadd.f32 v2, v3;
	s0 =	sadd.s32 $0x10, s18;
	[tilespmem:s17+$0x2210] =	vst v6;
	v11 =	vld [tilespmem:s17+$0x0]  }
0x47b: {  	v4 =	vadd.f32 v4, v3;
	s7 =	sor.u32 $0x300, s0;
	[tilespmem:s17+$0x4290] =	vst v10;
	v10 =	vld [tilespmem:s17+$0x4000]  }
0x47c: {  	[tilespmem:s3+$0x6000] =	vst v2;
	v8 =	vadd.f32 v8, v7;
	v12 =	vld [tilespmem:s7+$0x18000]  }
0x47d: {  	v2 =	vadd.f32 v5, v3;
	[tilespmem:s3+$0x0] =	vst v4;
	v49 =	vld [tilespmem:s7+$0x0]  }
0x47e: {  	[tilespmem:s6+$0x0] =	vst v8;
	v8 =	vadd.f32 v44, v7;
	v16 =	vld [tilespmem:s7+$0x2000]  }
0x47f: {  	[tilespmem:s3+$0x2000] =	vst v2;
	v50 =	vld [tilespmem:s7+$0x4000];
	v4 =	vadd.f32 v11, v46  }
0x480: {  	v7 =	vadd.f32 v45, v7;
	[tilespmem:s6+$0x4000] =	vst v8;
	v51 =	vld [tilespmem:s7+$0x6000]  }
0x481: {  	v8 =	vld [tilespmem:s17+$0x18080];
	[tilespmem:s17+$0x0] =	vst v4;
	v4 =	vadd.f32 v10, v46  }
0x482: {  	[tilespmem:s6+$0x6000] =	vst v7;
	v7 =	vld [tilespmem:s17+$0x80];
	v15 =	vadd.f32 v49, v12  }
0x483: {  	v59 =	vld [tilespmem:s17+$0x180];
	v16 =	vadd.f32 v16, v12;
	[tilespmem:s17+$0x4000] =	vst v4  }
0x484: {  	v60 =	vld [tilespmem:s17+$0x18200];
	v53 =	vadd.f32 v50, v12;
	[tilespmem:s7+$0x0] =	vst v15  }
0x485: {  	v61 =	vld [tilespmem:s17+$0x4200];
	v12 =	vadd.f32 v51, v12;
	[tilespmem:s7+$0x2000] =	vst v16  }
0x486: {  	v5 =	vld [tilespmem:s17+$0x100];
	v9 =	vadd.f32 v9, v46;
	[tilespmem:s7+$0x4000] =	vst v53  }
0x487: {  	s6 =	sor.u32 $0x380, s0;
	v11 =	vld [tilespmem:s17+$0x2100];
	v4 =	vadd.f32 v7, v8;
	[tilespmem:s7+$0x6000] =	vst v12  }
0x488: {  	[tilespmem:s17+$0x6000] =	vst v9;
	v9 =	vadd.f32 v52, v8;
	v2 =	vld [tilespmem:s6+$0x18000]  }
0x489: {  	v10 =	vld [tilespmem:s6+$0x6000];
	[tilespmem:s17+$0x80] =	vst v4;
	v4 =	vadd.f32 v54, v8  }
0x48a: {  	[tilespmem:s17+$0x2080] =	vst v9;
	v7 =	vld [tilespmem:s17+$0x6100];
	v8 =	vadd.f32 v55, v8  }
0x48b: {  	v62 =	vld [tilespmem:s17+$0x6280];
	[tilespmem:s17+$0x4080] =	vst v4;
	v4 =	vadd.f32 v5, v56  }
0x48c: {  	v9 =	vld [tilespmem:s17+$0x2180];
	[tilespmem:s17+$0x6080] =	vst v8;
	v8 =	vadd.f32 v11, v56  }
0x48d: {  	v5 =	vld [tilespmem:s17+$0x4180];
	[tilespmem:s17+$0x100] =	vst v4;
	v4 =	vadd.f32 v57, v56  }
0x48e: {  	v11 =	vld [tilespmem:s17+$0x6180];
	[tilespmem:s17+$0x2100] =	vst v8;
	v8 =	vadd.f32 v10, v2  }
0x48f: {  	v10 =	vld [tilespmem:s17+$0x200];
	[tilespmem:s17+$0x4100] =	vst v4;
	v4 =	vadd.f32 v7, v56  }
0x490: {  	v7 =	vld [tilespmem:s17+$0x2200];
	[tilespmem:s6+$0x6000] =	vst v8;
	v8 =	vadd.f32 v59, v58  }
0x491: {  	[tilespmem:s17+$0x6100] =	vst v4;
	v4 =	vadd.f32 v9, v58;
	v9 =	vld [tilespmem:s17+$0x6200]  }
0x492: {  	v5 =	vadd.f32 v5, v58;
	[tilespmem:s17+$0x180] =	vst v8;
	v8 =	vld [tilespmem:s17+$0x18280]  }
0x493: {  	[tilespmem:s17+$0x2180] =	vst v4;
	v4 =	vadd.f32 v11, v58;
	v11 =	vld [tilespmem:s17+$0x280]  }
0x494: {  	[tilespmem:s17+$0x4180] =	vst v5;
	v5 =	vadd.f32 v10, v60;
	v10 =	vld [tilespmem:s17+$0x2280]  }
0x495: {  	s26 =	sor.u32 s9, s9;
	[tilespmem:s17+$0x6180] =	vst v4;
	v4 =	vadd.f32 v7, v60;
	v7 =	vld [tilespmem:s17+$0x4280]  }
0x496: {  	s9 =	sor.u32 $0x380, s26;
	v6 =	vld [tilespmem:s3+$0x4000];
	[tilespmem:s17+$0x200] =	vst v5;
	v5 =	vadd.f32 v61, v60  }
0x497: {  	[tilespmem:s17+$0x2200] =	vst v4;
	v4 =	vadd.f32 v9, v60;
	v9 =	vld [tilespmem:s9+$0x18000]  }
0x498: {  	[tilespmem:s17+$0x4200] =	vst v5;
	v5 =	vadd.f32 v11, v8;
	v11 =	vld [tilespmem:s9+$0x0]  }
0x499: {  	[tilespmem:s17+$0x6200] =	vst v4;
	v4 =	vadd.f32 v10, v8;
	v10 =	vld [tilespmem:s9+$0x2000]  }
0x49a: {  	[tilespmem:s17+$0x280] =	vst v5;
	v5 =	vadd.f32 v7, v8;
	v7 =	vld [tilespmem:s9+$0x4000]  }
0x49b: {  	[tilespmem:s17+$0x2280] =	vst v4;
	v4 =	vadd.f32 v62, v8;
	v8 =	vld [tilespmem:s9+$0x6000]  }
0x49c: {  	v3 =	vadd.f32 v6, v3;
	v63 =	vld [tilespmem:s6+$0x0];
	[tilespmem:s17+$0x4280] =	vst v5  }
0x49d: {  	s19 =	sor.u32 $0x300, s18;
	[tilespmem:s17+$0x6280] =	vst v4;
	v4 =	vld [tilespmem:s6+$0x2000];
	v6 =	vadd.f32 v11, v9  }
0x49e: {  	[tilespmem:s3+$0x4000] =	vst v3;
	v3 =	vld [tilespmem:s19+$0x18000];
	v10 =	vadd.f32 v10, v9  }
0x49f: {  	v5 =	vld [tilespmem:s19+$0x0];
	[tilespmem:s9+$0x0] =	vst v6;
	v11 =	vadd.f32 v7, v9  }
0x4a0: {  	s28 =	sor.u32 s15, s16;
	s15 =	simm.s32 $0x2;
	v6 =	vld [tilespmem:s19+$0x2000];
	[tilespmem:s9+$0x2000] =	vst v10;
	v8 =	vadd.f32 v8, v9  }
0x4a1: {  	s16 =	simm.s32 $0x200;
	s3 =	sor.u32 $0x380, s28;
	s17 =	simm.s32 $0x40;
	v7 =	vld [tilespmem:s19+$0x4000];
	v9 =	vadd.f32 v63, v2;
	[tilespmem:s9+$0x4000] =	vst v11  }
.LBB2_10:
0x4a2: {  	s0 =	sand.u32 $0x60, s17;
	s7 =	sand.u32 $0x1C00, s16;
	s12 =	sor.u32 s16, s17;
	v10 =	vld [tilespmem:s19+$0x6000];
	v4 =	vadd.f32 v4, v2;
	[tilespmem:s9+$0x6000] =	vst v8  }
0x4a3: {  	s9 =	smov.u32 s3;
	s18 =	sor.u32 s0, s7;
	[tilespmem:s6+$0x0] =	vst v9;
	v8 =	vld [tilespmem:s6+$0x4000];
	s3 =	sor.u32 $0x380, s12  }
0x4a4: {  	v9 =	vld [tilespmem:s18+$0x18010];
	v5 =	vadd.f32 v5, v3;
	[tilespmem:s6+$0x2000] =	vst v4  }
0x4a5: {  	v4 =	vld [tilespmem:s18+$0x10];
	v6 =	vadd.f32 v6, v3  }
0x4a6: {  	v11 =	vld [tilespmem:s18+$0x2010];
	[tilespmem:s19+$0x0] =	vst v5;
	v5 =	vadd.f32 v7, v3  }
0x4a7: {  	v7 =	vld [tilespmem:s18+$0x4010];
	[tilespmem:s19+$0x2000] =	vst v6;
	v3 =	vadd.f32 v10, v3  }
0x4a8: {  	v6 =	vld [tilespmem:s18+$0x6010];
	[tilespmem:s19+$0x4000] =	vst v5;
	v2 =	vadd.f32 v8, v2  }
0x4a9: {  	v5 =	vld [tilespmem:s18+$0x18090];
	[tilespmem:s19+$0x6000] =	vst v3  }
0x4aa: {  	v3 =	vld [tilespmem:s18+$0x90];
	[tilespmem:s6+$0x4000] =	vst v2  }
0x4ab: {  	v2 =	vld [tilespmem:s18+$0x2090]  }
0x4ac: {  	v8 =	vld [tilespmem:s18+$0x4090]  }
0x4ad: {  	v10 =	vld [tilespmem:s18+$0x6090]  }
0x4ae: {  	v12 =	vld [tilespmem:s18+$0x18110]  }
0x4af: {  	v4 =	vadd.f32 v4, v9;
	v13 =	vld [tilespmem:s18+$0x110]  }
0x4b0: {  	v11 =	vadd.f32 v11, v9;
	v14 =	vld [tilespmem:s18+$0x2110]  }
0x4b1: {  	[tilespmem:s18+$0x10] =	vst v4;
	v4 =	vadd.f32 v7, v9;
	v7 =	vld [tilespmem:s18+$0x4110]  }
0x4b2: {  	v6 =	vadd.f32 v6, v9;
	[tilespmem:s18+$0x2010] =	vst v11;
	v9 =	vld [tilespmem:s18+$0x6110]  }
0x4b3: {  	v3 =	vadd.f32 v3, v5;
	[tilespmem:s18+$0x4010] =	vst v4;
	v4 =	vld [tilespmem:s18+$0x18190]  }
0x4b4: {  	v2 =	vadd.f32 v2, v5;
	[tilespmem:s18+$0x6010] =	vst v6;
	v6 =	vld [tilespmem:s18+$0x190]  }
0x4b5: {  	[tilespmem:s18+$0x90] =	vst v3;
	v3 =	vadd.f32 v8, v5;
	v8 =	vld [tilespmem:s18+$0x2190]  }
0x4b6: {  	[tilespmem:s18+$0x2090] =	vst v2;
	v2 =	vadd.f32 v10, v5;
	v5 =	vld [tilespmem:s18+$0x4190]  }
0x4b7: {  	[tilespmem:s18+$0x4090] =	vst v3;
	v3 =	vadd.f32 v13, v12;
	v10 =	vld [tilespmem:s18+$0x6190]  }
0x4b8: {  	[tilespmem:s18+$0x6090] =	vst v2;
	v2 =	vadd.f32 v14, v12;
	v11 =	vld [tilespmem:s18+$0x18210]  }
0x4b9: {  	[tilespmem:s18+$0x110] =	vst v3;
	v3 =	vadd.f32 v7, v12;
	v7 =	vld [tilespmem:s18+$0x210]  }
0x4ba: {  	[tilespmem:s18+$0x2110] =	vst v2;
	v2 =	vadd.f32 v9, v12;
	v9 =	vld [tilespmem:s18+$0x2210]  }
0x4bb: {  	[tilespmem:s18+$0x4110] =	vst v3;
	v3 =	vadd.f32 v6, v4;
	v6 =	vld [tilespmem:s18+$0x4210]  }
0x4bc: {  	[tilespmem:s18+$0x6110] =	vst v2;
	v2 =	vadd.f32 v8, v4;
	v8 =	vld [tilespmem:s18+$0x6210]  }
0x4bd: {  	[tilespmem:s18+$0x190] =	vst v3;
	v3 =	vadd.f32 v5, v4;
	v5 =	vld [tilespmem:s18+$0x18290]  }
0x4be: {  	[tilespmem:s18+$0x2190] =	vst v2;
	v2 =	vadd.f32 v10, v4;
	v4 =	vld [tilespmem:s18+$0x290]  }
0x4bf: {  	[tilespmem:s18+$0x4190] =	vst v3;
	v3 =	vadd.f32 v7, v11;
	v7 =	vld [tilespmem:s18+$0x2290]  }
0x4c0: {  	[tilespmem:s18+$0x6190] =	vst v2;
	v2 =	vadd.f32 v9, v11;
	v9 =	vld [tilespmem:s18+$0x4290]  }
0x4c1: {  	[tilespmem:s18+$0x210] =	vst v3;
	v3 =	vadd.f32 v6, v11;
	v6 =	vld [tilespmem:s18+$0x6290]  }
0x4c2: {  	v10 =	vld [tilespmem:s18+$0x18000];
	[tilespmem:s18+$0x2210] =	vst v2;
	v2 =	vadd.f32 v8, v11  }
0x4c3: {  	s2 =	sadd.s32 $0x1, s2;
	v8 =	vld [tilespmem:s18+$0x0];
	[tilespmem:s18+$0x4210] =	vst v3;
	v3 =	vadd.f32 v4, v5  }
0x4c4: {  	s15 =	sadd.s32 $0x2, s15;
	s0 =	sand.u32 $0x3, s2;
	v4 =	vld [tilespmem:s18+$0x2000];
	[tilespmem:s18+$0x6210] =	vst v2;
	v2 =	vadd.f32 v7, v5  }
0x4c5: {  	p0 =	slt.u32 s15, $0x3E;
	s0 =	sshll.u32 s0, $0x5;
	v7 =	vld [tilespmem:s18+$0x4000];
	[tilespmem:s18+$0x290] =	vst v3;
	v3 =	vadd.f32 v9, v5  }
0x4c6: {  	s0 =	sadd.s32 s0, s16;
	v9 =	vld [tilespmem:s18+$0x6000];
	[tilespmem:s18+$0x2290] =	vst v2;
	v2 =	vadd.f32 v6, v5  }
0x4c7: {  	s19 =	sor.u32 $0x300, s0;
	s0 =	sadd.s32 $0x10, s0;
	v5 =	vld [tilespmem:s18+$0x18080];
	[tilespmem:s18+$0x4290] =	vst v3  }
0x4c8: {  	s6 =	sor.u32 $0x300, s0;
	v3 =	vadd.f32 v8, v10;
	v6 =	vld [tilespmem:s18+$0x80];
	[tilespmem:s18+$0x6290] =	vst v2  }
0x4c9: {  	v2 =	vadd.f32 v4, v10;
	v4 =	vld [tilespmem:s6+$0x18000]  }
0x4ca: {  	[tilespmem:s18+$0x0] =	vst v3;
	v3 =	vadd.f32 v7, v10;
	v7 =	vld [tilespmem:s6+$0x0]  }
0x4cb: {  	[tilespmem:s18+$0x2000] =	vst v2;
	v2 =	vadd.f32 v9, v10;
	v8 =	vld [tilespmem:s6+$0x2000]  }
0x4cc: {  	[tilespmem:s18+$0x4000] =	vst v3;
	v3 =	vld [tilespmem:s6+$0x4000]  }
0x4cd: {  	[tilespmem:s18+$0x6000] =	vst v2;
	v2 =	vadd.f32 v6, v5;
	v6 =	vld [tilespmem:s6+$0x6000]  }
0x4ce: {  	v9 =	vld [tilespmem:s18+$0x2080]  }
0x4cf: {  	[tilespmem:s18+$0x80] =	vst v2;
	v2 =	vld [tilespmem:s18+$0x4080];
	v7 =	vadd.f32 v7, v4  }
0x4d0: {  	v10 =	vld [tilespmem:s18+$0x6080];
	v8 =	vadd.f32 v8, v4  }
0x4d1: {  	v11 =	vld [tilespmem:s18+$0x18100];
	[tilespmem:s6+$0x0] =	vst v7;
	v3 =	vadd.f32 v3, v4  }
0x4d2: {  	v7 =	vld [tilespmem:s18+$0x100];
	[tilespmem:s6+$0x2000] =	vst v8;
	v4 =	vadd.f32 v6, v4  }
0x4d3: {  	v6 =	vadd.f32 v9, v5;
	v8 =	vld [tilespmem:s18+$0x2100];
	[tilespmem:s6+$0x4000] =	vst v3  }
0x4d4: {  	v3 =	vadd.f32 v2, v5;
	v9 =	vld [tilespmem:s18+$0x4100];
	[tilespmem:s6+$0x6000] =	vst v4;
	s6 =	sor.u32 $0x380, s0  }
0x4d5: {  	[tilespmem:s18+$0x2080] =	vst v6;
	v4 =	vadd.f32 v10, v5;
	v2 =	vld [tilespmem:s6+$0x18000]  }
0x4d6: {  	[tilespmem:s18+$0x4080] =	vst v3;
	v3 =	vld [tilespmem:s6+$0x6000]  }
0x4d7: {  	[tilespmem:s18+$0x6080] =	vst v4;
	v4 =	vadd.f32 v7, v11;
	v5 =	vld [tilespmem:s18+$0x6100]  }
0x4d8: {  	v6 =	vadd.f32 v8, v11;
	v7 =	vld [tilespmem:s18+$0x18180]  }
0x4d9: {  	[tilespmem:s18+$0x100] =	vst v4;
	v4 =	vadd.f32 v9, v11;
	v8 =	vld [tilespmem:s18+$0x180]  }
0x4da: {  	[tilespmem:s18+$0x2100] =	vst v6;
	v6 =	vld [tilespmem:s18+$0x2180]  }
0x4db: {  	[tilespmem:s18+$0x4100] =	vst v4;
	v4 =	vld [tilespmem:s18+$0x4180];
	v3 =	vadd.f32 v3, v2  }
0x4dc: {  	v5 =	vadd.f32 v5, v11;
	v9 =	vld [tilespmem:s18+$0x6180]  }
0x4dd: {  	v10 =	vld [tilespmem:s18+$0x18200];
	[tilespmem:s6+$0x6000] =	vst v3  }
0x4de: {  	[tilespmem:s18+$0x6100] =	vst v5;
	v3 =	vadd.f32 v8, v7;
	v5 =	vld [tilespmem:s18+$0x200]  }
0x4df: {  	v6 =	vadd.f32 v6, v7;
	v8 =	vld [tilespmem:s18+$0x2200]  }
0x4e0: {  	[tilespmem:s18+$0x180] =	vst v3;
	v3 =	vadd.f32 v4, v7;
	v4 =	vld [tilespmem:s18+$0x4200]  }
0x4e1: {  	[tilespmem:s18+$0x2180] =	vst v6;
	v6 =	vadd.f32 v9, v7;
	v7 =	vld [tilespmem:s18+$0x6200]  }
0x4e2: {  	[tilespmem:s18+$0x4180] =	vst v3;
	v3 =	vld [tilespmem:s18+$0x18280]  }
0x4e3: {  	[tilespmem:s18+$0x6180] =	vst v6;
	v5 =	vadd.f32 v5, v10;
	v6 =	vld [tilespmem:s18+$0x280]  }
0x4e4: {  	v8 =	vadd.f32 v8, v10;
	v9 =	vld [tilespmem:s18+$0x2280]  }
0x4e5: {  	[tilespmem:s18+$0x200] =	vst v5;
	v4 =	vadd.f32 v4, v10;
	v5 =	vld [tilespmem:s18+$0x4280]  }
0x4e6: {  	[tilespmem:s18+$0x2200] =	vst v8;
	v7 =	vadd.f32 v7, v10;
	v8 =	vld [tilespmem:s18+$0x6280]  }
0x4e7: {  	[tilespmem:s18+$0x4200] =	vst v4;
	v10 =	vld [tilespmem:s9+$0x18000]  }
0x4e8: {  	[tilespmem:s18+$0x6200] =	vst v7;
	v4 =	vadd.f32 v6, v3;
	v6 =	vld [tilespmem:s9+$0x0]  }
0x4e9: {  	v7 =	vadd.f32 v9, v3;
	v9 =	vld [tilespmem:s9+$0x2000]  }
0x4ea: {  	[tilespmem:s18+$0x280] =	vst v4;
	v4 =	vadd.f32 v5, v3;
	v11 =	vld [tilespmem:s9+$0x4000]  }
0x4eb: {  	[tilespmem:s18+$0x2280] =	vst v7;
	v3 =	vadd.f32 v8, v3;
	v7 =	vld [tilespmem:s9+$0x6000]  }
0x4ec: {  	[tilespmem:s18+$0x4280] =	vst v4;
	v12 =	vld [tilespmem:s6+$0x0]  }
.Ltmp4:
0x4ed: {  	[tilespmem:s18+$0x6280] =	vst v3;
	v4 =	vld [tilespmem:s6+$0x2000];
	v6 =	vadd.f32 v6, v10;
	(pc) =	sbr.rel @p0 .LBB2_10-.Ltmp4, $4  }
0x4ee: {  	v3 =	vld [tilespmem:s19+$0x18000];
	v8 =	vadd.f32 v9, v10  }
0x4ef: {  	v5 =	vld [tilespmem:s19+$0x0];
	[tilespmem:s9+$0x0] =	vst v6;
	v11 =	vadd.f32 v11, v10  }
0x4f0: {  	v6 =	vld [tilespmem:s19+$0x2000];
	[tilespmem:s9+$0x2000] =	vst v8;
	v8 =	vadd.f32 v7, v10  }
0x4f1: {  	s17 =	sadd.s32 $0x20, s17;
	s16 =	sadd.s32 $0x100, s16;
	v7 =	vld [tilespmem:s19+$0x4000];
	v9 =	vadd.f32 v12, v2;
	[tilespmem:s9+$0x4000] =	vst v11  }
0x4f2: {  	v10 =	vld [tilespmem:s19+$0x6000];
	_ =	sdelay $0x1  }
0x4f3: {  	v5 =	vadd.f32 v5, v3  }
0x4f4: {  	v6 =	vadd.f32 v6, v3  }
0x4f5: {  	[tilespmem:s19+$0x0] =	vst v5;
	v5 =	vadd.f32 v7, v3  }
0x4f6: {  	[tilespmem:s19+$0x2000] =	vst v6;
	v3 =	vadd.f32 v10, v3  }
0x4f7: {  	[tilespmem:s19+$0x4000] =	vst v5  }
0x4f8: {  	v5 =	vld [tilespmem:s6+$0x4000];
	[tilespmem:s19+$0x6000] =	vst v3  }
0x4f9: {  	v3 =	vld [tilespmem:s3+$0x18000]  }
0x4fa: {  	v6 =	vld [tilespmem:s3+$0x0]  }
0x4fb: {  	v7 =	vld [tilespmem:s3+$0x2000]  }
0x4fc: {  	[tilespmem:s6+$0x0] =	vst v9;
	v9 =	vld [tilespmem:s3+$0x4000]  }
0x4fd: {  	v4 =	vadd.f32 v4, v2;
	v10 =	vld [tilespmem:s3+$0x6000]  }
0x4fe: {  	[tilespmem:s9+$0x6000] =	vst v8;
	v2 =	vadd.f32 v5, v2  }
0x4ff: {  	[tilespmem:s6+$0x2000] =	vst v4;
	v4 =	vadd.f32 v6, v3  }
0x500: {  	[tilespmem:s6+$0x4000] =	vst v2;
	v2 =	vadd.f32 v7, v3  }
0x501: {  	[tilespmem:s3+$0x0] =	vst v4;
	v4 =	vadd.f32 v9, v3  }
0x502: {  	[tilespmem:s3+$0x2000] =	vst v2;
	v2 =	vadd.f32 v10, v3  }
0x503: {  	[tilespmem:s3+$0x4000] =	vst v4  }
0x504: {  	[tilespmem:s3+$0x6000] =	vst v2  }
0x505: {  	s9 =	simm.s32 $0x0;
	s0 =	rddreg [dreg:$0xd]  }
0x506: {  	[hbm4b:s0+s9] =	stream.linear.scatter [tilespmem:s9], [sflag:$0xD], $0x2000, $0x38;
	[tilespmem:$0x1E100] =	vst v63  }
0x507: {  	s2 =	simm.s32 $0x2000;
	s12 =	rddreg [dreg:$0xc]  }
0x508: {  	[hbm4b:s12+s9] =	stream.linear.scatter [tilespmem:s2], [sflag:$0xE], $0x2000, $0x38;
	[tilespmem:$0x1E100] =	vst v63  }
0x509: {  	s16 =	simm.s32 $0x4000;
	s15 =	rddreg [dreg:$0xe]  }
0x50a: {  	[hbm4b:s15+s9] =	stream.linear.scatter [tilespmem:s16], [sflag:$0xF], $0x2000, $0x38;
	[tilespmem:$0x1E100] =	vst v63  }
0x50b: {  	s18 =	simm.s32 $0x6000;
	s19 =	simm.s32 $0x1A;
	s17 =	rddreg [dreg:$0xf]  }
0x50c: {  	[hbm4b:s17+s9] =	stream.linear.scatter [tilespmem:s18], [sflag:$0x10], $0x2000, $0x38;
	[tilespmem:$0x1E100] =	vst v63  }
0x50d: {  	_ =	swait.ge [sflag:s19], $0x2000  }
0x50e: {  	[sflag:s19] =	ssyncset.done $0x0  }
0x50f: {  	s22 =	simm.s32 $0x5;
	[sflag:s19] =	ssyncadd.s32 $0xFFFFE000  }
0x510: {  	_ =	swait.ge [sflag:s22], $0x2000  }
0x511: {  	[sflag:s22] =	ssyncset.done $0x0  }
0x512: {  	s26 =	simm.s32 $0x6;
	[sflag:s22] =	ssyncadd.s32 $0xFFFFE000  }
0x513: {  	_ =	swait.ge [sflag:s26], $0x2000  }
0x514: {  	[sflag:s26] =	ssyncset.done $0x0  }
0x515: {  	s28 =	simm.s32 $0x7;
	[sflag:s26] =	ssyncadd.s32 $0xFFFFE000  }
0x516: {  	_ =	swait.ge [sflag:s28], $0x2000  }
0x517: {  	[sflag:s28] =	ssyncset.done $0x0  }
0x518: {  	s2 =	simm.s32 $0x8;
	[sflag:s28] =	ssyncadd.s32 $0xFFFFE000  }
0x519: {  	_ =	swait.ge [sflag:s2], $0x2000  }
0x51a: {  	s7 =	sand.u32 $0x1C00, s9;
	s6 =	sand.u32 $0x60, s9;
	[sflag:s2] =	ssyncset.done $0x0  }
0x51b: {  	[sflag:s2] =	ssyncadd.s32 $0xFFFFE000;
	s2 =	sor.u32 s6, s7  }
0x51c: {  	v2 =	vld [tilespmem:s2+$0x1A010]  }
0x51d: {  	v3 =	vld [tilespmem:s2+$0x8010]  }
0x51e: {  	v4 =	vld [tilespmem:s2+$0xA010]  }
0x51f: {  	v5 =	vld [tilespmem:s2+$0xC010]  }
0x520: {  	v6 =	vld [tilespmem:s2+$0xE010]  }
0x521: {  	v7 =	vld [tilespmem:s2+$0x1A090]  }
0x522: {  	v8 =	vld [tilespmem:s2+$0x8090]  }
0x523: {  	v9 =	vld [tilespmem:s2+$0xA090]  }
0x524: {  	v10 =	vld [tilespmem:s2+$0xC090]  }
0x525: {  	v11 =	vld [tilespmem:s2+$0xE090]  }
0x526: {  	v12 =	vld [tilespmem:s2+$0x1A110]  }
0x527: {  	v13 =	vld [tilespmem:s2+$0x8110]  }
0x528: {  	v14 =	vld [tilespmem:s2+$0xA110]  }
0x529: {  	v22 =	vld [tilespmem:s2+$0xA080];
	v3 =	vadd.f32 v3, v2  }
0x52a: {  	v15 =	vld [tilespmem:s2+$0xC080];
	v4 =	vadd.f32 v4, v2  }
0x52b: {  	[tilespmem:s2+$0x8010] =	vst v3;
	v3 =	vadd.f32 v5, v2;
	v5 =	vld [tilespmem:s2+$0xC110]  }
0x52c: {  	[tilespmem:s2+$0xA010] =	vst v4;
	v2 =	vadd.f32 v6, v2;
	v4 =	vld [tilespmem:s2+$0xE110]  }
0x52d: {  	v6 =	vld [tilespmem:s2+$0x1A190];
	[tilespmem:s2+$0xC010] =	vst v3;
	v3 =	vadd.f32 v8, v7  }
0x52e: {  	[tilespmem:s2+$0xE010] =	vst v2;
	v2 =	vadd.f32 v9, v7;
	v8 =	vld [tilespmem:s2+$0x8190]  }
0x52f: {  	v9 =	vld [tilespmem:s2+$0xA190];
	[tilespmem:s2+$0x8090] =	vst v3;
	v3 =	vadd.f32 v10, v7  }
0x530: {  	[tilespmem:s2+$0xA090] =	vst v2;
	v2 =	vadd.f32 v11, v7;
	v7 =	vld [tilespmem:s2+$0xC190]  }
0x531: {  	v10 =	vld [tilespmem:s2+$0xE190];
	[tilespmem:s2+$0xC090] =	vst v3;
	v3 =	vadd.f32 v13, v12  }
0x532: {  	v11 =	vld [tilespmem:s2+$0x1A210];
	[tilespmem:s2+$0xE090] =	vst v2;
	v2 =	vadd.f32 v14, v12  }
0x533: {  	[tilespmem:s2+$0x8110] =	vst v3;
	v3 =	vadd.f32 v5, v12;
	v5 =	vld [tilespmem:s2+$0x8210]  }
0x534: {  	[tilespmem:s2+$0xA110] =	vst v2;
	v2 =	vadd.f32 v4, v12;
	v4 =	vld [tilespmem:s2+$0xA210]  }
0x535: {  	[tilespmem:s2+$0xC110] =	vst v3;
	v3 =	vadd.f32 v8, v6;
	v8 =	vld [tilespmem:s2+$0xC210]  }
0x536: {  	[tilespmem:s2+$0xE110] =	vst v2;
	v2 =	vadd.f32 v9, v6;
	v9 =	vld [tilespmem:s2+$0xE210]  }
0x537: {  	[tilespmem:s2+$0x8190] =	vst v3;
	v3 =	vadd.f32 v7, v6;
	v7 =	vld [tilespmem:s2+$0x1A290]  }
0x538: {  	[tilespmem:s2+$0xA190] =	vst v2;
	v2 =	vadd.f32 v10, v6;
	v6 =	vld [tilespmem:s2+$0x8290]  }
0x539: {  	v10 =	vld [tilespmem:s2+$0x1A000]  }
0x53a: {  	[tilespmem:s2+$0xC190] =	vst v3;
	v3 =	vadd.f32 v5, v11;
	v5 =	vld [tilespmem:s2+$0xA290]  }
0x53b: {  	[tilespmem:s2+$0xE190] =	vst v2;
	v2 =	vadd.f32 v4, v11;
	v4 =	vld [tilespmem:s2+$0xC290]  }
0x53c: {  	[tilespmem:s2+$0x8210] =	vst v3;
	v3 =	vadd.f32 v8, v11;
	v8 =	vld [tilespmem:s2+$0xE290]  }
0x53d: {  	[tilespmem:s2+$0xA210] =	vst v2;
	v2 =	vadd.f32 v9, v11;
	v9 =	vld [tilespmem:s2+$0x8000]  }
0x53e: {  	v25 =	vld [tilespmem:s2+$0xE180];
	[tilespmem:s2+$0xC210] =	vst v3;
	v3 =	vadd.f32 v6, v7  }
0x53f: {  	v6 =	vld [tilespmem:s2+$0xA000];
	[tilespmem:s2+$0xE210] =	vst v2;
	v2 =	vadd.f32 v5, v7  }
0x540: {  	s12 =	sand.u32 $0x3, s9;
	v5 =	vld [tilespmem:s2+$0xC000];
	[tilespmem:s2+$0x8290] =	vst v3;
	v3 =	vadd.f32 v4, v7  }
0x541: {  	s0 =	sshll.u32 s12, $0x5;
	v4 =	vld [tilespmem:s2+$0xE000];
	[tilespmem:s2+$0xA290] =	vst v2;
	v2 =	vadd.f32 v8, v7  }
0x542: {  	s15 =	sadd.s32 $0x0, s0;
	v7 =	vld [tilespmem:s2+$0x1A080];
	v9 =	vadd.f32 v9, v10;
	[tilespmem:s2+$0xC290] =	vst v3  }
0x543: {  	s16 =	sadd.s32 $0x10, s15;
	v3 =	vld [tilespmem:s2+$0x8080];
	[tilespmem:s2+$0xE290] =	vst v2  }
0x544: {  	s17 =	sor.u32 $0x300, s16;
	[tilespmem:s2+$0x8000] =	vst v9;
	v9 =	vld [tilespmem:s2+$0xE080]  }
0x545: {  	v2 =	vld [tilespmem:s17+$0x1A000]  }
0x546: {  	v8 =	vld [tilespmem:s17+$0x8000]  }
0x547: {  	v11 =	vld [tilespmem:s17+$0xA000]  }
0x548: {  	v6 =	vadd.f32 v6, v10;
	v20 =	vld [tilespmem:s17+$0xC000]  }
0x549: {  	v21 =	vld [tilespmem:s17+$0xE000]  }
0x54a: {  	v5 =	vadd.f32 v5, v10;
	[tilespmem:s2+$0xA000] =	vst v6;
	v6 =	vld [tilespmem:s2+$0x1A100]  }
0x54b: {  	v4 =	vadd.f32 v4, v10;
	v10 =	vld [tilespmem:s2+$0xC100];
	v23 =	vadd.f32 v22, v7  }
0x54c: {  	[tilespmem:s2+$0xC000] =	vst v5;
	v5 =	vld [tilespmem:s2+$0x8100];
	v24 =	vadd.f32 v15, v7;
	v3 =	vadd.f32 v3, v7  }
0x54d: {  	[tilespmem:s2+$0xE000] =	vst v4;
	v7 =	vadd.f32 v9, v7;
	v9 =	vld [tilespmem:s2+$0xC180];
	v4 =	vadd.f32 v8, v2  }
0x54e: {  	v8 =	vld [tilespmem:s2+$0xA100];
	[tilespmem:s2+$0x8080] =	vst v3;
	v3 =	vadd.f32 v11, v2  }
0x54f: {  	v11 =	vld [tilespmem:s2+$0xE100];
	[tilespmem:s17+$0x8000] =	vst v4;
	v4 =	vadd.f32 v20, v2  }
0x550: {  	[tilespmem:s17+$0xA000] =	vst v3;
	v2 =	vadd.f32 v21, v2;
	v3 =	vld [tilespmem:s2+$0x1A180]  }
0x551: {  	s3 =	sor.u32 $0x380, s16;
	v5 =	vadd.f32 v5, v6;
	[tilespmem:s17+$0xC000] =	vst v4;
	v4 =	vld [tilespmem:s2+$0x8180]  }
0x552: {  	s16 =	simm.s32 $0x20;
	s6 =	sor.u32 $0x300, s15;
	s15 =	simm.s32 $0x100;
	[tilespmem:s17+$0xE000] =	vst v2;
	v2 =	vld [tilespmem:s2+$0xA180]  }
0x553: {  	s18 =	sand.u32 $0x60, s16;
	s19 =	sand.u32 $0x1C00, s15;
	[tilespmem:s2+$0x8100] =	vst v5;
	v5 =	vadd.f32 v10, v6;
	v10 =	vld [tilespmem:s2+$0x8200]  }
0x554: {  	[tilespmem:s2+$0xE080] =	vst v7;
	s17 =	sor.u32 s18, s19;
	v7 =	vadd.f32 v8, v6;
	v8 =	vld [tilespmem:s2+$0x1A200]  }
0x555: {  	v6 =	vadd.f32 v11, v6;
	v11 =	vld [tilespmem:s17+$0xA010]  }
0x556: {  	v26 =	vld [tilespmem:s17+$0xC010]  }
0x557: {  	v27 =	vld [tilespmem:s17+$0xE010]  }
0x558: {  	v28 =	vld [tilespmem:s17+$0x1A090]  }
0x559: {  	v29 =	vld [tilespmem:s17+$0x8090]  }
0x55a: {  	v16 =	vld [tilespmem:s17+$0xA090]  }
0x55b: {  	v17 =	vld [tilespmem:s17+$0xC090]  }
0x55c: {  	v18 =	vld [tilespmem:s17+$0xE090]  }
0x55d: {  	v19 =	vld [tilespmem:s17+$0x1A110]  }
0x55e: {  	v20 =	vld [tilespmem:s17+$0x8110]  }
0x55f: {  	v21 =	vld [tilespmem:s17+$0xA110]  }
0x560: {  	v30 =	vld [tilespmem:s17+$0xC110]  }
0x561: {  	v31 =	vld [tilespmem:s17+$0x1A190]  }
0x562: {  	v32 =	vld [tilespmem:s17+$0x8190]  }
0x563: {  	v40 =	vld [tilespmem:s17+$0x1A290]  }
0x564: {  	[tilespmem:s2+$0xA080] =	vst v23;
	v42 =	vld [tilespmem:s17+$0xA290]  }
0x565: {  	v43 =	vld [tilespmem:s17+$0xE290];
	[tilespmem:s2+$0xC100] =	vst v5  }
0x566: {  	v5 =	vld [tilespmem:s2+$0xC200];
	[tilespmem:s2+$0xA100] =	vst v7;
	v4 =	vadd.f32 v4, v3  }
0x567: {  	v7 =	vld [tilespmem:s2+$0xA200];
	[tilespmem:s2+$0xE100] =	vst v6  }
0x568: {  	v6 =	vld [tilespmem:s2+$0xE200];
	[tilespmem:s2+$0x8180] =	vst v4;
	v4 =	vadd.f32 v9, v3  }
0x569: {  	[tilespmem:s2+$0xC080] =	vst v24;
	v2 =	vadd.f32 v2, v3;
	v9 =	vld [tilespmem:s2+$0x1A280]  }
0x56a: {  	v12 =	vadd.f32 v42, v40;
	[tilespmem:s2+$0xC180] =	vst v4;
	v4 =	vadd.f32 v10, v8;
	v10 =	vld [tilespmem:s2+$0xA280]  }
0x56b: {  	v46 =	vld [tilespmem:s17+$0x1A000];
	[tilespmem:s2+$0xA180] =	vst v2;
	v2 =	vadd.f32 v25, v3  }
0x56c: {  	v48 =	vld [tilespmem:s17+$0xA000];
	[tilespmem:s17+$0xA290] =	vst v12  }
0x56d: {  	v3 =	vld [tilespmem:s2+$0x8280];
	[tilespmem:s2+$0xE180] =	vst v2;
	v2 =	vadd.f32 v7, v8  }
0x56e: {  	v47 =	vadd.f32 v43, v40;
	v7 =	vld [tilespmem:s2+$0xC280];
	[tilespmem:s2+$0x8200] =	vst v4;
	v4 =	vadd.f32 v5, v8  }
0x56f: {  	v5 =	vld [tilespmem:s2+$0xE280];
	[tilespmem:s2+$0xA200] =	vst v2;
	v2 =	vadd.f32 v6, v8;
	v6 =	vadd.f32 v10, v9  }
0x570: {  	[tilespmem:s17+$0xE290] =	vst v47;
	v10 =	vld [tilespmem:s17+$0x8010]  }
0x571: {  	v14 =	vadd.f32 v48, v46;
	[tilespmem:s2+$0xA280] =	vst v6;
	v6 =	vld [tilespmem:s17+$0x1A010]  }
0x572: {  	v33 =	vld [tilespmem:s17+$0xA190];
	[tilespmem:s2+$0xC200] =	vst v4;
	v4 =	vadd.f32 v3, v9  }
0x573: {  	v34 =	vld [tilespmem:s17+$0xC190];
	[tilespmem:s17+$0xA000] =	vst v14  }
0x574: {  	v35 =	vld [tilespmem:s17+$0xE190];
	[tilespmem:s2+$0x8280] =	vst v4;
	v4 =	vadd.f32 v7, v9  }
0x575: {  	v36 =	vld [tilespmem:s17+$0x1A210];
	[tilespmem:s2+$0xE200] =	vst v2;
	v5 =	vadd.f32 v5, v9  }
0x576: {  	v37 =	vld [tilespmem:s17+$0x8210];
	[tilespmem:s2+$0xC280] =	vst v4;
	v10 =	vadd.f32 v10, v6  }
0x577: {  	v38 =	vld [tilespmem:s17+$0xC210];
	[tilespmem:s2+$0xE280] =	vst v5;
	v11 =	vadd.f32 v11, v6  }
0x578: {  	v39 =	vld [tilespmem:s17+$0xE210];
	[tilespmem:s17+$0x8010] =	vst v10;
	v10 =	vadd.f32 v26, v6  }
0x579: {  	v41 =	vld [tilespmem:s17+$0x8290];
	[tilespmem:s17+$0xA010] =	vst v11;
	v6 =	vadd.f32 v27, v6  }
0x57a: {  	v52 =	vld [tilespmem:s17+$0xA080];
	[tilespmem:s17+$0xC010] =	vst v10;
	v10 =	vadd.f32 v29, v28  }
0x57b: {  	v54 =	vld [tilespmem:s17+$0xC080];
	[tilespmem:s17+$0xE010] =	vst v6;
	v6 =	vadd.f32 v16, v28  }
0x57c: {  	v11 =	vld [tilespmem:s17+$0xE110];
	[tilespmem:s17+$0x8090] =	vst v10;
	v10 =	vadd.f32 v17, v28  }
0x57d: {  	v55 =	vld [tilespmem:s17+$0xE080];
	[tilespmem:s17+$0xA090] =	vst v6;
	v6 =	vadd.f32 v18, v28  }
0x57e: {  	v56 =	vld [tilespmem:s17+$0x1A100];
	[tilespmem:s17+$0xC090] =	vst v10;
	v10 =	vadd.f32 v20, v19  }
0x57f: {  	v57 =	vld [tilespmem:s17+$0xC100];
	[tilespmem:s17+$0xE090] =	vst v6;
	v6 =	vadd.f32 v21, v19  }
0x580: {  	v7 =	vld [tilespmem:s6+$0x1A000];
	[tilespmem:s17+$0x8110] =	vst v10;
	v10 =	vadd.f32 v30, v19  }
0x581: {  	v9 =	vld [tilespmem:s6+$0xA000];
	[tilespmem:s17+$0xA110] =	vst v6;
	v6 =	vadd.f32 v11, v19  }
0x582: {  	v11 =	vld [tilespmem:s17+$0xA210];
	[tilespmem:s17+$0xC110] =	vst v10;
	v10 =	vadd.f32 v32, v31  }
0x583: {  	v58 =	vld [tilespmem:s17+$0x1A180];
	[tilespmem:s17+$0xE110] =	vst v6;
	v6 =	vadd.f32 v33, v31  }
0x584: {  	v3 =	vld [tilespmem:s3+$0x1A000];
	[tilespmem:s17+$0x8190] =	vst v10;
	v10 =	vadd.f32 v34, v31  }
0x585: {  	v2 =	vld [tilespmem:s3+$0xE000];
	[tilespmem:s17+$0xA190] =	vst v6;
	v6 =	vadd.f32 v35, v31  }
0x586: {  	v4 =	vld [tilespmem:s3+$0x8000];
	[tilespmem:s17+$0xC190] =	vst v10;
	v10 =	vadd.f32 v37, v36  }
0x587: {  	v9 =	vadd.f32 v9, v7;
	[tilespmem:s17+$0xE190] =	vst v6;
	v6 =	vadd.f32 v11, v36;
	v11 =	vld [tilespmem:s17+$0xC290]  }
0x588: {  	v5 =	vld [tilespmem:s3+$0xA000];
	[tilespmem:s17+$0x8210] =	vst v10;
	v10 =	vadd.f32 v38, v36  }
0x589: {  	s2 =	simm.s32 $0x1;
	v8 =	vld [tilespmem:s6+$0x8000];
	v16 =	vadd.f32 v39, v36;
	[tilespmem:s6+$0xA000] =	vst v9  }
0x58a: {  	v44 =	vld [tilespmem:s6+$0xC000];
	s22 =	sand.u32 $0x3, s2;
	[tilespmem:s17+$0xC210] =	vst v10;
	v10 =	vadd.f32 v41, v40  }
0x58b: {  	v45 =	vld [tilespmem:s6+$0xE000];
	s0 =	sshll.u32 s22, $0x5;
	[tilespmem:s17+$0xE210] =	vst v16  }
0x58c: {  	s18 =	sadd.s32 $0x100, s0;
	v9 =	vld [tilespmem:s17+$0xE000];
	[tilespmem:s17+$0x8290] =	vst v10;
	v10 =	vadd.f32 v11, v40  }
0x58d: {  	v2 =	vadd.f32 v2, v3;
	s0 =	sadd.s32 $0x10, s18;
	[tilespmem:s17+$0xA210] =	vst v6;
	v11 =	vld [tilespmem:s17+$0x8000]  }
0x58e: {  	v4 =	vadd.f32 v4, v3;
	s7 =	sor.u32 $0x300, s0;
	[tilespmem:s17+$0xC290] =	vst v10;
	v10 =	vld [tilespmem:s17+$0xC000]  }
0x58f: {  	[tilespmem:s3+$0xE000] =	vst v2;
	v8 =	vadd.f32 v8, v7;
	v12 =	vld [tilespmem:s7+$0x1A000]  }
0x590: {  	v2 =	vadd.f32 v5, v3;
	[tilespmem:s3+$0x8000] =	vst v4;
	v49 =	vld [tilespmem:s7+$0x8000]  }
0x591: {  	[tilespmem:s6+$0x8000] =	vst v8;
	v8 =	vadd.f32 v44, v7;
	v16 =	vld [tilespmem:s7+$0xA000]  }
0x592: {  	[tilespmem:s3+$0xA000] =	vst v2;
	v50 =	vld [tilespmem:s7+$0xC000];
	v4 =	vadd.f32 v11, v46  }
0x593: {  	v7 =	vadd.f32 v45, v7;
	[tilespmem:s6+$0xC000] =	vst v8;
	v51 =	vld [tilespmem:s7+$0xE000]  }
0x594: {  	v8 =	vld [tilespmem:s17+$0x1A080];
	[tilespmem:s17+$0x8000] =	vst v4;
	v4 =	vadd.f32 v10, v46  }
0x595: {  	[tilespmem:s6+$0xE000] =	vst v7;
	v7 =	vld [tilespmem:s17+$0x8080];
	v15 =	vadd.f32 v49, v12  }
0x596: {  	v59 =	vld [tilespmem:s17+$0x8180];
	v16 =	vadd.f32 v16, v12;
	[tilespmem:s17+$0xC000] =	vst v4  }
0x597: {  	v60 =	vld [tilespmem:s17+$0x1A200];
	v53 =	vadd.f32 v50, v12;
	[tilespmem:s7+$0x8000] =	vst v15  }
0x598: {  	v61 =	vld [tilespmem:s17+$0xC200];
	v12 =	vadd.f32 v51, v12;
	[tilespmem:s7+$0xA000] =	vst v16  }
0x599: {  	v5 =	vld [tilespmem:s17+$0x8100];
	v9 =	vadd.f32 v9, v46;
	[tilespmem:s7+$0xC000] =	vst v53  }
0x59a: {  	s6 =	sor.u32 $0x380, s0;
	v11 =	vld [tilespmem:s17+$0xA100];
	v4 =	vadd.f32 v7, v8;
	[tilespmem:s7+$0xE000] =	vst v12  }
0x59b: {  	[tilespmem:s17+$0xE000] =	vst v9;
	v9 =	vadd.f32 v52, v8;
	v2 =	vld [tilespmem:s6+$0x1A000]  }
0x59c: {  	v10 =	vld [tilespmem:s6+$0xE000];
	[tilespmem:s17+$0x8080] =	vst v4;
	v4 =	vadd.f32 v54, v8  }
0x59d: {  	[tilespmem:s17+$0xA080] =	vst v9;
	v7 =	vld [tilespmem:s17+$0xE100];
	v8 =	vadd.f32 v55, v8  }
0x59e: {  	v62 =	vld [tilespmem:s17+$0xE280];
	[tilespmem:s17+$0xC080] =	vst v4;
	v4 =	vadd.f32 v5, v56  }
0x59f: {  	v9 =	vld [tilespmem:s17+$0xA180];
	[tilespmem:s17+$0xE080] =	vst v8;
	v8 =	vadd.f32 v11, v56  }
0x5a0: {  	v5 =	vld [tilespmem:s17+$0xC180];
	[tilespmem:s17+$0x8100] =	vst v4;
	v4 =	vadd.f32 v57, v56  }
0x5a1: {  	v11 =	vld [tilespmem:s17+$0xE180];
	[tilespmem:s17+$0xA100] =	vst v8;
	v8 =	vadd.f32 v10, v2  }
0x5a2: {  	v10 =	vld [tilespmem:s17+$0x8200];
	[tilespmem:s17+$0xC100] =	vst v4;
	v4 =	vadd.f32 v7, v56  }
0x5a3: {  	v7 =	vld [tilespmem:s17+$0xA200];
	[tilespmem:s6+$0xE000] =	vst v8;
	v8 =	vadd.f32 v59, v58  }
0x5a4: {  	[tilespmem:s17+$0xE100] =	vst v4;
	v4 =	vadd.f32 v9, v58;
	v9 =	vld [tilespmem:s17+$0xE200]  }
0x5a5: {  	v5 =	vadd.f32 v5, v58;
	[tilespmem:s17+$0x8180] =	vst v8;
	v8 =	vld [tilespmem:s17+$0x1A280]  }
0x5a6: {  	[tilespmem:s17+$0xA180] =	vst v4;
	v4 =	vadd.f32 v11, v58;
	v11 =	vld [tilespmem:s17+$0x8280]  }
0x5a7: {  	[tilespmem:s17+$0xC180] =	vst v5;
	v5 =	vadd.f32 v10, v60;
	v10 =	vld [tilespmem:s17+$0xA280]  }
0x5a8: {  	s26 =	sor.u32 s9, s9;
	[tilespmem:s17+$0xE180] =	vst v4;
	v4 =	vadd.f32 v7, v60;
	v7 =	vld [tilespmem:s17+$0xC280]  }
0x5a9: {  	s9 =	sor.u32 $0x380, s26;
	v6 =	vld [tilespmem:s3+$0xC000];
	[tilespmem:s17+$0x8200] =	vst v5;
	v5 =	vadd.f32 v61, v60  }
0x5aa: {  	[tilespmem:s17+$0xA200] =	vst v4;
	v4 =	vadd.f32 v9, v60;
	v9 =	vld [tilespmem:s9+$0x1A000]  }
0x5ab: {  	[tilespmem:s17+$0xC200] =	vst v5;
	v5 =	vadd.f32 v11, v8;
	v11 =	vld [tilespmem:s9+$0x8000]  }
0x5ac: {  	[tilespmem:s17+$0xE200] =	vst v4;
	v4 =	vadd.f32 v10, v8;
	v10 =	vld [tilespmem:s9+$0xA000]  }
0x5ad: {  	[tilespmem:s17+$0x8280] =	vst v5;
	v5 =	vadd.f32 v7, v8;
	v7 =	vld [tilespmem:s9+$0xC000]  }
0x5ae: {  	[tilespmem:s17+$0xA280] =	vst v4;
	v4 =	vadd.f32 v62, v8;
	v8 =	vld [tilespmem:s9+$0xE000]  }
0x5af: {  	v3 =	vadd.f32 v6, v3;
	v63 =	vld [tilespmem:s6+$0x8000];
	[tilespmem:s17+$0xC280] =	vst v5  }
0x5b0: {  	s19 =	sor.u32 $0x300, s18;
	[tilespmem:s17+$0xE280] =	vst v4;
	v4 =	vld [tilespmem:s6+$0xA000];
	v6 =	vadd.f32 v11, v9  }
0x5b1: {  	[tilespmem:s3+$0xC000] =	vst v3;
	v3 =	vld [tilespmem:s19+$0x1A000];
	v10 =	vadd.f32 v10, v9  }
0x5b2: {  	v5 =	vld [tilespmem:s19+$0x8000];
	[tilespmem:s9+$0x8000] =	vst v6;
	v11 =	vadd.f32 v7, v9  }
0x5b3: {  	s28 =	sor.u32 s15, s16;
	s15 =	simm.s32 $0x2;
	v6 =	vld [tilespmem:s19+$0xA000];
	[tilespmem:s9+$0xA000] =	vst v10;
	v8 =	vadd.f32 v8, v9  }
0x5b4: {  	s16 =	simm.s32 $0x200;
	s3 =	sor.u32 $0x380, s28;
	s17 =	simm.s32 $0x40;
	v7 =	vld [tilespmem:s19+$0xC000];
	v9 =	vadd.f32 v63, v2;
	[tilespmem:s9+$0xC000] =	vst v11  }
.LBB2_12:
0x5b5: {  	s0 =	sand.u32 $0x60, s17;
	s7 =	sand.u32 $0x1C00, s16;
	s12 =	sor.u32 s16, s17;
	v10 =	vld [tilespmem:s19+$0xE000];
	v4 =	vadd.f32 v4, v2;
	[tilespmem:s9+$0xE000] =	vst v8  }
0x5b6: {  	s9 =	smov.u32 s3;
	s18 =	sor.u32 s0, s7;
	[tilespmem:s6+$0x8000] =	vst v9;
	v8 =	vld [tilespmem:s6+$0xC000];
	s3 =	sor.u32 $0x380, s12  }
0x5b7: {  	v9 =	vld [tilespmem:s18+$0x1A010];
	v5 =	vadd.f32 v5, v3;
	[tilespmem:s6+$0xA000] =	vst v4  }
0x5b8: {  	v4 =	vld [tilespmem:s18+$0x8010];
	v6 =	vadd.f32 v6, v3  }
0x5b9: {  	v11 =	vld [tilespmem:s18+$0xA010];
	[tilespmem:s19+$0x8000] =	vst v5;
	v5 =	vadd.f32 v7, v3  }
0x5ba: {  	v7 =	vld [tilespmem:s18+$0xC010];
	[tilespmem:s19+$0xA000] =	vst v6;
	v3 =	vadd.f32 v10, v3  }
0x5bb: {  	v6 =	vld [tilespmem:s18+$0xE010];
	[tilespmem:s19+$0xC000] =	vst v5;
	v2 =	vadd.f32 v8, v2  }
0x5bc: {  	v5 =	vld [tilespmem:s18+$0x1A090];
	[tilespmem:s19+$0xE000] =	vst v3  }
0x5bd: {  	v3 =	vld [tilespmem:s18+$0x8090];
	[tilespmem:s6+$0xC000] =	vst v2  }
0x5be: {  	v2 =	vld [tilespmem:s18+$0xA090]  }
0x5bf: {  	v8 =	vld [tilespmem:s18+$0xC090]  }
0x5c0: {  	v10 =	vld [tilespmem:s18+$0xE090]  }
0x5c1: {  	v12 =	vld [tilespmem:s18+$0x1A110]  }
0x5c2: {  	v4 =	vadd.f32 v4, v9;
	v13 =	vld [tilespmem:s18+$0x8110]  }
0x5c3: {  	v11 =	vadd.f32 v11, v9;
	v14 =	vld [tilespmem:s18+$0xA110]  }
0x5c4: {  	[tilespmem:s18+$0x8010] =	vst v4;
	v4 =	vadd.f32 v7, v9;
	v7 =	vld [tilespmem:s18+$0xC110]  }
0x5c5: {  	v6 =	vadd.f32 v6, v9;
	[tilespmem:s18+$0xA010] =	vst v11;
	v9 =	vld [tilespmem:s18+$0xE110]  }
0x5c6: {  	v3 =	vadd.f32 v3, v5;
	[tilespmem:s18+$0xC010] =	vst v4;
	v4 =	vld [tilespmem:s18+$0x1A190]  }
0x5c7: {  	v2 =	vadd.f32 v2, v5;
	[tilespmem:s18+$0xE010] =	vst v6;
	v6 =	vld [tilespmem:s18+$0x8190]  }
0x5c8: {  	[tilespmem:s18+$0x8090] =	vst v3;
	v3 =	vadd.f32 v8, v5;
	v8 =	vld [tilespmem:s18+$0xA190]  }
0x5c9: {  	[tilespmem:s18+$0xA090] =	vst v2;
	v2 =	vadd.f32 v10, v5;
	v5 =	vld [tilespmem:s18+$0xC190]  }
0x5ca: {  	[tilespmem:s18+$0xC090] =	vst v3;
	v3 =	vadd.f32 v13, v12;
	v10 =	vld [tilespmem:s18+$0xE190]  }
0x5cb: {  	[tilespmem:s18+$0xE090] =	vst v2;
	v2 =	vadd.f32 v14, v12;
	v11 =	vld [tilespmem:s18+$0x1A210]  }
0x5cc: {  	[tilespmem:s18+$0x8110] =	vst v3;
	v3 =	vadd.f32 v7, v12;
	v7 =	vld [tilespmem:s18+$0x8210]  }
0x5cd: {  	[tilespmem:s18+$0xA110] =	vst v2;
	v2 =	vadd.f32 v9, v12;
	v9 =	vld [tilespmem:s18+$0xA210]  }
0x5ce: {  	[tilespmem:s18+$0xC110] =	vst v3;
	v3 =	vadd.f32 v6, v4;
	v6 =	vld [tilespmem:s18+$0xC210]  }
0x5cf: {  	[tilespmem:s18+$0xE110] =	vst v2;
	v2 =	vadd.f32 v8, v4;
	v8 =	vld [tilespmem:s18+$0xE210]  }
0x5d0: {  	[tilespmem:s18+$0x8190] =	vst v3;
	v3 =	vadd.f32 v5, v4;
	v5 =	vld [tilespmem:s18+$0x1A290]  }
0x5d1: {  	[tilespmem:s18+$0xA190] =	vst v2;
	v2 =	vadd.f32 v10, v4;
	v4 =	vld [tilespmem:s18+$0x8290]  }
0x5d2: {  	[tilespmem:s18+$0xC190] =	vst v3;
	v3 =	vadd.f32 v7, v11;
	v7 =	vld [tilespmem:s18+$0xA290]  }
0x5d3: {  	[tilespmem:s18+$0xE190] =	vst v2;
	v2 =	vadd.f32 v9, v11;
	v9 =	vld [tilespmem:s18+$0xC290]  }
0x5d4: {  	[tilespmem:s18+$0x8210] =	vst v3;
	v3 =	vadd.f32 v6, v11;
	v6 =	vld [tilespmem:s18+$0xE290]  }
0x5d5: {  	v10 =	vld [tilespmem:s18+$0x1A000];
	[tilespmem:s18+$0xA210] =	vst v2;
	v2 =	vadd.f32 v8, v11  }
0x5d6: {  	s2 =	sadd.s32 $0x1, s2;
	v8 =	vld [tilespmem:s18+$0x8000];
	[tilespmem:s18+$0xC210] =	vst v3;
	v3 =	vadd.f32 v4, v5  }
0x5d7: {  	s15 =	sadd.s32 $0x2, s15;
	s0 =	sand.u32 $0x3, s2;
	v4 =	vld [tilespmem:s18+$0xA000];
	[tilespmem:s18+$0xE210] =	vst v2;
	v2 =	vadd.f32 v7, v5  }
0x5d8: {  	p0 =	slt.u32 s15, $0x3E;
	s0 =	sshll.u32 s0, $0x5;
	v7 =	vld [tilespmem:s18+$0xC000];
	[tilespmem:s18+$0x8290] =	vst v3;
	v3 =	vadd.f32 v9, v5  }
0x5d9: {  	s0 =	sadd.s32 s0, s16;
	v9 =	vld [tilespmem:s18+$0xE000];
	[tilespmem:s18+$0xA290] =	vst v2;
	v2 =	vadd.f32 v6, v5  }
0x5da: {  	s19 =	sor.u32 $0x300, s0;
	s0 =	sadd.s32 $0x10, s0;
	v5 =	vld [tilespmem:s18+$0x1A080];
	[tilespmem:s18+$0xC290] =	vst v3  }
0x5db: {  	s6 =	sor.u32 $0x300, s0;
	v3 =	vadd.f32 v8, v10;
	v6 =	vld [tilespmem:s18+$0x8080];
	[tilespmem:s18+$0xE290] =	vst v2  }
0x5dc: {  	v2 =	vadd.f32 v4, v10;
	v4 =	vld [tilespmem:s6+$0x1A000]  }
0x5dd: {  	[tilespmem:s18+$0x8000] =	vst v3;
	v3 =	vadd.f32 v7, v10;
	v7 =	vld [tilespmem:s6+$0x8000]  }
0x5de: {  	[tilespmem:s18+$0xA000] =	vst v2;
	v2 =	vadd.f32 v9, v10;
	v8 =	vld [tilespmem:s6+$0xA000]  }
0x5df: {  	[tilespmem:s18+$0xC000] =	vst v3;
	v3 =	vld [tilespmem:s6+$0xC000]  }
0x5e0: {  	[tilespmem:s18+$0xE000] =	vst v2;
	v2 =	vadd.f32 v6, v5;
	v6 =	vld [tilespmem:s6+$0xE000]  }
0x5e1: {  	v9 =	vld [tilespmem:s18+$0xA080]  }
0x5e2: {  	[tilespmem:s18+$0x8080] =	vst v2;
	v2 =	vld [tilespmem:s18+$0xC080];
	v7 =	vadd.f32 v7, v4  }
0x5e3: {  	v10 =	vld [tilespmem:s18+$0xE080];
	v8 =	vadd.f32 v8, v4  }
0x5e4: {  	v11 =	vld [tilespmem:s18+$0x1A100];
	[tilespmem:s6+$0x8000] =	vst v7;
	v3 =	vadd.f32 v3, v4  }
0x5e5: {  	v7 =	vld [tilespmem:s18+$0x8100];
	[tilespmem:s6+$0xA000] =	vst v8;
	v4 =	vadd.f32 v6, v4  }
0x5e6: {  	v6 =	vadd.f32 v9, v5;
	v8 =	vld [tilespmem:s18+$0xA100];
	[tilespmem:s6+$0xC000] =	vst v3  }
0x5e7: {  	v3 =	vadd.f32 v2, v5;
	v9 =	vld [tilespmem:s18+$0xC100];
	[tilespmem:s6+$0xE000] =	vst v4;
	s6 =	sor.u32 $0x380, s0  }
0x5e8: {  	[tilespmem:s18+$0xA080] =	vst v6;
	v4 =	vadd.f32 v10, v5;
	v2 =	vld [tilespmem:s6+$0x1A000]  }
0x5e9: {  	[tilespmem:s18+$0xC080] =	vst v3;
	v3 =	vld [tilespmem:s6+$0xE000]  }
0x5ea: {  	[tilespmem:s18+$0xE080] =	vst v4;
	v4 =	vadd.f32 v7, v11;
	v5 =	vld [tilespmem:s18+$0xE100]  }
0x5eb: {  	v6 =	vadd.f32 v8, v11;
	v7 =	vld [tilespmem:s18+$0x1A180]  }
0x5ec: {  	[tilespmem:s18+$0x8100] =	vst v4;
	v4 =	vadd.f32 v9, v11;
	v8 =	vld [tilespmem:s18+$0x8180]  }
0x5ed: {  	[tilespmem:s18+$0xA100] =	vst v6;
	v6 =	vld [tilespmem:s18+$0xA180]  }
0x5ee: {  	[tilespmem:s18+$0xC100] =	vst v4;
	v4 =	vld [tilespmem:s18+$0xC180];
	v3 =	vadd.f32 v3, v2  }
0x5ef: {  	v5 =	vadd.f32 v5, v11;
	v9 =	vld [tilespmem:s18+$0xE180]  }
0x5f0: {  	v10 =	vld [tilespmem:s18+$0x1A200];
	[tilespmem:s6+$0xE000] =	vst v3  }
0x5f1: {  	[tilespmem:s18+$0xE100] =	vst v5;
	v3 =	vadd.f32 v8, v7;
	v5 =	vld [tilespmem:s18+$0x8200]  }
0x5f2: {  	v6 =	vadd.f32 v6, v7;
	v8 =	vld [tilespmem:s18+$0xA200]  }
0x5f3: {  	[tilespmem:s18+$0x8180] =	vst v3;
	v3 =	vadd.f32 v4, v7;
	v4 =	vld [tilespmem:s18+$0xC200]  }
0x5f4: {  	[tilespmem:s18+$0xA180] =	vst v6;
	v6 =	vadd.f32 v9, v7;
	v7 =	vld [tilespmem:s18+$0xE200]  }
0x5f5: {  	[tilespmem:s18+$0xC180] =	vst v3;
	v3 =	vld [tilespmem:s18+$0x1A280]  }
0x5f6: {  	[tilespmem:s18+$0xE180] =	vst v6;
	v5 =	vadd.f32 v5, v10;
	v6 =	vld [tilespmem:s18+$0x8280]  }
0x5f7: {  	v8 =	vadd.f32 v8, v10;
	v9 =	vld [tilespmem:s18+$0xA280]  }
0x5f8: {  	[tilespmem:s18+$0x8200] =	vst v5;
	v4 =	vadd.f32 v4, v10;
	v5 =	vld [tilespmem:s18+$0xC280]  }
0x5f9: {  	[tilespmem:s18+$0xA200] =	vst v8;
	v7 =	vadd.f32 v7, v10;
	v8 =	vld [tilespmem:s18+$0xE280]  }
0x5fa: {  	[tilespmem:s18+$0xC200] =	vst v4;
	v10 =	vld [tilespmem:s9+$0x1A000]  }
0x5fb: {  	[tilespmem:s18+$0xE200] =	vst v7;
	v4 =	vadd.f32 v6, v3;
	v6 =	vld [tilespmem:s9+$0x8000]  }
0x5fc: {  	v7 =	vadd.f32 v9, v3;
	v9 =	vld [tilespmem:s9+$0xA000]  }
0x5fd: {  	[tilespmem:s18+$0x8280] =	vst v4;
	v4 =	vadd.f32 v5, v3;
	v11 =	vld [tilespmem:s9+$0xC000]  }
0x5fe: {  	[tilespmem:s18+$0xA280] =	vst v7;
	v3 =	vadd.f32 v8, v3;
	v7 =	vld [tilespmem:s9+$0xE000]  }
0x5ff: {  	[tilespmem:s18+$0xC280] =	vst v4;
	v12 =	vld [tilespmem:s6+$0x8000]  }
.Ltmp5:
0x600: {  	[tilespmem:s18+$0xE280] =	vst v3;
	v4 =	vld [tilespmem:s6+$0xA000];
	v6 =	vadd.f32 v6, v10;
	(pc) =	sbr.rel @p0 .LBB2_12-.Ltmp5, $4  }
0x601: {  	v3 =	vld [tilespmem:s19+$0x1A000];
	v8 =	vadd.f32 v9, v10  }
0x602: {  	v5 =	vld [tilespmem:s19+$0x8000];
	[tilespmem:s9+$0x8000] =	vst v6;
	v11 =	vadd.f32 v11, v10  }
0x603: {  	v6 =	vld [tilespmem:s19+$0xA000];
	[tilespmem:s9+$0xA000] =	vst v8;
	v8 =	vadd.f32 v7, v10  }
0x604: {  	s17 =	sadd.s32 $0x20, s17;
	s16 =	sadd.s32 $0x100, s16;
	v7 =	vld [tilespmem:s19+$0xC000];
	v9 =	vadd.f32 v12, v2;
	[tilespmem:s9+$0xC000] =	vst v11  }
0x605: {  	v10 =	vld [tilespmem:s19+$0xE000];
	_ =	sdelay $0x1  }
0x606: {  	v5 =	vadd.f32 v5, v3  }
0x607: {  	v6 =	vadd.f32 v6, v3  }
0x608: {  	[tilespmem:s19+$0x8000] =	vst v5;
	v60 =	vadd.f32 v7, v3  }
0x609: {  	[tilespmem:s19+$0xA000] =	vst v6;
	v3 =	vadd.f32 v10, v3  }
0x60a: {  	[tilespmem:s19+$0xC000] =	vst v60  }
0x60b: {  	[tilespmem:s19+$0xE000] =	vst v3;
	v3 =	vld [tilespmem:s6+$0xC000]  }
0x60c: {  	v5 =	vld [tilespmem:s3+$0x1A000]  }
0x60d: {  	v6 =	vld [tilespmem:s3+$0x8000]  }
0x60e: {  	v61 =	vld [tilespmem:s3+$0xA000]  }
0x60f: {  	v62 =	vld [tilespmem:s3+$0xC000]  }
0x610: {  	v4 =	vadd.f32 v4, v2;
	[tilespmem:s9+$0xE000] =	vst v8;
	v63 =	vld [tilespmem:s3+$0xE000]  }
0x611: {  	[tilespmem:s6+$0x8000] =	vst v9;
	v2 =	vadd.f32 v3, v2  }
0x612: {  	[tilespmem:s6+$0xA000] =	vst v4;
	v3 =	vadd.f32 v6, v5  }
0x613: {  	[tilespmem:s6+$0xC000] =	vst v2;
	v2 =	vadd.f32 v61, v5  }
0x614: {  	[tilespmem:s3+$0x8000] =	vst v3;
	v3 =	vadd.f32 v62, v5  }
0x615: {  	[tilespmem:s3+$0xA000] =	vst v2;
	v2 =	vadd.f32 v63, v5  }
0x616: {  	[tilespmem:s3+$0xC000] =	vst v3  }
0x617: {  	[tilespmem:s3+$0xE000] =	vst v2  }
0x618: {  	s0 =	rddreg [dreg:$0x10]  }
0x619: {  	[hbm4b:s0+s5] =	stream.linear.scatter [tilespmem:s29], [sflag:$0x11], $0x2000, $0x38;
	[tilespmem:$0x1E100] =	vst v63  }
0x61a: {  	s6 =	rddreg [dreg:$0x11]  }
0x61b: {  	[hbm4b:s6+s5] =	stream.linear.scatter [tilespmem:s31], [sflag:$0x12], $0x2000, $0x38;
	[tilespmem:$0x1E100] =	vst v63  }
0x61c: {  	s7 =	rddreg [dreg:$0x12];
	s6 =	simm.s32 $0xC000  }
0x61d: {  	[hbm4b:s7+s5] =	stream.linear.scatter [tilespmem:s6], [sflag:$0x13], $0x2000, $0x38;
	[tilespmem:$0x1E100] =	vst v63  }
0x61e: {  	s12 =	simm.s32 $0xD;
	s9 =	rddreg [dreg:$0x13];
	s7 =	simm.s32 $0xE000  }
0x61f: {  	[hbm4b:s9+s5] =	stream.linear.scatter [tilespmem:s7], [sflag:$0x14], $0x2000, $0x38;
	[tilespmem:$0x1E100] =	vst v63  }
0x620: {  	_ =	swait.ge [sflag:s12], $0x2000  }
0x621: {  	[sflag:s12] =	ssyncset.done $0x0  }
0x622: {  	s15 =	simm.s32 $0xE;
	[sflag:s12] =	ssyncadd.s32 $0xFFFFE000  }
0x623: {  	_ =	swait.ge [sflag:s15], $0x2000  }
0x624: {  	[sflag:s15] =	ssyncset.done $0x0  }
0x625: {  	s16 =	simm.s32 $0xF;
	[sflag:s15] =	ssyncadd.s32 $0xFFFFE000  }
0x626: {  	_ =	swait.ge [sflag:s16], $0x2000  }
0x627: {  	[sflag:s16] =	ssyncset.done $0x0  }
0x628: {  	s17 =	simm.s32 $0x10;
	[sflag:s16] =	ssyncadd.s32 $0xFFFFE000  }
0x629: {  	_ =	swait.ge [sflag:s17], $0x2000  }
0x62a: {  	[sflag:s17] =	ssyncset.done $0x0  }
0x62b: {  	[sflag:s17] =	ssyncadd.s32 $0xFFFFE000  }
0x62c: {  	_ =	swait.ge [sflag:s23], $0x2000  }
0x62d: {  	[sflag:s23] =	ssyncset.done $0x0  }
0x62e: {  	[sflag:s23] =	ssyncadd.s32 $0xFFFFE000  }
0x62f: {  	_ =	swait.ge [sflag:s24], $0x2000  }
0x630: {  	[sflag:s24] =	ssyncset.done $0x0  }
0x631: {  	[sflag:s24] =	ssyncadd.s32 $0xFFFFE000  }
0x632: {  	_ =	swait.ge [sflag:s25], $0x2000  }
0x633: {  	[sflag:s25] =	ssyncset.done $0x0  }
0x634: {  	[sflag:s25] =	ssyncadd.s32 $0xFFFFE000  }
0x635: {  	_ =	swait.ge [sflag:s14], $0x2000  }
0x636: {  	[sflag:s14] =	ssyncset.done $0x0  }
0x637: {  	s18 =	simm.s32 $0x15;
	[sflag:s14] =	ssyncadd.s32 $0xFFFFE000  }
0x638: {  	_ =	swait.ge [sflag:s18], $0x2000  }
0x639: {  	[sflag:s18] =	ssyncset.done $0x0  }
0x63a: {  	s19 =	simm.s32 $0x16;
	[sflag:s18] =	ssyncadd.s32 $0xFFFFE000  }
0x63b: {  	_ =	swait.ge [sflag:s19], $0x2000  }
0x63c: {  	[sflag:s19] =	ssyncset.done $0x0  }
0x63d: {  	s22 =	simm.s32 $0x17;
	[sflag:s19] =	ssyncadd.s32 $0xFFFFE000  }
0x63e: {  	_ =	swait.ge [sflag:s22], $0x2000  }
0x63f: {  	[sflag:s22] =	ssyncset.done $0x0  }
0x640: {  	s2 =	simm.s32 $0x18;
	[sflag:s22] =	ssyncadd.s32 $0xFFFFE000  }
0x641: {  	_ =	swait.ge [sflag:s2], $0x2000  }
0x642: {  	s26 =	rddreg [dreg:$0x19]  }
0x643: {  	s28 =	rddreg [dreg:$0x14];
	s3 =	sadd.s32 $0x1, s26  }
0x644: {  	p0 =	sne.s32 s3, s28  }
.Ltmp6:
0x645: {  	_ = 	snop;
	(pc) =	sbr.rel @p0 .LBB2_1-.Ltmp6, $3  }
0x646: {  	_ =	sdelay $0x1  }
0x647: {  	[sflag:s2] =	ssyncset.done $0x0  }
0x648: {  	s12 =	simm.s32 $0x14000;
	s18 =	simm.s32 $0x16000;
	[sflag:s2] =	ssyncadd.s32 $0xFFFFE000  }
0x649: {  	_ =	sfence.sel $0x180000  }
0x64a: {  	[bflag:$0x0] =	sbarrier.arrive $0xFFFF  }
0x64b: {  	_ =	strace $0x90000047  }
0x64c: {  	s0 =	stileid.u32;
	[bflag:$0x2] =	sbarrier.arrive $0xFFFF  }
0x64d: {  	p0 =	sne.s32 s0, $0x0;
	s0 =	rddreg [dreg:$0x4]  }
0x64e: {  	s0 =	sadd.s32 @!p0 $0x100000, s0  }
0x64f: {  	[sflag:s0] =	ssyncadd.tile.s32 @!p0 $0x1;
	_ =	shalt  }
.Lfunc_end2:
_tile_overlayer_lowered:
.L_overlay_start_2:
0x650: {  	(tag) =	ssettag $0x2  }
0x651: {  	s0 =	rddreg [dreg:$0x0];
	s2 =	stileid.u32  }
0x652: {  	s1 =	rddreg [dreg:$0x1];
	p0 =	sne.s32 s2, $0x0  }
0x653: {  	s3 =	rddreg [dreg:$0x2];
	[bflag:$0x3] =	sbarrier.arrive $0xFFFF;
	s2 =	simm.s32 @!p0 $0x1C1C  }
0x654: {  	[timem:s3], [sflag:s2] =	dma.local @!p0 [hbm:s0], s1  }
0x655: {  	s0 =	simm.s32 @!p0 $0x1C  }
0x656: {  	_ =	swait.ge @!p0 [sflag:s0], s1  }
0x657: {  	s1 =	ssub.s32 @!p0 $0x0, s1;
	[sflag:s0] =	ssyncset.done @!p0 $0x0  }
0x658: {  	[sflag:s0] =	ssyncadd.s32 @!p0 s1  }
0x659: {  	[bflag:$0x3] =	sbarrier.arrive $0xFFFF  }
0x65a: {  	_ =	shalt  }

</sc_bundles>
